<compile_context>
chip_gen: v7x
topology: tpu7x:2x2x1
jax: 0.10.2.dev20260603
libtpu: 0.0.44.dev20260713+nightly
codegen_flags: <defaults>
</compile_context>

<pallas_src>
import functools

import jax
import jax.numpy as jnp
from jax import lax
from jax.experimental import pallas as pl
from jax.experimental.pallas import tpu as pltpu
from jax.experimental.pallas import tpu_sc as plsc

_EPS = 1e-5
_LB = 8192
_RBP = 2560
_RBP2 = 4096
_CH = 128
_CPG = 5
_GRP = _CH * _CPG
_NBUF = 3
_PREC = lax.Precision.DEFAULT


def _gather_rows(table, idx_flat):
    G = idx_flat.shape[0]
    info = plsc.get_sparse_core_info()
    NC, NS = info.num_cores, info.num_subcores
    NW = NC * NS
    per_w = G // NW
    n_groups = per_w // _GRP
    assert per_w % _GRP == 0 and G % NW == 0
    D = table.shape[1]
    mesh = plsc.VectorSubcoreMesh(core_axis_name="c", subcore_axis_name="s")

    @functools.partial(
        pl.kernel,
        mesh=mesh,
        compiler_params=pltpu.CompilerParams(use_tc_tiling_on_sc=False),
        cost_estimate=pl.CostEstimate(
            flops=0, bytes_accessed=int(G * D * 4 * 2), transcendentals=0),
        out_type=jax.ShapeDtypeStruct((G, D), jnp.float32),
        scratch_types=[
            pltpu.VMEM((_GRP,), jnp.int32),
            pltpu.VMEM((_GRP,), jnp.int32),
            pltpu.VMEM((_GRP,), jnp.int32),
            pltpu.VMEM((_GRP, D), jnp.float32),
            pltpu.VMEM((_GRP, D), jnp.float32),
            pltpu.VMEM((_GRP, D), jnp.float32),
            pltpu.SemaphoreType.DMA,
            pltpu.SemaphoreType.DMA,
            pltpu.SemaphoreType.DMA,
            pltpu.SemaphoreType.DMA,
            pltpu.SemaphoreType.DMA,
            pltpu.SemaphoreType.DMA,
            pltpu.SemaphoreType.DMA,
            pltpu.SemaphoreType.DMA,
            pltpu.SemaphoreType.DMA,
        ],
    )
    def k(table_hbm, idx_hbm, out_hbm, i0, i1, i2, r0, r1, r2,
          gs0, gs1, gs2, ss0, ss1, ss2, is0, is1, is2):
        idxs = [i0, i1, i2]
        rows = [r0, r1, r2]
        gsem = [gs0, gs1, gs2]
        ssem = [ss0, ss1, ss2]
        isem = [is0, is1, is2]
        wid = lax.axis_index("s") * NC + lax.axis_index("c")
        base_w = wid * per_w
        gcopies = [None] * _NBUF
        stores = [None] * _NBUF
        icopies = [None] * _NBUF
        for g in range(n_groups):
            b = g % _NBUF
            if g >= _NBUF:
                stores[b].wait()
            if g == 0:
                pltpu.sync_copy(idx_hbm.at[pl.ds(base_w, _GRP)], idxs[0])
            else:
                icopies[b].wait()
            if g + 1 < n_groups:
                nxt = (g + 1) % _NBUF
                icopies[nxt] = pltpu.async_copy(
                    idx_hbm.at[pl.ds(base_w + (g + 1) * _GRP, _GRP)],
                    idxs[nxt], isem[nxt])
            cs = []
            for j in range(_CPG):
                cs.append(pltpu.async_copy(
                    table_hbm.at[idxs[b].at[pl.ds(j * _CH, _CH)]],
                    rows[b].at[pl.ds(j * _CH, _CH)], gsem[b]))
            gcopies[b] = cs
            if g >= 1:
                pb = (g - 1) % _NBUF
                for c in gcopies[pb]:
                    c.wait()
                stores[pb] = pltpu.async_copy(
                    rows[pb],
                    out_hbm.at[pl.ds(base_w + (g - 1) * _GRP, _GRP)],
                    ssem[pb])
        lb = (n_groups - 1) % _NBUF
        for c in gcopies[lb]:
            c.wait()
        stores[lb] = pltpu.async_copy(
            rows[lb],
            out_hbm.at[pl.ds(base_w + (n_groups - 1) * _GRP, _GRP)],
            ssem[lb])
        for b in range(_NBUF):
            stores[b].wait()

    return k(table, idx_flat)


def _conv_stats_cn(sp, st, tex, w_sp, w_st, w_tx, n):
    nb = -(-n // _LB)
    co = w_sp.shape[0]

    def body(sp_ref, st_ref, tex_ref, wa_ref, wb_ref, wc_ref,
             y_ref, s1_ref, s2_ref):
        i = pl.program_id(0)
        dn = (((1,), (0,)), ((), ()))
        y = lax.dot_general(wa_ref[...], sp_ref[...], dn,
                            preferred_element_type=jnp.float32,
                            precision=_PREC)
        y += lax.dot_general(wb_ref[...], st_ref[...], dn,
                             preferred_element_type=jnp.float32,
                             precision=_PREC)
        y += lax.dot_general(wc_ref[...], tex_ref[...], dn,
                             preferred_element_type=jnp.float32,
                             precision=_PREC)
        y_ref[...] = y.astype(jnp.bfloat16)
        ids = i * _LB + lax.broadcasted_iota(jnp.int32, y.shape, 1)
        ym = jnp.where(ids < n, y, 0.0)

        @pl.when(i == 0)
        def _():
            s1_ref[...] = jnp.zeros_like(s1_ref)
            s2_ref[...] = jnp.zeros_like(s2_ref)

        s1_ref[...] += jnp.sum(ym, axis=1, keepdims=True)
        s2_ref[...] += jnp.sum(ym * ym, axis=1, keepdims=True)

    c_sp, c_st, c_tx = sp.shape[0], st.shape[0], tex.shape[0]
    return pl.pallas_call(
        body,
        grid=(nb,),
        in_specs=[
            pl.BlockSpec((c_sp, _LB), lambda i: (0, i)),
            pl.BlockSpec((c_st, _LB), lambda i: (0, i)),
            pl.BlockSpec((c_tx, _LB), lambda i: (0, i)),
            pl.BlockSpec((co, c_sp), lambda i: (0, 0)),
            pl.BlockSpec((co, c_st), lambda i: (0, 0)),
            pl.BlockSpec((co, c_tx), lambda i: (0, 0)),
        ],
        out_specs=[
            pl.BlockSpec((co, _LB), lambda i: (0, i)),
            pl.BlockSpec((co, 1), lambda i: (0, 0)),
            pl.BlockSpec((co, 1), lambda i: (0, 0)),
        ],
        out_shape=[
            jax.ShapeDtypeStruct((co, nb * _LB), jnp.bfloat16),
            jax.ShapeDtypeStruct((co, 1), jnp.float32),
            jax.ShapeDtypeStruct((co, 1), jnp.float32),
        ],
    )(sp, st, tex, w_sp, w_st, w_tx)


def _norm_relu_cn(y, a, c, n):
    nb = -(-n // _LB)
    co = y.shape[0]

    def body(y_ref, a_ref, c_ref, o_ref):
        y = y_ref[...].astype(jnp.float32)
        o_ref[...] = jnp.maximum(a_ref[...] * y + c_ref[...], 0.0)

    return pl.pallas_call(
        body,
        grid=(nb,),
        in_specs=[
            pl.BlockSpec((co, _LB), lambda i: (0, i)),
            pl.BlockSpec((co, 1), lambda i: (0, 0)),
            pl.BlockSpec((co, 1), lambda i: (0, 0)),
        ],
        out_specs=pl.BlockSpec((co, _LB), lambda i: (0, i)),
        out_shape=jax.ShapeDtypeStruct((co, n), jnp.float32),
    )(y, a, c)


def _neighbor_conv_stats(st1d, gath1d, wbig, n2, npad):
    nb = -(-n2 // _RBP)
    kstride = npad * 64 // (_RBP * 128)
    blk = _RBP * 128

    def body(f_ref, g0_ref, g1_ref, g2_ref, w_ref, y_ref, s1_ref, s2_ref):
        i = pl.program_id(0)
        f = jnp.reshape(f_ref[...], (_RBP, 128))
        n0 = jnp.reshape(g0_ref[...], (_RBP, 128))
        n1 = jnp.reshape(g1_ref[...], (_RBP, 128))
        n2_ = jnp.reshape(g2_ref[...], (_RBP, 128))
        s_sum = n0 + n1 + n2_
        s_dif = jnp.abs(n2_ - n1) + 2.0 * jnp.abs(n1 - n0)
        s_div = jnp.abs(n0 - f) + jnp.abs(n1 - f) + jnp.abs(n2_ - f)
        z = jnp.concatenate([f, s_sum, s_dif, s_div], axis=1)
        y = lax.dot_general(z, w_ref[...], (((1,), (0,)), ((), ())),
                            preferred_element_type=jnp.float32,
                            precision=_PREC)
        y_ref[...] = y.astype(jnp.bfloat16)
        ids = i * _RBP + lax.broadcasted_iota(jnp.int32, y.shape, 0)
        ym = jnp.where(ids < n2, y, 0.0)

        @pl.when(i == 0)
        def _():
            s1_ref[...] = jnp.zeros_like(s1_ref)
            s2_ref[...] = jnp.zeros_like(s2_ref)

        s1_ref[...] += jnp.sum(ym, axis=0, keepdims=True)
        s2_ref[...] += jnp.sum(ym * ym, axis=0, keepdims=True)

    return pl.pallas_call(
        body,
        grid=(nb,),
        in_specs=[
            pl.BlockSpec((blk,), lambda i: (i,)),
            pl.BlockSpec((blk,), lambda i: (i,)),
            pl.BlockSpec((blk,), lambda i: (i + kstride,)),
            pl.BlockSpec((blk,), lambda i: (i + 2 * kstride,)),
            pl.BlockSpec((512, 128), lambda i: (0, 0)),
        ],
        out_specs=[
            pl.BlockSpec((_RBP, 128), lambda i: (i, 0)),
            pl.BlockSpec((1, 128), lambda i: (0, 0)),
            pl.BlockSpec((1, 128), lambda i: (0, 0)),
        ],
        out_shape=[
            jax.ShapeDtypeStruct((nb * _RBP, 128), jnp.bfloat16),
            jax.ShapeDtypeStruct((1, 128), jnp.float32),
            jax.ShapeDtypeStruct((1, 128), jnp.float32),
        ],
    )(st1d, gath1d, gath1d, gath1d, wbig)


def _norm_relu_conv_stats(y2, a, c, wbd, n2):
    nb = -(-n2 // _RBP2)

    def body(y_ref, a_ref, c_ref, w_ref, y3_ref, s1_ref, s2_ref):
        i = pl.program_id(0)
        y2f = y_ref[...].astype(jnp.float32)
        st1 = jnp.maximum(a_ref[...] * y2f + c_ref[...], 0.0)
        y3 = lax.dot_general(st1, w_ref[...], (((1,), (0,)), ((), ())),
                             preferred_element_type=jnp.float32,
                             precision=_PREC)
        y3_ref[...] = y3.astype(jnp.bfloat16)
        ids = i * _RBP2 + lax.broadcasted_iota(jnp.int32, y3.shape, 0)
        ym = jnp.where(ids < n2, y3, 0.0)

        @pl.when(i == 0)
        def _():
            s1_ref[...] = jnp.zeros_like(s1_ref)
            s2_ref[...] = jnp.zeros_like(s2_ref)

        s1_ref[...] += jnp.sum(ym, axis=0, keepdims=True)
        s2_ref[...] += jnp.sum(ym * ym, axis=0, keepdims=True)

    return pl.pallas_call(
        body,
        grid=(nb,),
        in_specs=[
            pl.BlockSpec((_RBP2, 128), lambda i: (i, 0)),
            pl.BlockSpec((1, 128), lambda i: (0, 0)),
            pl.BlockSpec((1, 128), lambda i: (0, 0)),
            pl.BlockSpec((128, 128), lambda i: (0, 0)),
        ],
        out_specs=[
            pl.BlockSpec((_RBP2, 128), lambda i: (i, 0)),
            pl.BlockSpec((1, 128), lambda i: (0, 0)),
            pl.BlockSpec((1, 128), lambda i: (0, 0)),
        ],
        out_shape=[
            jax.ShapeDtypeStruct((nb * _RBP2, 128), jnp.bfloat16),
            jax.ShapeDtypeStruct((1, 128), jnp.float32),
            jax.ShapeDtypeStruct((1, 128), jnp.float32),
        ],
    )(y2, a, c, wbd)


def _bn_coefs(s1, s2, gamma, beta, n):
    m = s1 / n
    v = s2 / n - m * m
    a = gamma * lax.rsqrt(v + _EPS)
    return a, beta - a * m


def kernel(spatial_fea, structural_fea, tex_fea, neighbor_index,
           W1, b1, g1, be1, W2, b2, g2, be2, W3, b3, g3, be3):
    B, c_sp, N = spatial_fea.shape
    c_st = structural_fea.shape[1]
    del b1, b2, b3

    sp = spatial_fea[0]
    st = structural_fea[0]
    tex = tex_fea[0]

    unit = 32 * _GRP // 3 if (32 * _GRP) % 3 == 0 else 32 * _GRP
    npad = -(-N // unit) * unit
    st1d = st.T.reshape(-1)
    stT = st1d.reshape(N, 64)
    zpad = jnp.zeros((npad - N,), jnp.int32)
    nix = neighbor_index[0]
    idx_flat = jnp.concatenate(
        [nix[:, 0], zpad, nix[:, 1], zpad, nix[:, 2], zpad])
    gath = _gather_rows(stT, idx_flat)
    gath1d = gath.reshape(-1)

    y1, s1, q1 = _conv_stats_cn(sp, st, tex, W1[:, :c_sp],
                                W1[:, c_sp:c_sp + c_st],
                                W1[:, c_sp + c_st:], N)
    a1, c1 = _bn_coefs(s1[:, 0], q1[:, 0], g1, be1, N)
    out_sp = _norm_relu_cn(y1, a1.reshape(-1, 1), c1.reshape(-1, 1), N)

    gath1d, out_sp = lax.optimization_barrier((gath1d, out_sp))

    n2 = N // 2
    eye2 = jnp.eye(2, dtype=jnp.float32)
    W2T = W2.T
    wbig = jnp.concatenate(
        [jnp.kron(eye2, W2T[k * c_st:(k + 1) * c_st]) for k in range(4)],
        axis=0)
    y2, s2, q2 = _neighbor_conv_stats(st1d, gath1d, wbig, n2, npad)
    a2, c2 = _bn_coefs(s2[0, :64] + s2[0, 64:], q2[0, :64] + q2[0, 64:],
                       g2, be2, N)
    a2p = jnp.tile(a2, 2).reshape(1, 128)
    c2p = jnp.tile(c2, 2).reshape(1, 128)
    w3bd = jnp.kron(eye2, W3.T)
    y3, s3, q3 = _norm_relu_conv_stats(y2, a2p, c2p, w3bd, n2)
    a3, c3 = _bn_coefs(s3[0, :64] + s3[0, 64:], q3[0, :64] + q3[0, 64:],
                       g3, be3, N)
    y3t = y3[:n2].reshape(N, 64).T
    out_st = _norm_relu_cn(y3t, a3.reshape(-1, 1), c3.reshape(-1, 1), N)

    return out_sp[None], out_st[None]

# --- scband reference (transcript-rebuilt; emitter-appended) ---
"""Pipeline reference for scband-mesh-convolution-43748536877384 (READ-ONLY COPY).

The authoritative reference and input builder live on the scoring server;
editing this copy changes nothing except your own understanding.
"""

import jax, jax.numpy as jnp
import numpy as np


def _conv_bn_relu(x, W, b, g, be):
    # 1x1 Conv1d + BatchNorm1d (training-mode batch stats, eps=1e-5) + ReLU
    y = jnp.einsum('oc,bcn->bon', W, x) + b[None, :, None]
    m = jnp.mean(y, axis=(0, 2), keepdims=True)
    v = jnp.var(y, axis=(0, 2), keepdims=True)
    y = (y - m) / jnp.sqrt(v + 1e-5)
    y = g[None, :, None] * y + be[None, :, None]
    return jax.nn.relu(y)


def _gather_neighbors(f, idx):
    # f: [B, C, N], idx: [B, N, 3] -> [B, C, N, 3]
    return jax.vmap(lambda fb, ib: fb[:, ib])(f, idx)


def setup_inputs(seed: int = 0):
    key = jax.random.key(seed)
    ks = jax.random.split(key, 8)
    B, N = 1, 100000
    sp_in, st_in, tex_in = 64, 64, 16
    sp_out, st_out = 64, 64
    cin1 = sp_in + st_in + tex_in
    inp = {}
    inp['spatial_fea'] = jax.random.normal(ks[0], (B, sp_in, N), dtype=jnp.float32)
    inp['structural_fea'] = jax.random.normal(ks[1], (B, st_in, N), dtype=jnp.float32)
    inp['tex_fea'] = jax.random.normal(ks[2], (B, tex_in, N), dtype=jnp.float32)
    inp['neighbor_index'] = jax.random.randint(ks[3], (B, N, 3), 0, N, dtype=jnp.int32)
    # combination_mlp: Conv1d(cin1 -> sp_out, 1) + BN
    inp['W1'] = jax.random.normal(ks[4], (sp_out, cin1), dtype=jnp.float32) / np.sqrt(cin1)
    inp['b1'] = jnp.zeros((sp_out,), dtype=jnp.float32)
    inp['g1'] = jnp.ones((sp_out,), dtype=jnp.float32)
    inp['be1'] = jnp.zeros((sp_out,), dtype=jnp.float32)
    # concat_mlp (Aggregation): Conv1d(st_in*4 -> st_in, 1) + BN
    inp['W2'] = jax.random.normal(ks[5], (st_in, st_in * 4), dtype=jnp.float32) / np.sqrt(st_in * 4)
    inp['b2'] = jnp.zeros((st_in,), dtype=jnp.float32)
    inp['g2'] = jnp.ones((st_in,), dtype=jnp.float32)
    inp['be2'] = jnp.zeros((st_in,), dtype=jnp.float32)
    # aggregation_mlp: Conv1d(st_in -> st_out, 1) + BN
    inp['W3'] = jax.random.normal(ks[6], (st_out, st_in), dtype=jnp.float32) / np.sqrt(st_in)
    inp['b3'] = jnp.zeros((st_out,), dtype=jnp.float32)
    inp['g3'] = jnp.ones((st_out,), dtype=jnp.float32)
    inp['be3'] = jnp.zeros((st_out,), dtype=jnp.float32)
    return inp


def reference(spatial_fea, structural_fea, tex_fea, neighbor_index,
              W1, b1, g1, be1, W2, b2, g2, be2, W3, b3, g3, be3):
    spatial = _conv_bn_relu(
        jnp.concatenate([spatial_fea, structural_fea, tex_fea], axis=1), W1, b1, g1, be1)
    n = _gather_neighbors(structural_fea, neighbor_index)  # [B, C, N, 3]
    s_sum = jnp.sum(n, axis=3)
    s_dif = (jnp.abs(n[:, :, :, 2] - n[:, :, :, 1])
             + jnp.abs(n[:, :, :, 1] - n[:, :, :, 0])
             + jnp.abs(n[:, :, :, 0] - n[:, :, :, 1]))
    s_div = jnp.sum(jnp.abs(n - structural_fea[:, :, :, None]), axis=3)
    st = jnp.concatenate([structural_fea, s_sum, s_dif, s_div], axis=1)
    st = _conv_bn_relu(st, W2, b2, g2, be2)
    st = _conv_bn_relu(st, W3, b3, g3, be3)
    return (spatial, st)

if __name__ == "__main__":
    import jax
    _d = setup_inputs()
    print(jax.jit(kernel)(*tuple(_d.values())))

</pallas_src>

<mosaic_0001>
#map = affine_map<(d0, d1) -> (0, 0)>
#map1 = affine_map<(d0, d1) -> (0)>
module attributes {stable_mosaic.version = 14 : i64} {
  func.func @k(%arg0: i32, %arg1: i32, %arg2: memref<100000x64xf32, #tpu.memory_space<hbm>>, %arg3: memref<307200xi32, #tpu.memory_space<hbm>>, %arg4: memref<307200x64xf32, #tpu.memory_space<hbm>>, %arg5: memref<640xi32, #tpu.memory_space<vmem>>, %arg6: memref<640xi32, #tpu.memory_space<vmem>>, %arg7: memref<640xi32, #tpu.memory_space<vmem>>, %arg8: memref<640x64xf32, #tpu.memory_space<vmem>>, %arg9: memref<640x64xf32, #tpu.memory_space<vmem>>, %arg10: memref<640x64xf32, #tpu.memory_space<vmem>>, %arg11: memref<!tpu.dma_semaphore, #tpu.memory_space<semaphore_mem>>, %arg12: memref<!tpu.dma_semaphore, #tpu.memory_space<semaphore_mem>>, %arg13: memref<!tpu.dma_semaphore, #tpu.memory_space<semaphore_mem>>, %arg14: memref<!tpu.dma_semaphore, #tpu.memory_space<semaphore_mem>>, %arg15: memref<!tpu.dma_semaphore, #tpu.memory_space<semaphore_mem>>, %arg16: memref<!tpu.dma_semaphore, #tpu.memory_space<semaphore_mem>>, %arg17: memref<!tpu.dma_semaphore, #tpu.memory_space<semaphore_mem>>, %arg18: memref<!tpu.dma_semaphore, #tpu.memory_space<semaphore_mem>>, %arg19: memref<!tpu.dma_semaphore, #tpu.memory_space<semaphore_mem>>) attributes {dimension_semantics = [#tpu.dimension_semantics<core_parallel>, #tpu.dimension_semantics<subcore_parallel>], iteration_bounds = array<i64: 2, 16>, scalar_prefetch = 0 : i64, scratch_operands = 15 : i64, tpu.core_type = #tpu.core_type<sc_vector_subcore>, window_params = [{transform_indices = #map}, {transform_indices = #map1}, {transform_indices = #map}]} {
    %mul3A = arith.constant 2 : i32
    %mul3A_0 = arith.muli %arg1, %mul3A : i32
    %add3A = arith.addi %mul3A_0, %arg0 : i32
    %mul3A_1 = arith.constant 9600 : i32
    %mul3A_2 = arith.muli %add3A, %mul3A_1 : i32
    "tpu.region"() ({
      %run_scoped3A = tpu.sem_alloc : memref<!tpu.dma_semaphore, #tpu.memory_space<semaphore_mem>>
      %dma_start3A_1435 = tpu.memref_slice %arg3[%mul3A_2] : memref<307200xi32, #tpu.memory_space<hbm>> -> memref<640xi32, #tpu.memory_space<hbm>>
      %dma_start3A_1436 = tpu.memref_slice %arg3[%mul3A_2] : memref<307200xi32, #tpu.memory_space<hbm>> -> memref<640xi32, #tpu.memory_space<hbm>>
      tpu.enqueue_dma source(%dma_start3A_1436 : memref<640xi32, #tpu.memory_space<hbm>>) target(%arg5 : memref<640xi32, #tpu.memory_space<vmem>>) target_semaphore(%run_scoped3A : memref<!tpu.dma_semaphore, #tpu.memory_space<semaphore_mem>>)
      %dma_wait3A_1437 = tpu.memref_slice %arg3[%mul3A_2] : memref<307200xi32, #tpu.memory_space<hbm>> -> memref<640xi32, #tpu.memory_space<hbm>>
      %dma_wait3A_1438 = tpu.memref_slice %arg3[%mul3A_2] : memref<307200xi32, #tpu.memory_space<hbm>> -> memref<640xi32, #tpu.memory_space<hbm>>
      tpu.wait_dma2 semaphore(%run_scoped3A : memref<!tpu.dma_semaphore, #tpu.memory_space<semaphore_mem>>) src(%dma_wait3A_1438 : memref<640xi32, #tpu.memory_space<hbm>>) dst(%arg5 : memref<640xi32, #tpu.memory_space<vmem>>)
      tpu.yield
    }) : () -> ()
    %add3A_3 = arith.constant 640 : i32
    %add3A_4 = arith.addi %mul3A_2, %add3A_3 : i32
    %dma_start3A = tpu.memref_slice %arg3[%add3A_4] : memref<307200xi32, #tpu.memory_space<hbm>> -> memref<640xi32, #tpu.memory_space<hbm>>
    %dma_start3A_5 = tpu.memref_slice %arg3[%add3A_4] : memref<307200xi32, #tpu.memory_space<hbm>> -> memref<640xi32, #tpu.memory_space<hbm>>
    tpu.enqueue_dma source(%dma_start3A_5 : memref<640xi32, #tpu.memory_space<hbm>>) target(%arg6 : memref<640xi32, #tpu.memory_space<vmem>>) target_semaphore(%arg18 : memref<!tpu.dma_semaphore, #tpu.memory_space<semaphore_mem>>)
    %dma_start3A_6 = arith.constant 0 : i32
    %dma_start3A_7 = arith.constant 0 : i32
    %dma_start3A_8 = tpu.memref_slice %arg8[%dma_start3A_6, %dma_start3A_7] : memref<640x64xf32, #tpu.memory_space<vmem>> -> memref<128x64xf32, #tpu.memory_space<vmem>>
    %dma_start3A_9 = arith.constant 0 : i32
    %dma_start3A_10 = tpu.memref_slice %arg5[%dma_start3A_9] : memref<640xi32, #tpu.memory_space<vmem>> -> memref<128xi32, #tpu.memory_space<vmem>>
    %dma_start3A_11 = arith.constant 0 : i32
    %dma_start3A_12 = arith.constant 0 : i32
    %dma_start3A_13 = tpu.memref_slice %arg2[%dma_start3A_11, %dma_start3A_12] : memref<100000x64xf32, #tpu.memory_space<hbm>> -> memref<100000x64xf32, #tpu.memory_space<hbm>>
    tpu.enqueue_indirect_dma source(%dma_start3A_13 : memref<100000x64xf32, #tpu.memory_space<hbm>>) target(%dma_start3A_8 : memref<128x64xf32, #tpu.memory_space<vmem>>) offsets(%dma_start3A_10 : memref<128xi32, #tpu.memory_space<vmem>>) semaphore(%arg11 : memref<!tpu.dma_semaphore, #tpu.memory_space<semaphore_mem>>)
    %dma_start3A_14 = arith.constant 128 : i32
    %dma_start3A_15 = arith.constant 0 : i32
    %dma_start3A_16 = tpu.memref_slice %arg8[%dma_start3A_14, %dma_start3A_15] : memref<640x64xf32, #tpu.memory_space<vmem>> -> memref<128x64xf32, #tpu.memory_space<vmem>>
    %dma_start3A_17 = arith.constant 128 : i32
    %dma_start3A_18 = tpu.memref_slice %arg5[%dma_start3A_17] : memref<640xi32, #tpu.memory_space<vmem>> -> memref<128xi32, #tpu.memory_space<vmem>>
    %dma_start3A_19 = arith.constant 0 : i32
    %dma_start3A_20 = arith.constant 0 : i32
    %dma_start3A_21 = tpu.memref_slice %arg2[%dma_start3A_19, %dma_start3A_20] : memref<100000x64xf32, #tpu.memory_space<hbm>> -> memref<100000x64xf32, #tpu.memory_space<hbm>>
    tpu.enqueue_indirect_dma source(%dma_start3A_21 : memref<100000x64xf32, #tpu.memory_space<hbm>>) target(%dma_start3A_16 : memref<128x64xf32, #tpu.memory_space<vmem>>) offsets(%dma_start3A_18 : memref<128xi32, #tpu.memory_space<vmem>>) semaphore(%arg11 : memref<!tpu.dma_semaphore, #tpu.memory_space<semaphore_mem>>)
    %dma_start3A_22 = arith.constant 256 : i32
    %dma_start3A_23 = arith.constant 0 : i32
    %dma_start3A_24 = tpu.memref_slice %arg8[%dma_start3A_22, %dma_start3A_23] : memref<640x64xf32, #tpu.memory_space<vmem>> -> memref<128x64xf32, #tpu.memory_space<vmem>>
    %dma_start3A_25 = arith.constant 256 : i32
    %dma_start3A_26 = tpu.memref_slice %arg5[%dma_start3A_25] : memref<640xi32, #tpu.memory_space<vmem>> -> memref<128xi32, #tpu.memory_space<vmem>>
    %dma_start3A_27 = arith.constant 0 : i32
    %dma_start3A_28 = arith.constant 0 : i32
    %dma_start3A_29 = tpu.memref_slice %arg2[%dma_start3A_27, %dma_start3A_28] : memref<100000x64xf32, #tpu.memory_space<hbm>> -> memref<100000x64xf32, #tpu.memory_space<hbm>>
    tpu.enqueue_indirect_dma source(%dma_start3A_29 : memref<100000x64xf32, #tpu.memory_space<hbm>>) target(%dma_start3A_24 : memref<128x64xf32, #tpu.memory_space<vmem>>) offsets(%dma_start3A_26 : memref<128xi32, #tpu.memory_space<vmem>>) semaphore(%arg11 : memref<!tpu.dma_semaphore, #tpu.memory_space<semaphore_mem>>)
    %dma_start3A_30 = arith.constant 384 : i32
    %dma_start3A_31 = arith.constant 0 : i32
    %dma_start3A_32 = tpu.memref_slice %arg8[%dma_start3A_30, %dma_start3A_31] : memref<640x64xf32, #tpu.memory_space<vmem>> -> memref<128x64xf32, #tpu.memory_space<vmem>>
    %dma_start3A_33 = arith.constant 384 : i32
    %dma_start3A_34 = tpu.memref_slice %arg5[%dma_start3A_33] : memref<640xi32, #tpu.memory_space<vmem>> -> memref<128xi32, #tpu.memory_space<vmem>>
    %dma_start3A_35 = arith.constant 0 : i32
    %dma_start3A_36 = arith.constant 0 : i32
    %dma_start3A_37 = tpu.memref_slice %arg2[%dma_start3A_35, %dma_start3A_36] : memref<100000x64xf32, #tpu.memory_space<hbm>> -> memref<100000x64xf32, #tpu.memory_space<hbm>>
    tpu.enqueue_indirect_dma source(%dma_start3A_37 : memref<100000x64xf32, #tpu.memory_space<hbm>>) target(%dma_start3A_32 : memref<128x64xf32, #tpu.memory_space<vmem>>) offsets(%dma_start3A_34 : memref<128xi32, #tpu.memory_space<vmem>>) semaphore(%arg11 : memref<!tpu.dma_semaphore, #tpu.memory_space<semaphore_mem>>)
    %dma_start3A_38 = arith.constant 512 : i32
    %dma_start3A_39 = arith.constant 0 : i32
    %dma_start3A_40 = tpu.memref_slice %arg8[%dma_start3A_38, %dma_start3A_39] : memref<640x64xf32, #tpu.memory_space<vmem>> -> memref<128x64xf32, #tpu.memory_space<vmem>>
    %dma_start3A_41 = arith.constant 512 : i32
    %dma_start3A_42 = tpu.memref_slice %arg5[%dma_start3A_41] : memref<640xi32, #tpu.memory_space<vmem>> -> memref<128xi32, #tpu.memory_space<vmem>>
    %dma_start3A_43 = arith.constant 0 : i32
    %dma_start3A_44 = arith.constant 0 : i32
    %dma_start3A_45 = tpu.memref_slice %arg2[%dma_start3A_43, %dma_start3A_44] : memref<100000x64xf32, #tpu.memory_space<hbm>> -> memref<100000x64xf32, #tpu.memory_space<hbm>>
    tpu.enqueue_indirect_dma source(%dma_start3A_45 : memref<100000x64xf32, #tpu.memory_space<hbm>>) target(%dma_start3A_40 : memref<128x64xf32, #tpu.memory_space<vmem>>) offsets(%dma_start3A_42 : memref<128xi32, #tpu.memory_space<vmem>>) semaphore(%arg11 : memref<!tpu.dma_semaphore, #tpu.memory_space<semaphore_mem>>)
    %dma_wait3A = tpu.memref_slice %arg3[%add3A_4] : memref<307200xi32, #tpu.memory_space<hbm>> -> memref<640xi32, #tpu.memory_space<hbm>>
    %dma_wait3A_46 = tpu.memref_slice %arg3[%add3A_4] : memref<307200xi32, #tpu.memory_space<hbm>> -> memref<640xi32, #tpu.memory_space<hbm>>
    tpu.wait_dma2 semaphore(%arg18 : memref<!tpu.dma_semaphore, #tpu.memory_space<semaphore_mem>>) src(%dma_wait3A_46 : memref<640xi32, #tpu.memory_space<hbm>>) dst(%arg6 : memref<640xi32, #tpu.memory_space<vmem>>)
    %add3A_47 = arith.constant 1280 : i32
    %add3A_48 = arith.addi %mul3A_2, %add3A_47 : i32
    %dma_start3A_49 = tpu.memref_slice %arg3[%add3A_48] : memref<307200xi32, #tpu.memory_space<hbm>> -> memref<640xi32, #tpu.memory_space<hbm>>
    %dma_start3A_50 = tpu.memref_slice %arg3[%add3A_48] : memref<307200xi32, #tpu.memory_space<hbm>> -> memref<640xi32, #tpu.memory_space<hbm>>
    tpu.enqueue_dma source(%dma_start3A_50 : memref<640xi32, #tpu.memory_space<hbm>>) target(%arg7 : memref<640xi32, #tpu.memory_space<vmem>>) target_semaphore(%arg19 : memref<!tpu.dma_semaphore, #tpu.memory_space<semaphore_mem>>)
    %dma_start3A_51 = arith.constant 0 : i32
    %dma_start3A_52 = arith.constant 0 : i32
    %dma_start3A_53 = tpu.memref_slice %arg9[%dma_start3A_51, %dma_start3A_52] : memref<640x64xf32, #tpu.memory_space<vmem>> -> memref<128x64xf32, #tpu.memory_space<vmem>>
    %dma_start3A_54 = arith.constant 0 : i32
    %dma_start3A_55 = tpu.memref_slice %arg6[%dma_start3A_54] : memref<640xi32, #tpu.memory_space<vmem>> -> memref<128xi32, #tpu.memory_space<vmem>>
    %dma_start3A_56 = arith.constant 0 : i32
    %dma_start3A_57 = arith.constant 0 : i32
    %dma_start3A_58 = tpu.memref_slice %arg2[%dma_start3A_56, %dma_start3A_57] : memref<100000x64xf32, #tpu.memory_space<hbm>> -> memref<100000x64xf32, #tpu.memory_space<hbm>>
    tpu.enqueue_indirect_dma source(%dma_start3A_58 : memref<100000x64xf32, #tpu.memory_space<hbm>>) target(%dma_start3A_53 : memref<128x64xf32, #tpu.memory_space<vmem>>) offsets(%dma_start3A_55 : memref<128xi32, #tpu.memory_space<vmem>>) semaphore(%arg12 : memref<!tpu.dma_semaphore, #tpu.memory_space<semaphore_mem>>)
    %dma_start3A_59 = arith.constant 128 : i32
    %dma_start3A_60 = arith.constant 0 : i32
    %dma_start3A_61 = tpu.memref_slice %arg9[%dma_start3A_59, %dma_start3A_60] : memref<640x64xf32, #tpu.memory_space<vmem>> -> memref<128x64xf32, #tpu.memory_space<vmem>>
    %dma_start3A_62 = arith.constant 128 : i32
    %dma_start3A_63 = tpu.memref_slice %arg6[%dma_start3A_62] : memref<640xi32, #tpu.memory_space<vmem>> -> memref<128xi32, #tpu.memory_space<vmem>>
    %dma_start3A_64 = arith.constant 0 : i32
    %dma_start3A_65 = arith.constant 0 : i32
    %dma_start3A_66 = tpu.memref_slice %arg2[%dma_start3A_64, %dma_start3A_65] : memref<100000x64xf32, #tpu.memory_space<hbm>> -> memref<100000x64xf32, #tpu.memory_space<hbm>>
    tpu.enqueue_indirect_dma source(%dma_start3A_66 : memref<100000x64xf32, #tpu.memory_space<hbm>>) target(%dma_start3A_61 : memref<128x64xf32, #tpu.memory_space<vmem>>) offsets(%dma_start3A_63 : memref<128xi32, #tpu.memory_space<vmem>>) semaphore(%arg12 : memref<!tpu.dma_semaphore, #tpu.memory_space<semaphore_mem>>)
    %dma_start3A_67 = arith.constant 256 : i32
    %dma_start3A_68 = arith.constant 0 : i32
    %dma_start3A_69 = tpu.memref_slice %arg9[%dma_start3A_67, %dma_start3A_68] : memref<640x64xf32, #tpu.memory_space<vmem>> -> memref<128x64xf32, #tpu.memory_space<vmem>>
    %dma_start3A_70 = arith.constant 256 : i32
    %dma_start3A_71 = tpu.memref_slice %arg6[%dma_start3A_70] : memref<640xi32, #tpu.memory_space<vmem>> -> memref<128xi32, #tpu.memory_space<vmem>>
    %dma_start3A_72 = arith.constant 0 : i32
    %dma_start3A_73 = arith.constant 0 : i32
    %dma_start3A_74 = tpu.memref_slice %arg2[%dma_start3A_72, %dma_start3A_73] : memref<100000x64xf32, #tpu.memory_space<hbm>> -> memref<100000x64xf32, #tpu.memory_space<hbm>>
    tpu.enqueue_indirect_dma source(%dma_start3A_74 : memref<100000x64xf32, #tpu.memory_space<hbm>>) target(%dma_start3A_69 : memref<128x64xf32, #tpu.memory_space<vmem>>) offsets(%dma_start3A_71 : memref<128xi32, #tpu.memory_space<vmem>>) semaphore(%arg12 : memref<!tpu.dma_semaphore, #tpu.memory_space<semaphore_mem>>)
    %dma_start3A_75 = arith.constant 384 : i32
    %dma_start3A_76 = arith.constant 0 : i32
    %dma_start3A_77 = tpu.memref_slice %arg9[%dma_start3A_75, %dma_start3A_76] : memref<640x64xf32, #tpu.memory_space<vmem>> -> memref<128x64xf32, #tpu.memory_space<vmem>>
    %dma_start3A_78 = arith.constant 384 : i32
    %dma_start3A_79 = tpu.memref_slice %arg6[%dma_start3A_78] : memref<640xi32, #tpu.memory_space<vmem>> -> memref<128xi32, #tpu.memory_space<vmem>>
    %dma_start3A_80 = arith.constant 0 : i32
    %dma_start3A_81 = arith.constant 0 : i32
    %dma_start3A_82 = tpu.memref_slice %arg2[%dma_start3A_80, %dma_start3A_81] : memref<100000x64xf32, #tpu.memory_space<hbm>> -> memref<100000x64xf32, #tpu.memory_space<hbm>>
    tpu.enqueue_indirect_dma source(%dma_start3A_82 : memref<100000x64xf32, #tpu.memory_space<hbm>>) target(%dma_start3A_77 : memref<128x64xf32, #tpu.memory_space<vmem>>) offsets(%dma_start3A_79 : memref<128xi32, #tpu.memory_space<vmem>>) semaphore(%arg12 : memref<!tpu.dma_semaphore, #tpu.memory_space<semaphore_mem>>)
    %dma_start3A_83 = arith.constant 512 : i32
    %dma_start3A_84 = arith.constant 0 : i32
    %dma_start3A_85 = tpu.memref_slice %arg9[%dma_start3A_83, %dma_start3A_84] : memref<640x64xf32, #tpu.memory_space<vmem>> -> memref<128x64xf32, #tpu.memory_space<vmem>>
    %dma_start3A_86 = arith.constant 512 : i32
    %dma_start3A_87 = tpu.memref_slice %arg6[%dma_start3A_86] : memref<640xi32, #tpu.memory_space<vmem>> -> memref<128xi32, #tpu.memory_space<vmem>>
    %dma_start3A_88 = arith.constant 0 : i32
    %dma_start3A_89 = arith.constant 0 : i32
    %dma_start3A_90 = tpu.memref_slice %arg2[%dma_start3A_88, %dma_start3A_89] : memref<100000x64xf32, #tpu.memory_space<hbm>> -> memref<100000x64xf32, #tpu.memory_space<hbm>>
    tpu.enqueue_indirect_dma source(%dma_start3A_90 : memref<100000x64xf32, #tpu.memory_space<hbm>>) target(%dma_start3A_85 : memref<128x64xf32, #tpu.memory_space<vmem>>) offsets(%dma_start3A_87 : memref<128xi32, #tpu.memory_space<vmem>>) semaphore(%arg12 : memref<!tpu.dma_semaphore, #tpu.memory_space<semaphore_mem>>)
    %dma_wait3A_91 = arith.constant 0 : i32
    %dma_wait3A_92 = arith.constant 0 : i32
    %dma_wait3A_93 = tpu.memref_slice %arg8[%dma_wait3A_91, %dma_wait3A_92] : memref<640x64xf32, #tpu.memory_space<vmem>> -> memref<128x64xf32, #tpu.memory_space<vmem>>
    %dma_wait3A_94 = arith.constant 0 : i32
    %dma_wait3A_95 = tpu.memref_slice %arg5[%dma_wait3A_94] : memref<640xi32, #tpu.memory_space<vmem>> -> memref<128xi32, #tpu.memory_space<vmem>>
    %dma_wait3A_96 = arith.constant 0 : i32
    %dma_wait3A_97 = arith.constant 0 : i32
    %dma_wait3A_98 = tpu.memref_slice %arg2[%dma_wait3A_96, %dma_wait3A_97] : memref<100000x64xf32, #tpu.memory_space<hbm>> -> memref<100000x64xf32, #tpu.memory_space<hbm>>
    tpu.wait_indirect_dma semaphore(%arg11 : memref<!tpu.dma_semaphore, #tpu.memory_space<semaphore_mem>>) src(%dma_wait3A_98 : memref<100000x64xf32, #tpu.memory_space<hbm>>) dst(%dma_wait3A_93 : memref<128x64xf32, #tpu.memory_space<vmem>>)
    %dma_wait3A_99 = arith.constant 128 : i32
    %dma_wait3A_100 = arith.constant 0 : i32
    %dma_wait3A_101 = tpu.memref_slice %arg8[%dma_wait3A_99, %dma_wait3A_100] : memref<640x64xf32, #tpu.memory_space<vmem>> -> memref<128x64xf32, #tpu.memory_space<vmem>>
    %dma_wait3A_102 = arith.constant 128 : i32
    %dma_wait3A_103 = tpu.memref_slice %arg5[%dma_wait3A_102] : memref<640xi32, #tpu.memory_space<vmem>> -> memref<128xi32, #tpu.memory_space<vmem>>
    %dma_wait3A_104 = arith.constant 0 : i32
    %dma_wait3A_105 = arith.constant 0 : i32
    %dma_wait3A_106 = tpu.memref_slice %arg2[%dma_wait3A_104, %dma_wait3A_105] : memref<100000x64xf32, #tpu.memory_space<hbm>> -> memref<100000x64xf32, #tpu.memory_space<hbm>>
    tpu.wait_indirect_dma semaphore(%arg11 : memref<!tpu.dma_semaphore, #tpu.memory_space<semaphore_mem>>) src(%dma_wait3A_106 : memref<100000x64xf32, #tpu.memory_space<hbm>>) dst(%dma_wait3A_101 : memref<128x64xf32, #tpu.memory_space<vmem>>)
    %dma_wait3A_107 = arith.constant 256 : i32
    %dma_wait3A_108 = arith.constant 0 : i32
    %dma_wait3A_109 = tpu.memref_slice %arg8[%dma_wait3A_107, %dma_wait3A_108] : memref<640x64xf32, #tpu.memory_space<vmem>> -> memref<128x64xf32, #tpu.memory_space<vmem>>
    %dma_wait3A_110 = arith.constant 256 : i32
    %dma_wait3A_111 = tpu.memref_slice %arg5[%dma_wait3A_110] : memref<640xi32, #tpu.memory_space<vmem>> -> memref<128xi32, #tpu.memory_space<vmem>>
    %dma_wait3A_112 = arith.constant 0 : i32
    %dma_wait3A_113 = arith.constant 0 : i32
    %dma_wait3A_114 = tpu.memref_slice %arg2[%dma_wait3A_112, %dma_wait3A_113] : memref<100000x64xf32, #tpu.memory_space<hbm>> -> memref<100000x64xf32, #tpu.memory_space<hbm>>
    tpu.wait_indirect_dma semaphore(%arg11 : memref<!tpu.dma_semaphore, #tpu.memory_space<semaphore_mem>>) src(%dma_wait3A_114 : memref<100000x64xf32, #tpu.memory_space<hbm>>) dst(%dma_wait3A_109 : memref<128x64xf32, #tpu.memory_space<vmem>>)
    %dma_wait3A_115 = arith.constant 384 : i32
    %dma_wait3A_116 = arith.constant 0 : i32
    %dma_wait3A_117 = tpu.memref_slice %arg8[%dma_wait3A_115, %dma_wait3A_116] : memref<640x64xf32, #tpu.memory_space<vmem>> -> memref<128x64xf32, #tpu.memory_space<vmem>>
    %dma_wait3A_118 = arith.constant 384 : i32
    %dma_wait3A_119 = tpu.memref_slice %arg5[%dma_wait3A_118] : memref<640xi32, #tpu.memory_space<vmem>> -> memref<128xi32, #tpu.memory_space<vmem>>
    %dma_wait3A_120 = arith.constant 0 : i32
    %dma_wait3A_121 = arith.constant 0 : i32
    %dma_wait3A_122 = tpu.memref_slice %arg2[%dma_wait3A_120, %dma_wait3A_121] : memref<100000x64xf32, #tpu.memory_space<hbm>> -> memref<100000x64xf32, #tpu.memory_space<hbm>>
    tpu.wait_indirect_dma semaphore(%arg11 : memref<!tpu.dma_semaphore, #tpu.memory_space<semaphore_mem>>) src(%dma_wait3A_122 : memref<100000x64xf32, #tpu.memory_space<hbm>>) dst(%dma_wait3A_117 : memref<128x64xf32, #tpu.memory_space<vmem>>)
    %dma_wait3A_123 = arith.constant 512 : i32
    %dma_wait3A_124 = arith.constant 0 : i32
    %dma_wait3A_125 = tpu.memref_slice %arg8[%dma_wait3A_123, %dma_wait3A_124] : memref<640x64xf32, #tpu.memory_space<vmem>> -> memref<128x64xf32, #tpu.memory_space<vmem>>
    %dma_wait3A_126 = arith.constant 512 : i32
    %dma_wait3A_127 = tpu.memref_slice %arg5[%dma_wait3A_126] : memref<640xi32, #tpu.memory_space<vmem>> -> memref<128xi32, #tpu.memory_space<vmem>>
    %dma_wait3A_128 = arith.constant 0 : i32
    %dma_wait3A_129 = arith.constant 0 : i32
    %dma_wait3A_130 = tpu.memref_slice %arg2[%dma_wait3A_128, %dma_wait3A_129] : memref<100000x64xf32, #tpu.memory_space<hbm>> -> memref<100000x64xf32, #tpu.memory_space<hbm>>
    tpu.wait_indirect_dma semaphore(%arg11 : memref<!tpu.dma_semaphore, #tpu.memory_space<semaphore_mem>>) src(%dma_wait3A_130 : memref<100000x64xf32, #tpu.memory_space<hbm>>) dst(%dma_wait3A_125 : memref<128x64xf32, #tpu.memory_space<vmem>>)
    %add3A_131 = arith.constant 0 : i32
    %add3A_132 = arith.addi %mul3A_2, %add3A_131 : i32
    %dma_start3A_133 = arith.constant 0 : i32
    %dma_start3A_134 = tpu.memref_slice %arg4[%add3A_132, %dma_start3A_133] : memref<307200x64xf32, #tpu.memory_space<hbm>> -> memref<640x64xf32, #tpu.memory_space<hbm>>
    %dma_start3A_135 = arith.constant 0 : i32
    %dma_start3A_136 = tpu.memref_slice %arg4[%add3A_132, %dma_start3A_135] : memref<307200x64xf32, #tpu.memory_space<hbm>> -> memref<640x64xf32, #tpu.memory_space<hbm>>
    tpu.enqueue_dma source(%arg8 : memref<640x64xf32, #tpu.memory_space<vmem>>) target(%dma_start3A_136 : memref<640x64xf32, #tpu.memory_space<hbm>>) target_semaphore(%arg14 : memref<!tpu.dma_semaphore, #tpu.memory_space<semaphore_mem>>)
    %dma_wait3A_137 = tpu.memref_slice %arg3[%add3A_48] : memref<307200xi32, #tpu.memory_space<hbm>> -> memref<640xi32, #tpu.memory_space<hbm>>
    %dma_wait3A_138 = tpu.memref_slice %arg3[%add3A_48] : memref<307200xi32, #tpu.memory_space<hbm>> -> memref<640xi32, #tpu.memory_space<hbm>>
    tpu.wait_dma2 semaphore(%arg19 : memref<!tpu.dma_semaphore, #tpu.memory_space<semaphore_mem>>) src(%dma_wait3A_138 : memref<640xi32, #tpu.memory_space<hbm>>) dst(%arg7 : memref<640xi32, #tpu.memory_space<vmem>>)
    %add3A_139 = arith.constant 1920 : i32
    %add3A_140 = arith.addi %mul3A_2, %add3A_139 : i32
    %dma_start3A_141 = tpu.memref_slice %arg3[%add3A_140] : memref<307200xi32, #tpu.memory_space<hbm>> -> memref<640xi32, #tpu.memory_space<hbm>>
    %dma_start3A_142 = tpu.memref_slice %arg3[%add3A_140] : memref<307200xi32, #tpu.memory_space<hbm>> -> memref<640xi32, #tpu.memory_space<hbm>>
    tpu.enqueue_dma source(%dma_start3A_142 : memref<640xi32, #tpu.memory_space<hbm>>) target(%arg5 : memref<640xi32, #tpu.memory_space<vmem>>) target_semaphore(%arg17 : memref<!tpu.dma_semaphore, #tpu.memory_space<semaphore_mem>>)
    %dma_start3A_143 = arith.constant 0 : i32
    %dma_start3A_144 = arith.constant 0 : i32
    %dma_start3A_145 = tpu.memref_slice %arg10[%dma_start3A_143, %dma_start3A_144] : memref<640x64xf32, #tpu.memory_space<vmem>> -> memref<128x64xf32, #tpu.memory_space<vmem>>
    %dma_start3A_146 = arith.constant 0 : i32
    %dma_start3A_147 = tpu.memref_slice %arg7[%dma_start3A_146] : memref<640xi32, #tpu.memory_space<vmem>> -> memref<128xi32, #tpu.memory_space<vmem>>
    %dma_start3A_148 = arith.constant 0 : i32
    %dma_start3A_149 = arith.constant 0 : i32
    %dma_start3A_150 = tpu.memref_slice %arg2[%dma_start3A_148, %dma_start3A_149] : memref<100000x64xf32, #tpu.memory_space<hbm>> -> memref<100000x64xf32, #tpu.memory_space<hbm>>
    tpu.enqueue_indirect_dma source(%dma_start3A_150 : memref<100000x64xf32, #tpu.memory_space<hbm>>) target(%dma_start3A_145 : memref<128x64xf32, #tpu.memory_space<vmem>>) offsets(%dma_start3A_147 : memref<128xi32, #tpu.memory_space<vmem>>) semaphore(%arg13 : memref<!tpu.dma_semaphore, #tpu.memory_space<semaphore_mem>>)
    %dma_start3A_151 = arith.constant 128 : i32
    %dma_start3A_152 = arith.constant 0 : i32
    %dma_start3A_153 = tpu.memref_slice %arg10[%dma_start3A_151, %dma_start3A_152] : memref<640x64xf32, #tpu.memory_space<vmem>> -> memref<128x64xf32, #tpu.memory_space<vmem>>
    %dma_start3A_154 = arith.constant 128 : i32
    %dma_start3A_155 = tpu.memref_slice %arg7[%dma_start3A_154] : memref<640xi32, #tpu.memory_space<vmem>> -> memref<128xi32, #tpu.memory_space<vmem>>
    %dma_start3A_156 = arith.constant 0 : i32
    %dma_start3A_157 = arith.constant 0 : i32
    %dma_start3A_158 = tpu.memref_slice %arg2[%dma_start3A_156, %dma_start3A_157] : memref<100000x64xf32, #tpu.memory_space<hbm>> -> memref<100000x64xf32, #tpu.memory_space<hbm>>
    tpu.enqueue_indirect_dma source(%dma_start3A_158 : memref<100000x64xf32, #tpu.memory_space<hbm>>) target(%dma_start3A_153 : memref<128x64xf32, #tpu.memory_space<vmem>>) offsets(%dma_start3A_155 : memref<128xi32, #tpu.memory_space<vmem>>) semaphore(%arg13 : memref<!tpu.dma_semaphore, #tpu.memory_space<semaphore_mem>>)
    %dma_start3A_159 = arith.constant 256 : i32
    %dma_start3A_160 = arith.constant 0 : i32
    %dma_start3A_161 = tpu.memref_slice %arg10[%dma_start3A_159, %dma_start3A_160] : memref<640x64xf32, #tpu.memory_space<vmem>> -> memref<128x64xf32, #tpu.memory_space<vmem>>
    %dma_start3A_162 = arith.constant 256 : i32
    %dma_start3A_163 = tpu.memref_slice %arg7[%dma_start3A_162] : memref<640xi32, #tpu.memory_space<vmem>> -> memref<128xi32, #tpu.memory_space<vmem>>
    %dma_start3A_164 = arith.constant 0 : i32
    %dma_start3A_165 = arith.constant 0 : i32
    %dma_start3A_166 = tpu.memref_slice %arg2[%dma_start3A_164, %dma_start3A_165] : memref<100000x64xf32, #tpu.memory_space<hbm>> -> memref<100000x64xf32, #tpu.memory_space<hbm>>
    tpu.enqueue_indirect_dma source(%dma_start3A_166 : memref<100000x64xf32, #tpu.memory_space<hbm>>) target(%dma_start3A_161 : memref<128x64xf32, #tpu.memory_space<vmem>>) offsets(%dma_start3A_163 : memref<128xi32, #tpu.memory_space<vmem>>) semaphore(%arg13 : memref<!tpu.dma_semaphore, #tpu.memory_space<semaphore_mem>>)
    %dma_start3A_167 = arith.constant 384 : i32
    %dma_start3A_168 = arith.constant 0 : i32
    %dma_start3A_169 = tpu.memref_slice %arg10[%dma_start3A_167, %dma_start3A_168] : memref<640x64xf32, #tpu.memory_space<vmem>> -> memref<128x64xf32, #tpu.memory_space<vmem>>
    %dma_start3A_170 = arith.constant 384 : i32
    %dma_start3A_171 = tpu.memref_slice %arg7[%dma_start3A_170] : memref<640xi32, #tpu.memory_space<vmem>> -> memref<128xi32, #tpu.memory_space<vmem>>
    %dma_start3A_172 = arith.constant 0 : i32
    %dma_start3A_173 = arith.constant 0 : i32
    %dma_start3A_174 = tpu.memref_slice %arg2[%dma_start3A_172, %dma_start3A_173] : memref<100000x64xf32, #tpu.memory_space<hbm>> -> memref<100000x64xf32, #tpu.memory_space<hbm>>
    tpu.enqueue_indirect_dma source(%dma_start3A_174 : memref<100000x64xf32, #tpu.memory_space<hbm>>) target(%dma_start3A_169 : memref<128x64xf32, #tpu.memory_space<vmem>>) offsets(%dma_start3A_171 : memref<128xi32, #tpu.memory_space<vmem>>) semaphore(%arg13 : memref<!tpu.dma_semaphore, #tpu.memory_space<semaphore_mem>>)
    %dma_start3A_175 = arith.constant 512 : i32
    %dma_start3A_176 = arith.constant 0 : i32
    %dma_start3A_177 = tpu.memref_slice %arg10[%dma_start3A_175, %dma_start3A_176] : memref<640x64xf32, #tpu.memory_space<vmem>> -> memref<128x64xf32, #tpu.memory_space<vmem>>
    %dma_start3A_178 = arith.constant 512 : i32
    %dma_start3A_179 = tpu.memref_slice %arg7[%dma_start3A_178] : memref<640xi32, #tpu.memory_space<vmem>> -> memref<128xi32, #tpu.memory_space<vmem>>
    %dma_start3A_180 = arith.constant 0 : i32
    %dma_start3A_181 = arith.constant 0 : i32
    %dma_start3A_182 = tpu.memref_slice %arg2[%dma_start3A_180, %dma_start3A_181] : memref<100000x64xf32, #tpu.memory_space<hbm>> -> memref<100000x64xf32, #tpu.memory_space<hbm>>
    tpu.enqueue_indirect_dma source(%dma_start3A_182 : memref<100000x64xf32, #tpu.memory_space<hbm>>) target(%dma_start3A_177 : memref<128x64xf32, #tpu.memory_space<vmem>>) offsets(%dma_start3A_179 : memref<128xi32, #tpu.memory_space<vmem>>) semaphore(%arg13 : memref<!tpu.dma_semaphore, #tpu.memory_space<semaphore_mem>>)
    %dma_wait3A_183 = arith.constant 0 : i32
    %dma_wait3A_184 = arith.constant 0 : i32
    %dma_wait3A_185 = tpu.memref_slice %arg9[%dma_wait3A_183, %dma_wait3A_184] : memref<640x64xf32, #tpu.memory_space<vmem>> -> memref<128x64xf32, #tpu.memory_space<vmem>>
    %dma_wait3A_186 = arith.constant 0 : i32
    %dma_wait3A_187 = tpu.memref_slice %arg6[%dma_wait3A_186] : memref<640xi32, #tpu.memory_space<vmem>> -> memref<128xi32, #tpu.memory_space<vmem>>
    %dma_wait3A_188 = arith.constant 0 : i32
    %dma_wait3A_189 = arith.constant 0 : i32
    %dma_wait3A_190 = tpu.memref_slice %arg2[%dma_wait3A_188, %dma_wait3A_189] : memref<100000x64xf32, #tpu.memory_space<hbm>> -> memref<100000x64xf32, #tpu.memory_space<hbm>>
    tpu.wait_indirect_dma semaphore(%arg12 : memref<!tpu.dma_semaphore, #tpu.memory_space<semaphore_mem>>) src(%dma_wait3A_190 : memref<100000x64xf32, #tpu.memory_space<hbm>>) dst(%dma_wait3A_185 : memref<128x64xf32, #tpu.memory_space<vmem>>)
    %dma_wait3A_191 = arith.constant 128 : i32
    %dma_wait3A_192 = arith.constant 0 : i32
    %dma_wait3A_193 = tpu.memref_slice %arg9[%dma_wait3A_191, %dma_wait3A_192] : memref<640x64xf32, #tpu.memory_space<vmem>> -> memref<128x64xf32, #tpu.memory_space<vmem>>
    %dma_wait3A_194 = arith.constant 128 : i32
    %dma_wait3A_195 = tpu.memref_slice %arg6[%dma_wait3A_194] : memref<640xi32, #tpu.memory_space<vmem>> -> memref<128xi32, #tpu.memory_space<vmem>>
    %dma_wait3A_196 = arith.constant 0 : i32
    %dma_wait3A_197 = arith.constant 0 : i32
    %dma_wait3A_198 = tpu.memref_slice %arg2[%dma_wait3A_196, %dma_wait3A_197] : memref<100000x64xf32, #tpu.memory_space<hbm>> -> memref<100000x64xf32, #tpu.memory_space<hbm>>
    tpu.wait_indirect_dma semaphore(%arg12 : memref<!tpu.dma_semaphore, #tpu.memory_space<semaphore_mem>>) src(%dma_wait3A_198 : memref<100000x64xf32, #tpu.memory_space<hbm>>) dst(%dma_wait3A_193 : memref<128x64xf32, #tpu.memory_space<vmem>>)
    %dma_wait3A_199 = arith.constant 256 : i32
    %dma_wait3A_200 = arith.constant 0 : i32
    %dma_wait3A_201 = tpu.memref_slice %arg9[%dma_wait3A_199, %dma_wait3A_200] : memref<640x64xf32, #tpu.memory_space<vmem>> -> memref<128x64xf32, #tpu.memory_space<vmem>>
    %dma_wait3A_202 = arith.constant 256 : i32
    %dma_wait3A_203 = tpu.memref_slice %arg6[%dma_wait3A_202] : memref<640xi32, #tpu.memory_space<vmem>> -> memref<128xi32, #tpu.memory_space<vmem>>
    %dma_wait3A_204 = arith.constant 0 : i32
    %dma_wait3A_205 = arith.constant 0 : i32
    %dma_wait3A_206 = tpu.memref_slice %arg2[%dma_wait3A_204, %dma_wait3A_205] : memref<100000x64xf32, #tpu.memory_space<hbm>> -> memref<100000x64xf32, #tpu.memory_space<hbm>>
    tpu.wait_indirect_dma semaphore(%arg12 : memref<!tpu.dma_semaphore, #tpu.memory_space<semaphore_mem>>) src(%dma_wait3A_206 : memref<100000x64xf32, #tpu.memory_space<hbm>>) dst(%dma_wait3A_201 : memref<128x64xf32, #tpu.memory_space<vmem>>)
    %dma_wait3A_207 = arith.constant 384 : i32
    %dma_wait3A_208 = arith.constant 0 : i32
    %dma_wait3A_209 = tpu.memref_slice %arg9[%dma_wait3A_207, %dma_wait3A_208] : memref<640x64xf32, #tpu.memory_space<vmem>> -> memref<128x64xf32, #tpu.memory_space<vmem>>
    %dma_wait3A_210 = arith.constant 384 : i32
    %dma_wait3A_211 = tpu.memref_slice %arg6[%dma_wait3A_210] : memref<640xi32, #tpu.memory_space<vmem>> -> memref<128xi32, #tpu.memory_space<vmem>>
    %dma_wait3A_212 = arith.constant 0 : i32
    %dma_wait3A_213 = arith.constant 0 : i32
    %dma_wait3A_214 = tpu.memref_slice %arg2[%dma_wait3A_212, %dma_wait3A_213] : memref<100000x64xf32, #tpu.memory_space<hbm>> -> memref<100000x64xf32, #tpu.memory_space<hbm>>
    tpu.wait_indirect_dma semaphore(%arg12 : memref<!tpu.dma_semaphore, #tpu.memory_space<semaphore_mem>>) src(%dma_wait3A_214 : memref<100000x64xf32, #tpu.memory_space<hbm>>) dst(%dma_wait3A_209 : memref<128x64xf32, #tpu.memory_space<vmem>>)
    %dma_wait3A_215 = arith.constant 512 : i32
    %dma_wait3A_216 = arith.constant 0 : i32
    %dma_wait3A_217 = tpu.memref_slice %arg9[%dma_wait3A_215, %dma_wait3A_216] : memref<640x64xf32, #tpu.memory_space<vmem>> -> memref<128x64xf32, #tpu.memory_space<vmem>>
    %dma_wait3A_218 = arith.constant 512 : i32
    %dma_wait3A_219 = tpu.memref_slice %arg6[%dma_wait3A_218] : memref<640xi32, #tpu.memory_space<vmem>> -> memref<128xi32, #tpu.memory_space<vmem>>
    %dma_wait3A_220 = arith.constant 0 : i32
    %dma_wait3A_221 = arith.constant 0 : i32
    %dma_wait3A_222 = tpu.memref_slice %arg2[%dma_wait3A_220, %dma_wait3A_221] : memref<100000x64xf32, #tpu.memory_space<hbm>> -> memref<100000x64xf32, #tpu.memory_space<hbm>>
    tpu.wait_indirect_dma semaphore(%arg12 : memref<!tpu.dma_semaphore, #tpu.memory_space<semaphore_mem>>) src(%dma_wait3A_222 : memref<100000x64xf32, #tpu.memory_space<hbm>>) dst(%dma_wait3A_217 : memref<128x64xf32, #tpu.memory_space<vmem>>)
    %add3A_223 = arith.constant 640 : i32
    %add3A_224 = arith.addi %mul3A_2, %add3A_223 : i32
    %dma_start3A_225 = arith.constant 0 : i32
    %dma_start3A_226 = tpu.memref_slice %arg4[%add3A_224, %dma_start3A_225] : memref<307200x64xf32, #tpu.memory_space<hbm>> -> memref<640x64xf32, #tpu.memory_space<hbm>>
    %dma_start3A_227 = arith.constant 0 : i32
    %dma_start3A_228 = tpu.memref_slice %arg4[%add3A_224, %dma_start3A_227] : memref<307200x64xf32, #tpu.memory_space<hbm>> -> memref<640x64xf32, #tpu.memory_space<hbm>>
    tpu.enqueue_dma source(%arg9 : memref<640x64xf32, #tpu.memory_space<vmem>>) target(%dma_start3A_228 : memref<640x64xf32, #tpu.memory_space<hbm>>) target_semaphore(%arg15 : memref<!tpu.dma_semaphore, #tpu.memory_space<semaphore_mem>>)
    %dma_wait3A_229 = arith.constant 0 : i32
    %dma_wait3A_230 = tpu.memref_slice %arg4[%add3A_132, %dma_wait3A_229] : memref<307200x64xf32, #tpu.memory_space<hbm>> -> memref<640x64xf32, #tpu.memory_space<hbm>>
    %dma_wait3A_231 = arith.constant 0 : i32
    %dma_wait3A_232 = tpu.memref_slice %arg4[%add3A_132, %dma_wait3A_231] : memref<307200x64xf32, #tpu.memory_space<hbm>> -> memref<640x64xf32, #tpu.memory_space<hbm>>
    tpu.wait_dma2 semaphore(%arg14 : memref<!tpu.dma_semaphore, #tpu.memory_space<semaphore_mem>>) src(%arg8 : memref<640x64xf32, #tpu.memory_space<vmem>>) dst(%dma_wait3A_232 : memref<640x64xf32, #tpu.memory_space<hbm>>)
    %dma_wait3A_233 = tpu.memref_slice %arg3[%add3A_140] : memref<307200xi32, #tpu.memory_space<hbm>> -> memref<640xi32, #tpu.memory_space<hbm>>
    %dma_wait3A_234 = tpu.memref_slice %arg3[%add3A_140] : memref<307200xi32, #tpu.memory_space<hbm>> -> memref<640xi32, #tpu.memory_space<hbm>>
    tpu.wait_dma2 semaphore(%arg17 : memref<!tpu.dma_semaphore, #tpu.memory_space<semaphore_mem>>) src(%dma_wait3A_234 : memref<640xi32, #tpu.memory_space<hbm>>) dst(%arg5 : memref<640xi32, #tpu.memory_space<vmem>>)
    %add3A_235 = arith.constant 2560 : i32
    %add3A_236 = arith.addi %mul3A_2, %add3A_235 : i32
    %dma_start3A_237 = tpu.memref_slice %arg3[%add3A_236] : memref<307200xi32, #tpu.memory_space<hbm>> -> memref<640xi32, #tpu.memory_space<hbm>>
    %dma_start3A_238 = tpu.memref_slice %arg3[%add3A_236] : memref<307200xi32, #tpu.memory_space<hbm>> -> memref<640xi32, #tpu.memory_space<hbm>>
    tpu.enqueue_dma source(%dma_start3A_238 : memref<640xi32, #tpu.memory_space<hbm>>) target(%arg6 : memref<640xi32, #tpu.memory_space<vmem>>) target_semaphore(%arg18 : memref<!tpu.dma_semaphore, #tpu.memory_space<semaphore_mem>>)
    %dma_start3A_239 = arith.constant 0 : i32
    %dma_start3A_240 = arith.constant 0 : i32
    %dma_start3A_241 = tpu.memref_slice %arg8[%dma_start3A_239, %dma_start3A_240] : memref<640x64xf32, #tpu.memory_space<vmem>> -> memref<128x64xf32, #tpu.memory_space<vmem>>
    %dma_start3A_242 = arith.constant 0 : i32
    %dma_start3A_243 = tpu.memref_slice %arg5[%dma_start3A_242] : memref<640xi32, #tpu.memory_space<vmem>> -> memref<128xi32, #tpu.memory_space<vmem>>
    %dma_start3A_244 = arith.constant 0 : i32
    %dma_start3A_245 = arith.constant 0 : i32
    %dma_start3A_246 = tpu.memref_slice %arg2[%dma_start3A_244, %dma_start3A_245] : memref<100000x64xf32, #tpu.memory_space<hbm>> -> memref<100000x64xf32, #tpu.memory_space<hbm>>
    tpu.enqueue_indirect_dma source(%dma_start3A_246 : memref<100000x64xf32, #tpu.memory_space<hbm>>) target(%dma_start3A_241 : memref<128x64xf32, #tpu.memory_space<vmem>>) offsets(%dma_start3A_243 : memref<128xi32, #tpu.memory_space<vmem>>) semaphore(%arg11 : memref<!tpu.dma_semaphore, #tpu.memory_space<semaphore_mem>>)
    %dma_start3A_247 = arith.constant 128 : i32
    %dma_start3A_248 = arith.constant 0 : i32
    %dma_start3A_249 = tpu.memref_slice %arg8[%dma_start3A_247, %dma_start3A_248] : memref<640x64xf32, #tpu.memory_space<vmem>> -> memref<128x64xf32, #tpu.memory_space<vmem>>
    %dma_start3A_250 = arith.constant 128 : i32
    %dma_start3A_251 = tpu.memref_slice %arg5[%dma_start3A_250] : memref<640xi32, #tpu.memory_space<vmem>> -> memref<128xi32, #tpu.memory_space<vmem>>
    %dma_start3A_252 = arith.constant 0 : i32
    %dma_start3A_253 = arith.constant 0 : i32
    %dma_start3A_254 = tpu.memref_slice %arg2[%dma_start3A_252, %dma_start3A_253] : memref<100000x64xf32, #tpu.memory_space<hbm>> -> memref<100000x64xf32, #tpu.memory_space<hbm>>
    tpu.enqueue_indirect_dma source(%dma_start3A_254 : memref<100000x64xf32, #tpu.memory_space<hbm>>) target(%dma_start3A_249 : memref<128x64xf32, #tpu.memory_space<vmem>>) offsets(%dma_start3A_251 : memref<128xi32, #tpu.memory_space<vmem>>) semaphore(%arg11 : memref<!tpu.dma_semaphore, #tpu.memory_space<semaphore_mem>>)
    %dma_start3A_255 = arith.constant 256 : i32
    %dma_start3A_256 = arith.constant 0 : i32
    %dma_start3A_257 = tpu.memref_slice %arg8[%dma_start3A_255, %dma_start3A_256] : memref<640x64xf32, #tpu.memory_space<vmem>> -> memref<128x64xf32, #tpu.memory_space<vmem>>
    %dma_start3A_258 = arith.constant 256 : i32
    %dma_start3A_259 = tpu.memref_slice %arg5[%dma_start3A_258] : memref<640xi32, #tpu.memory_space<vmem>> -> memref<128xi32, #tpu.memory_space<vmem>>
    %dma_start3A_260 = arith.constant 0 : i32
    %dma_start3A_261 = arith.constant 0 : i32
    %dma_start3A_262 = tpu.memref_slice %arg2[%dma_start3A_260, %dma_start3A_261] : memref<100000x64xf32, #tpu.memory_space<hbm>> -> memref<100000x64xf32, #tpu.memory_space<hbm>>
    tpu.enqueue_indirect_dma source(%dma_start3A_262 : memref<100000x64xf32, #tpu.memory_space<hbm>>) target(%dma_start3A_257 : memref<128x64xf32, #tpu.memory_space<vmem>>) offsets(%dma_start3A_259 : memref<128xi32, #tpu.memory_space<vmem>>) semaphore(%arg11 : memref<!tpu.dma_semaphore, #tpu.memory_space<semaphore_mem>>)
    %dma_start3A_263 = arith.constant 384 : i32
    %dma_start3A_264 = arith.constant 0 : i32
    %dma_start3A_265 = tpu.memref_slice %arg8[%dma_start3A_263, %dma_start3A_264] : memref<640x64xf32, #tpu.memory_space<vmem>> -> memref<128x64xf32, #tpu.memory_space<vmem>>
    %dma_start3A_266 = arith.constant 384 : i32
    %dma_start3A_267 = tpu.memref_slice %arg5[%dma_start3A_266] : memref<640xi32, #tpu.memory_space<vmem>> -> memref<128xi32, #tpu.memory_space<vmem>>
    %dma_start3A_268 = arith.constant 0 : i32
    %dma_start3A_269 = arith.constant 0 : i32
    %dma_start3A_270 = tpu.memref_slice %arg2[%dma_start3A_268, %dma_start3A_269] : memref<100000x64xf32, #tpu.memory_space<hbm>> -> memref<100000x64xf32, #tpu.memory_space<hbm>>
    tpu.enqueue_indirect_dma source(%dma_start3A_270 : memref<100000x64xf32, #tpu.memory_space<hbm>>) target(%dma_start3A_265 : memref<128x64xf32, #tpu.memory_space<vmem>>) offsets(%dma_start3A_267 : memref<128xi32, #tpu.memory_space<vmem>>) semaphore(%arg11 : memref<!tpu.dma_semaphore, #tpu.memory_space<semaphore_mem>>)
    %dma_start3A_271 = arith.constant 512 : i32
    %dma_start3A_272 = arith.constant 0 : i32
    %dma_start3A_273 = tpu.memref_slice %arg8[%dma_start3A_271, %dma_start3A_272] : memref<640x64xf32, #tpu.memory_space<vmem>> -> memref<128x64xf32, #tpu.memory_space<vmem>>
    %dma_start3A_274 = arith.constant 512 : i32
    %dma_start3A_275 = tpu.memref_slice %arg5[%dma_start3A_274] : memref<640xi32, #tpu.memory_space<vmem>> -> memref<128xi32, #tpu.memory_space<vmem>>
    %dma_start3A_276 = arith.constant 0 : i32
    %dma_start3A_277 = arith.constant 0 : i32
    %dma_start3A_278 = tpu.memref_slice %arg2[%dma_start3A_276, %dma_start3A_277] : memref<100000x64xf32, #tpu.memory_space<hbm>> -> memref<100000x64xf32, #tpu.memory_space<hbm>>
    tpu.enqueue_indirect_dma source(%dma_start3A_278 : memref<100000x64xf32, #tpu.memory_space<hbm>>) target(%dma_start3A_273 : memref<128x64xf32, #tpu.memory_space<vmem>>) offsets(%dma_start3A_275 : memref<128xi32, #tpu.memory_space<vmem>>) semaphore(%arg11 : memref<!tpu.dma_semaphore, #tpu.memory_space<semaphore_mem>>)
    %dma_wait3A_279 = arith.constant 0 : i32
    %dma_wait3A_280 = arith.constant 0 : i32
    %dma_wait3A_281 = tpu.memref_slice %arg10[%dma_wait3A_279, %dma_wait3A_280] : memref<640x64xf32, #tpu.memory_space<vmem>> -> memref<128x64xf32, #tpu.memory_space<vmem>>
    %dma_wait3A_282 = arith.constant 0 : i32
    %dma_wait3A_283 = tpu.memref_slice %arg7[%dma_wait3A_282] : memref<640xi32, #tpu.memory_space<vmem>> -> memref<128xi32, #tpu.memory_space<vmem>>
    %dma_wait3A_284 = arith.constant 0 : i32
    %dma_wait3A_285 = arith.constant 0 : i32
    %dma_wait3A_286 = tpu.memref_slice %arg2[%dma_wait3A_284, %dma_wait3A_285] : memref<100000x64xf32, #tpu.memory_space<hbm>> -> memref<100000x64xf32, #tpu.memory_space<hbm>>
    tpu.wait_indirect_dma semaphore(%arg13 : memref<!tpu.dma_semaphore, #tpu.memory_space<semaphore_mem>>) src(%dma_wait3A_286 : memref<100000x64xf32, #tpu.memory_space<hbm>>) dst(%dma_wait3A_281 : memref<128x64xf32, #tpu.memory_space<vmem>>)
    %dma_wait3A_287 = arith.constant 128 : i32
    %dma_wait3A_288 = arith.constant 0 : i32
    %dma_wait3A_289 = tpu.memref_slice %arg10[%dma_wait3A_287, %dma_wait3A_288] : memref<640x64xf32, #tpu.memory_space<vmem>> -> memref<128x64xf32, #tpu.memory_space<vmem>>
    %dma_wait3A_290 = arith.constant 128 : i32
    %dma_wait3A_291 = tpu.memref_slice %arg7[%dma_wait3A_290] : memref<640xi32, #tpu.memory_space<vmem>> -> memref<128xi32, #tpu.memory_space<vmem>>
    %dma_wait3A_292 = arith.constant 0 : i32
    %dma_wait3A_293 = arith.constant 0 : i32
    %dma_wait3A_294 = tpu.memref_slice %arg2[%dma_wait3A_292, %dma_wait3A_293] : memref<100000x64xf32, #tpu.memory_space<hbm>> -> memref<100000x64xf32, #tpu.memory_space<hbm>>
    tpu.wait_indirect_dma semaphore(%arg13 : memref<!tpu.dma_semaphore, #tpu.memory_space<semaphore_mem>>) src(%dma_wait3A_294 : memref<100000x64xf32, #tpu.memory_space<hbm>>) dst(%dma_wait3A_289 : memref<128x64xf32, #tpu.memory_space<vmem>>)
    %dma_wait3A_295 = arith.constant 256 : i32
    %dma_wait3A_296 = arith.constant 0 : i32
    %dma_wait3A_297 = tpu.memref_slice %arg10[%dma_wait3A_295, %dma_wait3A_296] : memref<640x64xf32, #tpu.memory_space<vmem>> -> memref<128x64xf32, #tpu.memory_space<vmem>>
    %dma_wait3A_298 = arith.constant 256 : i32
    %dma_wait3A_299 = tpu.memref_slice %arg7[%dma_wait3A_298] : memref<640xi32, #tpu.memory_space<vmem>> -> memref<128xi32, #tpu.memory_space<vmem>>
    %dma_wait3A_300 = arith.constant 0 : i32
    %dma_wait3A_301 = arith.constant 0 : i32
    %dma_wait3A_302 = tpu.memref_slice %arg2[%dma_wait3A_300, %dma_wait3A_301] : memref<100000x64xf32, #tpu.memory_space<hbm>> -> memref<100000x64xf32, #tpu.memory_space<hbm>>
    tpu.wait_indirect_dma semaphore(%arg13 : memref<!tpu.dma_semaphore, #tpu.memory_space<semaphore_mem>>) src(%dma_wait3A_302 : memref<100000x64xf32, #tpu.memory_space<hbm>>) dst(%dma_wait3A_297 : memref<128x64xf32, #tpu.memory_space<vmem>>)
    %dma_wait3A_303 = arith.constant 384 : i32
    %dma_wait3A_304 = arith.constant 0 : i32
    %dma_wait3A_305 = tpu.memref_slice %arg10[%dma_wait3A_303, %dma_wait3A_304] : memref<640x64xf32, #tpu.memory_space<vmem>> -> memref<128x64xf32, #tpu.memory_space<vmem>>
    %dma_wait3A_306 = arith.constant 384 : i32
    %dma_wait3A_307 = tpu.memref_slice %arg7[%dma_wait3A_306] : memref<640xi32, #tpu.memory_space<vmem>> -> memref<128xi32, #tpu.memory_space<vmem>>
    %dma_wait3A_308 = arith.constant 0 : i32
    %dma_wait3A_309 = arith.constant 0 : i32
    %dma_wait3A_310 = tpu.memref_slice %arg2[%dma_wait3A_308, %dma_wait3A_309] : memref<100000x64xf32, #tpu.memory_space<hbm>> -> memref<100000x64xf32, #tpu.memory_space<hbm>>
    tpu.wait_indirect_dma semaphore(%arg13 : memref<!tpu.dma_semaphore, #tpu.memory_space<semaphore_mem>>) src(%dma_wait3A_310 : memref<100000x64xf32, #tpu.memory_space<hbm>>) dst(%dma_wait3A_305 : memref<128x64xf32, #tpu.memory_space<vmem>>)
    %dma_wait3A_311 = arith.constant 512 : i32
    %dma_wait3A_312 = arith.constant 0 : i32
    %dma_wait3A_313 = tpu.memref_slice %arg10[%dma_wait3A_311, %dma_wait3A_312] : memref<640x64xf32, #tpu.memory_space<vmem>> -> memref<128x64xf32, #tpu.memory_space<vmem>>
    %dma_wait3A_314 = arith.constant 512 : i32
    %dma_wait3A_315 = tpu.memref_slice %arg7[%dma_wait3A_314] : memref<640xi32, #tpu.memory_space<vmem>> -> memref<128xi32, #tpu.memory_space<vmem>>
    %dma_wait3A_316 = arith.constant 0 : i32
    %dma_wait3A_317 = arith.constant 0 : i32
    %dma_wait3A_318 = tpu.memref_slice %arg2[%dma_wait3A_316, %dma_wait3A_317] : memref<100000x64xf32, #tpu.memory_space<hbm>> -> memref<100000x64xf32, #tpu.memory_space<hbm>>
    tpu.wait_indirect_dma semaphore(%arg13 : memref<!tpu.dma_semaphore, #tpu.memory_space<semaphore_mem>>) src(%dma_wait3A_318 : memref<100000x64xf32, #tpu.memory_space<hbm>>) dst(%dma_wait3A_313 : memref<128x64xf32, #tpu.memory_space<vmem>>)
    %add3A_319 = arith.constant 1280 : i32
    %add3A_320 = arith.addi %mul3A_2, %add3A_319 : i32
    %dma_start3A_321 = arith.constant 0 : i32
    %dma_start3A_322 = tpu.memref_slice %arg4[%add3A_320, %dma_start3A_321] : memref<307200x64xf32, #tpu.memory_space<hbm>> -> memref<640x64xf32, #tpu.memory_space<hbm>>
    %dma_start3A_323 = arith.constant 0 : i32
    %dma_start3A_324 = tpu.memref_slice %arg4[%add3A_320, %dma_start3A_323] : memref<307200x64xf32, #tpu.memory_space<hbm>> -> memref<640x64xf32, #tpu.memory_space<hbm>>
    tpu.enqueue_dma source(%arg10 : memref<640x64xf32, #tpu.memory_space<vmem>>) target(%dma_start3A_324 : memref<640x64xf32, #tpu.memory_space<hbm>>) target_semaphore(%arg16 : memref<!tpu.dma_semaphore, #tpu.memory_space<semaphore_mem>>)
    %dma_wait3A_325 = arith.constant 0 : i32
    %dma_wait3A_326 = tpu.memref_slice %arg4[%add3A_224, %dma_wait3A_325] : memref<307200x64xf32, #tpu.memory_space<hbm>> -> memref<640x64xf32, #tpu.memory_space<hbm>>
    %dma_wait3A_327 = arith.constant 0 : i32
    %dma_wait3A_328 = tpu.memref_slice %arg4[%add3A_224, %dma_wait3A_327] : memref<307200x64xf32, #tpu.memory_space<hbm>> -> memref<640x64xf32, #tpu.memory_space<hbm>>
    tpu.wait_dma2 semaphore(%arg15 : memref<!tpu.dma_semaphore, #tpu.memory_space<semaphore_mem>>) src(%arg9 : memref<640x64xf32, #tpu.memory_space<vmem>>) dst(%dma_wait3A_328 : memref<640x64xf32, #tpu.memory_space<hbm>>)
    %dma_wait3A_329 = tpu.memref_slice %arg3[%add3A_236] : memref<307200xi32, #tpu.memory_space<hbm>> -> memref<640xi32, #tpu.memory_space<hbm>>
    %dma_wait3A_330 = tpu.memref_slice %arg3[%add3A_236] : memref<307200xi32, #tpu.memory_space<hbm>> -> memref<640xi32, #tpu.memory_space<hbm>>
    tpu.wait_dma2 semaphore(%arg18 : memref<!tpu.dma_semaphore, #tpu.memory_space<semaphore_mem>>) src(%dma_wait3A_330 : memref<640xi32, #tpu.memory_space<hbm>>) dst(%arg6 : memref<640xi32, #tpu.memory_space<vmem>>)
    %add3A_331 = arith.constant 3200 : i32
    %add3A_332 = arith.addi %mul3A_2, %add3A_331 : i32
    %dma_start3A_333 = tpu.memref_slice %arg3[%add3A_332] : memref<307200xi32, #tpu.memory_space<hbm>> -> memref<640xi32, #tpu.memory_space<hbm>>
    %dma_start3A_334 = tpu.memref_slice %arg3[%add3A_332] : memref<307200xi32, #tpu.memory_space<hbm>> -> memref<640xi32, #tpu.memory_space<hbm>>
    tpu.enqueue_dma source(%dma_start3A_334 : memref<640xi32, #tpu.memory_space<hbm>>) target(%arg7 : memref<640xi32, #tpu.memory_space<vmem>>) target_semaphore(%arg19 : memref<!tpu.dma_semaphore, #tpu.memory_space<semaphore_mem>>)
    %dma_start3A_335 = arith.constant 0 : i32
    %dma_start3A_336 = arith.constant 0 : i32
    %dma_start3A_337 = tpu.memref_slice %arg9[%dma_start3A_335, %dma_start3A_336] : memref<640x64xf32, #tpu.memory_space<vmem>> -> memref<128x64xf32, #tpu.memory_space<vmem>>
    %dma_start3A_338 = arith.constant 0 : i32
    %dma_start3A_339 = tpu.memref_slice %arg6[%dma_start3A_338] : memref<640xi32, #tpu.memory_space<vmem>> -> memref<128xi32, #tpu.memory_space<vmem>>
    %dma_start3A_340 = arith.constant 0 : i32
    %dma_start3A_341 = arith.constant 0 : i32
    %dma_start3A_342 = tpu.memref_slice %arg2[%dma_start3A_340, %dma_start3A_341] : memref<100000x64xf32, #tpu.memory_space<hbm>> -> memref<100000x64xf32, #tpu.memory_space<hbm>>
    tpu.enqueue_indirect_dma source(%dma_start3A_342 : memref<100000x64xf32, #tpu.memory_space<hbm>>) target(%dma_start3A_337 : memref<128x64xf32, #tpu.memory_space<vmem>>) offsets(%dma_start3A_339 : memref<128xi32, #tpu.memory_space<vmem>>) semaphore(%arg12 : memref<!tpu.dma_semaphore, #tpu.memory_space<semaphore_mem>>)
    %dma_start3A_343 = arith.constant 128 : i32
    %dma_start3A_344 = arith.constant 0 : i32
    %dma_start3A_345 = tpu.memref_slice %arg9[%dma_start3A_343, %dma_start3A_344] : memref<640x64xf32, #tpu.memory_space<vmem>> -> memref<128x64xf32, #tpu.memory_space<vmem>>
    %dma_start3A_346 = arith.constant 128 : i32
    %dma_start3A_347 = tpu.memref_slice %arg6[%dma_start3A_346] : memref<640xi32, #tpu.memory_space<vmem>> -> memref<128xi32, #tpu.memory_space<vmem>>
    %dma_start3A_348 = arith.constant 0 : i32
    %dma_start3A_349 = arith.constant 0 : i32
    %dma_start3A_350 = tpu.memref_slice %arg2[%dma_start3A_348, %dma_start3A_349] : memref<100000x64xf32, #tpu.memory_space<hbm>> -> memref<100000x64xf32, #tpu.memory_space<hbm>>
    tpu.enqueue_indirect_dma source(%dma_start3A_350 : memref<100000x64xf32, #tpu.memory_space<hbm>>) target(%dma_start3A_345 : memref<128x64xf32, #tpu.memory_space<vmem>>) offsets(%dma_start3A_347 : memref<128xi32, #tpu.memory_space<vmem>>) semaphore(%arg12 : memref<!tpu.dma_semaphore, #tpu.memory_space<semaphore_mem>>)
    %dma_start3A_351 = arith.constant 256 : i32
    %dma_start3A_352 = arith.constant 0 : i32
    %dma_start3A_353 = tpu.memref_slice %arg9[%dma_start3A_351, %dma_start3A_352] : memref<640x64xf32, #tpu.memory_space<vmem>> -> memref<128x64xf32, #tpu.memory_space<vmem>>
    %dma_start3A_354 = arith.constant 256 : i32
    %dma_start3A_355 = tpu.memref_slice %arg6[%dma_start3A_354] : memref<640xi32, #tpu.memory_space<vmem>> -> memref<128xi32, #tpu.memory_space<vmem>>
    %dma_start3A_356 = arith.constant 0 : i32
    %dma_start3A_357 = arith.constant 0 : i32
    %dma_start3A_358 = tpu.memref_slice %arg2[%dma_start3A_356, %dma_start3A_357] : memref<100000x64xf32, #tpu.memory_space<hbm>> -> memref<100000x64xf32, #tpu.memory_space<hbm>>
    tpu.enqueue_indirect_dma source(%dma_start3A_358 : memref<100000x64xf32, #tpu.memory_space<hbm>>) target(%dma_start3A_353 : memref<128x64xf32, #tpu.memory_space<vmem>>) offsets(%dma_start3A_355 : memref<128xi32, #tpu.memory_space<vmem>>) semaphore(%arg12 : memref<!tpu.dma_semaphore, #tpu.memory_space<semaphore_mem>>)
    %dma_start3A_359 = arith.constant 384 : i32
    %dma_start3A_360 = arith.constant 0 : i32
    %dma_start3A_361 = tpu.memref_slice %arg9[%dma_start3A_359, %dma_start3A_360] : memref<640x64xf32, #tpu.memory_space<vmem>> -> memref<128x64xf32, #tpu.memory_space<vmem>>
    %dma_start3A_362 = arith.constant 384 : i32
    %dma_start3A_363 = tpu.memref_slice %arg6[%dma_start3A_362] : memref<640xi32, #tpu.memory_space<vmem>> -> memref<128xi32, #tpu.memory_space<vmem>>
    %dma_start3A_364 = arith.constant 0 : i32
    %dma_start3A_365 = arith.constant 0 : i32
    %dma_start3A_366 = tpu.memref_slice %arg2[%dma_start3A_364, %dma_start3A_365] : memref<100000x64xf32, #tpu.memory_space<hbm>> -> memref<100000x64xf32, #tpu.memory_space<hbm>>
    tpu.enqueue_indirect_dma source(%dma_start3A_366 : memref<100000x64xf32, #tpu.memory_space<hbm>>) target(%dma_start3A_361 : memref<128x64xf32, #tpu.memory_space<vmem>>) offsets(%dma_start3A_363 : memref<128xi32, #tpu.memory_space<vmem>>) semaphore(%arg12 : memref<!tpu.dma_semaphore, #tpu.memory_space<semaphore_mem>>)
    %dma_start3A_367 = arith.constant 512 : i32
    %dma_start3A_368 = arith.constant 0 : i32
    %dma_start3A_369 = tpu.memref_slice %arg9[%dma_start3A_367, %dma_start3A_368] : memref<640x64xf32, #tpu.memory_space<vmem>> -> memref<128x64xf32, #tpu.memory_space<vmem>>
    %dma_start3A_370 = arith.constant 512 : i32
    %dma_start3A_371 = tpu.memref_slice %arg6[%dma_start3A_370] : memref<640xi32, #tpu.memory_space<vmem>> -> memref<128xi32, #tpu.memory_space<vmem>>
    %dma_start3A_372 = arith.constant 0 : i32
    %dma_start3A_373 = arith.constant 0 : i32
    %dma_start3A_374 = tpu.memref_slice %arg2[%dma_start3A_372, %dma_start3A_373] : memref<100000x64xf32, #tpu.memory_space<hbm>> -> memref<100000x64xf32, #tpu.memory_space<hbm>>
    tpu.enqueue_indirect_dma source(%dma_start3A_374 : memref<100000x64xf32, #tpu.memory_space<hbm>>) target(%dma_start3A_369 : memref<128x64xf32, #tpu.memory_space<vmem>>) offsets(%dma_start3A_371 : memref<128xi32, #tpu.memory_space<vmem>>) semaphore(%arg12 : memref<!tpu.dma_semaphore, #tpu.memory_space<semaphore_mem>>)
    %dma_wait3A_375 = arith.constant 0 : i32
    %dma_wait3A_376 = arith.constant 0 : i32
    %dma_wait3A_377 = tpu.memref_slice %arg8[%dma_wait3A_375, %dma_wait3A_376] : memref<640x64xf32, #tpu.memory_space<vmem>> -> memref<128x64xf32, #tpu.memory_space<vmem>>
    %dma_wait3A_378 = arith.constant 0 : i32
    %dma_wait3A_379 = tpu.memref_slice %arg5[%dma_wait3A_378] : memref<640xi32, #tpu.memory_space<vmem>> -> memref<128xi32, #tpu.memory_space<vmem>>
    %dma_wait3A_380 = arith.constant 0 : i32
    %dma_wait3A_381 = arith.constant 0 : i32
    %dma_wait3A_382 = tpu.memref_slice %arg2[%dma_wait3A_380, %dma_wait3A_381] : memref<100000x64xf32, #tpu.memory_space<hbm>> -> memref<100000x64xf32, #tpu.memory_space<hbm>>
    tpu.wait_indirect_dma semaphore(%arg11 : memref<!tpu.dma_semaphore, #tpu.memory_space<semaphore_mem>>) src(%dma_wait3A_382 : memref<100000x64xf32, #tpu.memory_space<hbm>>) dst(%dma_wait3A_377 : memref<128x64xf32, #tpu.memory_space<vmem>>)
    %dma_wait3A_383 = arith.constant 128 : i32
    %dma_wait3A_384 = arith.constant 0 : i32
    %dma_wait3A_385 = tpu.memref_slice %arg8[%dma_wait3A_383, %dma_wait3A_384] : memref<640x64xf32, #tpu.memory_space<vmem>> -> memref<128x64xf32, #tpu.memory_space<vmem>>
    %dma_wait3A_386 = arith.constant 128 : i32
    %dma_wait3A_387 = tpu.memref_slice %arg5[%dma_wait3A_386] : memref<640xi32, #tpu.memory_space<vmem>> -> memref<128xi32, #tpu.memory_space<vmem>>
    %dma_wait3A_388 = arith.constant 0 : i32
    %dma_wait3A_389 = arith.constant 0 : i32
    %dma_wait3A_390 = tpu.memref_slice %arg2[%dma_wait3A_388, %dma_wait3A_389] : memref<100000x64xf32, #tpu.memory_space<hbm>> -> memref<100000x64xf32, #tpu.memory_space<hbm>>
    tpu.wait_indirect_dma semaphore(%arg11 : memref<!tpu.dma_semaphore, #tpu.memory_space<semaphore_mem>>) src(%dma_wait3A_390 : memref<100000x64xf32, #tpu.memory_space<hbm>>) dst(%dma_wait3A_385 : memref<128x64xf32, #tpu.memory_space<vmem>>)
    %dma_wait3A_391 = arith.constant 256 : i32
    %dma_wait3A_392 = arith.constant 0 : i32
    %dma_wait3A_393 = tpu.memref_slice %arg8[%dma_wait3A_391, %dma_wait3A_392] : memref<640x64xf32, #tpu.memory_space<vmem>> -> memref<128x64xf32, #tpu.memory_space<vmem>>
    %dma_wait3A_394 = arith.constant 256 : i32
    %dma_wait3A_395 = tpu.memref_slice %arg5[%dma_wait3A_394] : memref<640xi32, #tpu.memory_space<vmem>> -> memref<128xi32, #tpu.memory_space<vmem>>
    %dma_wait3A_396 = arith.constant 0 : i32
    %dma_wait3A_397 = arith.constant 0 : i32
    %dma_wait3A_398 = tpu.memref_slice %arg2[%dma_wait3A_396, %dma_wait3A_397] : memref<100000x64xf32, #tpu.memory_space<hbm>> -> memref<100000x64xf32, #tpu.memory_space<hbm>>
    tpu.wait_indirect_dma semaphore(%arg11 : memref<!tpu.dma_semaphore, #tpu.memory_space<semaphore_mem>>) src(%dma_wait3A_398 : memref<100000x64xf32, #tpu.memory_space<hbm>>) dst(%dma_wait3A_393 : memref<128x64xf32, #tpu.memory_space<vmem>>)
    %dma_wait3A_399 = arith.constant 384 : i32
    %dma_wait3A_400 = arith.constant 0 : i32
    %dma_wait3A_401 = tpu.memref_slice %arg8[%dma_wait3A_399, %dma_wait3A_400] : memref<640x64xf32, #tpu.memory_space<vmem>> -> memref<128x64xf32, #tpu.memory_space<vmem>>
    %dma_wait3A_402 = arith.constant 384 : i32
    %dma_wait3A_403 = tpu.memref_slice %arg5[%dma_wait3A_402] : memref<640xi32, #tpu.memory_space<vmem>> -> memref<128xi32, #tpu.memory_space<vmem>>
    %dma_wait3A_404 = arith.constant 0 : i32
    %dma_wait3A_405 = arith.constant 0 : i32
    %dma_wait3A_406 = tpu.memref_slice %arg2[%dma_wait3A_404, %dma_wait3A_405] : memref<100000x64xf32, #tpu.memory_space<hbm>> -> memref<100000x64xf32, #tpu.memory_space<hbm>>
    tpu.wait_indirect_dma semaphore(%arg11 : memref<!tpu.dma_semaphore, #tpu.memory_space<semaphore_mem>>) src(%dma_wait3A_406 : memref<100000x64xf32, #tpu.memory_space<hbm>>) dst(%dma_wait3A_401 : memref<128x64xf32, #tpu.memory_space<vmem>>)
    %dma_wait3A_407 = arith.constant 512 : i32
    %dma_wait3A_408 = arith.constant 0 : i32
    %dma_wait3A_409 = tpu.memref_slice %arg8[%dma_wait3A_407, %dma_wait3A_408] : memref<640x64xf32, #tpu.memory_space<vmem>> -> memref<128x64xf32, #tpu.memory_space<vmem>>
    %dma_wait3A_410 = arith.constant 512 : i32
    %dma_wait3A_411 = tpu.memref_slice %arg5[%dma_wait3A_410] : memref<640xi32, #tpu.memory_space<vmem>> -> memref<128xi32, #tpu.memory_space<vmem>>
    %dma_wait3A_412 = arith.constant 0 : i32
    %dma_wait3A_413 = arith.constant 0 : i32
    %dma_wait3A_414 = tpu.memref_slice %arg2[%dma_wait3A_412, %dma_wait3A_413] : memref<100000x64xf32, #tpu.memory_space<hbm>> -> memref<100000x64xf32, #tpu.memory_space<hbm>>
    tpu.wait_indirect_dma semaphore(%arg11 : memref<!tpu.dma_semaphore, #tpu.memory_space<semaphore_mem>>) src(%dma_wait3A_414 : memref<100000x64xf32, #tpu.memory_space<hbm>>) dst(%dma_wait3A_409 : memref<128x64xf32, #tpu.memory_space<vmem>>)
    %add3A_415 = arith.constant 1920 : i32
    %add3A_416 = arith.addi %mul3A_2, %add3A_415 : i32
    %dma_start3A_417 = arith.constant 0 : i32
    %dma_start3A_418 = tpu.memref_slice %arg4[%add3A_416, %dma_start3A_417] : memref<307200x64xf32, #tpu.memory_space<hbm>> -> memref<640x64xf32, #tpu.memory_space<hbm>>
    %dma_start3A_419 = arith.constant 0 : i32
    %dma_start3A_420 = tpu.memref_slice %arg4[%add3A_416, %dma_start3A_419] : memref<307200x64xf32, #tpu.memory_space<hbm>> -> memref<640x64xf32, #tpu.memory_space<hbm>>
    tpu.enqueue_dma source(%arg8 : memref<640x64xf32, #tpu.memory_space<vmem>>) target(%dma_start3A_420 : memref<640x64xf32, #tpu.memory_space<hbm>>) target_semaphore(%arg14 : memref<!tpu.dma_semaphore, #tpu.memory_space<semaphore_mem>>)
    %dma_wait3A_421 = arith.constant 0 : i32
    %dma_wait3A_422 = tpu.memref_slice %arg4[%add3A_320, %dma_wait3A_421] : memref<307200x64xf32, #tpu.memory_space<hbm>> -> memref<640x64xf32, #tpu.memory_space<hbm>>
    %dma_wait3A_423 = arith.constant 0 : i32
    %dma_wait3A_424 = tpu.memref_slice %arg4[%add3A_320, %dma_wait3A_423] : memref<307200x64xf32, #tpu.memory_space<hbm>> -> memref<640x64xf32, #tpu.memory_space<hbm>>
    tpu.wait_dma2 semaphore(%arg16 : memref<!tpu.dma_semaphore, #tpu.memory_space<semaphore_mem>>) src(%arg10 : memref<640x64xf32, #tpu.memory_space<vmem>>) dst(%dma_wait3A_424 : memref<640x64xf32, #tpu.memory_space<hbm>>)
    %dma_wait3A_425 = tpu.memref_slice %arg3[%add3A_332] : memref<307200xi32, #tpu.memory_space<hbm>> -> memref<640xi32, #tpu.memory_space<hbm>>
    %dma_wait3A_426 = tpu.memref_slice %arg3[%add3A_332] : memref<307200xi32, #tpu.memory_space<hbm>> -> memref<640xi32, #tpu.memory_space<hbm>>
    tpu.wait_dma2 semaphore(%arg19 : memref<!tpu.dma_semaphore, #tpu.memory_space<semaphore_mem>>) src(%dma_wait3A_426 : memref<640xi32, #tpu.memory_space<hbm>>) dst(%arg7 : memref<640xi32, #tpu.memory_space<vmem>>)
    %add3A_427 = arith.constant 3840 : i32
    %add3A_428 = arith.addi %mul3A_2, %add3A_427 : i32
    %dma_start3A_429 = tpu.memref_slice %arg3[%add3A_428] : memref<307200xi32, #tpu.memory_space<hbm>> -> memref<640xi32, #tpu.memory_space<hbm>>
    %dma_start3A_430 = tpu.memref_slice %arg3[%add3A_428] : memref<307200xi32, #tpu.memory_space<hbm>> -> memref<640xi32, #tpu.memory_space<hbm>>
    tpu.enqueue_dma source(%dma_start3A_430 : memref<640xi32, #tpu.memory_space<hbm>>) target(%arg5 : memref<640xi32, #tpu.memory_space<vmem>>) target_semaphore(%arg17 : memref<!tpu.dma_semaphore, #tpu.memory_space<semaphore_mem>>)
    %dma_start3A_431 = arith.constant 0 : i32
    %dma_start3A_432 = arith.constant 0 : i32
    %dma_start3A_433 = tpu.memref_slice %arg10[%dma_start3A_431, %dma_start3A_432] : memref<640x64xf32, #tpu.memory_space<vmem>> -> memref<128x64xf32, #tpu.memory_space<vmem>>
    %dma_start3A_434 = arith.constant 0 : i32
    %dma_start3A_435 = tpu.memref_slice %arg7[%dma_start3A_434] : memref<640xi32, #tpu.memory_space<vmem>> -> memref<128xi32, #tpu.memory_space<vmem>>
    %dma_start3A_436 = arith.constant 0 : i32
    %dma_start3A_437 = arith.constant 0 : i32
    %dma_start3A_438 = tpu.memref_slice %arg2[%dma_start3A_436, %dma_start3A_437] : memref<100000x64xf32, #tpu.memory_space<hbm>> -> memref<100000x64xf32, #tpu.memory_space<hbm>>
    tpu.enqueue_indirect_dma source(%dma_start3A_438 : memref<100000x64xf32, #tpu.memory_space<hbm>>) target(%dma_start3A_433 : memref<128x64xf32, #tpu.memory_space<vmem>>) offsets(%dma_start3A_435 : memref<128xi32, #tpu.memory_space<vmem>>) semaphore(%arg13 : memref<!tpu.dma_semaphore, #tpu.memory_space<semaphore_mem>>)
    %dma_start3A_439 = arith.constant 128 : i32
    %dma_start3A_440 = arith.constant 0 : i32
    %dma_start3A_441 = tpu.memref_slice %arg10[%dma_start3A_439, %dma_start3A_440] : memref<640x64xf32, #tpu.memory_space<vmem>> -> memref<128x64xf32, #tpu.memory_space<vmem>>
    %dma_start3A_442 = arith.constant 128 : i32
    %dma_start3A_443 = tpu.memref_slice %arg7[%dma_start3A_442] : memref<640xi32, #tpu.memory_space<vmem>> -> memref<128xi32, #tpu.memory_space<vmem>>
    %dma_start3A_444 = arith.constant 0 : i32
    %dma_start3A_445 = arith.constant 0 : i32
    %dma_start3A_446 = tpu.memref_slice %arg2[%dma_start3A_444, %dma_start3A_445] : memref<100000x64xf32, #tpu.memory_space<hbm>> -> memref<100000x64xf32, #tpu.memory_space<hbm>>
    tpu.enqueue_indirect_dma source(%dma_start3A_446 : memref<100000x64xf32, #tpu.memory_space<hbm>>) target(%dma_start3A_441 : memref<128x64xf32, #tpu.memory_space<vmem>>) offsets(%dma_start3A_443 : memref<128xi32, #tpu.memory_space<vmem>>) semaphore(%arg13 : memref<!tpu.dma_semaphore, #tpu.memory_space<semaphore_mem>>)
    %dma_start3A_447 = arith.constant 256 : i32
    %dma_start3A_448 = arith.constant 0 : i32
    %dma_start3A_449 = tpu.memref_slice %arg10[%dma_start3A_447, %dma_start3A_448] : memref<640x64xf32, #tpu.memory_space<vmem>> -> memref<128x64xf32, #tpu.memory_space<vmem>>
    %dma_start3A_450 = arith.constant 256 : i32
    %dma_start3A_451 = tpu.memref_slice %arg7[%dma_start3A_450] : memref<640xi32, #tpu.memory_space<vmem>> -> memref<128xi32, #tpu.memory_space<vmem>>
    %dma_start3A_452 = arith.constant 0 : i32
    %dma_start3A_453 = arith.constant 0 : i32
    %dma_start3A_454 = tpu.memref_slice %arg2[%dma_start3A_452, %dma_start3A_453] : memref<100000x64xf32, #tpu.memory_space<hbm>> -> memref<100000x64xf32, #tpu.memory_space<hbm>>
    tpu.enqueue_indirect_dma source(%dma_start3A_454 : memref<100000x64xf32, #tpu.memory_space<hbm>>) target(%dma_start3A_449 : memref<128x64xf32, #tpu.memory_space<vmem>>) offsets(%dma_start3A_451 : memref<128xi32, #tpu.memory_space<vmem>>) semaphore(%arg13 : memref<!tpu.dma_semaphore, #tpu.memory_space<semaphore_mem>>)
    %dma_start3A_455 = arith.constant 384 : i32
    %dma_start3A_456 = arith.constant 0 : i32
    %dma_start3A_457 = tpu.memref_slice %arg10[%dma_start3A_455, %dma_start3A_456] : memref<640x64xf32, #tpu.memory_space<vmem>> -> memref<128x64xf32, #tpu.memory_space<vmem>>
    %dma_start3A_458 = arith.constant 384 : i32
    %dma_start3A_459 = tpu.memref_slice %arg7[%dma_start3A_458] : memref<640xi32, #tpu.memory_space<vmem>> -> memref<128xi32, #tpu.memory_space<vmem>>
    %dma_start3A_460 = arith.constant 0 : i32
    %dma_start3A_461 = arith.constant 0 : i32
    %dma_start3A_462 = tpu.memref_slice %arg2[%dma_start3A_460, %dma_start3A_461] : memref<100000x64xf32, #tpu.memory_space<hbm>> -> memref<100000x64xf32, #tpu.memory_space<hbm>>
    tpu.enqueue_indirect_dma source(%dma_start3A_462 : memref<100000x64xf32, #tpu.memory_space<hbm>>) target(%dma_start3A_457 : memref<128x64xf32, #tpu.memory_space<vmem>>) offsets(%dma_start3A_459 : memref<128xi32, #tpu.memory_space<vmem>>) semaphore(%arg13 : memref<!tpu.dma_semaphore, #tpu.memory_space<semaphore_mem>>)
    %dma_start3A_463 = arith.constant 512 : i32
    %dma_start3A_464 = arith.constant 0 : i32
    %dma_start3A_465 = tpu.memref_slice %arg10[%dma_start3A_463, %dma_start3A_464] : memref<640x64xf32, #tpu.memory_space<vmem>> -> memref<128x64xf32, #tpu.memory_space<vmem>>
    %dma_start3A_466 = arith.constant 512 : i32
    %dma_start3A_467 = tpu.memref_slice %arg7[%dma_start3A_466] : memref<640xi32, #tpu.memory_space<vmem>> -> memref<128xi32, #tpu.memory_space<vmem>>
    %dma_start3A_468 = arith.constant 0 : i32
    %dma_start3A_469 = arith.constant 0 : i32
    %dma_start3A_470 = tpu.memref_slice %arg2[%dma_start3A_468, %dma_start3A_469] : memref<100000x64xf32, #tpu.memory_space<hbm>> -> memref<100000x64xf32, #tpu.memory_space<hbm>>
    tpu.enqueue_indirect_dma source(%dma_start3A_470 : memref<100000x64xf32, #tpu.memory_space<hbm>>) target(%dma_start3A_465 : memref<128x64xf32, #tpu.memory_space<vmem>>) offsets(%dma_start3A_467 : memref<128xi32, #tpu.memory_space<vmem>>) semaphore(%arg13 : memref<!tpu.dma_semaphore, #tpu.memory_space<semaphore_mem>>)
    %dma_wait3A_471 = arith.constant 0 : i32
    %dma_wait3A_472 = arith.constant 0 : i32
    %dma_wait3A_473 = tpu.memref_slice %arg9[%dma_wait3A_471, %dma_wait3A_472] : memref<640x64xf32, #tpu.memory_space<vmem>> -> memref<128x64xf32, #tpu.memory_space<vmem>>
    %dma_wait3A_474 = arith.constant 0 : i32
    %dma_wait3A_475 = tpu.memref_slice %arg6[%dma_wait3A_474] : memref<640xi32, #tpu.memory_space<vmem>> -> memref<128xi32, #tpu.memory_space<vmem>>
    %dma_wait3A_476 = arith.constant 0 : i32
    %dma_wait3A_477 = arith.constant 0 : i32
    %dma_wait3A_478 = tpu.memref_slice %arg2[%dma_wait3A_476, %dma_wait3A_477] : memref<100000x64xf32, #tpu.memory_space<hbm>> -> memref<100000x64xf32, #tpu.memory_space<hbm>>
    tpu.wait_indirect_dma semaphore(%arg12 : memref<!tpu.dma_semaphore, #tpu.memory_space<semaphore_mem>>) src(%dma_wait3A_478 : memref<100000x64xf32, #tpu.memory_space<hbm>>) dst(%dma_wait3A_473 : memref<128x64xf32, #tpu.memory_space<vmem>>)
    %dma_wait3A_479 = arith.constant 128 : i32
    %dma_wait3A_480 = arith.constant 0 : i32
    %dma_wait3A_481 = tpu.memref_slice %arg9[%dma_wait3A_479, %dma_wait3A_480] : memref<640x64xf32, #tpu.memory_space<vmem>> -> memref<128x64xf32, #tpu.memory_space<vmem>>
    %dma_wait3A_482 = arith.constant 128 : i32
    %dma_wait3A_483 = tpu.memref_slice %arg6[%dma_wait3A_482] : memref<640xi32, #tpu.memory_space<vmem>> -> memref<128xi32, #tpu.memory_space<vmem>>
    %dma_wait3A_484 = arith.constant 0 : i32
    %dma_wait3A_485 = arith.constant 0 : i32
    %dma_wait3A_486 = tpu.memref_slice %arg2[%dma_wait3A_484, %dma_wait3A_485] : memref<100000x64xf32, #tpu.memory_space<hbm>> -> memref<100000x64xf32, #tpu.memory_space<hbm>>
    tpu.wait_indirect_dma semaphore(%arg12 : memref<!tpu.dma_semaphore, #tpu.memory_space<semaphore_mem>>) src(%dma_wait3A_486 : memref<100000x64xf32, #tpu.memory_space<hbm>>) dst(%dma_wait3A_481 : memref<128x64xf32, #tpu.memory_space<vmem>>)
    %dma_wait3A_487 = arith.constant 256 : i32
    %dma_wait3A_488 = arith.constant 0 : i32
    %dma_wait3A_489 = tpu.memref_slice %arg9[%dma_wait3A_487, %dma_wait3A_488] : memref<640x64xf32, #tpu.memory_space<vmem>> -> memref<128x64xf32, #tpu.memory_space<vmem>>
    %dma_wait3A_490 = arith.constant 256 : i32
    %dma_wait3A_491 = tpu.memref_slice %arg6[%dma_wait3A_490] : memref<640xi32, #tpu.memory_space<vmem>> -> memref<128xi32, #tpu.memory_space<vmem>>
    %dma_wait3A_492 = arith.constant 0 : i32
    %dma_wait3A_493 = arith.constant 0 : i32
    %dma_wait3A_494 = tpu.memref_slice %arg2[%dma_wait3A_492, %dma_wait3A_493] : memref<100000x64xf32, #tpu.memory_space<hbm>> -> memref<100000x64xf32, #tpu.memory_space<hbm>>
    tpu.wait_indirect_dma semaphore(%arg12 : memref<!tpu.dma_semaphore, #tpu.memory_space<semaphore_mem>>) src(%dma_wait3A_494 : memref<100000x64xf32, #tpu.memory_space<hbm>>) dst(%dma_wait3A_489 : memref<128x64xf32, #tpu.memory_space<vmem>>)
    %dma_wait3A_495 = arith.constant 384 : i32
    %dma_wait3A_496 = arith.constant 0 : i32
    %dma_wait3A_497 = tpu.memref_slice %arg9[%dma_wait3A_495, %dma_wait3A_496] : memref<640x64xf32, #tpu.memory_space<vmem>> -> memref<128x64xf32, #tpu.memory_space<vmem>>
    %dma_wait3A_498 = arith.constant 384 : i32
    %dma_wait3A_499 = tpu.memref_slice %arg6[%dma_wait3A_498] : memref<640xi32, #tpu.memory_space<vmem>> -> memref<128xi32, #tpu.memory_space<vmem>>
    %dma_wait3A_500 = arith.constant 0 : i32
    %dma_wait3A_501 = arith.constant 0 : i32
    %dma_wait3A_502 = tpu.memref_slice %arg2[%dma_wait3A_500, %dma_wait3A_501] : memref<100000x64xf32, #tpu.memory_space<hbm>> -> memref<100000x64xf32, #tpu.memory_space<hbm>>
    tpu.wait_indirect_dma semaphore(%arg12 : memref<!tpu.dma_semaphore, #tpu.memory_space<semaphore_mem>>) src(%dma_wait3A_502 : memref<100000x64xf32, #tpu.memory_space<hbm>>) dst(%dma_wait3A_497 : memref<128x64xf32, #tpu.memory_space<vmem>>)
    %dma_wait3A_503 = arith.constant 512 : i32
    %dma_wait3A_504 = arith.constant 0 : i32
    %dma_wait3A_505 = tpu.memref_slice %arg9[%dma_wait3A_503, %dma_wait3A_504] : memref<640x64xf32, #tpu.memory_space<vmem>> -> memref<128x64xf32, #tpu.memory_space<vmem>>
    %dma_wait3A_506 = arith.constant 512 : i32
    %dma_wait3A_507 = tpu.memref_slice %arg6[%dma_wait3A_506] : memref<640xi32, #tpu.memory_space<vmem>> -> memref<128xi32, #tpu.memory_space<vmem>>
    %dma_wait3A_508 = arith.constant 0 : i32
    %dma_wait3A_509 = arith.constant 0 : i32
    %dma_wait3A_510 = tpu.memref_slice %arg2[%dma_wait3A_508, %dma_wait3A_509] : memref<100000x64xf32, #tpu.memory_space<hbm>> -> memref<100000x64xf32, #tpu.memory_space<hbm>>
    tpu.wait_indirect_dma semaphore(%arg12 : memref<!tpu.dma_semaphore, #tpu.memory_space<semaphore_mem>>) src(%dma_wait3A_510 : memref<100000x64xf32, #tpu.memory_space<hbm>>) dst(%dma_wait3A_505 : memref<128x64xf32, #tpu.memory_space<vmem>>)
    %add3A_511 = arith.constant 2560 : i32
    %add3A_512 = arith.addi %mul3A_2, %add3A_511 : i32
    %dma_start3A_513 = arith.constant 0 : i32
    %dma_start3A_514 = tpu.memref_slice %arg4[%add3A_512, %dma_start3A_513] : memref<307200x64xf32, #tpu.memory_space<hbm>> -> memref<640x64xf32, #tpu.memory_space<hbm>>
    %dma_start3A_515 = arith.constant 0 : i32
    %dma_start3A_516 = tpu.memref_slice %arg4[%add3A_512, %dma_start3A_515] : memref<307200x64xf32, #tpu.memory_space<hbm>> -> memref<640x64xf32, #tpu.memory_space<hbm>>
    tpu.enqueue_dma source(%arg9 : memref<640x64xf32, #tpu.memory_space<vmem>>) target(%dma_start3A_516 : memref<640x64xf32, #tpu.memory_space<hbm>>) target_semaphore(%arg15 : memref<!tpu.dma_semaphore, #tpu.memory_space<semaphore_mem>>)
    %dma_wait3A_517 = arith.constant 0 : i32
    %dma_wait3A_518 = tpu.memref_slice %arg4[%add3A_416, %dma_wait3A_517] : memref<307200x64xf32, #tpu.memory_space<hbm>> -> memref<640x64xf32, #tpu.memory_space<hbm>>
    %dma_wait3A_519 = arith.constant 0 : i32
    %dma_wait3A_520 = tpu.memref_slice %arg4[%add3A_416, %dma_wait3A_519] : memref<307200x64xf32, #tpu.memory_space<hbm>> -> memref<640x64xf32, #tpu.memory_space<hbm>>
    tpu.wait_dma2 semaphore(%arg14 : memref<!tpu.dma_semaphore, #tpu.memory_space<semaphore_mem>>) src(%arg8 : memref<640x64xf32, #tpu.memory_space<vmem>>) dst(%dma_wait3A_520 : memref<640x64xf32, #tpu.memory_space<hbm>>)
    %dma_wait3A_521 = tpu.memref_slice %arg3[%add3A_428] : memref<307200xi32, #tpu.memory_space<hbm>> -> memref<640xi32, #tpu.memory_space<hbm>>
    %dma_wait3A_522 = tpu.memref_slice %arg3[%add3A_428] : memref<307200xi32, #tpu.memory_space<hbm>> -> memref<640xi32, #tpu.memory_space<hbm>>
    tpu.wait_dma2 semaphore(%arg17 : memref<!tpu.dma_semaphore, #tpu.memory_space<semaphore_mem>>) src(%dma_wait3A_522 : memref<640xi32, #tpu.memory_space<hbm>>) dst(%arg5 : memref<640xi32, #tpu.memory_space<vmem>>)
    %add3A_523 = arith.constant 4480 : i32
    %add3A_524 = arith.addi %mul3A_2, %add3A_523 : i32
    %dma_start3A_525 = tpu.memref_slice %arg3[%add3A_524] : memref<307200xi32, #tpu.memory_space<hbm>> -> memref<640xi32, #tpu.memory_space<hbm>>
    %dma_start3A_526 = tpu.memref_slice %arg3[%add3A_524] : memref<307200xi32, #tpu.memory_space<hbm>> -> memref<640xi32, #tpu.memory_space<hbm>>
    tpu.enqueue_dma source(%dma_start3A_526 : memref<640xi32, #tpu.memory_space<hbm>>) target(%arg6 : memref<640xi32, #tpu.memory_space<vmem>>) target_semaphore(%arg18 : memref<!tpu.dma_semaphore, #tpu.memory_space<semaphore_mem>>)
    %dma_start3A_527 = arith.constant 0 : i32
    %dma_start3A_528 = arith.constant 0 : i32
    %dma_start3A_529 = tpu.memref_slice %arg8[%dma_start3A_527, %dma_start3A_528] : memref<640x64xf32, #tpu.memory_space<vmem>> -> memref<128x64xf32, #tpu.memory_space<vmem>>
    %dma_start3A_530 = arith.constant 0 : i32
    %dma_start3A_531 = tpu.memref_slice %arg5[%dma_start3A_530] : memref<640xi32, #tpu.memory_space<vmem>> -> memref<128xi32, #tpu.memory_space<vmem>>
    %dma_start3A_532 = arith.constant 0 : i32
    %dma_start3A_533 = arith.constant 0 : i32
    %dma_start3A_534 = tpu.memref_slice %arg2[%dma_start3A_532, %dma_start3A_533] : memref<100000x64xf32, #tpu.memory_space<hbm>> -> memref<100000x64xf32, #tpu.memory_space<hbm>>
    tpu.enqueue_indirect_dma source(%dma_start3A_534 : memref<100000x64xf32, #tpu.memory_space<hbm>>) target(%dma_start3A_529 : memref<128x64xf32, #tpu.memory_space<vmem>>) offsets(%dma_start3A_531 : memref<128xi32, #tpu.memory_space<vmem>>) semaphore(%arg11 : memref<!tpu.dma_semaphore, #tpu.memory_space<semaphore_mem>>)
    %dma_start3A_535 = arith.constant 128 : i32
    %dma_start3A_536 = arith.constant 0 : i32
    %dma_start3A_537 = tpu.memref_slice %arg8[%dma_start3A_535, %dma_start3A_536] : memref<640x64xf32, #tpu.memory_space<vmem>> -> memref<128x64xf32, #tpu.memory_space<vmem>>
    %dma_start3A_538 = arith.constant 128 : i32
    %dma_start3A_539 = tpu.memref_slice %arg5[%dma_start3A_538] : memref<640xi32, #tpu.memory_space<vmem>> -> memref<128xi32, #tpu.memory_space<vmem>>
    %dma_start3A_540 = arith.constant 0 : i32
    %dma_start3A_541 = arith.constant 0 : i32
    %dma_start3A_542 = tpu.memref_slice %arg2[%dma_start3A_540, %dma_start3A_541] : memref<100000x64xf32, #tpu.memory_space<hbm>> -> memref<100000x64xf32, #tpu.memory_space<hbm>>
    tpu.enqueue_indirect_dma source(%dma_start3A_542 : memref<100000x64xf32, #tpu.memory_space<hbm>>) target(%dma_start3A_537 : memref<128x64xf32, #tpu.memory_space<vmem>>) offsets(%dma_start3A_539 : memref<128xi32, #tpu.memory_space<vmem>>) semaphore(%arg11 : memref<!tpu.dma_semaphore, #tpu.memory_space<semaphore_mem>>)
    %dma_start3A_543 = arith.constant 256 : i32
    %dma_start3A_544 = arith.constant 0 : i32
    %dma_start3A_545 = tpu.memref_slice %arg8[%dma_start3A_543, %dma_start3A_544] : memref<640x64xf32, #tpu.memory_space<vmem>> -> memref<128x64xf32, #tpu.memory_space<vmem>>
    %dma_start3A_546 = arith.constant 256 : i32
    %dma_start3A_547 = tpu.memref_slice %arg5[%dma_start3A_546] : memref<640xi32, #tpu.memory_space<vmem>> -> memref<128xi32, #tpu.memory_space<vmem>>
    %dma_start3A_548 = arith.constant 0 : i32
    %dma_start3A_549 = arith.constant 0 : i32
    %dma_start3A_550 = tpu.memref_slice %arg2[%dma_start3A_548, %dma_start3A_549] : memref<100000x64xf32, #tpu.memory_space<hbm>> -> memref<100000x64xf32, #tpu.memory_space<hbm>>
    tpu.enqueue_indirect_dma source(%dma_start3A_550 : memref<100000x64xf32, #tpu.memory_space<hbm>>) target(%dma_start3A_545 : memref<128x64xf32, #tpu.memory_space<vmem>>) offsets(%dma_start3A_547 : memref<128xi32, #tpu.memory_space<vmem>>) semaphore(%arg11 : memref<!tpu.dma_semaphore, #tpu.memory_space<semaphore_mem>>)
    %dma_start3A_551 = arith.constant 384 : i32
    %dma_start3A_552 = arith.constant 0 : i32
    %dma_start3A_553 = tpu.memref_slice %arg8[%dma_start3A_551, %dma_start3A_552] : memref<640x64xf32, #tpu.memory_space<vmem>> -> memref<128x64xf32, #tpu.memory_space<vmem>>
    %dma_start3A_554 = arith.constant 384 : i32
    %dma_start3A_555 = tpu.memref_slice %arg5[%dma_start3A_554] : memref<640xi32, #tpu.memory_space<vmem>> -> memref<128xi32, #tpu.memory_space<vmem>>
    %dma_start3A_556 = arith.constant 0 : i32
    %dma_start3A_557 = arith.constant 0 : i32
    %dma_start3A_558 = tpu.memref_slice %arg2[%dma_start3A_556, %dma_start3A_557] : memref<100000x64xf32, #tpu.memory_space<hbm>> -> memref<100000x64xf32, #tpu.memory_space<hbm>>
    tpu.enqueue_indirect_dma source(%dma_start3A_558 : memref<100000x64xf32, #tpu.memory_space<hbm>>) target(%dma_start3A_553 : memref<128x64xf32, #tpu.memory_space<vmem>>) offsets(%dma_start3A_555 : memref<128xi32, #tpu.memory_space<vmem>>) semaphore(%arg11 : memref<!tpu.dma_semaphore, #tpu.memory_space<semaphore_mem>>)
    %dma_start3A_559 = arith.constant 512 : i32
    %dma_start3A_560 = arith.constant 0 : i32
    %dma_start3A_561 = tpu.memref_slice %arg8[%dma_start3A_559, %dma_start3A_560] : memref<640x64xf32, #tpu.memory_space<vmem>> -> memref<128x64xf32, #tpu.memory_space<vmem>>
    %dma_start3A_562 = arith.constant 512 : i32
    %dma_start3A_563 = tpu.memref_slice %arg5[%dma_start3A_562] : memref<640xi32, #tpu.memory_space<vmem>> -> memref<128xi32, #tpu.memory_space<vmem>>
    %dma_start3A_564 = arith.constant 0 : i32
    %dma_start3A_565 = arith.constant 0 : i32
    %dma_start3A_566 = tpu.memref_slice %arg2[%dma_start3A_564, %dma_start3A_565] : memref<100000x64xf32, #tpu.memory_space<hbm>> -> memref<100000x64xf32, #tpu.memory_space<hbm>>
    tpu.enqueue_indirect_dma source(%dma_start3A_566 : memref<100000x64xf32, #tpu.memory_space<hbm>>) target(%dma_start3A_561 : memref<128x64xf32, #tpu.memory_space<vmem>>) offsets(%dma_start3A_563 : memref<128xi32, #tpu.memory_space<vmem>>) semaphore(%arg11 : memref<!tpu.dma_semaphore, #tpu.memory_space<semaphore_mem>>)
    %dma_wait3A_567 = arith.constant 0 : i32
    %dma_wait3A_568 = arith.constant 0 : i32
    %dma_wait3A_569 = tpu.memref_slice %arg10[%dma_wait3A_567, %dma_wait3A_568] : memref<640x64xf32, #tpu.memory_space<vmem>> -> memref<128x64xf32, #tpu.memory_space<vmem>>
    %dma_wait3A_570 = arith.constant 0 : i32
    %dma_wait3A_571 = tpu.memref_slice %arg7[%dma_wait3A_570] : memref<640xi32, #tpu.memory_space<vmem>> -> memref<128xi32, #tpu.memory_space<vmem>>
    %dma_wait3A_572 = arith.constant 0 : i32
    %dma_wait3A_573 = arith.constant 0 : i32
    %dma_wait3A_574 = tpu.memref_slice %arg2[%dma_wait3A_572, %dma_wait3A_573] : memref<100000x64xf32, #tpu.memory_space<hbm>> -> memref<100000x64xf32, #tpu.memory_space<hbm>>
    tpu.wait_indirect_dma semaphore(%arg13 : memref<!tpu.dma_semaphore, #tpu.memory_space<semaphore_mem>>) src(%dma_wait3A_574 : memref<100000x64xf32, #tpu.memory_space<hbm>>) dst(%dma_wait3A_569 : memref<128x64xf32, #tpu.memory_space<vmem>>)
    %dma_wait3A_575 = arith.constant 128 : i32
    %dma_wait3A_576 = arith.constant 0 : i32
    %dma_wait3A_577 = tpu.memref_slice %arg10[%dma_wait3A_575, %dma_wait3A_576] : memref<640x64xf32, #tpu.memory_space<vmem>> -> memref<128x64xf32, #tpu.memory_space<vmem>>
    %dma_wait3A_578 = arith.constant 128 : i32
    %dma_wait3A_579 = tpu.memref_slice %arg7[%dma_wait3A_578] : memref<640xi32, #tpu.memory_space<vmem>> -> memref<128xi32, #tpu.memory_space<vmem>>
    %dma_wait3A_580 = arith.constant 0 : i32
    %dma_wait3A_581 = arith.constant 0 : i32
    %dma_wait3A_582 = tpu.memref_slice %arg2[%dma_wait3A_580, %dma_wait3A_581] : memref<100000x64xf32, #tpu.memory_space<hbm>> -> memref<100000x64xf32, #tpu.memory_space<hbm>>
    tpu.wait_indirect_dma semaphore(%arg13 : memref<!tpu.dma_semaphore, #tpu.memory_space<semaphore_mem>>) src(%dma_wait3A_582 : memref<100000x64xf32, #tpu.memory_space<hbm>>) dst(%dma_wait3A_577 : memref<128x64xf32, #tpu.memory_space<vmem>>)
    %dma_wait3A_583 = arith.constant 256 : i32
    %dma_wait3A_584 = arith.constant 0 : i32
    %dma_wait3A_585 = tpu.memref_slice %arg10[%dma_wait3A_583, %dma_wait3A_584] : memref<640x64xf32, #tpu.memory_space<vmem>> -> memref<128x64xf32, #tpu.memory_space<vmem>>
    %dma_wait3A_586 = arith.constant 256 : i32
    %dma_wait3A_587 = tpu.memref_slice %arg7[%dma_wait3A_586] : memref<640xi32, #tpu.memory_space<vmem>> -> memref<128xi32, #tpu.memory_space<vmem>>
    %dma_wait3A_588 = arith.constant 0 : i32
    %dma_wait3A_589 = arith.constant 0 : i32
    %dma_wait3A_590 = tpu.memref_slice %arg2[%dma_wait3A_588, %dma_wait3A_589] : memref<100000x64xf32, #tpu.memory_space<hbm>> -> memref<100000x64xf32, #tpu.memory_space<hbm>>
    tpu.wait_indirect_dma semaphore(%arg13 : memref<!tpu.dma_semaphore, #tpu.memory_space<semaphore_mem>>) src(%dma_wait3A_590 : memref<100000x64xf32, #tpu.memory_space<hbm>>) dst(%dma_wait3A_585 : memref<128x64xf32, #tpu.memory_space<vmem>>)
    %dma_wait3A_591 = arith.constant 384 : i32
    %dma_wait3A_592 = arith.constant 0 : i32
    %dma_wait3A_593 = tpu.memref_slice %arg10[%dma_wait3A_591, %dma_wait3A_592] : memref<640x64xf32, #tpu.memory_space<vmem>> -> memref<128x64xf32, #tpu.memory_space<vmem>>
    %dma_wait3A_594 = arith.constant 384 : i32
    %dma_wait3A_595 = tpu.memref_slice %arg7[%dma_wait3A_594] : memref<640xi32, #tpu.memory_space<vmem>> -> memref<128xi32, #tpu.memory_space<vmem>>
    %dma_wait3A_596 = arith.constant 0 : i32
    %dma_wait3A_597 = arith.constant 0 : i32
    %dma_wait3A_598 = tpu.memref_slice %arg2[%dma_wait3A_596, %dma_wait3A_597] : memref<100000x64xf32, #tpu.memory_space<hbm>> -> memref<100000x64xf32, #tpu.memory_space<hbm>>
    tpu.wait_indirect_dma semaphore(%arg13 : memref<!tpu.dma_semaphore, #tpu.memory_space<semaphore_mem>>) src(%dma_wait3A_598 : memref<100000x64xf32, #tpu.memory_space<hbm>>) dst(%dma_wait3A_593 : memref<128x64xf32, #tpu.memory_space<vmem>>)
    %dma_wait3A_599 = arith.constant 512 : i32
    %dma_wait3A_600 = arith.constant 0 : i32
    %dma_wait3A_601 = tpu.memref_slice %arg10[%dma_wait3A_599, %dma_wait3A_600] : memref<640x64xf32, #tpu.memory_space<vmem>> -> memref<128x64xf32, #tpu.memory_space<vmem>>
    %dma_wait3A_602 = arith.constant 512 : i32
    %dma_wait3A_603 = tpu.memref_slice %arg7[%dma_wait3A_602] : memref<640xi32, #tpu.memory_space<vmem>> -> memref<128xi32, #tpu.memory_space<vmem>>
    %dma_wait3A_604 = arith.constant 0 : i32
    %dma_wait3A_605 = arith.constant 0 : i32
    %dma_wait3A_606 = tpu.memref_slice %arg2[%dma_wait3A_604, %dma_wait3A_605] : memref<100000x64xf32, #tpu.memory_space<hbm>> -> memref<100000x64xf32, #tpu.memory_space<hbm>>
    tpu.wait_indirect_dma semaphore(%arg13 : memref<!tpu.dma_semaphore, #tpu.memory_space<semaphore_mem>>) src(%dma_wait3A_606 : memref<100000x64xf32, #tpu.memory_space<hbm>>) dst(%dma_wait3A_601 : memref<128x64xf32, #tpu.memory_space<vmem>>)
    %add3A_607 = arith.constant 3200 : i32
    %add3A_608 = arith.addi %mul3A_2, %add3A_607 : i32
    %dma_start3A_609 = arith.constant 0 : i32
    %dma_start3A_610 = tpu.memref_slice %arg4[%add3A_608, %dma_start3A_609] : memref<307200x64xf32, #tpu.memory_space<hbm>> -> memref<640x64xf32, #tpu.memory_space<hbm>>
    %dma_start3A_611 = arith.constant 0 : i32
    %dma_start3A_612 = tpu.memref_slice %arg4[%add3A_608, %dma_start3A_611] : memref<307200x64xf32, #tpu.memory_space<hbm>> -> memref<640x64xf32, #tpu.memory_space<hbm>>
    tpu.enqueue_dma source(%arg10 : memref<640x64xf32, #tpu.memory_space<vmem>>) target(%dma_start3A_612 : memref<640x64xf32, #tpu.memory_space<hbm>>) target_semaphore(%arg16 : memref<!tpu.dma_semaphore, #tpu.memory_space<semaphore_mem>>)
    %dma_wait3A_613 = arith.constant 0 : i32
    %dma_wait3A_614 = tpu.memref_slice %arg4[%add3A_512, %dma_wait3A_613] : memref<307200x64xf32, #tpu.memory_space<hbm>> -> memref<640x64xf32, #tpu.memory_space<hbm>>
    %dma_wait3A_615 = arith.constant 0 : i32
    %dma_wait3A_616 = tpu.memref_slice %arg4[%add3A_512, %dma_wait3A_615] : memref<307200x64xf32, #tpu.memory_space<hbm>> -> memref<640x64xf32, #tpu.memory_space<hbm>>
    tpu.wait_dma2 semaphore(%arg15 : memref<!tpu.dma_semaphore, #tpu.memory_space<semaphore_mem>>) src(%arg9 : memref<640x64xf32, #tpu.memory_space<vmem>>) dst(%dma_wait3A_616 : memref<640x64xf32, #tpu.memory_space<hbm>>)
    %dma_wait3A_617 = tpu.memref_slice %arg3[%add3A_524] : memref<307200xi32, #tpu.memory_space<hbm>> -> memref<640xi32, #tpu.memory_space<hbm>>
    %dma_wait3A_618 = tpu.memref_slice %arg3[%add3A_524] : memref<307200xi32, #tpu.memory_space<hbm>> -> memref<640xi32, #tpu.memory_space<hbm>>
    tpu.wait_dma2 semaphore(%arg18 : memref<!tpu.dma_semaphore, #tpu.memory_space<semaphore_mem>>) src(%dma_wait3A_618 : memref<640xi32, #tpu.memory_space<hbm>>) dst(%arg6 : memref<640xi32, #tpu.memory_space<vmem>>)
    %add3A_619 = arith.constant 5120 : i32
    %add3A_620 = arith.addi %mul3A_2, %add3A_619 : i32
    %dma_start3A_621 = tpu.memref_slice %arg3[%add3A_620] : memref<307200xi32, #tpu.memory_space<hbm>> -> memref<640xi32, #tpu.memory_space<hbm>>
    %dma_start3A_622 = tpu.memref_slice %arg3[%add3A_620] : memref<307200xi32, #tpu.memory_space<hbm>> -> memref<640xi32, #tpu.memory_space<hbm>>
    tpu.enqueue_dma source(%dma_start3A_622 : memref<640xi32, #tpu.memory_space<hbm>>) target(%arg7 : memref<640xi32, #tpu.memory_space<vmem>>) target_semaphore(%arg19 : memref<!tpu.dma_semaphore, #tpu.memory_space<semaphore_mem>>)
    %dma_start3A_623 = arith.constant 0 : i32
    %dma_start3A_624 = arith.constant 0 : i32
    %dma_start3A_625 = tpu.memref_slice %arg9[%dma_start3A_623, %dma_start3A_624] : memref<640x64xf32, #tpu.memory_space<vmem>> -> memref<128x64xf32, #tpu.memory_space<vmem>>
    %dma_start3A_626 = arith.constant 0 : i32
    %dma_start3A_627 = tpu.memref_slice %arg6[%dma_start3A_626] : memref<640xi32, #tpu.memory_space<vmem>> -> memref<128xi32, #tpu.memory_space<vmem>>
    %dma_start3A_628 = arith.constant 0 : i32
    %dma_start3A_629 = arith.constant 0 : i32
    %dma_start3A_630 = tpu.memref_slice %arg2[%dma_start3A_628, %dma_start3A_629] : memref<100000x64xf32, #tpu.memory_space<hbm>> -> memref<100000x64xf32, #tpu.memory_space<hbm>>
    tpu.enqueue_indirect_dma source(%dma_start3A_630 : memref<100000x64xf32, #tpu.memory_space<hbm>>) target(%dma_start3A_625 : memref<128x64xf32, #tpu.memory_space<vmem>>) offsets(%dma_start3A_627 : memref<128xi32, #tpu.memory_space<vmem>>) semaphore(%arg12 : memref<!tpu.dma_semaphore, #tpu.memory_space<semaphore_mem>>)
    %dma_start3A_631 = arith.constant 128 : i32
    %dma_start3A_632 = arith.constant 0 : i32
    %dma_start3A_633 = tpu.memref_slice %arg9[%dma_start3A_631, %dma_start3A_632] : memref<640x64xf32, #tpu.memory_space<vmem>> -> memref<128x64xf32, #tpu.memory_space<vmem>>
    %dma_start3A_634 = arith.constant 128 : i32
    %dma_start3A_635 = tpu.memref_slice %arg6[%dma_start3A_634] : memref<640xi32, #tpu.memory_space<vmem>> -> memref<128xi32, #tpu.memory_space<vmem>>
    %dma_start3A_636 = arith.constant 0 : i32
    %dma_start3A_637 = arith.constant 0 : i32
    %dma_start3A_638 = tpu.memref_slice %arg2[%dma_start3A_636, %dma_start3A_637] : memref<100000x64xf32, #tpu.memory_space<hbm>> -> memref<100000x64xf32, #tpu.memory_space<hbm>>
    tpu.enqueue_indirect_dma source(%dma_start3A_638 : memref<100000x64xf32, #tpu.memory_space<hbm>>) target(%dma_start3A_633 : memref<128x64xf32, #tpu.memory_space<vmem>>) offsets(%dma_start3A_635 : memref<128xi32, #tpu.memory_space<vmem>>) semaphore(%arg12 : memref<!tpu.dma_semaphore, #tpu.memory_space<semaphore_mem>>)
    %dma_start3A_639 = arith.constant 256 : i32
    %dma_start3A_640 = arith.constant 0 : i32
    %dma_start3A_641 = tpu.memref_slice %arg9[%dma_start3A_639, %dma_start3A_640] : memref<640x64xf32, #tpu.memory_space<vmem>> -> memref<128x64xf32, #tpu.memory_space<vmem>>
    %dma_start3A_642 = arith.constant 256 : i32
    %dma_start3A_643 = tpu.memref_slice %arg6[%dma_start3A_642] : memref<640xi32, #tpu.memory_space<vmem>> -> memref<128xi32, #tpu.memory_space<vmem>>
    %dma_start3A_644 = arith.constant 0 : i32
    %dma_start3A_645 = arith.constant 0 : i32
    %dma_start3A_646 = tpu.memref_slice %arg2[%dma_start3A_644, %dma_start3A_645] : memref<100000x64xf32, #tpu.memory_space<hbm>> -> memref<100000x64xf32, #tpu.memory_space<hbm>>
    tpu.enqueue_indirect_dma source(%dma_start3A_646 : memref<100000x64xf32, #tpu.memory_space<hbm>>) target(%dma_start3A_641 : memref<128x64xf32, #tpu.memory_space<vmem>>) offsets(%dma_start3A_643 : memref<128xi32, #tpu.memory_space<vmem>>) semaphore(%arg12 : memref<!tpu.dma_semaphore, #tpu.memory_space<semaphore_mem>>)
    %dma_start3A_647 = arith.constant 384 : i32
    %dma_start3A_648 = arith.constant 0 : i32
    %dma_start3A_649 = tpu.memref_slice %arg9[%dma_start3A_647, %dma_start3A_648] : memref<640x64xf32, #tpu.memory_space<vmem>> -> memref<128x64xf32, #tpu.memory_space<vmem>>
    %dma_start3A_650 = arith.constant 384 : i32
    %dma_start3A_651 = tpu.memref_slice %arg6[%dma_start3A_650] : memref<640xi32, #tpu.memory_space<vmem>> -> memref<128xi32, #tpu.memory_space<vmem>>
    %dma_start3A_652 = arith.constant 0 : i32
    %dma_start3A_653 = arith.constant 0 : i32
    %dma_start3A_654 = tpu.memref_slice %arg2[%dma_start3A_652, %dma_start3A_653] : memref<100000x64xf32, #tpu.memory_space<hbm>> -> memref<100000x64xf32, #tpu.memory_space<hbm>>
    tpu.enqueue_indirect_dma source(%dma_start3A_654 : memref<100000x64xf32, #tpu.memory_space<hbm>>) target(%dma_start3A_649 : memref<128x64xf32, #tpu.memory_space<vmem>>) offsets(%dma_start3A_651 : memref<128xi32, #tpu.memory_space<vmem>>) semaphore(%arg12 : memref<!tpu.dma_semaphore, #tpu.memory_space<semaphore_mem>>)
    %dma_start3A_655 = arith.constant 512 : i32
    %dma_start3A_656 = arith.constant 0 : i32
    %dma_start3A_657 = tpu.memref_slice %arg9[%dma_start3A_655, %dma_start3A_656] : memref<640x64xf32, #tpu.memory_space<vmem>> -> memref<128x64xf32, #tpu.memory_space<vmem>>
    %dma_start3A_658 = arith.constant 512 : i32
    %dma_start3A_659 = tpu.memref_slice %arg6[%dma_start3A_658] : memref<640xi32, #tpu.memory_space<vmem>> -> memref<128xi32, #tpu.memory_space<vmem>>
    %dma_start3A_660 = arith.constant 0 : i32
    %dma_start3A_661 = arith.constant 0 : i32
    %dma_start3A_662 = tpu.memref_slice %arg2[%dma_start3A_660, %dma_start3A_661] : memref<100000x64xf32, #tpu.memory_space<hbm>> -> memref<100000x64xf32, #tpu.memory_space<hbm>>
    tpu.enqueue_indirect_dma source(%dma_start3A_662 : memref<100000x64xf32, #tpu.memory_space<hbm>>) target(%dma_start3A_657 : memref<128x64xf32, #tpu.memory_space<vmem>>) offsets(%dma_start3A_659 : memref<128xi32, #tpu.memory_space<vmem>>) semaphore(%arg12 : memref<!tpu.dma_semaphore, #tpu.memory_space<semaphore_mem>>)
    %dma_wait3A_663 = arith.constant 0 : i32
    %dma_wait3A_664 = arith.constant 0 : i32
    %dma_wait3A_665 = tpu.memref_slice %arg8[%dma_wait3A_663, %dma_wait3A_664] : memref<640x64xf32, #tpu.memory_space<vmem>> -> memref<128x64xf32, #tpu.memory_space<vmem>>
    %dma_wait3A_666 = arith.constant 0 : i32
    %dma_wait3A_667 = tpu.memref_slice %arg5[%dma_wait3A_666] : memref<640xi32, #tpu.memory_space<vmem>> -> memref<128xi32, #tpu.memory_space<vmem>>
    %dma_wait3A_668 = arith.constant 0 : i32
    %dma_wait3A_669 = arith.constant 0 : i32
    %dma_wait3A_670 = tpu.memref_slice %arg2[%dma_wait3A_668, %dma_wait3A_669] : memref<100000x64xf32, #tpu.memory_space<hbm>> -> memref<100000x64xf32, #tpu.memory_space<hbm>>
    tpu.wait_indirect_dma semaphore(%arg11 : memref<!tpu.dma_semaphore, #tpu.memory_space<semaphore_mem>>) src(%dma_wait3A_670 : memref<100000x64xf32, #tpu.memory_space<hbm>>) dst(%dma_wait3A_665 : memref<128x64xf32, #tpu.memory_space<vmem>>)
    %dma_wait3A_671 = arith.constant 128 : i32
    %dma_wait3A_672 = arith.constant 0 : i32
    %dma_wait3A_673 = tpu.memref_slice %arg8[%dma_wait3A_671, %dma_wait3A_672] : memref<640x64xf32, #tpu.memory_space<vmem>> -> memref<128x64xf32, #tpu.memory_space<vmem>>
    %dma_wait3A_674 = arith.constant 128 : i32
    %dma_wait3A_675 = tpu.memref_slice %arg5[%dma_wait3A_674] : memref<640xi32, #tpu.memory_space<vmem>> -> memref<128xi32, #tpu.memory_space<vmem>>
    %dma_wait3A_676 = arith.constant 0 : i32
    %dma_wait3A_677 = arith.constant 0 : i32
    %dma_wait3A_678 = tpu.memref_slice %arg2[%dma_wait3A_676, %dma_wait3A_677] : memref<100000x64xf32, #tpu.memory_space<hbm>> -> memref<100000x64xf32, #tpu.memory_space<hbm>>
    tpu.wait_indirect_dma semaphore(%arg11 : memref<!tpu.dma_semaphore, #tpu.memory_space<semaphore_mem>>) src(%dma_wait3A_678 : memref<100000x64xf32, #tpu.memory_space<hbm>>) dst(%dma_wait3A_673 : memref<128x64xf32, #tpu.memory_space<vmem>>)
    %dma_wait3A_679 = arith.constant 256 : i32
    %dma_wait3A_680 = arith.constant 0 : i32
    %dma_wait3A_681 = tpu.memref_slice %arg8[%dma_wait3A_679, %dma_wait3A_680] : memref<640x64xf32, #tpu.memory_space<vmem>> -> memref<128x64xf32, #tpu.memory_space<vmem>>
    %dma_wait3A_682 = arith.constant 256 : i32
    %dma_wait3A_683 = tpu.memref_slice %arg5[%dma_wait3A_682] : memref<640xi32, #tpu.memory_space<vmem>> -> memref<128xi32, #tpu.memory_space<vmem>>
    %dma_wait3A_684 = arith.constant 0 : i32
    %dma_wait3A_685 = arith.constant 0 : i32
    %dma_wait3A_686 = tpu.memref_slice %arg2[%dma_wait3A_684, %dma_wait3A_685] : memref<100000x64xf32, #tpu.memory_space<hbm>> -> memref<100000x64xf32, #tpu.memory_space<hbm>>
    tpu.wait_indirect_dma semaphore(%arg11 : memref<!tpu.dma_semaphore, #tpu.memory_space<semaphore_mem>>) src(%dma_wait3A_686 : memref<100000x64xf32, #tpu.memory_space<hbm>>) dst(%dma_wait3A_681 : memref<128x64xf32, #tpu.memory_space<vmem>>)
    %dma_wait3A_687 = arith.constant 384 : i32
    %dma_wait3A_688 = arith.constant 0 : i32
    %dma_wait3A_689 = tpu.memref_slice %arg8[%dma_wait3A_687, %dma_wait3A_688] : memref<640x64xf32, #tpu.memory_space<vmem>> -> memref<128x64xf32, #tpu.memory_space<vmem>>
    %dma_wait3A_690 = arith.constant 384 : i32
    %dma_wait3A_691 = tpu.memref_slice %arg5[%dma_wait3A_690] : memref<640xi32, #tpu.memory_space<vmem>> -> memref<128xi32, #tpu.memory_space<vmem>>
    %dma_wait3A_692 = arith.constant 0 : i32
    %dma_wait3A_693 = arith.constant 0 : i32
    %dma_wait3A_694 = tpu.memref_slice %arg2[%dma_wait3A_692, %dma_wait3A_693] : memref<100000x64xf32, #tpu.memory_space<hbm>> -> memref<100000x64xf32, #tpu.memory_space<hbm>>
    tpu.wait_indirect_dma semaphore(%arg11 : memref<!tpu.dma_semaphore, #tpu.memory_space<semaphore_mem>>) src(%dma_wait3A_694 : memref<100000x64xf32, #tpu.memory_space<hbm>>) dst(%dma_wait3A_689 : memref<128x64xf32, #tpu.memory_space<vmem>>)
    %dma_wait3A_695 = arith.constant 512 : i32
    %dma_wait3A_696 = arith.constant 0 : i32
    %dma_wait3A_697 = tpu.memref_slice %arg8[%dma_wait3A_695, %dma_wait3A_696] : memref<640x64xf32, #tpu.memory_space<vmem>> -> memref<128x64xf32, #tpu.memory_space<vmem>>
    %dma_wait3A_698 = arith.constant 512 : i32
    %dma_wait3A_699 = tpu.memref_slice %arg5[%dma_wait3A_698] : memref<640xi32, #tpu.memory_space<vmem>> -> memref<128xi32, #tpu.memory_space<vmem>>
    %dma_wait3A_700 = arith.constant 0 : i32
    %dma_wait3A_701 = arith.constant 0 : i32
    %dma_wait3A_702 = tpu.memref_slice %arg2[%dma_wait3A_700, %dma_wait3A_701] : memref<100000x64xf32, #tpu.memory_space<hbm>> -> memref<100000x64xf32, #tpu.memory_space<hbm>>
    tpu.wait_indirect_dma semaphore(%arg11 : memref<!tpu.dma_semaphore, #tpu.memory_space<semaphore_mem>>) src(%dma_wait3A_702 : memref<100000x64xf32, #tpu.memory_space<hbm>>) dst(%dma_wait3A_697 : memref<128x64xf32, #tpu.memory_space<vmem>>)
    %add3A_703 = arith.constant 3840 : i32
    %add3A_704 = arith.addi %mul3A_2, %add3A_703 : i32
    %dma_start3A_705 = arith.constant 0 : i32
    %dma_start3A_706 = tpu.memref_slice %arg4[%add3A_704, %dma_start3A_705] : memref<307200x64xf32, #tpu.memory_space<hbm>> -> memref<640x64xf32, #tpu.memory_space<hbm>>
    %dma_start3A_707 = arith.constant 0 : i32
    %dma_start3A_708 = tpu.memref_slice %arg4[%add3A_704, %dma_start3A_707] : memref<307200x64xf32, #tpu.memory_space<hbm>> -> memref<640x64xf32, #tpu.memory_space<hbm>>
    tpu.enqueue_dma source(%arg8 : memref<640x64xf32, #tpu.memory_space<vmem>>) target(%dma_start3A_708 : memref<640x64xf32, #tpu.memory_space<hbm>>) target_semaphore(%arg14 : memref<!tpu.dma_semaphore, #tpu.memory_space<semaphore_mem>>)
    %dma_wait3A_709 = arith.constant 0 : i32
    %dma_wait3A_710 = tpu.memref_slice %arg4[%add3A_608, %dma_wait3A_709] : memref<307200x64xf32, #tpu.memory_space<hbm>> -> memref<640x64xf32, #tpu.memory_space<hbm>>
    %dma_wait3A_711 = arith.constant 0 : i32
    %dma_wait3A_712 = tpu.memref_slice %arg4[%add3A_608, %dma_wait3A_711] : memref<307200x64xf32, #tpu.memory_space<hbm>> -> memref<640x64xf32, #tpu.memory_space<hbm>>
    tpu.wait_dma2 semaphore(%arg16 : memref<!tpu.dma_semaphore, #tpu.memory_space<semaphore_mem>>) src(%arg10 : memref<640x64xf32, #tpu.memory_space<vmem>>) dst(%dma_wait3A_712 : memref<640x64xf32, #tpu.memory_space<hbm>>)
    %dma_wait3A_713 = tpu.memref_slice %arg3[%add3A_620] : memref<307200xi32, #tpu.memory_space<hbm>> -> memref<640xi32, #tpu.memory_space<hbm>>
    %dma_wait3A_714 = tpu.memref_slice %arg3[%add3A_620] : memref<307200xi32, #tpu.memory_space<hbm>> -> memref<640xi32, #tpu.memory_space<hbm>>
    tpu.wait_dma2 semaphore(%arg19 : memref<!tpu.dma_semaphore, #tpu.memory_space<semaphore_mem>>) src(%dma_wait3A_714 : memref<640xi32, #tpu.memory_space<hbm>>) dst(%arg7 : memref<640xi32, #tpu.memory_space<vmem>>)
    %add3A_715 = arith.constant 5760 : i32
    %add3A_716 = arith.addi %mul3A_2, %add3A_715 : i32
    %dma_start3A_717 = tpu.memref_slice %arg3[%add3A_716] : memref<307200xi32, #tpu.memory_space<hbm>> -> memref<640xi32, #tpu.memory_space<hbm>>
    %dma_start3A_718 = tpu.memref_slice %arg3[%add3A_716] : memref<307200xi32, #tpu.memory_space<hbm>> -> memref<640xi32, #tpu.memory_space<hbm>>
    tpu.enqueue_dma source(%dma_start3A_718 : memref<640xi32, #tpu.memory_space<hbm>>) target(%arg5 : memref<640xi32, #tpu.memory_space<vmem>>) target_semaphore(%arg17 : memref<!tpu.dma_semaphore, #tpu.memory_space<semaphore_mem>>)
    %dma_start3A_719 = arith.constant 0 : i32
    %dma_start3A_720 = arith.constant 0 : i32
    %dma_start3A_721 = tpu.memref_slice %arg10[%dma_start3A_719, %dma_start3A_720] : memref<640x64xf32, #tpu.memory_space<vmem>> -> memref<128x64xf32, #tpu.memory_space<vmem>>
    %dma_start3A_722 = arith.constant 0 : i32
    %dma_start3A_723 = tpu.memref_slice %arg7[%dma_start3A_722] : memref<640xi32, #tpu.memory_space<vmem>> -> memref<128xi32, #tpu.memory_space<vmem>>
    %dma_start3A_724 = arith.constant 0 : i32
    %dma_start3A_725 = arith.constant 0 : i32
    %dma_start3A_726 = tpu.memref_slice %arg2[%dma_start3A_724, %dma_start3A_725] : memref<100000x64xf32, #tpu.memory_space<hbm>> -> memref<100000x64xf32, #tpu.memory_space<hbm>>
    tpu.enqueue_indirect_dma source(%dma_start3A_726 : memref<100000x64xf32, #tpu.memory_space<hbm>>) target(%dma_start3A_721 : memref<128x64xf32, #tpu.memory_space<vmem>>) offsets(%dma_start3A_723 : memref<128xi32, #tpu.memory_space<vmem>>) semaphore(%arg13 : memref<!tpu.dma_semaphore, #tpu.memory_space<semaphore_mem>>)
    %dma_start3A_727 = arith.constant 128 : i32
    %dma_start3A_728 = arith.constant 0 : i32
    %dma_start3A_729 = tpu.memref_slice %arg10[%dma_start3A_727, %dma_start3A_728] : memref<640x64xf32, #tpu.memory_space<vmem>> -> memref<128x64xf32, #tpu.memory_space<vmem>>
    %dma_start3A_730 = arith.constant 128 : i32
    %dma_start3A_731 = tpu.memref_slice %arg7[%dma_start3A_730] : memref<640xi32, #tpu.memory_space<vmem>> -> memref<128xi32, #tpu.memory_space<vmem>>
    %dma_start3A_732 = arith.constant 0 : i32
    %dma_start3A_733 = arith.constant 0 : i32
    %dma_start3A_734 = tpu.memref_slice %arg2[%dma_start3A_732, %dma_start3A_733] : memref<100000x64xf32, #tpu.memory_space<hbm>> -> memref<100000x64xf32, #tpu.memory_space<hbm>>
    tpu.enqueue_indirect_dma source(%dma_start3A_734 : memref<100000x64xf32, #tpu.memory_space<hbm>>) target(%dma_start3A_729 : memref<128x64xf32, #tpu.memory_space<vmem>>) offsets(%dma_start3A_731 : memref<128xi32, #tpu.memory_space<vmem>>) semaphore(%arg13 : memref<!tpu.dma_semaphore, #tpu.memory_space<semaphore_mem>>)
    %dma_start3A_735 = arith.constant 256 : i32
    %dma_start3A_736 = arith.constant 0 : i32
    %dma_start3A_737 = tpu.memref_slice %arg10[%dma_start3A_735, %dma_start3A_736] : memref<640x64xf32, #tpu.memory_space<vmem>> -> memref<128x64xf32, #tpu.memory_space<vmem>>
    %dma_start3A_738 = arith.constant 256 : i32
    %dma_start3A_739 = tpu.memref_slice %arg7[%dma_start3A_738] : memref<640xi32, #tpu.memory_space<vmem>> -> memref<128xi32, #tpu.memory_space<vmem>>
    %dma_start3A_740 = arith.constant 0 : i32
    %dma_start3A_741 = arith.constant 0 : i32
    %dma_start3A_742 = tpu.memref_slice %arg2[%dma_start3A_740, %dma_start3A_741] : memref<100000x64xf32, #tpu.memory_space<hbm>> -> memref<100000x64xf32, #tpu.memory_space<hbm>>
    tpu.enqueue_indirect_dma source(%dma_start3A_742 : memref<100000x64xf32, #tpu.memory_space<hbm>>) target(%dma_start3A_737 : memref<128x64xf32, #tpu.memory_space<vmem>>) offsets(%dma_start3A_739 : memref<128xi32, #tpu.memory_space<vmem>>) semaphore(%arg13 : memref<!tpu.dma_semaphore, #tpu.memory_space<semaphore_mem>>)
    %dma_start3A_743 = arith.constant 384 : i32
    %dma_start3A_744 = arith.constant 0 : i32
    %dma_start3A_745 = tpu.memref_slice %arg10[%dma_start3A_743, %dma_start3A_744] : memref<640x64xf32, #tpu.memory_space<vmem>> -> memref<128x64xf32, #tpu.memory_space<vmem>>
    %dma_start3A_746 = arith.constant 384 : i32
    %dma_start3A_747 = tpu.memref_slice %arg7[%dma_start3A_746] : memref<640xi32, #tpu.memory_space<vmem>> -> memref<128xi32, #tpu.memory_space<vmem>>
    %dma_start3A_748 = arith.constant 0 : i32
    %dma_start3A_749 = arith.constant 0 : i32
    %dma_start3A_750 = tpu.memref_slice %arg2[%dma_start3A_748, %dma_start3A_749] : memref<100000x64xf32, #tpu.memory_space<hbm>> -> memref<100000x64xf32, #tpu.memory_space<hbm>>
    tpu.enqueue_indirect_dma source(%dma_start3A_750 : memref<100000x64xf32, #tpu.memory_space<hbm>>) target(%dma_start3A_745 : memref<128x64xf32, #tpu.memory_space<vmem>>) offsets(%dma_start3A_747 : memref<128xi32, #tpu.memory_space<vmem>>) semaphore(%arg13 : memref<!tpu.dma_semaphore, #tpu.memory_space<semaphore_mem>>)
    %dma_start3A_751 = arith.constant 512 : i32
    %dma_start3A_752 = arith.constant 0 : i32
    %dma_start3A_753 = tpu.memref_slice %arg10[%dma_start3A_751, %dma_start3A_752] : memref<640x64xf32, #tpu.memory_space<vmem>> -> memref<128x64xf32, #tpu.memory_space<vmem>>
    %dma_start3A_754 = arith.constant 512 : i32
    %dma_start3A_755 = tpu.memref_slice %arg7[%dma_start3A_754] : memref<640xi32, #tpu.memory_space<vmem>> -> memref<128xi32, #tpu.memory_space<vmem>>
    %dma_start3A_756 = arith.constant 0 : i32
    %dma_start3A_757 = arith.constant 0 : i32
    %dma_start3A_758 = tpu.memref_slice %arg2[%dma_start3A_756, %dma_start3A_757] : memref<100000x64xf32, #tpu.memory_space<hbm>> -> memref<100000x64xf32, #tpu.memory_space<hbm>>
    tpu.enqueue_indirect_dma source(%dma_start3A_758 : memref<100000x64xf32, #tpu.memory_space<hbm>>) target(%dma_start3A_753 : memref<128x64xf32, #tpu.memory_space<vmem>>) offsets(%dma_start3A_755 : memref<128xi32, #tpu.memory_space<vmem>>) semaphore(%arg13 : memref<!tpu.dma_semaphore, #tpu.memory_space<semaphore_mem>>)
    %dma_wait3A_759 = arith.constant 0 : i32
    %dma_wait3A_760 = arith.constant 0 : i32
    %dma_wait3A_761 = tpu.memref_slice %arg9[%dma_wait3A_759, %dma_wait3A_760] : memref<640x64xf32, #tpu.memory_space<vmem>> -> memref<128x64xf32, #tpu.memory_space<vmem>>
    %dma_wait3A_762 = arith.constant 0 : i32
    %dma_wait3A_763 = tpu.memref_slice %arg6[%dma_wait3A_762] : memref<640xi32, #tpu.memory_space<vmem>> -> memref<128xi32, #tpu.memory_space<vmem>>
    %dma_wait3A_764 = arith.constant 0 : i32
    %dma_wait3A_765 = arith.constant 0 : i32
    %dma_wait3A_766 = tpu.memref_slice %arg2[%dma_wait3A_764, %dma_wait3A_765] : memref<100000x64xf32, #tpu.memory_space<hbm>> -> memref<100000x64xf32, #tpu.memory_space<hbm>>
    tpu.wait_indirect_dma semaphore(%arg12 : memref<!tpu.dma_semaphore, #tpu.memory_space<semaphore_mem>>) src(%dma_wait3A_766 : memref<100000x64xf32, #tpu.memory_space<hbm>>) dst(%dma_wait3A_761 : memref<128x64xf32, #tpu.memory_space<vmem>>)
    %dma_wait3A_767 = arith.constant 128 : i32
    %dma_wait3A_768 = arith.constant 0 : i32
    %dma_wait3A_769 = tpu.memref_slice %arg9[%dma_wait3A_767, %dma_wait3A_768] : memref<640x64xf32, #tpu.memory_space<vmem>> -> memref<128x64xf32, #tpu.memory_space<vmem>>
    %dma_wait3A_770 = arith.constant 128 : i32
    %dma_wait3A_771 = tpu.memref_slice %arg6[%dma_wait3A_770] : memref<640xi32, #tpu.memory_space<vmem>> -> memref<128xi32, #tpu.memory_space<vmem>>
    %dma_wait3A_772 = arith.constant 0 : i32
    %dma_wait3A_773 = arith.constant 0 : i32
    %dma_wait3A_774 = tpu.memref_slice %arg2[%dma_wait3A_772, %dma_wait3A_773] : memref<100000x64xf32, #tpu.memory_space<hbm>> -> memref<100000x64xf32, #tpu.memory_space<hbm>>
    tpu.wait_indirect_dma semaphore(%arg12 : memref<!tpu.dma_semaphore, #tpu.memory_space<semaphore_mem>>) src(%dma_wait3A_774 : memref<100000x64xf32, #tpu.memory_space<hbm>>) dst(%dma_wait3A_769 : memref<128x64xf32, #tpu.memory_space<vmem>>)
    %dma_wait3A_775 = arith.constant 256 : i32
    %dma_wait3A_776 = arith.constant 0 : i32
    %dma_wait3A_777 = tpu.memref_slice %arg9[%dma_wait3A_775, %dma_wait3A_776] : memref<640x64xf32, #tpu.memory_space<vmem>> -> memref<128x64xf32, #tpu.memory_space<vmem>>
    %dma_wait3A_778 = arith.constant 256 : i32
    %dma_wait3A_779 = tpu.memref_slice %arg6[%dma_wait3A_778] : memref<640xi32, #tpu.memory_space<vmem>> -> memref<128xi32, #tpu.memory_space<vmem>>
    %dma_wait3A_780 = arith.constant 0 : i32
    %dma_wait3A_781 = arith.constant 0 : i32
    %dma_wait3A_782 = tpu.memref_slice %arg2[%dma_wait3A_780, %dma_wait3A_781] : memref<100000x64xf32, #tpu.memory_space<hbm>> -> memref<100000x64xf32, #tpu.memory_space<hbm>>
    tpu.wait_indirect_dma semaphore(%arg12 : memref<!tpu.dma_semaphore, #tpu.memory_space<semaphore_mem>>) src(%dma_wait3A_782 : memref<100000x64xf32, #tpu.memory_space<hbm>>) dst(%dma_wait3A_777 : memref<128x64xf32, #tpu.memory_space<vmem>>)
    %dma_wait3A_783 = arith.constant 384 : i32
    %dma_wait3A_784 = arith.constant 0 : i32
    %dma_wait3A_785 = tpu.memref_slice %arg9[%dma_wait3A_783, %dma_wait3A_784] : memref<640x64xf32, #tpu.memory_space<vmem>> -> memref<128x64xf32, #tpu.memory_space<vmem>>
    %dma_wait3A_786 = arith.constant 384 : i32
    %dma_wait3A_787 = tpu.memref_slice %arg6[%dma_wait3A_786] : memref<640xi32, #tpu.memory_space<vmem>> -> memref<128xi32, #tpu.memory_space<vmem>>
    %dma_wait3A_788 = arith.constant 0 : i32
    %dma_wait3A_789 = arith.constant 0 : i32
    %dma_wait3A_790 = tpu.memref_slice %arg2[%dma_wait3A_788, %dma_wait3A_789] : memref<100000x64xf32, #tpu.memory_space<hbm>> -> memref<100000x64xf32, #tpu.memory_space<hbm>>
    tpu.wait_indirect_dma semaphore(%arg12 : memref<!tpu.dma_semaphore, #tpu.memory_space<semaphore_mem>>) src(%dma_wait3A_790 : memref<100000x64xf32, #tpu.memory_space<hbm>>) dst(%dma_wait3A_785 : memref<128x64xf32, #tpu.memory_space<vmem>>)
    %dma_wait3A_791 = arith.constant 512 : i32
    %dma_wait3A_792 = arith.constant 0 : i32
    %dma_wait3A_793 = tpu.memref_slice %arg9[%dma_wait3A_791, %dma_wait3A_792] : memref<640x64xf32, #tpu.memory_space<vmem>> -> memref<128x64xf32, #tpu.memory_space<vmem>>
    %dma_wait3A_794 = arith.constant 512 : i32
    %dma_wait3A_795 = tpu.memref_slice %arg6[%dma_wait3A_794] : memref<640xi32, #tpu.memory_space<vmem>> -> memref<128xi32, #tpu.memory_space<vmem>>
    %dma_wait3A_796 = arith.constant 0 : i32
    %dma_wait3A_797 = arith.constant 0 : i32
    %dma_wait3A_798 = tpu.memref_slice %arg2[%dma_wait3A_796, %dma_wait3A_797] : memref<100000x64xf32, #tpu.memory_space<hbm>> -> memref<100000x64xf32, #tpu.memory_space<hbm>>
    tpu.wait_indirect_dma semaphore(%arg12 : memref<!tpu.dma_semaphore, #tpu.memory_space<semaphore_mem>>) src(%dma_wait3A_798 : memref<100000x64xf32, #tpu.memory_space<hbm>>) dst(%dma_wait3A_793 : memref<128x64xf32, #tpu.memory_space<vmem>>)
    %add3A_799 = arith.constant 4480 : i32
    %add3A_800 = arith.addi %mul3A_2, %add3A_799 : i32
    %dma_start3A_801 = arith.constant 0 : i32
    %dma_start3A_802 = tpu.memref_slice %arg4[%add3A_800, %dma_start3A_801] : memref<307200x64xf32, #tpu.memory_space<hbm>> -> memref<640x64xf32, #tpu.memory_space<hbm>>
    %dma_start3A_803 = arith.constant 0 : i32
    %dma_start3A_804 = tpu.memref_slice %arg4[%add3A_800, %dma_start3A_803] : memref<307200x64xf32, #tpu.memory_space<hbm>> -> memref<640x64xf32, #tpu.memory_space<hbm>>
    tpu.enqueue_dma source(%arg9 : memref<640x64xf32, #tpu.memory_space<vmem>>) target(%dma_start3A_804 : memref<640x64xf32, #tpu.memory_space<hbm>>) target_semaphore(%arg15 : memref<!tpu.dma_semaphore, #tpu.memory_space<semaphore_mem>>)
    %dma_wait3A_805 = arith.constant 0 : i32
    %dma_wait3A_806 = tpu.memref_slice %arg4[%add3A_704, %dma_wait3A_805] : memref<307200x64xf32, #tpu.memory_space<hbm>> -> memref<640x64xf32, #tpu.memory_space<hbm>>
    %dma_wait3A_807 = arith.constant 0 : i32
    %dma_wait3A_808 = tpu.memref_slice %arg4[%add3A_704, %dma_wait3A_807] : memref<307200x64xf32, #tpu.memory_space<hbm>> -> memref<640x64xf32, #tpu.memory_space<hbm>>
    tpu.wait_dma2 semaphore(%arg14 : memref<!tpu.dma_semaphore, #tpu.memory_space<semaphore_mem>>) src(%arg8 : memref<640x64xf32, #tpu.memory_space<vmem>>) dst(%dma_wait3A_808 : memref<640x64xf32, #tpu.memory_space<hbm>>)
    %dma_wait3A_809 = tpu.memref_slice %arg3[%add3A_716] : memref<307200xi32, #tpu.memory_space<hbm>> -> memref<640xi32, #tpu.memory_space<hbm>>
    %dma_wait3A_810 = tpu.memref_slice %arg3[%add3A_716] : memref<307200xi32, #tpu.memory_space<hbm>> -> memref<640xi32, #tpu.memory_space<hbm>>
    tpu.wait_dma2 semaphore(%arg17 : memref<!tpu.dma_semaphore, #tpu.memory_space<semaphore_mem>>) src(%dma_wait3A_810 : memref<640xi32, #tpu.memory_space<hbm>>) dst(%arg5 : memref<640xi32, #tpu.memory_space<vmem>>)
    %add3A_811 = arith.constant 6400 : i32
    %add3A_812 = arith.addi %mul3A_2, %add3A_811 : i32
    %dma_start3A_813 = tpu.memref_slice %arg3[%add3A_812] : memref<307200xi32, #tpu.memory_space<hbm>> -> memref<640xi32, #tpu.memory_space<hbm>>
    %dma_start3A_814 = tpu.memref_slice %arg3[%add3A_812] : memref<307200xi32, #tpu.memory_space<hbm>> -> memref<640xi32, #tpu.memory_space<hbm>>
    tpu.enqueue_dma source(%dma_start3A_814 : memref<640xi32, #tpu.memory_space<hbm>>) target(%arg6 : memref<640xi32, #tpu.memory_space<vmem>>) target_semaphore(%arg18 : memref<!tpu.dma_semaphore, #tpu.memory_space<semaphore_mem>>)
    %dma_start3A_815 = arith.constant 0 : i32
    %dma_start3A_816 = arith.constant 0 : i32
    %dma_start3A_817 = tpu.memref_slice %arg8[%dma_start3A_815, %dma_start3A_816] : memref<640x64xf32, #tpu.memory_space<vmem>> -> memref<128x64xf32, #tpu.memory_space<vmem>>
    %dma_start3A_818 = arith.constant 0 : i32
    %dma_start3A_819 = tpu.memref_slice %arg5[%dma_start3A_818] : memref<640xi32, #tpu.memory_space<vmem>> -> memref<128xi32, #tpu.memory_space<vmem>>
    %dma_start3A_820 = arith.constant 0 : i32
    %dma_start3A_821 = arith.constant 0 : i32
    %dma_start3A_822 = tpu.memref_slice %arg2[%dma_start3A_820, %dma_start3A_821] : memref<100000x64xf32, #tpu.memory_space<hbm>> -> memref<100000x64xf32, #tpu.memory_space<hbm>>
    tpu.enqueue_indirect_dma source(%dma_start3A_822 : memref<100000x64xf32, #tpu.memory_space<hbm>>) target(%dma_start3A_817 : memref<128x64xf32, #tpu.memory_space<vmem>>) offsets(%dma_start3A_819 : memref<128xi32, #tpu.memory_space<vmem>>) semaphore(%arg11 : memref<!tpu.dma_semaphore, #tpu.memory_space<semaphore_mem>>)
    %dma_start3A_823 = arith.constant 128 : i32
    %dma_start3A_824 = arith.constant 0 : i32
    %dma_start3A_825 = tpu.memref_slice %arg8[%dma_start3A_823, %dma_start3A_824] : memref<640x64xf32, #tpu.memory_space<vmem>> -> memref<128x64xf32, #tpu.memory_space<vmem>>
    %dma_start3A_826 = arith.constant 128 : i32
    %dma_start3A_827 = tpu.memref_slice %arg5[%dma_start3A_826] : memref<640xi32, #tpu.memory_space<vmem>> -> memref<128xi32, #tpu.memory_space<vmem>>
    %dma_start3A_828 = arith.constant 0 : i32
    %dma_start3A_829 = arith.constant 0 : i32
    %dma_start3A_830 = tpu.memref_slice %arg2[%dma_start3A_828, %dma_start3A_829] : memref<100000x64xf32, #tpu.memory_space<hbm>> -> memref<100000x64xf32, #tpu.memory_space<hbm>>
    tpu.enqueue_indirect_dma source(%dma_start3A_830 : memref<100000x64xf32, #tpu.memory_space<hbm>>) target(%dma_start3A_825 : memref<128x64xf32, #tpu.memory_space<vmem>>) offsets(%dma_start3A_827 : memref<128xi32, #tpu.memory_space<vmem>>) semaphore(%arg11 : memref<!tpu.dma_semaphore, #tpu.memory_space<semaphore_mem>>)
    %dma_start3A_831 = arith.constant 256 : i32
    %dma_start3A_832 = arith.constant 0 : i32
    %dma_start3A_833 = tpu.memref_slice %arg8[%dma_start3A_831, %dma_start3A_832] : memref<640x64xf32, #tpu.memory_space<vmem>> -> memref<128x64xf32, #tpu.memory_space<vmem>>
    %dma_start3A_834 = arith.constant 256 : i32
    %dma_start3A_835 = tpu.memref_slice %arg5[%dma_start3A_834] : memref<640xi32, #tpu.memory_space<vmem>> -> memref<128xi32, #tpu.memory_space<vmem>>
    %dma_start3A_836 = arith.constant 0 : i32
    %dma_start3A_837 = arith.constant 0 : i32
    %dma_start3A_838 = tpu.memref_slice %arg2[%dma_start3A_836, %dma_start3A_837] : memref<100000x64xf32, #tpu.memory_space<hbm>> -> memref<100000x64xf32, #tpu.memory_space<hbm>>
    tpu.enqueue_indirect_dma source(%dma_start3A_838 : memref<100000x64xf32, #tpu.memory_space<hbm>>) target(%dma_start3A_833 : memref<128x64xf32, #tpu.memory_space<vmem>>) offsets(%dma_start3A_835 : memref<128xi32, #tpu.memory_space<vmem>>) semaphore(%arg11 : memref<!tpu.dma_semaphore, #tpu.memory_space<semaphore_mem>>)
    %dma_start3A_839 = arith.constant 384 : i32
    %dma_start3A_840 = arith.constant 0 : i32
    %dma_start3A_841 = tpu.memref_slice %arg8[%dma_start3A_839, %dma_start3A_840] : memref<640x64xf32, #tpu.memory_space<vmem>> -> memref<128x64xf32, #tpu.memory_space<vmem>>
    %dma_start3A_842 = arith.constant 384 : i32
    %dma_start3A_843 = tpu.memref_slice %arg5[%dma_start3A_842] : memref<640xi32, #tpu.memory_space<vmem>> -> memref<128xi32, #tpu.memory_space<vmem>>
    %dma_start3A_844 = arith.constant 0 : i32
    %dma_start3A_845 = arith.constant 0 : i32
    %dma_start3A_846 = tpu.memref_slice %arg2[%dma_start3A_844, %dma_start3A_845] : memref<100000x64xf32, #tpu.memory_space<hbm>> -> memref<100000x64xf32, #tpu.memory_space<hbm>>
    tpu.enqueue_indirect_dma source(%dma_start3A_846 : memref<100000x64xf32, #tpu.memory_space<hbm>>) target(%dma_start3A_841 : memref<128x64xf32, #tpu.memory_space<vmem>>) offsets(%dma_start3A_843 : memref<128xi32, #tpu.memory_space<vmem>>) semaphore(%arg11 : memref<!tpu.dma_semaphore, #tpu.memory_space<semaphore_mem>>)
    %dma_start3A_847 = arith.constant 512 : i32
    %dma_start3A_848 = arith.constant 0 : i32
    %dma_start3A_849 = tpu.memref_slice %arg8[%dma_start3A_847, %dma_start3A_848] : memref<640x64xf32, #tpu.memory_space<vmem>> -> memref<128x64xf32, #tpu.memory_space<vmem>>
    %dma_start3A_850 = arith.constant 512 : i32
    %dma_start3A_851 = tpu.memref_slice %arg5[%dma_start3A_850] : memref<640xi32, #tpu.memory_space<vmem>> -> memref<128xi32, #tpu.memory_space<vmem>>
    %dma_start3A_852 = arith.constant 0 : i32
    %dma_start3A_853 = arith.constant 0 : i32
    %dma_start3A_854 = tpu.memref_slice %arg2[%dma_start3A_852, %dma_start3A_853] : memref<100000x64xf32, #tpu.memory_space<hbm>> -> memref<100000x64xf32, #tpu.memory_space<hbm>>
    tpu.enqueue_indirect_dma source(%dma_start3A_854 : memref<100000x64xf32, #tpu.memory_space<hbm>>) target(%dma_start3A_849 : memref<128x64xf32, #tpu.memory_space<vmem>>) offsets(%dma_start3A_851 : memref<128xi32, #tpu.memory_space<vmem>>) semaphore(%arg11 : memref<!tpu.dma_semaphore, #tpu.memory_space<semaphore_mem>>)
    %dma_wait3A_855 = arith.constant 0 : i32
    %dma_wait3A_856 = arith.constant 0 : i32
    %dma_wait3A_857 = tpu.memref_slice %arg10[%dma_wait3A_855, %dma_wait3A_856] : memref<640x64xf32, #tpu.memory_space<vmem>> -> memref<128x64xf32, #tpu.memory_space<vmem>>
    %dma_wait3A_858 = arith.constant 0 : i32
    %dma_wait3A_859 = tpu.memref_slice %arg7[%dma_wait3A_858] : memref<640xi32, #tpu.memory_space<vmem>> -> memref<128xi32, #tpu.memory_space<vmem>>
    %dma_wait3A_860 = arith.constant 0 : i32
    %dma_wait3A_861 = arith.constant 0 : i32
    %dma_wait3A_862 = tpu.memref_slice %arg2[%dma_wait3A_860, %dma_wait3A_861] : memref<100000x64xf32, #tpu.memory_space<hbm>> -> memref<100000x64xf32, #tpu.memory_space<hbm>>
    tpu.wait_indirect_dma semaphore(%arg13 : memref<!tpu.dma_semaphore, #tpu.memory_space<semaphore_mem>>) src(%dma_wait3A_862 : memref<100000x64xf32, #tpu.memory_space<hbm>>) dst(%dma_wait3A_857 : memref<128x64xf32, #tpu.memory_space<vmem>>)
    %dma_wait3A_863 = arith.constant 128 : i32
    %dma_wait3A_864 = arith.constant 0 : i32
    %dma_wait3A_865 = tpu.memref_slice %arg10[%dma_wait3A_863, %dma_wait3A_864] : memref<640x64xf32, #tpu.memory_space<vmem>> -> memref<128x64xf32, #tpu.memory_space<vmem>>
    %dma_wait3A_866 = arith.constant 128 : i32
    %dma_wait3A_867 = tpu.memref_slice %arg7[%dma_wait3A_866] : memref<640xi32, #tpu.memory_space<vmem>> -> memref<128xi32, #tpu.memory_space<vmem>>
    %dma_wait3A_868 = arith.constant 0 : i32
    %dma_wait3A_869 = arith.constant 0 : i32
    %dma_wait3A_870 = tpu.memref_slice %arg2[%dma_wait3A_868, %dma_wait3A_869] : memref<100000x64xf32, #tpu.memory_space<hbm>> -> memref<100000x64xf32, #tpu.memory_space<hbm>>
    tpu.wait_indirect_dma semaphore(%arg13 : memref<!tpu.dma_semaphore, #tpu.memory_space<semaphore_mem>>) src(%dma_wait3A_870 : memref<100000x64xf32, #tpu.memory_space<hbm>>) dst(%dma_wait3A_865 : memref<128x64xf32, #tpu.memory_space<vmem>>)
    %dma_wait3A_871 = arith.constant 256 : i32
    %dma_wait3A_872 = arith.constant 0 : i32
    %dma_wait3A_873 = tpu.memref_slice %arg10[%dma_wait3A_871, %dma_wait3A_872] : memref<640x64xf32, #tpu.memory_space<vmem>> -> memref<128x64xf32, #tpu.memory_space<vmem>>
    %dma_wait3A_874 = arith.constant 256 : i32
    %dma_wait3A_875 = tpu.memref_slice %arg7[%dma_wait3A_874] : memref<640xi32, #tpu.memory_space<vmem>> -> memref<128xi32, #tpu.memory_space<vmem>>
    %dma_wait3A_876 = arith.constant 0 : i32
    %dma_wait3A_877 = arith.constant 0 : i32
    %dma_wait3A_878 = tpu.memref_slice %arg2[%dma_wait3A_876, %dma_wait3A_877] : memref<100000x64xf32, #tpu.memory_space<hbm>> -> memref<100000x64xf32, #tpu.memory_space<hbm>>
    tpu.wait_indirect_dma semaphore(%arg13 : memref<!tpu.dma_semaphore, #tpu.memory_space<semaphore_mem>>) src(%dma_wait3A_878 : memref<100000x64xf32, #tpu.memory_space<hbm>>) dst(%dma_wait3A_873 : memref<128x64xf32, #tpu.memory_space<vmem>>)
    %dma_wait3A_879 = arith.constant 384 : i32
    %dma_wait3A_880 = arith.constant 0 : i32
    %dma_wait3A_881 = tpu.memref_slice %arg10[%dma_wait3A_879, %dma_wait3A_880] : memref<640x64xf32, #tpu.memory_space<vmem>> -> memref<128x64xf32, #tpu.memory_space<vmem>>
    %dma_wait3A_882 = arith.constant 384 : i32
    %dma_wait3A_883 = tpu.memref_slice %arg7[%dma_wait3A_882] : memref<640xi32, #tpu.memory_space<vmem>> -> memref<128xi32, #tpu.memory_space<vmem>>
    %dma_wait3A_884 = arith.constant 0 : i32
    %dma_wait3A_885 = arith.constant 0 : i32
    %dma_wait3A_886 = tpu.memref_slice %arg2[%dma_wait3A_884, %dma_wait3A_885] : memref<100000x64xf32, #tpu.memory_space<hbm>> -> memref<100000x64xf32, #tpu.memory_space<hbm>>
    tpu.wait_indirect_dma semaphore(%arg13 : memref<!tpu.dma_semaphore, #tpu.memory_space<semaphore_mem>>) src(%dma_wait3A_886 : memref<100000x64xf32, #tpu.memory_space<hbm>>) dst(%dma_wait3A_881 : memref<128x64xf32, #tpu.memory_space<vmem>>)
    %dma_wait3A_887 = arith.constant 512 : i32
    %dma_wait3A_888 = arith.constant 0 : i32
    %dma_wait3A_889 = tpu.memref_slice %arg10[%dma_wait3A_887, %dma_wait3A_888] : memref<640x64xf32, #tpu.memory_space<vmem>> -> memref<128x64xf32, #tpu.memory_space<vmem>>
    %dma_wait3A_890 = arith.constant 512 : i32
    %dma_wait3A_891 = tpu.memref_slice %arg7[%dma_wait3A_890] : memref<640xi32, #tpu.memory_space<vmem>> -> memref<128xi32, #tpu.memory_space<vmem>>
    %dma_wait3A_892 = arith.constant 0 : i32
    %dma_wait3A_893 = arith.constant 0 : i32
    %dma_wait3A_894 = tpu.memref_slice %arg2[%dma_wait3A_892, %dma_wait3A_893] : memref<100000x64xf32, #tpu.memory_space<hbm>> -> memref<100000x64xf32, #tpu.memory_space<hbm>>
    tpu.wait_indirect_dma semaphore(%arg13 : memref<!tpu.dma_semaphore, #tpu.memory_space<semaphore_mem>>) src(%dma_wait3A_894 : memref<100000x64xf32, #tpu.memory_space<hbm>>) dst(%dma_wait3A_889 : memref<128x64xf32, #tpu.memory_space<vmem>>)
    %add3A_895 = arith.constant 5120 : i32
    %add3A_896 = arith.addi %mul3A_2, %add3A_895 : i32
    %dma_start3A_897 = arith.constant 0 : i32
    %dma_start3A_898 = tpu.memref_slice %arg4[%add3A_896, %dma_start3A_897] : memref<307200x64xf32, #tpu.memory_space<hbm>> -> memref<640x64xf32, #tpu.memory_space<hbm>>
    %dma_start3A_899 = arith.constant 0 : i32
    %dma_start3A_900 = tpu.memref_slice %arg4[%add3A_896, %dma_start3A_899] : memref<307200x64xf32, #tpu.memory_space<hbm>> -> memref<640x64xf32, #tpu.memory_space<hbm>>
    tpu.enqueue_dma source(%arg10 : memref<640x64xf32, #tpu.memory_space<vmem>>) target(%dma_start3A_900 : memref<640x64xf32, #tpu.memory_space<hbm>>) target_semaphore(%arg16 : memref<!tpu.dma_semaphore, #tpu.memory_space<semaphore_mem>>)
    %dma_wait3A_901 = arith.constant 0 : i32
    %dma_wait3A_902 = tpu.memref_slice %arg4[%add3A_800, %dma_wait3A_901] : memref<307200x64xf32, #tpu.memory_space<hbm>> -> memref<640x64xf32, #tpu.memory_space<hbm>>
    %dma_wait3A_903 = arith.constant 0 : i32
    %dma_wait3A_904 = tpu.memref_slice %arg4[%add3A_800, %dma_wait3A_903] : memref<307200x64xf32, #tpu.memory_space<hbm>> -> memref<640x64xf32, #tpu.memory_space<hbm>>
    tpu.wait_dma2 semaphore(%arg15 : memref<!tpu.dma_semaphore, #tpu.memory_space<semaphore_mem>>) src(%arg9 : memref<640x64xf32, #tpu.memory_space<vmem>>) dst(%dma_wait3A_904 : memref<640x64xf32, #tpu.memory_space<hbm>>)
    %dma_wait3A_905 = tpu.memref_slice %arg3[%add3A_812] : memref<307200xi32, #tpu.memory_space<hbm>> -> memref<640xi32, #tpu.memory_space<hbm>>
    %dma_wait3A_906 = tpu.memref_slice %arg3[%add3A_812] : memref<307200xi32, #tpu.memory_space<hbm>> -> memref<640xi32, #tpu.memory_space<hbm>>
    tpu.wait_dma2 semaphore(%arg18 : memref<!tpu.dma_semaphore, #tpu.memory_space<semaphore_mem>>) src(%dma_wait3A_906 : memref<640xi32, #tpu.memory_space<hbm>>) dst(%arg6 : memref<640xi32, #tpu.memory_space<vmem>>)
    %add3A_907 = arith.constant 7040 : i32
    %add3A_908 = arith.addi %mul3A_2, %add3A_907 : i32
    %dma_start3A_909 = tpu.memref_slice %arg3[%add3A_908] : memref<307200xi32, #tpu.memory_space<hbm>> -> memref<640xi32, #tpu.memory_space<hbm>>
    %dma_start3A_910 = tpu.memref_slice %arg3[%add3A_908] : memref<307200xi32, #tpu.memory_space<hbm>> -> memref<640xi32, #tpu.memory_space<hbm>>
    tpu.enqueue_dma source(%dma_start3A_910 : memref<640xi32, #tpu.memory_space<hbm>>) target(%arg7 : memref<640xi32, #tpu.memory_space<vmem>>) target_semaphore(%arg19 : memref<!tpu.dma_semaphore, #tpu.memory_space<semaphore_mem>>)
    %dma_start3A_911 = arith.constant 0 : i32
    %dma_start3A_912 = arith.constant 0 : i32
    %dma_start3A_913 = tpu.memref_slice %arg9[%dma_start3A_911, %dma_start3A_912] : memref<640x64xf32, #tpu.memory_space<vmem>> -> memref<128x64xf32, #tpu.memory_space<vmem>>
    %dma_start3A_914 = arith.constant 0 : i32
    %dma_start3A_915 = tpu.memref_slice %arg6[%dma_start3A_914] : memref<640xi32, #tpu.memory_space<vmem>> -> memref<128xi32, #tpu.memory_space<vmem>>
    %dma_start3A_916 = arith.constant 0 : i32
    %dma_start3A_917 = arith.constant 0 : i32
    %dma_start3A_918 = tpu.memref_slice %arg2[%dma_start3A_916, %dma_start3A_917] : memref<100000x64xf32, #tpu.memory_space<hbm>> -> memref<100000x64xf32, #tpu.memory_space<hbm>>
    tpu.enqueue_indirect_dma source(%dma_start3A_918 : memref<100000x64xf32, #tpu.memory_space<hbm>>) target(%dma_start3A_913 : memref<128x64xf32, #tpu.memory_space<vmem>>) offsets(%dma_start3A_915 : memref<128xi32, #tpu.memory_space<vmem>>) semaphore(%arg12 : memref<!tpu.dma_semaphore, #tpu.memory_space<semaphore_mem>>)
    %dma_start3A_919 = arith.constant 128 : i32
    %dma_start3A_920 = arith.constant 0 : i32
    %dma_start3A_921 = tpu.memref_slice %arg9[%dma_start3A_919, %dma_start3A_920] : memref<640x64xf32, #tpu.memory_space<vmem>> -> memref<128x64xf32, #tpu.memory_space<vmem>>
    %dma_start3A_922 = arith.constant 128 : i32
    %dma_start3A_923 = tpu.memref_slice %arg6[%dma_start3A_922] : memref<640xi32, #tpu.memory_space<vmem>> -> memref<128xi32, #tpu.memory_space<vmem>>
    %dma_start3A_924 = arith.constant 0 : i32
    %dma_start3A_925 = arith.constant 0 : i32
    %dma_start3A_926 = tpu.memref_slice %arg2[%dma_start3A_924, %dma_start3A_925] : memref<100000x64xf32, #tpu.memory_space<hbm>> -> memref<100000x64xf32, #tpu.memory_space<hbm>>
    tpu.enqueue_indirect_dma source(%dma_start3A_926 : memref<100000x64xf32, #tpu.memory_space<hbm>>) target(%dma_start3A_921 : memref<128x64xf32, #tpu.memory_space<vmem>>) offsets(%dma_start3A_923 : memref<128xi32, #tpu.memory_space<vmem>>) semaphore(%arg12 : memref<!tpu.dma_semaphore, #tpu.memory_space<semaphore_mem>>)
    %dma_start3A_927 = arith.constant 256 : i32
    %dma_start3A_928 = arith.constant 0 : i32
    %dma_start3A_929 = tpu.memref_slice %arg9[%dma_start3A_927, %dma_start3A_928] : memref<640x64xf32, #tpu.memory_space<vmem>> -> memref<128x64xf32, #tpu.memory_space<vmem>>
    %dma_start3A_930 = arith.constant 256 : i32
    %dma_start3A_931 = tpu.memref_slice %arg6[%dma_start3A_930] : memref<640xi32, #tpu.memory_space<vmem>> -> memref<128xi32, #tpu.memory_space<vmem>>
    %dma_start3A_932 = arith.constant 0 : i32
    %dma_start3A_933 = arith.constant 0 : i32
    %dma_start3A_934 = tpu.memref_slice %arg2[%dma_start3A_932, %dma_start3A_933] : memref<100000x64xf32, #tpu.memory_space<hbm>> -> memref<100000x64xf32, #tpu.memory_space<hbm>>
    tpu.enqueue_indirect_dma source(%dma_start3A_934 : memref<100000x64xf32, #tpu.memory_space<hbm>>) target(%dma_start3A_929 : memref<128x64xf32, #tpu.memory_space<vmem>>) offsets(%dma_start3A_931 : memref<128xi32, #tpu.memory_space<vmem>>) semaphore(%arg12 : memref<!tpu.dma_semaphore, #tpu.memory_space<semaphore_mem>>)
    %dma_start3A_935 = arith.constant 384 : i32
    %dma_start3A_936 = arith.constant 0 : i32
    %dma_start3A_937 = tpu.memref_slice %arg9[%dma_start3A_935, %dma_start3A_936] : memref<640x64xf32, #tpu.memory_space<vmem>> -> memref<128x64xf32, #tpu.memory_space<vmem>>
    %dma_start3A_938 = arith.constant 384 : i32
    %dma_start3A_939 = tpu.memref_slice %arg6[%dma_start3A_938] : memref<640xi32, #tpu.memory_space<vmem>> -> memref<128xi32, #tpu.memory_space<vmem>>
    %dma_start3A_940 = arith.constant 0 : i32
    %dma_start3A_941 = arith.constant 0 : i32
    %dma_start3A_942 = tpu.memref_slice %arg2[%dma_start3A_940, %dma_start3A_941] : memref<100000x64xf32, #tpu.memory_space<hbm>> -> memref<100000x64xf32, #tpu.memory_space<hbm>>
    tpu.enqueue_indirect_dma source(%dma_start3A_942 : memref<100000x64xf32, #tpu.memory_space<hbm>>) target(%dma_start3A_937 : memref<128x64xf32, #tpu.memory_space<vmem>>) offsets(%dma_start3A_939 : memref<128xi32, #tpu.memory_space<vmem>>) semaphore(%arg12 : memref<!tpu.dma_semaphore, #tpu.memory_space<semaphore_mem>>)
    %dma_start3A_943 = arith.constant 512 : i32
    %dma_start3A_944 = arith.constant 0 : i32
    %dma_start3A_945 = tpu.memref_slice %arg9[%dma_start3A_943, %dma_start3A_944] : memref<640x64xf32, #tpu.memory_space<vmem>> -> memref<128x64xf32, #tpu.memory_space<vmem>>
    %dma_start3A_946 = arith.constant 512 : i32
    %dma_start3A_947 = tpu.memref_slice %arg6[%dma_start3A_946] : memref<640xi32, #tpu.memory_space<vmem>> -> memref<128xi32, #tpu.memory_space<vmem>>
    %dma_start3A_948 = arith.constant 0 : i32
    %dma_start3A_949 = arith.constant 0 : i32
    %dma_start3A_950 = tpu.memref_slice %arg2[%dma_start3A_948, %dma_start3A_949] : memref<100000x64xf32, #tpu.memory_space<hbm>> -> memref<100000x64xf32, #tpu.memory_space<hbm>>
    tpu.enqueue_indirect_dma source(%dma_start3A_950 : memref<100000x64xf32, #tpu.memory_space<hbm>>) target(%dma_start3A_945 : memref<128x64xf32, #tpu.memory_space<vmem>>) offsets(%dma_start3A_947 : memref<128xi32, #tpu.memory_space<vmem>>) semaphore(%arg12 : memref<!tpu.dma_semaphore, #tpu.memory_space<semaphore_mem>>)
    %dma_wait3A_951 = arith.constant 0 : i32
    %dma_wait3A_952 = arith.constant 0 : i32
    %dma_wait3A_953 = tpu.memref_slice %arg8[%dma_wait3A_951, %dma_wait3A_952] : memref<640x64xf32, #tpu.memory_space<vmem>> -> memref<128x64xf32, #tpu.memory_space<vmem>>
    %dma_wait3A_954 = arith.constant 0 : i32
    %dma_wait3A_955 = tpu.memref_slice %arg5[%dma_wait3A_954] : memref<640xi32, #tpu.memory_space<vmem>> -> memref<128xi32, #tpu.memory_space<vmem>>
    %dma_wait3A_956 = arith.constant 0 : i32
    %dma_wait3A_957 = arith.constant 0 : i32
    %dma_wait3A_958 = tpu.memref_slice %arg2[%dma_wait3A_956, %dma_wait3A_957] : memref<100000x64xf32, #tpu.memory_space<hbm>> -> memref<100000x64xf32, #tpu.memory_space<hbm>>
    tpu.wait_indirect_dma semaphore(%arg11 : memref<!tpu.dma_semaphore, #tpu.memory_space<semaphore_mem>>) src(%dma_wait3A_958 : memref<100000x64xf32, #tpu.memory_space<hbm>>) dst(%dma_wait3A_953 : memref<128x64xf32, #tpu.memory_space<vmem>>)
    %dma_wait3A_959 = arith.constant 128 : i32
    %dma_wait3A_960 = arith.constant 0 : i32
    %dma_wait3A_961 = tpu.memref_slice %arg8[%dma_wait3A_959, %dma_wait3A_960] : memref<640x64xf32, #tpu.memory_space<vmem>> -> memref<128x64xf32, #tpu.memory_space<vmem>>
    %dma_wait3A_962 = arith.constant 128 : i32
    %dma_wait3A_963 = tpu.memref_slice %arg5[%dma_wait3A_962] : memref<640xi32, #tpu.memory_space<vmem>> -> memref<128xi32, #tpu.memory_space<vmem>>
    %dma_wait3A_964 = arith.constant 0 : i32
    %dma_wait3A_965 = arith.constant 0 : i32
    %dma_wait3A_966 = tpu.memref_slice %arg2[%dma_wait3A_964, %dma_wait3A_965] : memref<100000x64xf32, #tpu.memory_space<hbm>> -> memref<100000x64xf32, #tpu.memory_space<hbm>>
    tpu.wait_indirect_dma semaphore(%arg11 : memref<!tpu.dma_semaphore, #tpu.memory_space<semaphore_mem>>) src(%dma_wait3A_966 : memref<100000x64xf32, #tpu.memory_space<hbm>>) dst(%dma_wait3A_961 : memref<128x64xf32, #tpu.memory_space<vmem>>)
    %dma_wait3A_967 = arith.constant 256 : i32
    %dma_wait3A_968 = arith.constant 0 : i32
    %dma_wait3A_969 = tpu.memref_slice %arg8[%dma_wait3A_967, %dma_wait3A_968] : memref<640x64xf32, #tpu.memory_space<vmem>> -> memref<128x64xf32, #tpu.memory_space<vmem>>
    %dma_wait3A_970 = arith.constant 256 : i32
    %dma_wait3A_971 = tpu.memref_slice %arg5[%dma_wait3A_970] : memref<640xi32, #tpu.memory_space<vmem>> -> memref<128xi32, #tpu.memory_space<vmem>>
    %dma_wait3A_972 = arith.constant 0 : i32
    %dma_wait3A_973 = arith.constant 0 : i32
    %dma_wait3A_974 = tpu.memref_slice %arg2[%dma_wait3A_972, %dma_wait3A_973] : memref<100000x64xf32, #tpu.memory_space<hbm>> -> memref<100000x64xf32, #tpu.memory_space<hbm>>
    tpu.wait_indirect_dma semaphore(%arg11 : memref<!tpu.dma_semaphore, #tpu.memory_space<semaphore_mem>>) src(%dma_wait3A_974 : memref<100000x64xf32, #tpu.memory_space<hbm>>) dst(%dma_wait3A_969 : memref<128x64xf32, #tpu.memory_space<vmem>>)
    %dma_wait3A_975 = arith.constant 384 : i32
    %dma_wait3A_976 = arith.constant 0 : i32
    %dma_wait3A_977 = tpu.memref_slice %arg8[%dma_wait3A_975, %dma_wait3A_976] : memref<640x64xf32, #tpu.memory_space<vmem>> -> memref<128x64xf32, #tpu.memory_space<vmem>>
    %dma_wait3A_978 = arith.constant 384 : i32
    %dma_wait3A_979 = tpu.memref_slice %arg5[%dma_wait3A_978] : memref<640xi32, #tpu.memory_space<vmem>> -> memref<128xi32, #tpu.memory_space<vmem>>
    %dma_wait3A_980 = arith.constant 0 : i32
    %dma_wait3A_981 = arith.constant 0 : i32
    %dma_wait3A_982 = tpu.memref_slice %arg2[%dma_wait3A_980, %dma_wait3A_981] : memref<100000x64xf32, #tpu.memory_space<hbm>> -> memref<100000x64xf32, #tpu.memory_space<hbm>>
    tpu.wait_indirect_dma semaphore(%arg11 : memref<!tpu.dma_semaphore, #tpu.memory_space<semaphore_mem>>) src(%dma_wait3A_982 : memref<100000x64xf32, #tpu.memory_space<hbm>>) dst(%dma_wait3A_977 : memref<128x64xf32, #tpu.memory_space<vmem>>)
    %dma_wait3A_983 = arith.constant 512 : i32
    %dma_wait3A_984 = arith.constant 0 : i32
    %dma_wait3A_985 = tpu.memref_slice %arg8[%dma_wait3A_983, %dma_wait3A_984] : memref<640x64xf32, #tpu.memory_space<vmem>> -> memref<128x64xf32, #tpu.memory_space<vmem>>
    %dma_wait3A_986 = arith.constant 512 : i32
    %dma_wait3A_987 = tpu.memref_slice %arg5[%dma_wait3A_986] : memref<640xi32, #tpu.memory_space<vmem>> -> memref<128xi32, #tpu.memory_space<vmem>>
    %dma_wait3A_988 = arith.constant 0 : i32
    %dma_wait3A_989 = arith.constant 0 : i32
    %dma_wait3A_990 = tpu.memref_slice %arg2[%dma_wait3A_988, %dma_wait3A_989] : memref<100000x64xf32, #tpu.memory_space<hbm>> -> memref<100000x64xf32, #tpu.memory_space<hbm>>
    tpu.wait_indirect_dma semaphore(%arg11 : memref<!tpu.dma_semaphore, #tpu.memory_space<semaphore_mem>>) src(%dma_wait3A_990 : memref<100000x64xf32, #tpu.memory_space<hbm>>) dst(%dma_wait3A_985 : memref<128x64xf32, #tpu.memory_space<vmem>>)
    %add3A_991 = arith.constant 5760 : i32
    %add3A_992 = arith.addi %mul3A_2, %add3A_991 : i32
    %dma_start3A_993 = arith.constant 0 : i32
    %dma_start3A_994 = tpu.memref_slice %arg4[%add3A_992, %dma_start3A_993] : memref<307200x64xf32, #tpu.memory_space<hbm>> -> memref<640x64xf32, #tpu.memory_space<hbm>>
    %dma_start3A_995 = arith.constant 0 : i32
    %dma_start3A_996 = tpu.memref_slice %arg4[%add3A_992, %dma_start3A_995] : memref<307200x64xf32, #tpu.memory_space<hbm>> -> memref<640x64xf32, #tpu.memory_space<hbm>>
    tpu.enqueue_dma source(%arg8 : memref<640x64xf32, #tpu.memory_space<vmem>>) target(%dma_start3A_996 : memref<640x64xf32, #tpu.memory_space<hbm>>) target_semaphore(%arg14 : memref<!tpu.dma_semaphore, #tpu.memory_space<semaphore_mem>>)
    %dma_wait3A_997 = arith.constant 0 : i32
    %dma_wait3A_998 = tpu.memref_slice %arg4[%add3A_896, %dma_wait3A_997] : memref<307200x64xf32, #tpu.memory_space<hbm>> -> memref<640x64xf32, #tpu.memory_space<hbm>>
    %dma_wait3A_999 = arith.constant 0 : i32
    %dma_wait3A_1000 = tpu.memref_slice %arg4[%add3A_896, %dma_wait3A_999] : memref<307200x64xf32, #tpu.memory_space<hbm>> -> memref<640x64xf32, #tpu.memory_space<hbm>>
    tpu.wait_dma2 semaphore(%arg16 : memref<!tpu.dma_semaphore, #tpu.memory_space<semaphore_mem>>) src(%arg10 : memref<640x64xf32, #tpu.memory_space<vmem>>) dst(%dma_wait3A_1000 : memref<640x64xf32, #tpu.memory_space<hbm>>)
    %dma_wait3A_1001 = tpu.memref_slice %arg3[%add3A_908] : memref<307200xi32, #tpu.memory_space<hbm>> -> memref<640xi32, #tpu.memory_space<hbm>>
    %dma_wait3A_1002 = tpu.memref_slice %arg3[%add3A_908] : memref<307200xi32, #tpu.memory_space<hbm>> -> memref<640xi32, #tpu.memory_space<hbm>>
    tpu.wait_dma2 semaphore(%arg19 : memref<!tpu.dma_semaphore, #tpu.memory_space<semaphore_mem>>) src(%dma_wait3A_1002 : memref<640xi32, #tpu.memory_space<hbm>>) dst(%arg7 : memref<640xi32, #tpu.memory_space<vmem>>)
    %add3A_1003 = arith.constant 7680 : i32
    %add3A_1004 = arith.addi %mul3A_2, %add3A_1003 : i32
    %dma_start3A_1005 = tpu.memref_slice %arg3[%add3A_1004] : memref<307200xi32, #tpu.memory_space<hbm>> -> memref<640xi32, #tpu.memory_space<hbm>>
    %dma_start3A_1006 = tpu.memref_slice %arg3[%add3A_1004] : memref<307200xi32, #tpu.memory_space<hbm>> -> memref<640xi32, #tpu.memory_space<hbm>>
    tpu.enqueue_dma source(%dma_start3A_1006 : memref<640xi32, #tpu.memory_space<hbm>>) target(%arg5 : memref<640xi32, #tpu.memory_space<vmem>>) target_semaphore(%arg17 : memref<!tpu.dma_semaphore, #tpu.memory_space<semaphore_mem>>)
    %dma_start3A_1007 = arith.constant 0 : i32
    %dma_start3A_1008 = arith.constant 0 : i32
    %dma_start3A_1009 = tpu.memref_slice %arg10[%dma_start3A_1007, %dma_start3A_1008] : memref<640x64xf32, #tpu.memory_space<vmem>> -> memref<128x64xf32, #tpu.memory_space<vmem>>
    %dma_start3A_1010 = arith.constant 0 : i32
    %dma_start3A_1011 = tpu.memref_slice %arg7[%dma_start3A_1010] : memref<640xi32, #tpu.memory_space<vmem>> -> memref<128xi32, #tpu.memory_space<vmem>>
    %dma_start3A_1012 = arith.constant 0 : i32
    %dma_start3A_1013 = arith.constant 0 : i32
    %dma_start3A_1014 = tpu.memref_slice %arg2[%dma_start3A_1012, %dma_start3A_1013] : memref<100000x64xf32, #tpu.memory_space<hbm>> -> memref<100000x64xf32, #tpu.memory_space<hbm>>
    tpu.enqueue_indirect_dma source(%dma_start3A_1014 : memref<100000x64xf32, #tpu.memory_space<hbm>>) target(%dma_start3A_1009 : memref<128x64xf32, #tpu.memory_space<vmem>>) offsets(%dma_start3A_1011 : memref<128xi32, #tpu.memory_space<vmem>>) semaphore(%arg13 : memref<!tpu.dma_semaphore, #tpu.memory_space<semaphore_mem>>)
    %dma_start3A_1015 = arith.constant 128 : i32
    %dma_start3A_1016 = arith.constant 0 : i32
    %dma_start3A_1017 = tpu.memref_slice %arg10[%dma_start3A_1015, %dma_start3A_1016] : memref<640x64xf32, #tpu.memory_space<vmem>> -> memref<128x64xf32, #tpu.memory_space<vmem>>
    %dma_start3A_1018 = arith.constant 128 : i32
    %dma_start3A_1019 = tpu.memref_slice %arg7[%dma_start3A_1018] : memref<640xi32, #tpu.memory_space<vmem>> -> memref<128xi32, #tpu.memory_space<vmem>>
    %dma_start3A_1020 = arith.constant 0 : i32
    %dma_start3A_1021 = arith.constant 0 : i32
    %dma_start3A_1022 = tpu.memref_slice %arg2[%dma_start3A_1020, %dma_start3A_1021] : memref<100000x64xf32, #tpu.memory_space<hbm>> -> memref<100000x64xf32, #tpu.memory_space<hbm>>
    tpu.enqueue_indirect_dma source(%dma_start3A_1022 : memref<100000x64xf32, #tpu.memory_space<hbm>>) target(%dma_start3A_1017 : memref<128x64xf32, #tpu.memory_space<vmem>>) offsets(%dma_start3A_1019 : memref<128xi32, #tpu.memory_space<vmem>>) semaphore(%arg13 : memref<!tpu.dma_semaphore, #tpu.memory_space<semaphore_mem>>)
    %dma_start3A_1023 = arith.constant 256 : i32
    %dma_start3A_1024 = arith.constant 0 : i32
    %dma_start3A_1025 = tpu.memref_slice %arg10[%dma_start3A_1023, %dma_start3A_1024] : memref<640x64xf32, #tpu.memory_space<vmem>> -> memref<128x64xf32, #tpu.memory_space<vmem>>
    %dma_start3A_1026 = arith.constant 256 : i32
    %dma_start3A_1027 = tpu.memref_slice %arg7[%dma_start3A_1026] : memref<640xi32, #tpu.memory_space<vmem>> -> memref<128xi32, #tpu.memory_space<vmem>>
    %dma_start3A_1028 = arith.constant 0 : i32
    %dma_start3A_1029 = arith.constant 0 : i32
    %dma_start3A_1030 = tpu.memref_slice %arg2[%dma_start3A_1028, %dma_start3A_1029] : memref<100000x64xf32, #tpu.memory_space<hbm>> -> memref<100000x64xf32, #tpu.memory_space<hbm>>
    tpu.enqueue_indirect_dma source(%dma_start3A_1030 : memref<100000x64xf32, #tpu.memory_space<hbm>>) target(%dma_start3A_1025 : memref<128x64xf32, #tpu.memory_space<vmem>>) offsets(%dma_start3A_1027 : memref<128xi32, #tpu.memory_space<vmem>>) semaphore(%arg13 : memref<!tpu.dma_semaphore, #tpu.memory_space<semaphore_mem>>)
    %dma_start3A_1031 = arith.constant 384 : i32
    %dma_start3A_1032 = arith.constant 0 : i32
    %dma_start3A_1033 = tpu.memref_slice %arg10[%dma_start3A_1031, %dma_start3A_1032] : memref<640x64xf32, #tpu.memory_space<vmem>> -> memref<128x64xf32, #tpu.memory_space<vmem>>
    %dma_start3A_1034 = arith.constant 384 : i32
    %dma_start3A_1035 = tpu.memref_slice %arg7[%dma_start3A_1034] : memref<640xi32, #tpu.memory_space<vmem>> -> memref<128xi32, #tpu.memory_space<vmem>>
    %dma_start3A_1036 = arith.constant 0 : i32
    %dma_start3A_1037 = arith.constant 0 : i32
    %dma_start3A_1038 = tpu.memref_slice %arg2[%dma_start3A_1036, %dma_start3A_1037] : memref<100000x64xf32, #tpu.memory_space<hbm>> -> memref<100000x64xf32, #tpu.memory_space<hbm>>
    tpu.enqueue_indirect_dma source(%dma_start3A_1038 : memref<100000x64xf32, #tpu.memory_space<hbm>>) target(%dma_start3A_1033 : memref<128x64xf32, #tpu.memory_space<vmem>>) offsets(%dma_start3A_1035 : memref<128xi32, #tpu.memory_space<vmem>>) semaphore(%arg13 : memref<!tpu.dma_semaphore, #tpu.memory_space<semaphore_mem>>)
    %dma_start3A_1039 = arith.constant 512 : i32
    %dma_start3A_1040 = arith.constant 0 : i32
    %dma_start3A_1041 = tpu.memref_slice %arg10[%dma_start3A_1039, %dma_start3A_1040] : memref<640x64xf32, #tpu.memory_space<vmem>> -> memref<128x64xf32, #tpu.memory_space<vmem>>
    %dma_start3A_1042 = arith.constant 512 : i32
    %dma_start3A_1043 = tpu.memref_slice %arg7[%dma_start3A_1042] : memref<640xi32, #tpu.memory_space<vmem>> -> memref<128xi32, #tpu.memory_space<vmem>>
    %dma_start3A_1044 = arith.constant 0 : i32
    %dma_start3A_1045 = arith.constant 0 : i32
    %dma_start3A_1046 = tpu.memref_slice %arg2[%dma_start3A_1044, %dma_start3A_1045] : memref<100000x64xf32, #tpu.memory_space<hbm>> -> memref<100000x64xf32, #tpu.memory_space<hbm>>
    tpu.enqueue_indirect_dma source(%dma_start3A_1046 : memref<100000x64xf32, #tpu.memory_space<hbm>>) target(%dma_start3A_1041 : memref<128x64xf32, #tpu.memory_space<vmem>>) offsets(%dma_start3A_1043 : memref<128xi32, #tpu.memory_space<vmem>>) semaphore(%arg13 : memref<!tpu.dma_semaphore, #tpu.memory_space<semaphore_mem>>)
    %dma_wait3A_1047 = arith.constant 0 : i32
    %dma_wait3A_1048 = arith.constant 0 : i32
    %dma_wait3A_1049 = tpu.memref_slice %arg9[%dma_wait3A_1047, %dma_wait3A_1048] : memref<640x64xf32, #tpu.memory_space<vmem>> -> memref<128x64xf32, #tpu.memory_space<vmem>>
    %dma_wait3A_1050 = arith.constant 0 : i32
    %dma_wait3A_1051 = tpu.memref_slice %arg6[%dma_wait3A_1050] : memref<640xi32, #tpu.memory_space<vmem>> -> memref<128xi32, #tpu.memory_space<vmem>>
    %dma_wait3A_1052 = arith.constant 0 : i32
    %dma_wait3A_1053 = arith.constant 0 : i32
    %dma_wait3A_1054 = tpu.memref_slice %arg2[%dma_wait3A_1052, %dma_wait3A_1053] : memref<100000x64xf32, #tpu.memory_space<hbm>> -> memref<100000x64xf32, #tpu.memory_space<hbm>>
    tpu.wait_indirect_dma semaphore(%arg12 : memref<!tpu.dma_semaphore, #tpu.memory_space<semaphore_mem>>) src(%dma_wait3A_1054 : memref<100000x64xf32, #tpu.memory_space<hbm>>) dst(%dma_wait3A_1049 : memref<128x64xf32, #tpu.memory_space<vmem>>)
    %dma_wait3A_1055 = arith.constant 128 : i32
    %dma_wait3A_1056 = arith.constant 0 : i32
    %dma_wait3A_1057 = tpu.memref_slice %arg9[%dma_wait3A_1055, %dma_wait3A_1056] : memref<640x64xf32, #tpu.memory_space<vmem>> -> memref<128x64xf32, #tpu.memory_space<vmem>>
    %dma_wait3A_1058 = arith.constant 128 : i32
    %dma_wait3A_1059 = tpu.memref_slice %arg6[%dma_wait3A_1058] : memref<640xi32, #tpu.memory_space<vmem>> -> memref<128xi32, #tpu.memory_space<vmem>>
    %dma_wait3A_1060 = arith.constant 0 : i32
    %dma_wait3A_1061 = arith.constant 0 : i32
    %dma_wait3A_1062 = tpu.memref_slice %arg2[%dma_wait3A_1060, %dma_wait3A_1061] : memref<100000x64xf32, #tpu.memory_space<hbm>> -> memref<100000x64xf32, #tpu.memory_space<hbm>>
    tpu.wait_indirect_dma semaphore(%arg12 : memref<!tpu.dma_semaphore, #tpu.memory_space<semaphore_mem>>) src(%dma_wait3A_1062 : memref<100000x64xf32, #tpu.memory_space<hbm>>) dst(%dma_wait3A_1057 : memref<128x64xf32, #tpu.memory_space<vmem>>)
    %dma_wait3A_1063 = arith.constant 256 : i32
    %dma_wait3A_1064 = arith.constant 0 : i32
    %dma_wait3A_1065 = tpu.memref_slice %arg9[%dma_wait3A_1063, %dma_wait3A_1064] : memref<640x64xf32, #tpu.memory_space<vmem>> -> memref<128x64xf32, #tpu.memory_space<vmem>>
    %dma_wait3A_1066 = arith.constant 256 : i32
    %dma_wait3A_1067 = tpu.memref_slice %arg6[%dma_wait3A_1066] : memref<640xi32, #tpu.memory_space<vmem>> -> memref<128xi32, #tpu.memory_space<vmem>>
    %dma_wait3A_1068 = arith.constant 0 : i32
    %dma_wait3A_1069 = arith.constant 0 : i32
    %dma_wait3A_1070 = tpu.memref_slice %arg2[%dma_wait3A_1068, %dma_wait3A_1069] : memref<100000x64xf32, #tpu.memory_space<hbm>> -> memref<100000x64xf32, #tpu.memory_space<hbm>>
    tpu.wait_indirect_dma semaphore(%arg12 : memref<!tpu.dma_semaphore, #tpu.memory_space<semaphore_mem>>) src(%dma_wait3A_1070 : memref<100000x64xf32, #tpu.memory_space<hbm>>) dst(%dma_wait3A_1065 : memref<128x64xf32, #tpu.memory_space<vmem>>)
    %dma_wait3A_1071 = arith.constant 384 : i32
    %dma_wait3A_1072 = arith.constant 0 : i32
    %dma_wait3A_1073 = tpu.memref_slice %arg9[%dma_wait3A_1071, %dma_wait3A_1072] : memref<640x64xf32, #tpu.memory_space<vmem>> -> memref<128x64xf32, #tpu.memory_space<vmem>>
    %dma_wait3A_1074 = arith.constant 384 : i32
    %dma_wait3A_1075 = tpu.memref_slice %arg6[%dma_wait3A_1074] : memref<640xi32, #tpu.memory_space<vmem>> -> memref<128xi32, #tpu.memory_space<vmem>>
    %dma_wait3A_1076 = arith.constant 0 : i32
    %dma_wait3A_1077 = arith.constant 0 : i32
    %dma_wait3A_1078 = tpu.memref_slice %arg2[%dma_wait3A_1076, %dma_wait3A_1077] : memref<100000x64xf32, #tpu.memory_space<hbm>> -> memref<100000x64xf32, #tpu.memory_space<hbm>>
    tpu.wait_indirect_dma semaphore(%arg12 : memref<!tpu.dma_semaphore, #tpu.memory_space<semaphore_mem>>) src(%dma_wait3A_1078 : memref<100000x64xf32, #tpu.memory_space<hbm>>) dst(%dma_wait3A_1073 : memref<128x64xf32, #tpu.memory_space<vmem>>)
    %dma_wait3A_1079 = arith.constant 512 : i32
    %dma_wait3A_1080 = arith.constant 0 : i32
    %dma_wait3A_1081 = tpu.memref_slice %arg9[%dma_wait3A_1079, %dma_wait3A_1080] : memref<640x64xf32, #tpu.memory_space<vmem>> -> memref<128x64xf32, #tpu.memory_space<vmem>>
    %dma_wait3A_1082 = arith.constant 512 : i32
    %dma_wait3A_1083 = tpu.memref_slice %arg6[%dma_wait3A_1082] : memref<640xi32, #tpu.memory_space<vmem>> -> memref<128xi32, #tpu.memory_space<vmem>>
    %dma_wait3A_1084 = arith.constant 0 : i32
    %dma_wait3A_1085 = arith.constant 0 : i32
    %dma_wait3A_1086 = tpu.memref_slice %arg2[%dma_wait3A_1084, %dma_wait3A_1085] : memref<100000x64xf32, #tpu.memory_space<hbm>> -> memref<100000x64xf32, #tpu.memory_space<hbm>>
    tpu.wait_indirect_dma semaphore(%arg12 : memref<!tpu.dma_semaphore, #tpu.memory_space<semaphore_mem>>) src(%dma_wait3A_1086 : memref<100000x64xf32, #tpu.memory_space<hbm>>) dst(%dma_wait3A_1081 : memref<128x64xf32, #tpu.memory_space<vmem>>)
    %add3A_1087 = arith.constant 6400 : i32
    %add3A_1088 = arith.addi %mul3A_2, %add3A_1087 : i32
    %dma_start3A_1089 = arith.constant 0 : i32
    %dma_start3A_1090 = tpu.memref_slice %arg4[%add3A_1088, %dma_start3A_1089] : memref<307200x64xf32, #tpu.memory_space<hbm>> -> memref<640x64xf32, #tpu.memory_space<hbm>>
    %dma_start3A_1091 = arith.constant 0 : i32
    %dma_start3A_1092 = tpu.memref_slice %arg4[%add3A_1088, %dma_start3A_1091] : memref<307200x64xf32, #tpu.memory_space<hbm>> -> memref<640x64xf32, #tpu.memory_space<hbm>>
    tpu.enqueue_dma source(%arg9 : memref<640x64xf32, #tpu.memory_space<vmem>>) target(%dma_start3A_1092 : memref<640x64xf32, #tpu.memory_space<hbm>>) target_semaphore(%arg15 : memref<!tpu.dma_semaphore, #tpu.memory_space<semaphore_mem>>)
    %dma_wait3A_1093 = arith.constant 0 : i32
    %dma_wait3A_1094 = tpu.memref_slice %arg4[%add3A_992, %dma_wait3A_1093] : memref<307200x64xf32, #tpu.memory_space<hbm>> -> memref<640x64xf32, #tpu.memory_space<hbm>>
    %dma_wait3A_1095 = arith.constant 0 : i32
    %dma_wait3A_1096 = tpu.memref_slice %arg4[%add3A_992, %dma_wait3A_1095] : memref<307200x64xf32, #tpu.memory_space<hbm>> -> memref<640x64xf32, #tpu.memory_space<hbm>>
    tpu.wait_dma2 semaphore(%arg14 : memref<!tpu.dma_semaphore, #tpu.memory_space<semaphore_mem>>) src(%arg8 : memref<640x64xf32, #tpu.memory_space<vmem>>) dst(%dma_wait3A_1096 : memref<640x64xf32, #tpu.memory_space<hbm>>)
    %dma_wait3A_1097 = tpu.memref_slice %arg3[%add3A_1004] : memref<307200xi32, #tpu.memory_space<hbm>> -> memref<640xi32, #tpu.memory_space<hbm>>
    %dma_wait3A_1098 = tpu.memref_slice %arg3[%add3A_1004] : memref<307200xi32, #tpu.memory_space<hbm>> -> memref<640xi32, #tpu.memory_space<hbm>>
    tpu.wait_dma2 semaphore(%arg17 : memref<!tpu.dma_semaphore, #tpu.memory_space<semaphore_mem>>) src(%dma_wait3A_1098 : memref<640xi32, #tpu.memory_space<hbm>>) dst(%arg5 : memref<640xi32, #tpu.memory_space<vmem>>)
    %add3A_1099 = arith.constant 8320 : i32
    %add3A_1100 = arith.addi %mul3A_2, %add3A_1099 : i32
    %dma_start3A_1101 = tpu.memref_slice %arg3[%add3A_1100] : memref<307200xi32, #tpu.memory_space<hbm>> -> memref<640xi32, #tpu.memory_space<hbm>>
    %dma_start3A_1102 = tpu.memref_slice %arg3[%add3A_1100] : memref<307200xi32, #tpu.memory_space<hbm>> -> memref<640xi32, #tpu.memory_space<hbm>>
    tpu.enqueue_dma source(%dma_start3A_1102 : memref<640xi32, #tpu.memory_space<hbm>>) target(%arg6 : memref<640xi32, #tpu.memory_space<vmem>>) target_semaphore(%arg18 : memref<!tpu.dma_semaphore, #tpu.memory_space<semaphore_mem>>)
    %dma_start3A_1103 = arith.constant 0 : i32
    %dma_start3A_1104 = arith.constant 0 : i32
    %dma_start3A_1105 = tpu.memref_slice %arg8[%dma_start3A_1103, %dma_start3A_1104] : memref<640x64xf32, #tpu.memory_space<vmem>> -> memref<128x64xf32, #tpu.memory_space<vmem>>
    %dma_start3A_1106 = arith.constant 0 : i32
    %dma_start3A_1107 = tpu.memref_slice %arg5[%dma_start3A_1106] : memref<640xi32, #tpu.memory_space<vmem>> -> memref<128xi32, #tpu.memory_space<vmem>>
    %dma_start3A_1108 = arith.constant 0 : i32
    %dma_start3A_1109 = arith.constant 0 : i32
    %dma_start3A_1110 = tpu.memref_slice %arg2[%dma_start3A_1108, %dma_start3A_1109] : memref<100000x64xf32, #tpu.memory_space<hbm>> -> memref<100000x64xf32, #tpu.memory_space<hbm>>
    tpu.enqueue_indirect_dma source(%dma_start3A_1110 : memref<100000x64xf32, #tpu.memory_space<hbm>>) target(%dma_start3A_1105 : memref<128x64xf32, #tpu.memory_space<vmem>>) offsets(%dma_start3A_1107 : memref<128xi32, #tpu.memory_space<vmem>>) semaphore(%arg11 : memref<!tpu.dma_semaphore, #tpu.memory_space<semaphore_mem>>)
    %dma_start3A_1111 = arith.constant 128 : i32
    %dma_start3A_1112 = arith.constant 0 : i32
    %dma_start3A_1113 = tpu.memref_slice %arg8[%dma_start3A_1111, %dma_start3A_1112] : memref<640x64xf32, #tpu.memory_space<vmem>> -> memref<128x64xf32, #tpu.memory_space<vmem>>
    %dma_start3A_1114 = arith.constant 128 : i32
    %dma_start3A_1115 = tpu.memref_slice %arg5[%dma_start3A_1114] : memref<640xi32, #tpu.memory_space<vmem>> -> memref<128xi32, #tpu.memory_space<vmem>>
    %dma_start3A_1116 = arith.constant 0 : i32
    %dma_start3A_1117 = arith.constant 0 : i32
    %dma_start3A_1118 = tpu.memref_slice %arg2[%dma_start3A_1116, %dma_start3A_1117] : memref<100000x64xf32, #tpu.memory_space<hbm>> -> memref<100000x64xf32, #tpu.memory_space<hbm>>
    tpu.enqueue_indirect_dma source(%dma_start3A_1118 : memref<100000x64xf32, #tpu.memory_space<hbm>>) target(%dma_start3A_1113 : memref<128x64xf32, #tpu.memory_space<vmem>>) offsets(%dma_start3A_1115 : memref<128xi32, #tpu.memory_space<vmem>>) semaphore(%arg11 : memref<!tpu.dma_semaphore, #tpu.memory_space<semaphore_mem>>)
    %dma_start3A_1119 = arith.constant 256 : i32
    %dma_start3A_1120 = arith.constant 0 : i32
    %dma_start3A_1121 = tpu.memref_slice %arg8[%dma_start3A_1119, %dma_start3A_1120] : memref<640x64xf32, #tpu.memory_space<vmem>> -> memref<128x64xf32, #tpu.memory_space<vmem>>
    %dma_start3A_1122 = arith.constant 256 : i32
    %dma_start3A_1123 = tpu.memref_slice %arg5[%dma_start3A_1122] : memref<640xi32, #tpu.memory_space<vmem>> -> memref<128xi32, #tpu.memory_space<vmem>>
    %dma_start3A_1124 = arith.constant 0 : i32
    %dma_start3A_1125 = arith.constant 0 : i32
    %dma_start3A_1126 = tpu.memref_slice %arg2[%dma_start3A_1124, %dma_start3A_1125] : memref<100000x64xf32, #tpu.memory_space<hbm>> -> memref<100000x64xf32, #tpu.memory_space<hbm>>
    tpu.enqueue_indirect_dma source(%dma_start3A_1126 : memref<100000x64xf32, #tpu.memory_space<hbm>>) target(%dma_start3A_1121 : memref<128x64xf32, #tpu.memory_space<vmem>>) offsets(%dma_start3A_1123 : memref<128xi32, #tpu.memory_space<vmem>>) semaphore(%arg11 : memref<!tpu.dma_semaphore, #tpu.memory_space<semaphore_mem>>)
    %dma_start3A_1127 = arith.constant 384 : i32
    %dma_start3A_1128 = arith.constant 0 : i32
    %dma_start3A_1129 = tpu.memref_slice %arg8[%dma_start3A_1127, %dma_start3A_1128] : memref<640x64xf32, #tpu.memory_space<vmem>> -> memref<128x64xf32, #tpu.memory_space<vmem>>
    %dma_start3A_1130 = arith.constant 384 : i32
    %dma_start3A_1131 = tpu.memref_slice %arg5[%dma_start3A_1130] : memref<640xi32, #tpu.memory_space<vmem>> -> memref<128xi32, #tpu.memory_space<vmem>>
    %dma_start3A_1132 = arith.constant 0 : i32
    %dma_start3A_1133 = arith.constant 0 : i32
    %dma_start3A_1134 = tpu.memref_slice %arg2[%dma_start3A_1132, %dma_start3A_1133] : memref<100000x64xf32, #tpu.memory_space<hbm>> -> memref<100000x64xf32, #tpu.memory_space<hbm>>
    tpu.enqueue_indirect_dma source(%dma_start3A_1134 : memref<100000x64xf32, #tpu.memory_space<hbm>>) target(%dma_start3A_1129 : memref<128x64xf32, #tpu.memory_space<vmem>>) offsets(%dma_start3A_1131 : memref<128xi32, #tpu.memory_space<vmem>>) semaphore(%arg11 : memref<!tpu.dma_semaphore, #tpu.memory_space<semaphore_mem>>)
    %dma_start3A_1135 = arith.constant 512 : i32
    %dma_start3A_1136 = arith.constant 0 : i32
    %dma_start3A_1137 = tpu.memref_slice %arg8[%dma_start3A_1135, %dma_start3A_1136] : memref<640x64xf32, #tpu.memory_space<vmem>> -> memref<128x64xf32, #tpu.memory_space<vmem>>
    %dma_start3A_1138 = arith.constant 512 : i32
    %dma_start3A_1139 = tpu.memref_slice %arg5[%dma_start3A_1138] : memref<640xi32, #tpu.memory_space<vmem>> -> memref<128xi32, #tpu.memory_space<vmem>>
    %dma_start3A_1140 = arith.constant 0 : i32
    %dma_start3A_1141 = arith.constant 0 : i32
    %dma_start3A_1142 = tpu.memref_slice %arg2[%dma_start3A_1140, %dma_start3A_1141] : memref<100000x64xf32, #tpu.memory_space<hbm>> -> memref<100000x64xf32, #tpu.memory_space<hbm>>
    tpu.enqueue_indirect_dma source(%dma_start3A_1142 : memref<100000x64xf32, #tpu.memory_space<hbm>>) target(%dma_start3A_1137 : memref<128x64xf32, #tpu.memory_space<vmem>>) offsets(%dma_start3A_1139 : memref<128xi32, #tpu.memory_space<vmem>>) semaphore(%arg11 : memref<!tpu.dma_semaphore, #tpu.memory_space<semaphore_mem>>)
    %dma_wait3A_1143 = arith.constant 0 : i32
    %dma_wait3A_1144 = arith.constant 0 : i32
    %dma_wait3A_1145 = tpu.memref_slice %arg10[%dma_wait3A_1143, %dma_wait3A_1144] : memref<640x64xf32, #tpu.memory_space<vmem>> -> memref<128x64xf32, #tpu.memory_space<vmem>>
    %dma_wait3A_1146 = arith.constant 0 : i32
    %dma_wait3A_1147 = tpu.memref_slice %arg7[%dma_wait3A_1146] : memref<640xi32, #tpu.memory_space<vmem>> -> memref<128xi32, #tpu.memory_space<vmem>>
    %dma_wait3A_1148 = arith.constant 0 : i32
    %dma_wait3A_1149 = arith.constant 0 : i32
    %dma_wait3A_1150 = tpu.memref_slice %arg2[%dma_wait3A_1148, %dma_wait3A_1149] : memref<100000x64xf32, #tpu.memory_space<hbm>> -> memref<100000x64xf32, #tpu.memory_space<hbm>>
    tpu.wait_indirect_dma semaphore(%arg13 : memref<!tpu.dma_semaphore, #tpu.memory_space<semaphore_mem>>) src(%dma_wait3A_1150 : memref<100000x64xf32, #tpu.memory_space<hbm>>) dst(%dma_wait3A_1145 : memref<128x64xf32, #tpu.memory_space<vmem>>)
    %dma_wait3A_1151 = arith.constant 128 : i32
    %dma_wait3A_1152 = arith.constant 0 : i32
    %dma_wait3A_1153 = tpu.memref_slice %arg10[%dma_wait3A_1151, %dma_wait3A_1152] : memref<640x64xf32, #tpu.memory_space<vmem>> -> memref<128x64xf32, #tpu.memory_space<vmem>>
    %dma_wait3A_1154 = arith.constant 128 : i32
    %dma_wait3A_1155 = tpu.memref_slice %arg7[%dma_wait3A_1154] : memref<640xi32, #tpu.memory_space<vmem>> -> memref<128xi32, #tpu.memory_space<vmem>>
    %dma_wait3A_1156 = arith.constant 0 : i32
    %dma_wait3A_1157 = arith.constant 0 : i32
    %dma_wait3A_1158 = tpu.memref_slice %arg2[%dma_wait3A_1156, %dma_wait3A_1157] : memref<100000x64xf32, #tpu.memory_space<hbm>> -> memref<100000x64xf32, #tpu.memory_space<hbm>>
    tpu.wait_indirect_dma semaphore(%arg13 : memref<!tpu.dma_semaphore, #tpu.memory_space<semaphore_mem>>) src(%dma_wait3A_1158 : memref<100000x64xf32, #tpu.memory_space<hbm>>) dst(%dma_wait3A_1153 : memref<128x64xf32, #tpu.memory_space<vmem>>)
    %dma_wait3A_1159 = arith.constant 256 : i32
    %dma_wait3A_1160 = arith.constant 0 : i32
    %dma_wait3A_1161 = tpu.memref_slice %arg10[%dma_wait3A_1159, %dma_wait3A_1160] : memref<640x64xf32, #tpu.memory_space<vmem>> -> memref<128x64xf32, #tpu.memory_space<vmem>>
    %dma_wait3A_1162 = arith.constant 256 : i32
    %dma_wait3A_1163 = tpu.memref_slice %arg7[%dma_wait3A_1162] : memref<640xi32, #tpu.memory_space<vmem>> -> memref<128xi32, #tpu.memory_space<vmem>>
    %dma_wait3A_1164 = arith.constant 0 : i32
    %dma_wait3A_1165 = arith.constant 0 : i32
    %dma_wait3A_1166 = tpu.memref_slice %arg2[%dma_wait3A_1164, %dma_wait3A_1165] : memref<100000x64xf32, #tpu.memory_space<hbm>> -> memref<100000x64xf32, #tpu.memory_space<hbm>>
    tpu.wait_indirect_dma semaphore(%arg13 : memref<!tpu.dma_semaphore, #tpu.memory_space<semaphore_mem>>) src(%dma_wait3A_1166 : memref<100000x64xf32, #tpu.memory_space<hbm>>) dst(%dma_wait3A_1161 : memref<128x64xf32, #tpu.memory_space<vmem>>)
    %dma_wait3A_1167 = arith.constant 384 : i32
    %dma_wait3A_1168 = arith.constant 0 : i32
    %dma_wait3A_1169 = tpu.memref_slice %arg10[%dma_wait3A_1167, %dma_wait3A_1168] : memref<640x64xf32, #tpu.memory_space<vmem>> -> memref<128x64xf32, #tpu.memory_space<vmem>>
    %dma_wait3A_1170 = arith.constant 384 : i32
    %dma_wait3A_1171 = tpu.memref_slice %arg7[%dma_wait3A_1170] : memref<640xi32, #tpu.memory_space<vmem>> -> memref<128xi32, #tpu.memory_space<vmem>>
    %dma_wait3A_1172 = arith.constant 0 : i32
    %dma_wait3A_1173 = arith.constant 0 : i32
    %dma_wait3A_1174 = tpu.memref_slice %arg2[%dma_wait3A_1172, %dma_wait3A_1173] : memref<100000x64xf32, #tpu.memory_space<hbm>> -> memref<100000x64xf32, #tpu.memory_space<hbm>>
    tpu.wait_indirect_dma semaphore(%arg13 : memref<!tpu.dma_semaphore, #tpu.memory_space<semaphore_mem>>) src(%dma_wait3A_1174 : memref<100000x64xf32, #tpu.memory_space<hbm>>) dst(%dma_wait3A_1169 : memref<128x64xf32, #tpu.memory_space<vmem>>)
    %dma_wait3A_1175 = arith.constant 512 : i32
    %dma_wait3A_1176 = arith.constant 0 : i32
    %dma_wait3A_1177 = tpu.memref_slice %arg10[%dma_wait3A_1175, %dma_wait3A_1176] : memref<640x64xf32, #tpu.memory_space<vmem>> -> memref<128x64xf32, #tpu.memory_space<vmem>>
    %dma_wait3A_1178 = arith.constant 512 : i32
    %dma_wait3A_1179 = tpu.memref_slice %arg7[%dma_wait3A_1178] : memref<640xi32, #tpu.memory_space<vmem>> -> memref<128xi32, #tpu.memory_space<vmem>>
    %dma_wait3A_1180 = arith.constant 0 : i32
    %dma_wait3A_1181 = arith.constant 0 : i32
    %dma_wait3A_1182 = tpu.memref_slice %arg2[%dma_wait3A_1180, %dma_wait3A_1181] : memref<100000x64xf32, #tpu.memory_space<hbm>> -> memref<100000x64xf32, #tpu.memory_space<hbm>>
    tpu.wait_indirect_dma semaphore(%arg13 : memref<!tpu.dma_semaphore, #tpu.memory_space<semaphore_mem>>) src(%dma_wait3A_1182 : memref<100000x64xf32, #tpu.memory_space<hbm>>) dst(%dma_wait3A_1177 : memref<128x64xf32, #tpu.memory_space<vmem>>)
    %add3A_1183 = arith.constant 7040 : i32
    %add3A_1184 = arith.addi %mul3A_2, %add3A_1183 : i32
    %dma_start3A_1185 = arith.constant 0 : i32
    %dma_start3A_1186 = tpu.memref_slice %arg4[%add3A_1184, %dma_start3A_1185] : memref<307200x64xf32, #tpu.memory_space<hbm>> -> memref<640x64xf32, #tpu.memory_space<hbm>>
    %dma_start3A_1187 = arith.constant 0 : i32
    %dma_start3A_1188 = tpu.memref_slice %arg4[%add3A_1184, %dma_start3A_1187] : memref<307200x64xf32, #tpu.memory_space<hbm>> -> memref<640x64xf32, #tpu.memory_space<hbm>>
    tpu.enqueue_dma source(%arg10 : memref<640x64xf32, #tpu.memory_space<vmem>>) target(%dma_start3A_1188 : memref<640x64xf32, #tpu.memory_space<hbm>>) target_semaphore(%arg16 : memref<!tpu.dma_semaphore, #tpu.memory_space<semaphore_mem>>)
    %dma_wait3A_1189 = arith.constant 0 : i32
    %dma_wait3A_1190 = tpu.memref_slice %arg4[%add3A_1088, %dma_wait3A_1189] : memref<307200x64xf32, #tpu.memory_space<hbm>> -> memref<640x64xf32, #tpu.memory_space<hbm>>
    %dma_wait3A_1191 = arith.constant 0 : i32
    %dma_wait3A_1192 = tpu.memref_slice %arg4[%add3A_1088, %dma_wait3A_1191] : memref<307200x64xf32, #tpu.memory_space<hbm>> -> memref<640x64xf32, #tpu.memory_space<hbm>>
    tpu.wait_dma2 semaphore(%arg15 : memref<!tpu.dma_semaphore, #tpu.memory_space<semaphore_mem>>) src(%arg9 : memref<640x64xf32, #tpu.memory_space<vmem>>) dst(%dma_wait3A_1192 : memref<640x64xf32, #tpu.memory_space<hbm>>)
    %dma_wait3A_1193 = tpu.memref_slice %arg3[%add3A_1100] : memref<307200xi32, #tpu.memory_space<hbm>> -> memref<640xi32, #tpu.memory_space<hbm>>
    %dma_wait3A_1194 = tpu.memref_slice %arg3[%add3A_1100] : memref<307200xi32, #tpu.memory_space<hbm>> -> memref<640xi32, #tpu.memory_space<hbm>>
    tpu.wait_dma2 semaphore(%arg18 : memref<!tpu.dma_semaphore, #tpu.memory_space<semaphore_mem>>) src(%dma_wait3A_1194 : memref<640xi32, #tpu.memory_space<hbm>>) dst(%arg6 : memref<640xi32, #tpu.memory_space<vmem>>)
    %add3A_1195 = arith.constant 8960 : i32
    %add3A_1196 = arith.addi %mul3A_2, %add3A_1195 : i32
    %dma_start3A_1197 = tpu.memref_slice %arg3[%add3A_1196] : memref<307200xi32, #tpu.memory_space<hbm>> -> memref<640xi32, #tpu.memory_space<hbm>>
    %dma_start3A_1198 = tpu.memref_slice %arg3[%add3A_1196] : memref<307200xi32, #tpu.memory_space<hbm>> -> memref<640xi32, #tpu.memory_space<hbm>>
    tpu.enqueue_dma source(%dma_start3A_1198 : memref<640xi32, #tpu.memory_space<hbm>>) target(%arg7 : memref<640xi32, #tpu.memory_space<vmem>>) target_semaphore(%arg19 : memref<!tpu.dma_semaphore, #tpu.memory_space<semaphore_mem>>)
    %dma_start3A_1199 = arith.constant 0 : i32
    %dma_start3A_1200 = arith.constant 0 : i32
    %dma_start3A_1201 = tpu.memref_slice %arg9[%dma_start3A_1199, %dma_start3A_1200] : memref<640x64xf32, #tpu.memory_space<vmem>> -> memref<128x64xf32, #tpu.memory_space<vmem>>
    %dma_start3A_1202 = arith.constant 0 : i32
    %dma_start3A_1203 = tpu.memref_slice %arg6[%dma_start3A_1202] : memref<640xi32, #tpu.memory_space<vmem>> -> memref<128xi32, #tpu.memory_space<vmem>>
    %dma_start3A_1204 = arith.constant 0 : i32
    %dma_start3A_1205 = arith.constant 0 : i32
    %dma_start3A_1206 = tpu.memref_slice %arg2[%dma_start3A_1204, %dma_start3A_1205] : memref<100000x64xf32, #tpu.memory_space<hbm>> -> memref<100000x64xf32, #tpu.memory_space<hbm>>
    tpu.enqueue_indirect_dma source(%dma_start3A_1206 : memref<100000x64xf32, #tpu.memory_space<hbm>>) target(%dma_start3A_1201 : memref<128x64xf32, #tpu.memory_space<vmem>>) offsets(%dma_start3A_1203 : memref<128xi32, #tpu.memory_space<vmem>>) semaphore(%arg12 : memref<!tpu.dma_semaphore, #tpu.memory_space<semaphore_mem>>)
    %dma_start3A_1207 = arith.constant 128 : i32
    %dma_start3A_1208 = arith.constant 0 : i32
    %dma_start3A_1209 = tpu.memref_slice %arg9[%dma_start3A_1207, %dma_start3A_1208] : memref<640x64xf32, #tpu.memory_space<vmem>> -> memref<128x64xf32, #tpu.memory_space<vmem>>
    %dma_start3A_1210 = arith.constant 128 : i32
    %dma_start3A_1211 = tpu.memref_slice %arg6[%dma_start3A_1210] : memref<640xi32, #tpu.memory_space<vmem>> -> memref<128xi32, #tpu.memory_space<vmem>>
    %dma_start3A_1212 = arith.constant 0 : i32
    %dma_start3A_1213 = arith.constant 0 : i32
    %dma_start3A_1214 = tpu.memref_slice %arg2[%dma_start3A_1212, %dma_start3A_1213] : memref<100000x64xf32, #tpu.memory_space<hbm>> -> memref<100000x64xf32, #tpu.memory_space<hbm>>
    tpu.enqueue_indirect_dma source(%dma_start3A_1214 : memref<100000x64xf32, #tpu.memory_space<hbm>>) target(%dma_start3A_1209 : memref<128x64xf32, #tpu.memory_space<vmem>>) offsets(%dma_start3A_1211 : memref<128xi32, #tpu.memory_space<vmem>>) semaphore(%arg12 : memref<!tpu.dma_semaphore, #tpu.memory_space<semaphore_mem>>)
    %dma_start3A_1215 = arith.constant 256 : i32
    %dma_start3A_1216 = arith.constant 0 : i32
    %dma_start3A_1217 = tpu.memref_slice %arg9[%dma_start3A_1215, %dma_start3A_1216] : memref<640x64xf32, #tpu.memory_space<vmem>> -> memref<128x64xf32, #tpu.memory_space<vmem>>
    %dma_start3A_1218 = arith.constant 256 : i32
    %dma_start3A_1219 = tpu.memref_slice %arg6[%dma_start3A_1218] : memref<640xi32, #tpu.memory_space<vmem>> -> memref<128xi32, #tpu.memory_space<vmem>>
    %dma_start3A_1220 = arith.constant 0 : i32
    %dma_start3A_1221 = arith.constant 0 : i32
    %dma_start3A_1222 = tpu.memref_slice %arg2[%dma_start3A_1220, %dma_start3A_1221] : memref<100000x64xf32, #tpu.memory_space<hbm>> -> memref<100000x64xf32, #tpu.memory_space<hbm>>
    tpu.enqueue_indirect_dma source(%dma_start3A_1222 : memref<100000x64xf32, #tpu.memory_space<hbm>>) target(%dma_start3A_1217 : memref<128x64xf32, #tpu.memory_space<vmem>>) offsets(%dma_start3A_1219 : memref<128xi32, #tpu.memory_space<vmem>>) semaphore(%arg12 : memref<!tpu.dma_semaphore, #tpu.memory_space<semaphore_mem>>)
    %dma_start3A_1223 = arith.constant 384 : i32
    %dma_start3A_1224 = arith.constant 0 : i32
    %dma_start3A_1225 = tpu.memref_slice %arg9[%dma_start3A_1223, %dma_start3A_1224] : memref<640x64xf32, #tpu.memory_space<vmem>> -> memref<128x64xf32, #tpu.memory_space<vmem>>
    %dma_start3A_1226 = arith.constant 384 : i32
    %dma_start3A_1227 = tpu.memref_slice %arg6[%dma_start3A_1226] : memref<640xi32, #tpu.memory_space<vmem>> -> memref<128xi32, #tpu.memory_space<vmem>>
    %dma_start3A_1228 = arith.constant 0 : i32
    %dma_start3A_1229 = arith.constant 0 : i32
    %dma_start3A_1230 = tpu.memref_slice %arg2[%dma_start3A_1228, %dma_start3A_1229] : memref<100000x64xf32, #tpu.memory_space<hbm>> -> memref<100000x64xf32, #tpu.memory_space<hbm>>
    tpu.enqueue_indirect_dma source(%dma_start3A_1230 : memref<100000x64xf32, #tpu.memory_space<hbm>>) target(%dma_start3A_1225 : memref<128x64xf32, #tpu.memory_space<vmem>>) offsets(%dma_start3A_1227 : memref<128xi32, #tpu.memory_space<vmem>>) semaphore(%arg12 : memref<!tpu.dma_semaphore, #tpu.memory_space<semaphore_mem>>)
    %dma_start3A_1231 = arith.constant 512 : i32
    %dma_start3A_1232 = arith.constant 0 : i32
    %dma_start3A_1233 = tpu.memref_slice %arg9[%dma_start3A_1231, %dma_start3A_1232] : memref<640x64xf32, #tpu.memory_space<vmem>> -> memref<128x64xf32, #tpu.memory_space<vmem>>
    %dma_start3A_1234 = arith.constant 512 : i32
    %dma_start3A_1235 = tpu.memref_slice %arg6[%dma_start3A_1234] : memref<640xi32, #tpu.memory_space<vmem>> -> memref<128xi32, #tpu.memory_space<vmem>>
    %dma_start3A_1236 = arith.constant 0 : i32
    %dma_start3A_1237 = arith.constant 0 : i32
    %dma_start3A_1238 = tpu.memref_slice %arg2[%dma_start3A_1236, %dma_start3A_1237] : memref<100000x64xf32, #tpu.memory_space<hbm>> -> memref<100000x64xf32, #tpu.memory_space<hbm>>
    tpu.enqueue_indirect_dma source(%dma_start3A_1238 : memref<100000x64xf32, #tpu.memory_space<hbm>>) target(%dma_start3A_1233 : memref<128x64xf32, #tpu.memory_space<vmem>>) offsets(%dma_start3A_1235 : memref<128xi32, #tpu.memory_space<vmem>>) semaphore(%arg12 : memref<!tpu.dma_semaphore, #tpu.memory_space<semaphore_mem>>)
    %dma_wait3A_1239 = arith.constant 0 : i32
    %dma_wait3A_1240 = arith.constant 0 : i32
    %dma_wait3A_1241 = tpu.memref_slice %arg8[%dma_wait3A_1239, %dma_wait3A_1240] : memref<640x64xf32, #tpu.memory_space<vmem>> -> memref<128x64xf32, #tpu.memory_space<vmem>>
    %dma_wait3A_1242 = arith.constant 0 : i32
    %dma_wait3A_1243 = tpu.memref_slice %arg5[%dma_wait3A_1242] : memref<640xi32, #tpu.memory_space<vmem>> -> memref<128xi32, #tpu.memory_space<vmem>>
    %dma_wait3A_1244 = arith.constant 0 : i32
    %dma_wait3A_1245 = arith.constant 0 : i32
    %dma_wait3A_1246 = tpu.memref_slice %arg2[%dma_wait3A_1244, %dma_wait3A_1245] : memref<100000x64xf32, #tpu.memory_space<hbm>> -> memref<100000x64xf32, #tpu.memory_space<hbm>>
    tpu.wait_indirect_dma semaphore(%arg11 : memref<!tpu.dma_semaphore, #tpu.memory_space<semaphore_mem>>) src(%dma_wait3A_1246 : memref<100000x64xf32, #tpu.memory_space<hbm>>) dst(%dma_wait3A_1241 : memref<128x64xf32, #tpu.memory_space<vmem>>)
    %dma_wait3A_1247 = arith.constant 128 : i32
    %dma_wait3A_1248 = arith.constant 0 : i32
    %dma_wait3A_1249 = tpu.memref_slice %arg8[%dma_wait3A_1247, %dma_wait3A_1248] : memref<640x64xf32, #tpu.memory_space<vmem>> -> memref<128x64xf32, #tpu.memory_space<vmem>>
    %dma_wait3A_1250 = arith.constant 128 : i32
    %dma_wait3A_1251 = tpu.memref_slice %arg5[%dma_wait3A_1250] : memref<640xi32, #tpu.memory_space<vmem>> -> memref<128xi32, #tpu.memory_space<vmem>>
    %dma_wait3A_1252 = arith.constant 0 : i32
    %dma_wait3A_1253 = arith.constant 0 : i32
    %dma_wait3A_1254 = tpu.memref_slice %arg2[%dma_wait3A_1252, %dma_wait3A_1253] : memref<100000x64xf32, #tpu.memory_space<hbm>> -> memref<100000x64xf32, #tpu.memory_space<hbm>>
    tpu.wait_indirect_dma semaphore(%arg11 : memref<!tpu.dma_semaphore, #tpu.memory_space<semaphore_mem>>) src(%dma_wait3A_1254 : memref<100000x64xf32, #tpu.memory_space<hbm>>) dst(%dma_wait3A_1249 : memref<128x64xf32, #tpu.memory_space<vmem>>)
    %dma_wait3A_1255 = arith.constant 256 : i32
    %dma_wait3A_1256 = arith.constant 0 : i32
    %dma_wait3A_1257 = tpu.memref_slice %arg8[%dma_wait3A_1255, %dma_wait3A_1256] : memref<640x64xf32, #tpu.memory_space<vmem>> -> memref<128x64xf32, #tpu.memory_space<vmem>>
    %dma_wait3A_1258 = arith.constant 256 : i32
    %dma_wait3A_1259 = tpu.memref_slice %arg5[%dma_wait3A_1258] : memref<640xi32, #tpu.memory_space<vmem>> -> memref<128xi32, #tpu.memory_space<vmem>>
    %dma_wait3A_1260 = arith.constant 0 : i32
    %dma_wait3A_1261 = arith.constant 0 : i32
    %dma_wait3A_1262 = tpu.memref_slice %arg2[%dma_wait3A_1260, %dma_wait3A_1261] : memref<100000x64xf32, #tpu.memory_space<hbm>> -> memref<100000x64xf32, #tpu.memory_space<hbm>>
    tpu.wait_indirect_dma semaphore(%arg11 : memref<!tpu.dma_semaphore, #tpu.memory_space<semaphore_mem>>) src(%dma_wait3A_1262 : memref<100000x64xf32, #tpu.memory_space<hbm>>) dst(%dma_wait3A_1257 : memref<128x64xf32, #tpu.memory_space<vmem>>)
    %dma_wait3A_1263 = arith.constant 384 : i32
    %dma_wait3A_1264 = arith.constant 0 : i32
    %dma_wait3A_1265 = tpu.memref_slice %arg8[%dma_wait3A_1263, %dma_wait3A_1264] : memref<640x64xf32, #tpu.memory_space<vmem>> -> memref<128x64xf32, #tpu.memory_space<vmem>>
    %dma_wait3A_1266 = arith.constant 384 : i32
    %dma_wait3A_1267 = tpu.memref_slice %arg5[%dma_wait3A_1266] : memref<640xi32, #tpu.memory_space<vmem>> -> memref<128xi32, #tpu.memory_space<vmem>>
    %dma_wait3A_1268 = arith.constant 0 : i32
    %dma_wait3A_1269 = arith.constant 0 : i32
    %dma_wait3A_1270 = tpu.memref_slice %arg2[%dma_wait3A_1268, %dma_wait3A_1269] : memref<100000x64xf32, #tpu.memory_space<hbm>> -> memref<100000x64xf32, #tpu.memory_space<hbm>>
    tpu.wait_indirect_dma semaphore(%arg11 : memref<!tpu.dma_semaphore, #tpu.memory_space<semaphore_mem>>) src(%dma_wait3A_1270 : memref<100000x64xf32, #tpu.memory_space<hbm>>) dst(%dma_wait3A_1265 : memref<128x64xf32, #tpu.memory_space<vmem>>)
    %dma_wait3A_1271 = arith.constant 512 : i32
    %dma_wait3A_1272 = arith.constant 0 : i32
    %dma_wait3A_1273 = tpu.memref_slice %arg8[%dma_wait3A_1271, %dma_wait3A_1272] : memref<640x64xf32, #tpu.memory_space<vmem>> -> memref<128x64xf32, #tpu.memory_space<vmem>>
    %dma_wait3A_1274 = arith.constant 512 : i32
    %dma_wait3A_1275 = tpu.memref_slice %arg5[%dma_wait3A_1274] : memref<640xi32, #tpu.memory_space<vmem>> -> memref<128xi32, #tpu.memory_space<vmem>>
    %dma_wait3A_1276 = arith.constant 0 : i32
    %dma_wait3A_1277 = arith.constant 0 : i32
    %dma_wait3A_1278 = tpu.memref_slice %arg2[%dma_wait3A_1276, %dma_wait3A_1277] : memref<100000x64xf32, #tpu.memory_space<hbm>> -> memref<100000x64xf32, #tpu.memory_space<hbm>>
    tpu.wait_indirect_dma semaphore(%arg11 : memref<!tpu.dma_semaphore, #tpu.memory_space<semaphore_mem>>) src(%dma_wait3A_1278 : memref<100000x64xf32, #tpu.memory_space<hbm>>) dst(%dma_wait3A_1273 : memref<128x64xf32, #tpu.memory_space<vmem>>)
    %add3A_1279 = arith.constant 7680 : i32
    %add3A_1280 = arith.addi %mul3A_2, %add3A_1279 : i32
    %dma_start3A_1281 = arith.constant 0 : i32
    %dma_start3A_1282 = tpu.memref_slice %arg4[%add3A_1280, %dma_start3A_1281] : memref<307200x64xf32, #tpu.memory_space<hbm>> -> memref<640x64xf32, #tpu.memory_space<hbm>>
    %dma_start3A_1283 = arith.constant 0 : i32
    %dma_start3A_1284 = tpu.memref_slice %arg4[%add3A_1280, %dma_start3A_1283] : memref<307200x64xf32, #tpu.memory_space<hbm>> -> memref<640x64xf32, #tpu.memory_space<hbm>>
    tpu.enqueue_dma source(%arg8 : memref<640x64xf32, #tpu.memory_space<vmem>>) target(%dma_start3A_1284 : memref<640x64xf32, #tpu.memory_space<hbm>>) target_semaphore(%arg14 : memref<!tpu.dma_semaphore, #tpu.memory_space<semaphore_mem>>)
    %dma_wait3A_1285 = arith.constant 0 : i32
    %dma_wait3A_1286 = tpu.memref_slice %arg4[%add3A_1184, %dma_wait3A_1285] : memref<307200x64xf32, #tpu.memory_space<hbm>> -> memref<640x64xf32, #tpu.memory_space<hbm>>
    %dma_wait3A_1287 = arith.constant 0 : i32
    %dma_wait3A_1288 = tpu.memref_slice %arg4[%add3A_1184, %dma_wait3A_1287] : memref<307200x64xf32, #tpu.memory_space<hbm>> -> memref<640x64xf32, #tpu.memory_space<hbm>>
    tpu.wait_dma2 semaphore(%arg16 : memref<!tpu.dma_semaphore, #tpu.memory_space<semaphore_mem>>) src(%arg10 : memref<640x64xf32, #tpu.memory_space<vmem>>) dst(%dma_wait3A_1288 : memref<640x64xf32, #tpu.memory_space<hbm>>)
    %dma_wait3A_1289 = tpu.memref_slice %arg3[%add3A_1196] : memref<307200xi32, #tpu.memory_space<hbm>> -> memref<640xi32, #tpu.memory_space<hbm>>
    %dma_wait3A_1290 = tpu.memref_slice %arg3[%add3A_1196] : memref<307200xi32, #tpu.memory_space<hbm>> -> memref<640xi32, #tpu.memory_space<hbm>>
    tpu.wait_dma2 semaphore(%arg19 : memref<!tpu.dma_semaphore, #tpu.memory_space<semaphore_mem>>) src(%dma_wait3A_1290 : memref<640xi32, #tpu.memory_space<hbm>>) dst(%arg7 : memref<640xi32, #tpu.memory_space<vmem>>)
    %dma_start3A_1291 = arith.constant 0 : i32
    %dma_start3A_1292 = arith.constant 0 : i32
    %dma_start3A_1293 = tpu.memref_slice %arg10[%dma_start3A_1291, %dma_start3A_1292] : memref<640x64xf32, #tpu.memory_space<vmem>> -> memref<128x64xf32, #tpu.memory_space<vmem>>
    %dma_start3A_1294 = arith.constant 0 : i32
    %dma_start3A_1295 = tpu.memref_slice %arg7[%dma_start3A_1294] : memref<640xi32, #tpu.memory_space<vmem>> -> memref<128xi32, #tpu.memory_space<vmem>>
    %dma_start3A_1296 = arith.constant 0 : i32
    %dma_start3A_1297 = arith.constant 0 : i32
    %dma_start3A_1298 = tpu.memref_slice %arg2[%dma_start3A_1296, %dma_start3A_1297] : memref<100000x64xf32, #tpu.memory_space<hbm>> -> memref<100000x64xf32, #tpu.memory_space<hbm>>
    tpu.enqueue_indirect_dma source(%dma_start3A_1298 : memref<100000x64xf32, #tpu.memory_space<hbm>>) target(%dma_start3A_1293 : memref<128x64xf32, #tpu.memory_space<vmem>>) offsets(%dma_start3A_1295 : memref<128xi32, #tpu.memory_space<vmem>>) semaphore(%arg13 : memref<!tpu.dma_semaphore, #tpu.memory_space<semaphore_mem>>)
    %dma_start3A_1299 = arith.constant 128 : i32
    %dma_start3A_1300 = arith.constant 0 : i32
    %dma_start3A_1301 = tpu.memref_slice %arg10[%dma_start3A_1299, %dma_start3A_1300] : memref<640x64xf32, #tpu.memory_space<vmem>> -> memref<128x64xf32, #tpu.memory_space<vmem>>
    %dma_start3A_1302 = arith.constant 128 : i32
    %dma_start3A_1303 = tpu.memref_slice %arg7[%dma_start3A_1302] : memref<640xi32, #tpu.memory_space<vmem>> -> memref<128xi32, #tpu.memory_space<vmem>>
    %dma_start3A_1304 = arith.constant 0 : i32
    %dma_start3A_1305 = arith.constant 0 : i32
    %dma_start3A_1306 = tpu.memref_slice %arg2[%dma_start3A_1304, %dma_start3A_1305] : memref<100000x64xf32, #tpu.memory_space<hbm>> -> memref<100000x64xf32, #tpu.memory_space<hbm>>
    tpu.enqueue_indirect_dma source(%dma_start3A_1306 : memref<100000x64xf32, #tpu.memory_space<hbm>>) target(%dma_start3A_1301 : memref<128x64xf32, #tpu.memory_space<vmem>>) offsets(%dma_start3A_1303 : memref<128xi32, #tpu.memory_space<vmem>>) semaphore(%arg13 : memref<!tpu.dma_semaphore, #tpu.memory_space<semaphore_mem>>)
    %dma_start3A_1307 = arith.constant 256 : i32
    %dma_start3A_1308 = arith.constant 0 : i32
    %dma_start3A_1309 = tpu.memref_slice %arg10[%dma_start3A_1307, %dma_start3A_1308] : memref<640x64xf32, #tpu.memory_space<vmem>> -> memref<128x64xf32, #tpu.memory_space<vmem>>
    %dma_start3A_1310 = arith.constant 256 : i32
    %dma_start3A_1311 = tpu.memref_slice %arg7[%dma_start3A_1310] : memref<640xi32, #tpu.memory_space<vmem>> -> memref<128xi32, #tpu.memory_space<vmem>>
    %dma_start3A_1312 = arith.constant 0 : i32
    %dma_start3A_1313 = arith.constant 0 : i32
    %dma_start3A_1314 = tpu.memref_slice %arg2[%dma_start3A_1312, %dma_start3A_1313] : memref<100000x64xf32, #tpu.memory_space<hbm>> -> memref<100000x64xf32, #tpu.memory_space<hbm>>
    tpu.enqueue_indirect_dma source(%dma_start3A_1314 : memref<100000x64xf32, #tpu.memory_space<hbm>>) target(%dma_start3A_1309 : memref<128x64xf32, #tpu.memory_space<vmem>>) offsets(%dma_start3A_1311 : memref<128xi32, #tpu.memory_space<vmem>>) semaphore(%arg13 : memref<!tpu.dma_semaphore, #tpu.memory_space<semaphore_mem>>)
    %dma_start3A_1315 = arith.constant 384 : i32
    %dma_start3A_1316 = arith.constant 0 : i32
    %dma_start3A_1317 = tpu.memref_slice %arg10[%dma_start3A_1315, %dma_start3A_1316] : memref<640x64xf32, #tpu.memory_space<vmem>> -> memref<128x64xf32, #tpu.memory_space<vmem>>
    %dma_start3A_1318 = arith.constant 384 : i32
    %dma_start3A_1319 = tpu.memref_slice %arg7[%dma_start3A_1318] : memref<640xi32, #tpu.memory_space<vmem>> -> memref<128xi32, #tpu.memory_space<vmem>>
    %dma_start3A_1320 = arith.constant 0 : i32
    %dma_start3A_1321 = arith.constant 0 : i32
    %dma_start3A_1322 = tpu.memref_slice %arg2[%dma_start3A_1320, %dma_start3A_1321] : memref<100000x64xf32, #tpu.memory_space<hbm>> -> memref<100000x64xf32, #tpu.memory_space<hbm>>
    tpu.enqueue_indirect_dma source(%dma_start3A_1322 : memref<100000x64xf32, #tpu.memory_space<hbm>>) target(%dma_start3A_1317 : memref<128x64xf32, #tpu.memory_space<vmem>>) offsets(%dma_start3A_1319 : memref<128xi32, #tpu.memory_space<vmem>>) semaphore(%arg13 : memref<!tpu.dma_semaphore, #tpu.memory_space<semaphore_mem>>)
    %dma_start3A_1323 = arith.constant 512 : i32
    %dma_start3A_1324 = arith.constant 0 : i32
    %dma_start3A_1325 = tpu.memref_slice %arg10[%dma_start3A_1323, %dma_start3A_1324] : memref<640x64xf32, #tpu.memory_space<vmem>> -> memref<128x64xf32, #tpu.memory_space<vmem>>
    %dma_start3A_1326 = arith.constant 512 : i32
    %dma_start3A_1327 = tpu.memref_slice %arg7[%dma_start3A_1326] : memref<640xi32, #tpu.memory_space<vmem>> -> memref<128xi32, #tpu.memory_space<vmem>>
    %dma_start3A_1328 = arith.constant 0 : i32
    %dma_start3A_1329 = arith.constant 0 : i32
    %dma_start3A_1330 = tpu.memref_slice %arg2[%dma_start3A_1328, %dma_start3A_1329] : memref<100000x64xf32, #tpu.memory_space<hbm>> -> memref<100000x64xf32, #tpu.memory_space<hbm>>
    tpu.enqueue_indirect_dma source(%dma_start3A_1330 : memref<100000x64xf32, #tpu.memory_space<hbm>>) target(%dma_start3A_1325 : memref<128x64xf32, #tpu.memory_space<vmem>>) offsets(%dma_start3A_1327 : memref<128xi32, #tpu.memory_space<vmem>>) semaphore(%arg13 : memref<!tpu.dma_semaphore, #tpu.memory_space<semaphore_mem>>)
    %dma_wait3A_1331 = arith.constant 0 : i32
    %dma_wait3A_1332 = arith.constant 0 : i32
    %dma_wait3A_1333 = tpu.memref_slice %arg9[%dma_wait3A_1331, %dma_wait3A_1332] : memref<640x64xf32, #tpu.memory_space<vmem>> -> memref<128x64xf32, #tpu.memory_space<vmem>>
    %dma_wait3A_1334 = arith.constant 0 : i32
    %dma_wait3A_1335 = tpu.memref_slice %arg6[%dma_wait3A_1334] : memref<640xi32, #tpu.memory_space<vmem>> -> memref<128xi32, #tpu.memory_space<vmem>>
    %dma_wait3A_1336 = arith.constant 0 : i32
    %dma_wait3A_1337 = arith.constant 0 : i32
    %dma_wait3A_1338 = tpu.memref_slice %arg2[%dma_wait3A_1336, %dma_wait3A_1337] : memref<100000x64xf32, #tpu.memory_space<hbm>> -> memref<100000x64xf32, #tpu.memory_space<hbm>>
    tpu.wait_indirect_dma semaphore(%arg12 : memref<!tpu.dma_semaphore, #tpu.memory_space<semaphore_mem>>) src(%dma_wait3A_1338 : memref<100000x64xf32, #tpu.memory_space<hbm>>) dst(%dma_wait3A_1333 : memref<128x64xf32, #tpu.memory_space<vmem>>)
    %dma_wait3A_1339 = arith.constant 128 : i32
    %dma_wait3A_1340 = arith.constant 0 : i32
    %dma_wait3A_1341 = tpu.memref_slice %arg9[%dma_wait3A_1339, %dma_wait3A_1340] : memref<640x64xf32, #tpu.memory_space<vmem>> -> memref<128x64xf32, #tpu.memory_space<vmem>>
    %dma_wait3A_1342 = arith.constant 128 : i32
    %dma_wait3A_1343 = tpu.memref_slice %arg6[%dma_wait3A_1342] : memref<640xi32, #tpu.memory_space<vmem>> -> memref<128xi32, #tpu.memory_space<vmem>>
    %dma_wait3A_1344 = arith.constant 0 : i32
    %dma_wait3A_1345 = arith.constant 0 : i32
    %dma_wait3A_1346 = tpu.memref_slice %arg2[%dma_wait3A_1344, %dma_wait3A_1345] : memref<100000x64xf32, #tpu.memory_space<hbm>> -> memref<100000x64xf32, #tpu.memory_space<hbm>>
    tpu.wait_indirect_dma semaphore(%arg12 : memref<!tpu.dma_semaphore, #tpu.memory_space<semaphore_mem>>) src(%dma_wait3A_1346 : memref<100000x64xf32, #tpu.memory_space<hbm>>) dst(%dma_wait3A_1341 : memref<128x64xf32, #tpu.memory_space<vmem>>)
    %dma_wait3A_1347 = arith.constant 256 : i32
    %dma_wait3A_1348 = arith.constant 0 : i32
    %dma_wait3A_1349 = tpu.memref_slice %arg9[%dma_wait3A_1347, %dma_wait3A_1348] : memref<640x64xf32, #tpu.memory_space<vmem>> -> memref<128x64xf32, #tpu.memory_space<vmem>>
    %dma_wait3A_1350 = arith.constant 256 : i32
    %dma_wait3A_1351 = tpu.memref_slice %arg6[%dma_wait3A_1350] : memref<640xi32, #tpu.memory_space<vmem>> -> memref<128xi32, #tpu.memory_space<vmem>>
    %dma_wait3A_1352 = arith.constant 0 : i32
    %dma_wait3A_1353 = arith.constant 0 : i32
    %dma_wait3A_1354 = tpu.memref_slice %arg2[%dma_wait3A_1352, %dma_wait3A_1353] : memref<100000x64xf32, #tpu.memory_space<hbm>> -> memref<100000x64xf32, #tpu.memory_space<hbm>>
    tpu.wait_indirect_dma semaphore(%arg12 : memref<!tpu.dma_semaphore, #tpu.memory_space<semaphore_mem>>) src(%dma_wait3A_1354 : memref<100000x64xf32, #tpu.memory_space<hbm>>) dst(%dma_wait3A_1349 : memref<128x64xf32, #tpu.memory_space<vmem>>)
    %dma_wait3A_1355 = arith.constant 384 : i32
    %dma_wait3A_1356 = arith.constant 0 : i32
    %dma_wait3A_1357 = tpu.memref_slice %arg9[%dma_wait3A_1355, %dma_wait3A_1356] : memref<640x64xf32, #tpu.memory_space<vmem>> -> memref<128x64xf32, #tpu.memory_space<vmem>>
    %dma_wait3A_1358 = arith.constant 384 : i32
    %dma_wait3A_1359 = tpu.memref_slice %arg6[%dma_wait3A_1358] : memref<640xi32, #tpu.memory_space<vmem>> -> memref<128xi32, #tpu.memory_space<vmem>>
    %dma_wait3A_1360 = arith.constant 0 : i32
    %dma_wait3A_1361 = arith.constant 0 : i32
    %dma_wait3A_1362 = tpu.memref_slice %arg2[%dma_wait3A_1360, %dma_wait3A_1361] : memref<100000x64xf32, #tpu.memory_space<hbm>> -> memref<100000x64xf32, #tpu.memory_space<hbm>>
    tpu.wait_indirect_dma semaphore(%arg12 : memref<!tpu.dma_semaphore, #tpu.memory_space<semaphore_mem>>) src(%dma_wait3A_1362 : memref<100000x64xf32, #tpu.memory_space<hbm>>) dst(%dma_wait3A_1357 : memref<128x64xf32, #tpu.memory_space<vmem>>)
    %dma_wait3A_1363 = arith.constant 512 : i32
    %dma_wait3A_1364 = arith.constant 0 : i32
    %dma_wait3A_1365 = tpu.memref_slice %arg9[%dma_wait3A_1363, %dma_wait3A_1364] : memref<640x64xf32, #tpu.memory_space<vmem>> -> memref<128x64xf32, #tpu.memory_space<vmem>>
    %dma_wait3A_1366 = arith.constant 512 : i32
    %dma_wait3A_1367 = tpu.memref_slice %arg6[%dma_wait3A_1366] : memref<640xi32, #tpu.memory_space<vmem>> -> memref<128xi32, #tpu.memory_space<vmem>>
    %dma_wait3A_1368 = arith.constant 0 : i32
    %dma_wait3A_1369 = arith.constant 0 : i32
    %dma_wait3A_1370 = tpu.memref_slice %arg2[%dma_wait3A_1368, %dma_wait3A_1369] : memref<100000x64xf32, #tpu.memory_space<hbm>> -> memref<100000x64xf32, #tpu.memory_space<hbm>>
    tpu.wait_indirect_dma semaphore(%arg12 : memref<!tpu.dma_semaphore, #tpu.memory_space<semaphore_mem>>) src(%dma_wait3A_1370 : memref<100000x64xf32, #tpu.memory_space<hbm>>) dst(%dma_wait3A_1365 : memref<128x64xf32, #tpu.memory_space<vmem>>)
    %add3A_1371 = arith.constant 8320 : i32
    %add3A_1372 = arith.addi %mul3A_2, %add3A_1371 : i32
    %dma_start3A_1373 = arith.constant 0 : i32
    %dma_start3A_1374 = tpu.memref_slice %arg4[%add3A_1372, %dma_start3A_1373] : memref<307200x64xf32, #tpu.memory_space<hbm>> -> memref<640x64xf32, #tpu.memory_space<hbm>>
    %dma_start3A_1375 = arith.constant 0 : i32
    %dma_start3A_1376 = tpu.memref_slice %arg4[%add3A_1372, %dma_start3A_1375] : memref<307200x64xf32, #tpu.memory_space<hbm>> -> memref<640x64xf32, #tpu.memory_space<hbm>>
    tpu.enqueue_dma source(%arg9 : memref<640x64xf32, #tpu.memory_space<vmem>>) target(%dma_start3A_1376 : memref<640x64xf32, #tpu.memory_space<hbm>>) target_semaphore(%arg15 : memref<!tpu.dma_semaphore, #tpu.memory_space<semaphore_mem>>)
    %dma_wait3A_1377 = arith.constant 0 : i32
    %dma_wait3A_1378 = arith.constant 0 : i32
    %dma_wait3A_1379 = tpu.memref_slice %arg10[%dma_wait3A_1377, %dma_wait3A_1378] : memref<640x64xf32, #tpu.memory_space<vmem>> -> memref<128x64xf32, #tpu.memory_space<vmem>>
    %dma_wait3A_1380 = arith.constant 0 : i32
    %dma_wait3A_1381 = tpu.memref_slice %arg7[%dma_wait3A_1380] : memref<640xi32, #tpu.memory_space<vmem>> -> memref<128xi32, #tpu.memory_space<vmem>>
    %dma_wait3A_1382 = arith.constant 0 : i32
    %dma_wait3A_1383 = arith.constant 0 : i32
    %dma_wait3A_1384 = tpu.memref_slice %arg2[%dma_wait3A_1382, %dma_wait3A_1383] : memref<100000x64xf32, #tpu.memory_space<hbm>> -> memref<100000x64xf32, #tpu.memory_space<hbm>>
    tpu.wait_indirect_dma semaphore(%arg13 : memref<!tpu.dma_semaphore, #tpu.memory_space<semaphore_mem>>) src(%dma_wait3A_1384 : memref<100000x64xf32, #tpu.memory_space<hbm>>) dst(%dma_wait3A_1379 : memref<128x64xf32, #tpu.memory_space<vmem>>)
    %dma_wait3A_1385 = arith.constant 128 : i32
    %dma_wait3A_1386 = arith.constant 0 : i32
    %dma_wait3A_1387 = tpu.memref_slice %arg10[%dma_wait3A_1385, %dma_wait3A_1386] : memref<640x64xf32, #tpu.memory_space<vmem>> -> memref<128x64xf32, #tpu.memory_space<vmem>>
    %dma_wait3A_1388 = arith.constant 128 : i32
    %dma_wait3A_1389 = tpu.memref_slice %arg7[%dma_wait3A_1388] : memref<640xi32, #tpu.memory_space<vmem>> -> memref<128xi32, #tpu.memory_space<vmem>>
    %dma_wait3A_1390 = arith.constant 0 : i32
    %dma_wait3A_1391 = arith.constant 0 : i32
    %dma_wait3A_1392 = tpu.memref_slice %arg2[%dma_wait3A_1390, %dma_wait3A_1391] : memref<100000x64xf32, #tpu.memory_space<hbm>> -> memref<100000x64xf32, #tpu.memory_space<hbm>>
    tpu.wait_indirect_dma semaphore(%arg13 : memref<!tpu.dma_semaphore, #tpu.memory_space<semaphore_mem>>) src(%dma_wait3A_1392 : memref<100000x64xf32, #tpu.memory_space<hbm>>) dst(%dma_wait3A_1387 : memref<128x64xf32, #tpu.memory_space<vmem>>)
    %dma_wait3A_1393 = arith.constant 256 : i32
    %dma_wait3A_1394 = arith.constant 0 : i32
    %dma_wait3A_1395 = tpu.memref_slice %arg10[%dma_wait3A_1393, %dma_wait3A_1394] : memref<640x64xf32, #tpu.memory_space<vmem>> -> memref<128x64xf32, #tpu.memory_space<vmem>>
    %dma_wait3A_1396 = arith.constant 256 : i32
    %dma_wait3A_1397 = tpu.memref_slice %arg7[%dma_wait3A_1396] : memref<640xi32, #tpu.memory_space<vmem>> -> memref<128xi32, #tpu.memory_space<vmem>>
    %dma_wait3A_1398 = arith.constant 0 : i32
    %dma_wait3A_1399 = arith.constant 0 : i32
    %dma_wait3A_1400 = tpu.memref_slice %arg2[%dma_wait3A_1398, %dma_wait3A_1399] : memref<100000x64xf32, #tpu.memory_space<hbm>> -> memref<100000x64xf32, #tpu.memory_space<hbm>>
    tpu.wait_indirect_dma semaphore(%arg13 : memref<!tpu.dma_semaphore, #tpu.memory_space<semaphore_mem>>) src(%dma_wait3A_1400 : memref<100000x64xf32, #tpu.memory_space<hbm>>) dst(%dma_wait3A_1395 : memref<128x64xf32, #tpu.memory_space<vmem>>)
    %dma_wait3A_1401 = arith.constant 384 : i32
    %dma_wait3A_1402 = arith.constant 0 : i32
    %dma_wait3A_1403 = tpu.memref_slice %arg10[%dma_wait3A_1401, %dma_wait3A_1402] : memref<640x64xf32, #tpu.memory_space<vmem>> -> memref<128x64xf32, #tpu.memory_space<vmem>>
    %dma_wait3A_1404 = arith.constant 384 : i32
    %dma_wait3A_1405 = tpu.memref_slice %arg7[%dma_wait3A_1404] : memref<640xi32, #tpu.memory_space<vmem>> -> memref<128xi32, #tpu.memory_space<vmem>>
    %dma_wait3A_1406 = arith.constant 0 : i32
    %dma_wait3A_1407 = arith.constant 0 : i32
    %dma_wait3A_1408 = tpu.memref_slice %arg2[%dma_wait3A_1406, %dma_wait3A_1407] : memref<100000x64xf32, #tpu.memory_space<hbm>> -> memref<100000x64xf32, #tpu.memory_space<hbm>>
    tpu.wait_indirect_dma semaphore(%arg13 : memref<!tpu.dma_semaphore, #tpu.memory_space<semaphore_mem>>) src(%dma_wait3A_1408 : memref<100000x64xf32, #tpu.memory_space<hbm>>) dst(%dma_wait3A_1403 : memref<128x64xf32, #tpu.memory_space<vmem>>)
    %dma_wait3A_1409 = arith.constant 512 : i32
    %dma_wait3A_1410 = arith.constant 0 : i32
    %dma_wait3A_1411 = tpu.memref_slice %arg10[%dma_wait3A_1409, %dma_wait3A_1410] : memref<640x64xf32, #tpu.memory_space<vmem>> -> memref<128x64xf32, #tpu.memory_space<vmem>>
    %dma_wait3A_1412 = arith.constant 512 : i32
    %dma_wait3A_1413 = tpu.memref_slice %arg7[%dma_wait3A_1412] : memref<640xi32, #tpu.memory_space<vmem>> -> memref<128xi32, #tpu.memory_space<vmem>>
    %dma_wait3A_1414 = arith.constant 0 : i32
    %dma_wait3A_1415 = arith.constant 0 : i32
    %dma_wait3A_1416 = tpu.memref_slice %arg2[%dma_wait3A_1414, %dma_wait3A_1415] : memref<100000x64xf32, #tpu.memory_space<hbm>> -> memref<100000x64xf32, #tpu.memory_space<hbm>>
    tpu.wait_indirect_dma semaphore(%arg13 : memref<!tpu.dma_semaphore, #tpu.memory_space<semaphore_mem>>) src(%dma_wait3A_1416 : memref<100000x64xf32, #tpu.memory_space<hbm>>) dst(%dma_wait3A_1411 : memref<128x64xf32, #tpu.memory_space<vmem>>)
    %add3A_1417 = arith.constant 8960 : i32
    %add3A_1418 = arith.addi %mul3A_2, %add3A_1417 : i32
    %dma_start3A_1419 = arith.constant 0 : i32
    %dma_start3A_1420 = tpu.memref_slice %arg4[%add3A_1418, %dma_start3A_1419] : memref<307200x64xf32, #tpu.memory_space<hbm>> -> memref<640x64xf32, #tpu.memory_space<hbm>>
    %dma_start3A_1421 = arith.constant 0 : i32
    %dma_start3A_1422 = tpu.memref_slice %arg4[%add3A_1418, %dma_start3A_1421] : memref<307200x64xf32, #tpu.memory_space<hbm>> -> memref<640x64xf32, #tpu.memory_space<hbm>>
    tpu.enqueue_dma source(%arg10 : memref<640x64xf32, #tpu.memory_space<vmem>>) target(%dma_start3A_1422 : memref<640x64xf32, #tpu.memory_space<hbm>>) target_semaphore(%arg16 : memref<!tpu.dma_semaphore, #tpu.memory_space<semaphore_mem>>)
    %dma_wait3A_1423 = arith.constant 0 : i32
    %dma_wait3A_1424 = tpu.memref_slice %arg4[%add3A_1280, %dma_wait3A_1423] : memref<307200x64xf32, #tpu.memory_space<hbm>> -> memref<640x64xf32, #tpu.memory_space<hbm>>
    %dma_wait3A_1425 = arith.constant 0 : i32
    %dma_wait3A_1426 = tpu.memref_slice %arg4[%add3A_1280, %dma_wait3A_1425] : memref<307200x64xf32, #tpu.memory_space<hbm>> -> memref<640x64xf32, #tpu.memory_space<hbm>>
    tpu.wait_dma2 semaphore(%arg14 : memref<!tpu.dma_semaphore, #tpu.memory_space<semaphore_mem>>) src(%arg8 : memref<640x64xf32, #tpu.memory_space<vmem>>) dst(%dma_wait3A_1426 : memref<640x64xf32, #tpu.memory_space<hbm>>)
    %dma_wait3A_1427 = arith.constant 0 : i32
    %dma_wait3A_1428 = tpu.memref_slice %arg4[%add3A_1372, %dma_wait3A_1427] : memref<307200x64xf32, #tpu.memory_space<hbm>> -> memref<640x64xf32, #tpu.memory_space<hbm>>
    %dma_wait3A_1429 = arith.constant 0 : i32
    %dma_wait3A_1430 = tpu.memref_slice %arg4[%add3A_1372, %dma_wait3A_1429] : memref<307200x64xf32, #tpu.memory_space<hbm>> -> memref<640x64xf32, #tpu.memory_space<hbm>>
    tpu.wait_dma2 semaphore(%arg15 : memref<!tpu.dma_semaphore, #tpu.memory_space<semaphore_mem>>) src(%arg9 : memref<640x64xf32, #tpu.memory_space<vmem>>) dst(%dma_wait3A_1430 : memref<640x64xf32, #tpu.memory_space<hbm>>)
    %dma_wait3A_1431 = arith.constant 0 : i32
    %dma_wait3A_1432 = tpu.memref_slice %arg4[%add3A_1418, %dma_wait3A_1431] : memref<307200x64xf32, #tpu.memory_space<hbm>> -> memref<640x64xf32, #tpu.memory_space<hbm>>
    %dma_wait3A_1433 = arith.constant 0 : i32
    %dma_wait3A_1434 = tpu.memref_slice %arg4[%add3A_1418, %dma_wait3A_1433] : memref<307200x64xf32, #tpu.memory_space<hbm>> -> memref<640x64xf32, #tpu.memory_space<hbm>>
    tpu.wait_dma2 semaphore(%arg16 : memref<!tpu.dma_semaphore, #tpu.memory_space<semaphore_mem>>) src(%arg10 : memref<640x64xf32, #tpu.memory_space<vmem>>) dst(%dma_wait3A_1434 : memref<640x64xf32, #tpu.memory_space<hbm>>)
    return
  }
}

module attributes {stable_mosaic.version = 14 : i64} {
  func.func @body(%arg0: i32, %arg1: memref<64x8192xf32, #tpu.memory_space<vmem>>, %arg2: memref<64x8192xf32, #tpu.memory_space<vmem>>, %arg3: memref<16x8192xf32, #tpu.memory_space<vmem>>, %arg4: memref<64x64xf32, #tpu.memory_space<vmem>>, %arg5: memref<64x64xf32, #tpu.memory_space<vmem>>, %arg6: memref<64x16xf32, #tpu.memory_space<vmem>>, %arg7: memref<64x8192xbf16, #tpu.memory_space<vmem>>, %arg8: memref<64x1xf32, #tpu.memory_space<vmem>>, %arg9: memref<64x1xf32, #tpu.memory_space<vmem>>) attributes {dimension_semantics = [#tpu.dimension_semantics<arbitrary>], iteration_bounds = array<i64: 13>, scalar_prefetch = 0 : i64, scratch_operands = 0 : i64, tpu.core_type = #tpu.core_type<tc>, window_params = [{transform_indices = @transform_0, window_bounds = array<i64: 64, 8192>}, {transform_indices = @transform_1, window_bounds = array<i64: 64, 8192>}, {transform_indices = @transform_2, window_bounds = array<i64: 16, 8192>}, {pipeline_mode = #tpu.pipeline_mode<synchronous>, transform_indices = @transform_3, window_bounds = array<i64: 64, 64>}, {pipeline_mode = #tpu.pipeline_mode<synchronous>, transform_indices = @transform_4, window_bounds = array<i64: 64, 64>}, {pipeline_mode = #tpu.pipeline_mode<synchronous>, transform_indices = @transform_5, window_bounds = array<i64: 64, 16>}, {transform_indices = @transform_6, window_bounds = array<i64: 64, 8192>}, {pipeline_mode = #tpu.pipeline_mode<synchronous>, transform_indices = @transform_7, window_bounds = array<i64: 64, 1>}, {pipeline_mode = #tpu.pipeline_mode<synchronous>, transform_indices = @transform_8, window_bounds = array<i64: 64, 1>}]} {
    %get3A = arith.constant 0 : index
    %get3A_0 = arith.constant 0 : index
    %get3A_1 = vector.load %arg4[%get3A, %get3A_0] : memref<64x64xf32, #tpu.memory_space<vmem>>, vector<64x64xf32>
    %get3A_2 = arith.constant 0 : index
    %get3A_3 = arith.constant 0 : index
    %get3A_4 = vector.load %arg1[%get3A_2, %get3A_3] : memref<64x8192xf32, #tpu.memory_space<vmem>>, vector<64x8192xf32>
    %dot_general3A = arith.constant dense<0.000000e+00> : vector<64x8192xf32>
    %dot_general3A_5 = tpu.matmul %get3A_1, %get3A_4, %dot_general3A {dimension_numbers = #tpu.dot_dimension_numbers<[1], [0], [0], [1], [0, 0, 1, 1], [], []>, transpose_lhs_hint = false} : vector<64x64xf32>, vector<64x8192xf32>, vector<64x8192xf32> -> vector<64x8192xf32>
    %get3A_6 = arith.constant 0 : index
    %get3A_7 = arith.constant 0 : index
    %get3A_8 = vector.load %arg5[%get3A_6, %get3A_7] : memref<64x64xf32, #tpu.memory_space<vmem>>, vector<64x64xf32>
    %get3A_9 = arith.constant 0 : index
    %get3A_10 = arith.constant 0 : index
    %get3A_11 = vector.load %arg2[%get3A_9, %get3A_10] : memref<64x8192xf32, #tpu.memory_space<vmem>>, vector<64x8192xf32>
    %dot_general3A_12 = arith.constant dense<0.000000e+00> : vector<64x8192xf32>
    %dot_general3A_13 = tpu.matmul %get3A_8, %get3A_11, %dot_general3A_12 {dimension_numbers = #tpu.dot_dimension_numbers<[1], [0], [0], [1], [0, 0, 1, 1], [], []>, transpose_lhs_hint = false} : vector<64x64xf32>, vector<64x8192xf32>, vector<64x8192xf32> -> vector<64x8192xf32>
    %add3A = arith.addf %dot_general3A_5, %dot_general3A_13 : vector<64x8192xf32>
    %get3A_14 = arith.constant 0 : index
    %get3A_15 = arith.constant 0 : index
    %get3A_16 = vector.load %arg6[%get3A_14, %get3A_15] : memref<64x16xf32, #tpu.memory_space<vmem>>, vector<64x16xf32>
    %get3A_17 = arith.constant 0 : index
    %get3A_18 = arith.constant 0 : index
    %get3A_19 = vector.load %arg3[%get3A_17, %get3A_18] : memref<16x8192xf32, #tpu.memory_space<vmem>>, vector<16x8192xf32>
    %dot_general3A_20 = arith.constant dense<0.000000e+00> : vector<64x8192xf32>
    %dot_general3A_21 = tpu.matmul %get3A_16, %get3A_19, %dot_general3A_20 {dimension_numbers = #tpu.dot_dimension_numbers<[1], [0], [0], [1], [0, 0, 1, 1], [], []>, transpose_lhs_hint = false} : vector<64x16xf32>, vector<16x8192xf32>, vector<64x8192xf32> -> vector<64x8192xf32>
    %add3A_22 = arith.addf %add3A, %dot_general3A_21 : vector<64x8192xf32>
    %convert_element_type3A = arith.truncf %add3A_22 : vector<64x8192xf32> to vector<64x8192xbf16>
    %swap3A = arith.constant 0 : index
    %swap3A_23 = arith.constant 0 : index
    %swap3A_24 = vector.load %arg7[%swap3A, %swap3A_23] : memref<64x8192xbf16, #tpu.memory_space<vmem>>, vector<64x8192xbf16>
    tpu.vector_store %arg7[%swap3A, %swap3A_23], %convert_element_type3A {strides = array<i32>} : memref<64x8192xbf16, #tpu.memory_space<vmem>>, vector<64x8192xbf16>,
    %mul3A = arith.constant 8192 : i32
    %mul3A_25 = arith.muli %arg0, %mul3A : i32
    %iota3A = tpu.iota {dimensions = array<i32: 1>} : vector<64x8192xi32>
    %add3A_26 = vector.broadcast %mul3A_25 : i32 to vector<64x8192xi32>
    %add3A_27 = arith.addi %add3A_26, %iota3A : vector<64x8192xi32>
    %lt3A = arith.constant 100000 : i32
    %lt3A_28 = vector.broadcast %lt3A : i32 to vector<64x8192xi32>
    %lt3A_29 = arith.cmpi slt, %add3A_27, %lt3A_28 : vector<64x8192xi32>
    %jit3A = arith.constant 0.000000e+00 : f32
    %broadcast_in_dim3A = vector.broadcast %jit3A : f32 to vector<64x8192xf32>
    %select_n3A = arith.select %lt3A_29, %add3A_22, %broadcast_in_dim3A : vector<64x8192xi1>, vector<64x8192xf32>
    %eq3A = arith.constant 0 : i32
    %eq3A_30 = arith.cmpi eq, %arg0, %eq3A : i32
    %convert_element_type3A_31 = arith.extui %eq3A_30 : i1 to i32
    %cond3A = arith.constant 0 : i32
    %cond3A_32 = arith.cmpi ne, %convert_element_type3A_31, %cond3A : i32
    scf.if %cond3A_32 {
      %broadcast_in_dim3A_53 = arith.constant 0.000000e+00 : f32
      %broadcast_in_dim3A_54 = vector.broadcast %broadcast_in_dim3A_53 : f32 to vector<64x1xf32>
      %swap3A_55 = arith.constant 0 : index
      %swap3A_56 = arith.constant 0 : index
      %swap3A_57 = vector.load %arg8[%swap3A_55, %swap3A_56] : memref<64x1xf32, #tpu.memory_space<vmem>>, vector<64x1xf32>
      tpu.vector_store %arg8[%swap3A_55, %swap3A_56], %broadcast_in_dim3A_54 {strides = array<i32>} : memref<64x1xf32, #tpu.memory_space<vmem>>, vector<64x1xf32>,
      %broadcast_in_dim3A_58 = arith.constant 0.000000e+00 : f32
      %broadcast_in_dim3A_59 = vector.broadcast %broadcast_in_dim3A_58 : f32 to vector<64x1xf32>
      %swap3A_60 = arith.constant 0 : index
      %swap3A_61 = arith.constant 0 : index
      %swap3A_62 = vector.load %arg9[%swap3A_60, %swap3A_61] : memref<64x1xf32, #tpu.memory_space<vmem>>, vector<64x1xf32>
      tpu.vector_store %arg9[%swap3A_60, %swap3A_61], %broadcast_in_dim3A_59 {strides = array<i32>} : memref<64x1xf32, #tpu.memory_space<vmem>>, vector<64x1xf32>,
    } else {
    }
    %get3A_33 = arith.constant 0 : index
    %get3A_34 = arith.constant 0 : index
    %get3A_35 = vector.load %arg8[%get3A_33, %get3A_34] : memref<64x1xf32, #tpu.memory_space<vmem>>, vector<64x1xf32>
    %reduce_sum3A = arith.constant dense<0.000000e+00> : vector<64xf32>
    %reduce_sum3A_36 = vector.multi_reduction <add>, %select_n3A, %reduce_sum3A [1] : vector<64x8192xf32> to vector<64xf32>
    %broadcast_in_dim3A_37 = vector.shape_cast %reduce_sum3A_36 : vector<64xf32> to vector<64x1xf32>
    %add3A_38 = arith.addf %get3A_35, %broadcast_in_dim3A_37 : vector<64x1xf32>
    %swap3A_39 = arith.constant 0 : index
    %swap3A_40 = arith.constant 0 : index
    %swap3A_41 = vector.load %arg8[%swap3A_39, %swap3A_40] : memref<64x1xf32, #tpu.memory_space<vmem>>, vector<64x1xf32>
    tpu.vector_store %arg8[%swap3A_39, %swap3A_40], %add3A_38 {strides = array<i32>} : memref<64x1xf32, #tpu.memory_space<vmem>>, vector<64x1xf32>,
    %get3A_42 = arith.constant 0 : index
    %get3A_43 = arith.constant 0 : index
    %get3A_44 = vector.load %arg9[%get3A_42, %get3A_43] : memref<64x1xf32, #tpu.memory_space<vmem>>, vector<64x1xf32>
    %mul3A_45 = arith.mulf %select_n3A, %select_n3A : vector<64x8192xf32>
    %reduce_sum3A_46 = arith.constant dense<0.000000e+00> : vector<64xf32>
    %reduce_sum3A_47 = vector.multi_reduction <add>, %mul3A_45, %reduce_sum3A_46 [1] : vector<64x8192xf32> to vector<64xf32>
    %broadcast_in_dim3A_48 = vector.shape_cast %reduce_sum3A_47 : vector<64xf32> to vector<64x1xf32>
    %add3A_49 = arith.addf %get3A_44, %broadcast_in_dim3A_48 : vector<64x1xf32>
    %swap3A_50 = arith.constant 0 : index
    %swap3A_51 = arith.constant 0 : index
    %swap3A_52 = vector.load %arg9[%swap3A_50, %swap3A_51] : memref<64x1xf32, #tpu.memory_space<vmem>>, vector<64x1xf32>
    tpu.vector_store %arg9[%swap3A_50, %swap3A_51], %add3A_49 {strides = array<i32>} : memref<64x1xf32, #tpu.memory_space<vmem>>, vector<64x1xf32>,
    return
  }
  func.func @transform_0(%arg0: i32) -> (i32, i32) {
    %c0_i32 = arith.constant 0 : i32
    %c0_i32_0 = arith.constant 0 : i32
    return %c0_i32, %arg0 : i32, i32
  }
  func.func @transform_1(%arg0: i32) -> (i32, i32) {
    %c0_i32 = arith.constant 0 : i32
    %c0_i32_0 = arith.constant 0 : i32
    return %c0_i32, %arg0 : i32, i32
  }
  func.func @transform_2(%arg0: i32) -> (i32, i32) {
    %c0_i32 = arith.constant 0 : i32
    %c0_i32_0 = arith.constant 0 : i32
    return %c0_i32, %arg0 : i32, i32
  }
  func.func @transform_3(%arg0: i32) -> (i32, i32) {
    %c0_i32 = arith.constant 0 : i32
    %c0_i32_0 = arith.constant 0 : i32
    %c0_i32_1 = arith.constant 0 : i32
    return %c0_i32, %c0_i32_0 : i32, i32
  }
  func.func @transform_4(%arg0: i32) -> (i32, i32) {
    %c0_i32 = arith.constant 0 : i32
    %c0_i32_0 = arith.constant 0 : i32
    %c0_i32_1 = arith.constant 0 : i32
    return %c0_i32, %c0_i32_0 : i32, i32
  }
  func.func @transform_5(%arg0: i32) -> (i32, i32) {
    %c0_i32 = arith.constant 0 : i32
    %c0_i32_0 = arith.constant 0 : i32
    %c0_i32_1 = arith.constant 0 : i32
    return %c0_i32, %c0_i32_0 : i32, i32
  }
  func.func @transform_6(%arg0: i32) -> (i32, i32) {
    %c0_i32 = arith.constant 0 : i32
    %c0_i32_0 = arith.constant 0 : i32
    return %c0_i32, %arg0 : i32, i32
  }
  func.func @transform_7(%arg0: i32) -> (i32, i32) {
    %c0_i32 = arith.constant 0 : i32
    %c0_i32_0 = arith.constant 0 : i32
    %c0_i32_1 = arith.constant 0 : i32
    return %c0_i32, %c0_i32_0 : i32, i32
  }
  func.func @transform_8(%arg0: i32) -> (i32, i32) {
    %c0_i32 = arith.constant 0 : i32
    %c0_i32_0 = arith.constant 0 : i32
    %c0_i32_1 = arith.constant 0 : i32
    return %c0_i32, %c0_i32_0 : i32, i32
  }
}

module attributes {stable_mosaic.version = 14 : i64} {
  func.func @body(%arg0: i32, %arg1: memref<327680xf32, #tpu.memory_space<vmem>>, %arg2: memref<327680xf32, #tpu.memory_space<vmem>>, %arg3: memref<327680xf32, #tpu.memory_space<vmem>>, %arg4: memref<327680xf32, #tpu.memory_space<vmem>>, %arg5: memref<512x128xf32, #tpu.memory_space<vmem>>, %arg6: memref<2560x128xbf16, #tpu.memory_space<vmem>>, %arg7: memref<1x128xf32, #tpu.memory_space<vmem>>, %arg8: memref<1x128xf32, #tpu.memory_space<vmem>>) attributes {dimension_semantics = [#tpu.dimension_semantics<arbitrary>], iteration_bounds = array<i64: 20>, scalar_prefetch = 0 : i64, scratch_operands = 0 : i64, tpu.core_type = #tpu.core_type<tc>, window_params = [{transform_indices = @transform_0, window_bounds = array<i64: 327680>}, {transform_indices = @transform_1, window_bounds = array<i64: 327680>}, {transform_indices = @transform_2, window_bounds = array<i64: 327680>}, {transform_indices = @transform_3, window_bounds = array<i64: 327680>}, {pipeline_mode = #tpu.pipeline_mode<synchronous>, transform_indices = @transform_4, window_bounds = array<i64: 512, 128>}, {transform_indices = @transform_5, window_bounds = array<i64: 2560, 128>}, {pipeline_mode = #tpu.pipeline_mode<synchronous>, transform_indices = @transform_6, window_bounds = array<i64: 1, 128>}, {pipeline_mode = #tpu.pipeline_mode<synchronous>, transform_indices = @transform_7, window_bounds = array<i64: 1, 128>}]} {
    %get3A = arith.constant 0 : index
    %get3A_0 = vector.load %arg1[%get3A] : memref<327680xf32, #tpu.memory_space<vmem>>, vector<327680xf32>
    %reshape3A = vector.shape_cast %get3A_0 : vector<327680xf32> to vector<2560x128xf32>
    %get3A_1 = arith.constant 0 : index
    %get3A_2 = vector.load %arg2[%get3A_1] : memref<327680xf32, #tpu.memory_space<vmem>>, vector<327680xf32>
    %reshape3A_3 = vector.shape_cast %get3A_2 : vector<327680xf32> to vector<2560x128xf32>
    %get3A_4 = arith.constant 0 : index
    %get3A_5 = vector.load %arg3[%get3A_4] : memref<327680xf32, #tpu.memory_space<vmem>>, vector<327680xf32>
    %reshape3A_6 = vector.shape_cast %get3A_5 : vector<327680xf32> to vector<2560x128xf32>
    %get3A_7 = arith.constant 0 : index
    %get3A_8 = vector.load %arg4[%get3A_7] : memref<327680xf32, #tpu.memory_space<vmem>>, vector<327680xf32>
    %reshape3A_9 = vector.shape_cast %get3A_8 : vector<327680xf32> to vector<2560x128xf32>
    %add3A = arith.addf %reshape3A_3, %reshape3A_6 : vector<2560x128xf32>
    %add3A_10 = arith.addf %add3A, %reshape3A_9 : vector<2560x128xf32>
    %sub3A = arith.subf %reshape3A_9, %reshape3A_6 : vector<2560x128xf32>
    %abs3A = math.absf %sub3A : vector<2560x128xf32>
    %sub3A_11 = arith.subf %reshape3A_6, %reshape3A_3 : vector<2560x128xf32>
    %abs3A_12 = math.absf %sub3A_11 : vector<2560x128xf32>
    %mul3A = arith.constant 2.000000e+00 : f32
    %mul3A_13 = vector.broadcast %mul3A : f32 to vector<2560x128xf32>
    %mul3A_14 = arith.mulf %mul3A_13, %abs3A_12 : vector<2560x128xf32>
    %add3A_15 = arith.addf %abs3A, %mul3A_14 : vector<2560x128xf32>
    %sub3A_16 = arith.subf %reshape3A_3, %reshape3A : vector<2560x128xf32>
    %abs3A_17 = math.absf %sub3A_16 : vector<2560x128xf32>
    %sub3A_18 = arith.subf %reshape3A_6, %reshape3A : vector<2560x128xf32>
    %abs3A_19 = math.absf %sub3A_18 : vector<2560x128xf32>
    %add3A_20 = arith.addf %abs3A_17, %abs3A_19 : vector<2560x128xf32>
    %sub3A_21 = arith.subf %reshape3A_9, %reshape3A : vector<2560x128xf32>
    %abs3A_22 = math.absf %sub3A_21 : vector<2560x128xf32>
    %add3A_23 = arith.addf %add3A_20, %abs3A_22 : vector<2560x128xf32>
    %concatenate3A = tpu.concatenate %reshape3A, %add3A_10, %add3A_15, %add3A_23 in 1 : vector<2560x128xf32>, vector<2560x128xf32>, vector<2560x128xf32>, vector<2560x128xf32> -> vector<2560x512xf32>
    %get3A_24 = arith.constant 0 : index
    %get3A_25 = arith.constant 0 : index
    %get3A_26 = vector.load %arg5[%get3A_24, %get3A_25] : memref<512x128xf32, #tpu.memory_space<vmem>>, vector<512x128xf32>
    %dot_general3A = arith.constant dense<0.000000e+00> : vector<2560x128xf32>
    %dot_general3A_27 = tpu.matmul %concatenate3A, %get3A_26, %dot_general3A {dimension_numbers = #tpu.dot_dimension_numbers<[1], [0], [0], [1], [0, 0, 1, 1], [], []>, transpose_lhs_hint = false} : vector<2560x512xf32>, vector<512x128xf32>, vector<2560x128xf32> -> vector<2560x128xf32>
    %convert_element_type3A = arith.truncf %dot_general3A_27 : vector<2560x128xf32> to vector<2560x128xbf16>
    %swap3A = arith.constant 0 : index
    %swap3A_28 = arith.constant 0 : index
    %swap3A_29 = vector.load %arg6[%swap3A, %swap3A_28] : memref<2560x128xbf16, #tpu.memory_space<vmem>>, vector<2560x128xbf16>
    tpu.vector_store %arg6[%swap3A, %swap3A_28], %convert_element_type3A {strides = array<i32>} : memref<2560x128xbf16, #tpu.memory_space<vmem>>, vector<2560x128xbf16>,
    %mul3A_30 = arith.constant 2560 : i32
    %mul3A_31 = arith.muli %arg0, %mul3A_30 : i32
    %iota3A = tpu.iota {dimensions = array<i32: 0>} : vector<2560x128xi32>
    %add3A_32 = vector.broadcast %mul3A_31 : i32 to vector<2560x128xi32>
    %add3A_33 = arith.addi %add3A_32, %iota3A : vector<2560x128xi32>
    %lt3A = arith.constant 50000 : i32
    %lt3A_34 = vector.broadcast %lt3A : i32 to vector<2560x128xi32>
    %lt3A_35 = arith.cmpi slt, %add3A_33, %lt3A_34 : vector<2560x128xi32>
    %jit3A = arith.constant 0.000000e+00 : f32
    %broadcast_in_dim3A = vector.broadcast %jit3A : f32 to vector<2560x128xf32>
    %select_n3A = arith.select %lt3A_35, %dot_general3A_27, %broadcast_in_dim3A : vector<2560x128xi1>, vector<2560x128xf32>
    %eq3A = arith.constant 0 : i32
    %eq3A_36 = arith.cmpi eq, %arg0, %eq3A : i32
    %convert_element_type3A_37 = arith.extui %eq3A_36 : i1 to i32
    %cond3A = arith.constant 0 : i32
    %cond3A_38 = arith.cmpi ne, %convert_element_type3A_37, %cond3A : i32
    scf.if %cond3A_38 {
      %broadcast_in_dim3A_59 = arith.constant 0.000000e+00 : f32
      %broadcast_in_dim3A_60 = vector.broadcast %broadcast_in_dim3A_59 : f32 to vector<1x128xf32>
      %swap3A_61 = arith.constant 0 : index
      %swap3A_62 = arith.constant 0 : index
      %swap3A_63 = vector.load %arg7[%swap3A_61, %swap3A_62] : memref<1x128xf32, #tpu.memory_space<vmem>>, vector<1x128xf32>
      tpu.vector_store %arg7[%swap3A_61, %swap3A_62], %broadcast_in_dim3A_60 {strides = array<i32>} : memref<1x128xf32, #tpu.memory_space<vmem>>, vector<1x128xf32>,
      %broadcast_in_dim3A_64 = arith.constant 0.000000e+00 : f32
      %broadcast_in_dim3A_65 = vector.broadcast %broadcast_in_dim3A_64 : f32 to vector<1x128xf32>
      %swap3A_66 = arith.constant 0 : index
      %swap3A_67 = arith.constant 0 : index
      %swap3A_68 = vector.load %arg8[%swap3A_66, %swap3A_67] : memref<1x128xf32, #tpu.memory_space<vmem>>, vector<1x128xf32>
      tpu.vector_store %arg8[%swap3A_66, %swap3A_67], %broadcast_in_dim3A_65 {strides = array<i32>} : memref<1x128xf32, #tpu.memory_space<vmem>>, vector<1x128xf32>,
    } else {
    }
    %get3A_39 = arith.constant 0 : index
    %get3A_40 = arith.constant 0 : index
    %get3A_41 = vector.load %arg7[%get3A_39, %get3A_40] : memref<1x128xf32, #tpu.memory_space<vmem>>, vector<1x128xf32>
    %reduce_sum3A = arith.constant dense<0.000000e+00> : vector<128xf32>
    %reduce_sum3A_42 = vector.multi_reduction <add>, %select_n3A, %reduce_sum3A [0] : vector<2560x128xf32> to vector<128xf32>
    %broadcast_in_dim3A_43 = vector.shape_cast %reduce_sum3A_42 : vector<128xf32> to vector<1x128xf32>
    %add3A_44 = arith.addf %get3A_41, %broadcast_in_dim3A_43 : vector<1x128xf32>
    %swap3A_45 = arith.constant 0 : index
    %swap3A_46 = arith.constant 0 : index
    %swap3A_47 = vector.load %arg7[%swap3A_45, %swap3A_46] : memref<1x128xf32, #tpu.memory_space<vmem>>, vector<1x128xf32>
    tpu.vector_store %arg7[%swap3A_45, %swap3A_46], %add3A_44 {strides = array<i32>} : memref<1x128xf32, #tpu.memory_space<vmem>>, vector<1x128xf32>,
    %get3A_48 = arith.constant 0 : index
    %get3A_49 = arith.constant 0 : index
    %get3A_50 = vector.load %arg8[%get3A_48, %get3A_49] : memref<1x128xf32, #tpu.memory_space<vmem>>, vector<1x128xf32>
    %mul3A_51 = arith.mulf %select_n3A, %select_n3A : vector<2560x128xf32>
    %reduce_sum3A_52 = arith.constant dense<0.000000e+00> : vector<128xf32>
    %reduce_sum3A_53 = vector.multi_reduction <add>, %mul3A_51, %reduce_sum3A_52 [0] : vector<2560x128xf32> to vector<128xf32>
    %broadcast_in_dim3A_54 = vector.shape_cast %reduce_sum3A_53 : vector<128xf32> to vector<1x128xf32>
    %add3A_55 = arith.addf %get3A_50, %broadcast_in_dim3A_54 : vector<1x128xf32>
    %swap3A_56 = arith.constant 0 : index
    %swap3A_57 = arith.constant 0 : index
    %swap3A_58 = vector.load %arg8[%swap3A_56, %swap3A_57] : memref<1x128xf32, #tpu.memory_space<vmem>>, vector<1x128xf32>
    tpu.vector_store %arg8[%swap3A_56, %swap3A_57], %add3A_55 {strides = array<i32>} : memref<1x128xf32, #tpu.memory_space<vmem>>, vector<1x128xf32>,
    return
  }
  func.func @transform_0(%arg0: i32) -> i32 {
    %c0_i32 = arith.constant 0 : i32
    return %arg0 : i32
  }
  func.func @transform_1(%arg0: i32) -> i32 {
    %c0_i32 = arith.constant 0 : i32
    return %arg0 : i32
  }
  func.func @transform_2(%arg0: i32) -> i32 {
    %add3A = arith.constant 20 : i32
    %add3A_0 = arith.addi %arg0, %add3A : i32
    %c0_i32 = arith.constant 0 : i32
    return %add3A_0 : i32
  }
  func.func @transform_3(%arg0: i32) -> i32 {
    %add3A = arith.constant 40 : i32
    %add3A_0 = arith.addi %arg0, %add3A : i32
    %c0_i32 = arith.constant 0 : i32
    return %add3A_0 : i32
  }
  func.func @transform_4(%arg0: i32) -> (i32, i32) {
    %c0_i32 = arith.constant 0 : i32
    %c0_i32_0 = arith.constant 0 : i32
    %c0_i32_1 = arith.constant 0 : i32
    return %c0_i32, %c0_i32_0 : i32, i32
  }
  func.func @transform_5(%arg0: i32) -> (i32, i32) {
    %c0_i32 = arith.constant 0 : i32
    %c0_i32_0 = arith.constant 0 : i32
    return %arg0, %c0_i32 : i32, i32
  }
  func.func @transform_6(%arg0: i32) -> (i32, i32) {
    %c0_i32 = arith.constant 0 : i32
    %c0_i32_0 = arith.constant 0 : i32
    %c0_i32_1 = arith.constant 0 : i32
    return %c0_i32, %c0_i32_0 : i32, i32
  }
  func.func @transform_7(%arg0: i32) -> (i32, i32) {
    %c0_i32 = arith.constant 0 : i32
    %c0_i32_0 = arith.constant 0 : i32
    %c0_i32_1 = arith.constant 0 : i32
    return %c0_i32, %c0_i32_0 : i32, i32
  }
}

module attributes {stable_mosaic.version = 14 : i64} {
  func.func @body(%arg0: i32, %arg1: memref<64x8192xbf16, #tpu.memory_space<vmem>>, %arg2: memref<64x1xf32, #tpu.memory_space<vmem>>, %arg3: memref<64x1xf32, #tpu.memory_space<vmem>>, %arg4: memref<64x8192xf32, #tpu.memory_space<vmem>>) attributes {dimension_semantics = [#tpu.dimension_semantics<arbitrary>], iteration_bounds = array<i64: 13>, scalar_prefetch = 0 : i64, scratch_operands = 0 : i64, tpu.core_type = #tpu.core_type<tc>, window_params = [{transform_indices = @transform_0, window_bounds = array<i64: 64, 8192>}, {pipeline_mode = #tpu.pipeline_mode<synchronous>, transform_indices = @transform_1, window_bounds = array<i64: 64, 1>}, {pipeline_mode = #tpu.pipeline_mode<synchronous>, transform_indices = @transform_2, window_bounds = array<i64: 64, 1>}, {transform_indices = @transform_3, window_bounds = array<i64: 64, 8192>}]} {
    %get3A = arith.constant 0 : index
    %get3A_0 = arith.constant 0 : index
    %get3A_1 = vector.load %arg1[%get3A, %get3A_0] : memref<64x8192xbf16, #tpu.memory_space<vmem>>, vector<64x8192xbf16>
    %convert_element_type3A = arith.extf %get3A_1 : vector<64x8192xbf16> to vector<64x8192xf32>
    %get3A_2 = arith.constant 0 : index
    %get3A_3 = arith.constant 0 : index
    %get3A_4 = vector.load %arg2[%get3A_2, %get3A_3] : memref<64x1xf32, #tpu.memory_space<vmem>>, vector<64x1xf32>
    %mul3A = vector.broadcast %get3A_4 : vector<64x1xf32> to vector<64x8192xf32>
    %mul3A_5 = arith.mulf %mul3A, %convert_element_type3A : vector<64x8192xf32>
    %get3A_6 = arith.constant 0 : index
    %get3A_7 = arith.constant 0 : index
    %get3A_8 = vector.load %arg3[%get3A_6, %get3A_7] : memref<64x1xf32, #tpu.memory_space<vmem>>, vector<64x1xf32>
    %add3A = vector.broadcast %get3A_8 : vector<64x1xf32> to vector<64x8192xf32>
    %add3A_9 = arith.addf %mul3A_5, %add3A : vector<64x8192xf32>
    %max3A = arith.constant 0.000000e+00 : f32
    %max3A_10 = vector.broadcast %max3A : f32 to vector<64x8192xf32>
    %max3A_11 = arith.maximumf %add3A_9, %max3A_10 : vector<64x8192xf32>
    %swap3A = arith.constant 0 : index
    %swap3A_12 = arith.constant 0 : index
    %swap3A_13 = vector.load %arg4[%swap3A, %swap3A_12] : memref<64x8192xf32, #tpu.memory_space<vmem>>, vector<64x8192xf32>
    tpu.vector_store %arg4[%swap3A, %swap3A_12], %max3A_11 {strides = array<i32>} : memref<64x8192xf32, #tpu.memory_space<vmem>>, vector<64x8192xf32>,
    return
  }
  func.func @transform_0(%arg0: i32) -> (i32, i32) {
    %c0_i32 = arith.constant 0 : i32
    %c0_i32_0 = arith.constant 0 : i32
    return %c0_i32, %arg0 : i32, i32
  }
  func.func @transform_1(%arg0: i32) -> (i32, i32) {
    %c0_i32 = arith.constant 0 : i32
    %c0_i32_0 = arith.constant 0 : i32
    %c0_i32_1 = arith.constant 0 : i32
    return %c0_i32, %c0_i32_0 : i32, i32
  }
  func.func @transform_2(%arg0: i32) -> (i32, i32) {
    %c0_i32 = arith.constant 0 : i32
    %c0_i32_0 = arith.constant 0 : i32
    %c0_i32_1 = arith.constant 0 : i32
    return %c0_i32, %c0_i32_0 : i32, i32
  }
  func.func @transform_3(%arg0: i32) -> (i32, i32) {
    %c0_i32 = arith.constant 0 : i32
    %c0_i32_0 = arith.constant 0 : i32
    return %c0_i32, %arg0 : i32, i32
  }
}

module attributes {stable_mosaic.version = 14 : i64} {
  func.func @body(%arg0: i32, %arg1: memref<4096x128xbf16, #tpu.memory_space<vmem>>, %arg2: memref<1x128xf32, #tpu.memory_space<vmem>>, %arg3: memref<1x128xf32, #tpu.memory_space<vmem>>, %arg4: memref<128x128xf32, #tpu.memory_space<vmem>>, %arg5: memref<4096x128xbf16, #tpu.memory_space<vmem>>, %arg6: memref<1x128xf32, #tpu.memory_space<vmem>>, %arg7: memref<1x128xf32, #tpu.memory_space<vmem>>) attributes {dimension_semantics = [#tpu.dimension_semantics<arbitrary>], iteration_bounds = array<i64: 13>, scalar_prefetch = 0 : i64, scratch_operands = 0 : i64, tpu.core_type = #tpu.core_type<tc>, window_params = [{transform_indices = @transform_0, window_bounds = array<i64: 4096, 128>}, {pipeline_mode = #tpu.pipeline_mode<synchronous>, transform_indices = @transform_1, window_bounds = array<i64: 1, 128>}, {pipeline_mode = #tpu.pipeline_mode<synchronous>, transform_indices = @transform_2, window_bounds = array<i64: 1, 128>}, {pipeline_mode = #tpu.pipeline_mode<synchronous>, transform_indices = @transform_3, window_bounds = array<i64: 128, 128>}, {transform_indices = @transform_4, window_bounds = array<i64: 4096, 128>}, {pipeline_mode = #tpu.pipeline_mode<synchronous>, transform_indices = @transform_5, window_bounds = array<i64: 1, 128>}, {pipeline_mode = #tpu.pipeline_mode<synchronous>, transform_indices = @transform_6, window_bounds = array<i64: 1, 128>}]} {
    %get3A = arith.constant 0 : index
    %get3A_0 = arith.constant 0 : index
    %get3A_1 = vector.load %arg1[%get3A, %get3A_0] : memref<4096x128xbf16, #tpu.memory_space<vmem>>, vector<4096x128xbf16>
    %convert_element_type3A = arith.extf %get3A_1 : vector<4096x128xbf16> to vector<4096x128xf32>
    %get3A_2 = arith.constant 0 : index
    %get3A_3 = arith.constant 0 : index
    %get3A_4 = vector.load %arg2[%get3A_2, %get3A_3] : memref<1x128xf32, #tpu.memory_space<vmem>>, vector<1x128xf32>
    %mul3A = vector.broadcast %get3A_4 : vector<1x128xf32> to vector<4096x128xf32>
    %mul3A_5 = arith.mulf %mul3A, %convert_element_type3A : vector<4096x128xf32>
    %get3A_6 = arith.constant 0 : index
    %get3A_7 = arith.constant 0 : index
    %get3A_8 = vector.load %arg3[%get3A_6, %get3A_7] : memref<1x128xf32, #tpu.memory_space<vmem>>, vector<1x128xf32>
    %add3A = vector.broadcast %get3A_8 : vector<1x128xf32> to vector<4096x128xf32>
    %add3A_9 = arith.addf %mul3A_5, %add3A : vector<4096x128xf32>
    %max3A = arith.constant 0.000000e+00 : f32
    %max3A_10 = vector.broadcast %max3A : f32 to vector<4096x128xf32>
    %max3A_11 = arith.maximumf %add3A_9, %max3A_10 : vector<4096x128xf32>
    %get3A_12 = arith.constant 0 : index
    %get3A_13 = arith.constant 0 : index
    %get3A_14 = vector.load %arg4[%get3A_12, %get3A_13] : memref<128x128xf32, #tpu.memory_space<vmem>>, vector<128x128xf32>
    %dot_general3A = arith.constant dense<0.000000e+00> : vector<4096x128xf32>
    %dot_general3A_15 = tpu.matmul %max3A_11, %get3A_14, %dot_general3A {dimension_numbers = #tpu.dot_dimension_numbers<[1], [0], [0], [1], [0, 0, 1, 1], [], []>, transpose_lhs_hint = false} : vector<4096x128xf32>, vector<128x128xf32>, vector<4096x128xf32> -> vector<4096x128xf32>
    %convert_element_type3A_16 = arith.truncf %dot_general3A_15 : vector<4096x128xf32> to vector<4096x128xbf16>
    %swap3A = arith.constant 0 : index
    %swap3A_17 = arith.constant 0 : index
    %swap3A_18 = vector.load %arg5[%swap3A, %swap3A_17] : memref<4096x128xbf16, #tpu.memory_space<vmem>>, vector<4096x128xbf16>
    tpu.vector_store %arg5[%swap3A, %swap3A_17], %convert_element_type3A_16 {strides = array<i32>} : memref<4096x128xbf16, #tpu.memory_space<vmem>>, vector<4096x128xbf16>,
    %mul3A_19 = arith.constant 4096 : i32
    %mul3A_20 = arith.muli %arg0, %mul3A_19 : i32
    %iota3A = tpu.iota {dimensions = array<i32: 0>} : vector<4096x128xi32>
    %add3A_21 = vector.broadcast %mul3A_20 : i32 to vector<4096x128xi32>
    %add3A_22 = arith.addi %add3A_21, %iota3A : vector<4096x128xi32>
    %lt3A = arith.constant 50000 : i32
    %lt3A_23 = vector.broadcast %lt3A : i32 to vector<4096x128xi32>
    %lt3A_24 = arith.cmpi slt, %add3A_22, %lt3A_23 : vector<4096x128xi32>
    %jit3A = arith.constant 0.000000e+00 : f32
    %broadcast_in_dim3A = vector.broadcast %jit3A : f32 to vector<4096x128xf32>
    %select_n3A = arith.select %lt3A_24, %dot_general3A_15, %broadcast_in_dim3A : vector<4096x128xi1>, vector<4096x128xf32>
    %eq3A = arith.constant 0 : i32
    %eq3A_25 = arith.cmpi eq, %arg0, %eq3A : i32
    %convert_element_type3A_26 = arith.extui %eq3A_25 : i1 to i32
    %cond3A = arith.constant 0 : i32
    %cond3A_27 = arith.cmpi ne, %convert_element_type3A_26, %cond3A : i32
    scf.if %cond3A_27 {
      %broadcast_in_dim3A_48 = arith.constant 0.000000e+00 : f32
      %broadcast_in_dim3A_49 = vector.broadcast %broadcast_in_dim3A_48 : f32 to vector<1x128xf32>
      %swap3A_50 = arith.constant 0 : index
      %swap3A_51 = arith.constant 0 : index
      %swap3A_52 = vector.load %arg6[%swap3A_50, %swap3A_51] : memref<1x128xf32, #tpu.memory_space<vmem>>, vector<1x128xf32>
      tpu.vector_store %arg6[%swap3A_50, %swap3A_51], %broadcast_in_dim3A_49 {strides = array<i32>} : memref<1x128xf32, #tpu.memory_space<vmem>>, vector<1x128xf32>,
      %broadcast_in_dim3A_53 = arith.constant 0.000000e+00 : f32
      %broadcast_in_dim3A_54 = vector.broadcast %broadcast_in_dim3A_53 : f32 to vector<1x128xf32>
      %swap3A_55 = arith.constant 0 : index
      %swap3A_56 = arith.constant 0 : index
      %swap3A_57 = vector.load %arg7[%swap3A_55, %swap3A_56] : memref<1x128xf32, #tpu.memory_space<vmem>>, vector<1x128xf32>
      tpu.vector_store %arg7[%swap3A_55, %swap3A_56], %broadcast_in_dim3A_54 {strides = array<i32>} : memref<1x128xf32, #tpu.memory_space<vmem>>, vector<1x128xf32>,
    } else {
    }
    %get3A_28 = arith.constant 0 : index
    %get3A_29 = arith.constant 0 : index
    %get3A_30 = vector.load %arg6[%get3A_28, %get3A_29] : memref<1x128xf32, #tpu.memory_space<vmem>>, vector<1x128xf32>
    %reduce_sum3A = arith.constant dense<0.000000e+00> : vector<128xf32>
    %reduce_sum3A_31 = vector.multi_reduction <add>, %select_n3A, %reduce_sum3A [0] : vector<4096x128xf32> to vector<128xf32>
    %broadcast_in_dim3A_32 = vector.shape_cast %reduce_sum3A_31 : vector<128xf32> to vector<1x128xf32>
    %add3A_33 = arith.addf %get3A_30, %broadcast_in_dim3A_32 : vector<1x128xf32>
    %swap3A_34 = arith.constant 0 : index
    %swap3A_35 = arith.constant 0 : index
    %swap3A_36 = vector.load %arg6[%swap3A_34, %swap3A_35] : memref<1x128xf32, #tpu.memory_space<vmem>>, vector<1x128xf32>
    tpu.vector_store %arg6[%swap3A_34, %swap3A_35], %add3A_33 {strides = array<i32>} : memref<1x128xf32, #tpu.memory_space<vmem>>, vector<1x128xf32>,
    %get3A_37 = arith.constant 0 : index
    %get3A_38 = arith.constant 0 : index
    %get3A_39 = vector.load %arg7[%get3A_37, %get3A_38] : memref<1x128xf32, #tpu.memory_space<vmem>>, vector<1x128xf32>
    %mul3A_40 = arith.mulf %select_n3A, %select_n3A : vector<4096x128xf32>
    %reduce_sum3A_41 = arith.constant dense<0.000000e+00> : vector<128xf32>
    %reduce_sum3A_42 = vector.multi_reduction <add>, %mul3A_40, %reduce_sum3A_41 [0] : vector<4096x128xf32> to vector<128xf32>
    %broadcast_in_dim3A_43 = vector.shape_cast %reduce_sum3A_42 : vector<128xf32> to vector<1x128xf32>
    %add3A_44 = arith.addf %get3A_39, %broadcast_in_dim3A_43 : vector<1x128xf32>
    %swap3A_45 = arith.constant 0 : index
    %swap3A_46 = arith.constant 0 : index
    %swap3A_47 = vector.load %arg7[%swap3A_45, %swap3A_46] : memref<1x128xf32, #tpu.memory_space<vmem>>, vector<1x128xf32>
    tpu.vector_store %arg7[%swap3A_45, %swap3A_46], %add3A_44 {strides = array<i32>} : memref<1x128xf32, #tpu.memory_space<vmem>>, vector<1x128xf32>,
    return
  }
  func.func @transform_0(%arg0: i32) -> (i32, i32) {
    %c0_i32 = arith.constant 0 : i32
    %c0_i32_0 = arith.constant 0 : i32
    return %arg0, %c0_i32 : i32, i32
  }
  func.func @transform_1(%arg0: i32) -> (i32, i32) {
    %c0_i32 = arith.constant 0 : i32
    %c0_i32_0 = arith.constant 0 : i32
    %c0_i32_1 = arith.constant 0 : i32
    return %c0_i32, %c0_i32_0 : i32, i32
  }
  func.func @transform_2(%arg0: i32) -> (i32, i32) {
    %c0_i32 = arith.constant 0 : i32
    %c0_i32_0 = arith.constant 0 : i32
    %c0_i32_1 = arith.constant 0 : i32
    return %c0_i32, %c0_i32_0 : i32, i32
  }
  func.func @transform_3(%arg0: i32) -> (i32, i32) {
    %c0_i32 = arith.constant 0 : i32
    %c0_i32_0 = arith.constant 0 : i32
    %c0_i32_1 = arith.constant 0 : i32
    return %c0_i32, %c0_i32_0 : i32, i32
  }
  func.func @transform_4(%arg0: i32) -> (i32, i32) {
    %c0_i32 = arith.constant 0 : i32
    %c0_i32_0 = arith.constant 0 : i32
    return %arg0, %c0_i32 : i32, i32
  }
  func.func @transform_5(%arg0: i32) -> (i32, i32) {
    %c0_i32 = arith.constant 0 : i32
    %c0_i32_0 = arith.constant 0 : i32
    %c0_i32_1 = arith.constant 0 : i32
    return %c0_i32, %c0_i32_0 : i32, i32
  }
  func.func @transform_6(%arg0: i32) -> (i32, i32) {
    %c0_i32 = arith.constant 0 : i32
    %c0_i32_0 = arith.constant 0 : i32
    %c0_i32_1 = arith.constant 0 : i32
    return %c0_i32, %c0_i32_0 : i32, i32
  }
}

module attributes {stable_mosaic.version = 14 : i64} {
  func.func @body(%arg0: i32, %arg1: memref<64x8192xbf16, #tpu.memory_space<vmem>>, %arg2: memref<64x1xf32, #tpu.memory_space<vmem>>, %arg3: memref<64x1xf32, #tpu.memory_space<vmem>>, %arg4: memref<64x8192xf32, #tpu.memory_space<vmem>>) attributes {dimension_semantics = [#tpu.dimension_semantics<arbitrary>], iteration_bounds = array<i64: 13>, scalar_prefetch = 0 : i64, scratch_operands = 0 : i64, tpu.core_type = #tpu.core_type<tc>, window_params = [{transform_indices = @transform_0, window_bounds = array<i64: 64, 8192>}, {pipeline_mode = #tpu.pipeline_mode<synchronous>, transform_indices = @transform_1, window_bounds = array<i64: 64, 1>}, {pipeline_mode = #tpu.pipeline_mode<synchronous>, transform_indices = @transform_2, window_bounds = array<i64: 64, 1>}, {transform_indices = @transform_3, window_bounds = array<i64: 64, 8192>}]} {
    %get3A = arith.constant 0 : index
    %get3A_0 = arith.constant 0 : index
    %get3A_1 = vector.load %arg1[%get3A, %get3A_0] : memref<64x8192xbf16, #tpu.memory_space<vmem>>, vector<64x8192xbf16>
    %convert_element_type3A = arith.extf %get3A_1 : vector<64x8192xbf16> to vector<64x8192xf32>
    %get3A_2 = arith.constant 0 : index
    %get3A_3 = arith.constant 0 : index
    %get3A_4 = vector.load %arg2[%get3A_2, %get3A_3] : memref<64x1xf32, #tpu.memory_space<vmem>>, vector<64x1xf32>
    %mul3A = vector.broadcast %get3A_4 : vector<64x1xf32> to vector<64x8192xf32>
    %mul3A_5 = arith.mulf %mul3A, %convert_element_type3A : vector<64x8192xf32>
    %get3A_6 = arith.constant 0 : index
    %get3A_7 = arith.constant 0 : index
    %get3A_8 = vector.load %arg3[%get3A_6, %get3A_7] : memref<64x1xf32, #tpu.memory_space<vmem>>, vector<64x1xf32>
    %add3A = vector.broadcast %get3A_8 : vector<64x1xf32> to vector<64x8192xf32>
    %add3A_9 = arith.addf %mul3A_5, %add3A : vector<64x8192xf32>
    %max3A = arith.constant 0.000000e+00 : f32
    %max3A_10 = vector.broadcast %max3A : f32 to vector<64x8192xf32>
    %max3A_11 = arith.maximumf %add3A_9, %max3A_10 : vector<64x8192xf32>
    %swap3A = arith.constant 0 : index
    %swap3A_12 = arith.constant 0 : index
    %swap3A_13 = vector.load %arg4[%swap3A, %swap3A_12] : memref<64x8192xf32, #tpu.memory_space<vmem>>, vector<64x8192xf32>
    tpu.vector_store %arg4[%swap3A, %swap3A_12], %max3A_11 {strides = array<i32>} : memref<64x8192xf32, #tpu.memory_space<vmem>>, vector<64x8192xf32>,
    return
  }
  func.func @transform_0(%arg0: i32) -> (i32, i32) {
    %c0_i32 = arith.constant 0 : i32
    %c0_i32_0 = arith.constant 0 : i32
    return %c0_i32, %arg0 : i32, i32
  }
  func.func @transform_1(%arg0: i32) -> (i32, i32) {
    %c0_i32 = arith.constant 0 : i32
    %c0_i32_0 = arith.constant 0 : i32
    %c0_i32_1 = arith.constant 0 : i32
    return %c0_i32, %c0_i32_0 : i32, i32
  }
  func.func @transform_2(%arg0: i32) -> (i32, i32) {
    %c0_i32 = arith.constant 0 : i32
    %c0_i32_0 = arith.constant 0 : i32
    %c0_i32_1 = arith.constant 0 : i32
    return %c0_i32, %c0_i32_0 : i32, i32
  }
  func.func @transform_3(%arg0: i32) -> (i32, i32) {
    %c0_i32 = arith.constant 0 : i32
    %c0_i32_0 = arith.constant 0 : i32
    return %c0_i32, %arg0 : i32, i32
  }
}

</mosaic_0001>

<sc_bundles>
// kernel: kernel.8.cloned.1.call-start
scs
__scs_entry_jumppad:
0x0: {  	(pc) =	sbr.rel $0x88, $3  }
0x1: {  	(tag) =	ssettag $0x0;
	lr =	simm.s32 $0x1  }
0x2: {  	[smem:$0x3F94] =	sst lr;
	_ =	strace $0xD0000000  }
0x3: {  	_ = 	snop  }
0x4: {  	_ = 	snop  }
0x5: {  	_ = 	snop  }
0x6: {  	_ = 	snop  }
0x7: {  	_ = 	snop  }
__scs_overlays_trampoline_lowered:
0x8: {  	[smem:$0x3FA3] =	sst s0  }
0x9: {  	[smem:$0x3FA4] =	sst s1  }
0xa: {  	[smem:$0x3FA5] =	sst s2  }
0xb: {  	[smem:$0x3FA6] =	sst s3  }
0xc: {  	[smem:$0x3FA7] =	sst s4  }
0xd: {  	[smem:$0x3FA8] =	sst s5  }
0xe: {  	[smem:$0x3FA9] =	sst s6  }
0xf: {  	[smem:$0x3FAA] =	sst s7  }
0x10: {  	[smem:$0x3FAB] =	sst s8  }
0x11: {  	[smem:$0x3FAC] =	sst s9;
	s0 =	simm.s32 @!p0 $0x0  }
0x12: {  	s1 =	sld [smem:$0x3F92];
	s0 =	simm.s32 @p0 $0x1  }
0x13: {  	[smem:$0x3FAD] =	sst s0;
	s0 =	simm.s32 @!p1 $0x0  }
0x14: {  	s2 =	sld [smem:$0x3F91];
	s0 =	simm.s32 @p1 $0x1  }
0x15: {  	[smem:$0x3FAE] =	sst s0;
	s0 =	simm.s32 @!p2 $0x0  }
0x16: {  	s3 =	sld [smem:$0x3FDB];
	s0 =	simm.s32 @p2 $0x1  }
0x17: {  	s4 =	simm.s32 $0x1BF5;
	[smem:$0x3FB0] =	sst s0  }
0x18: {  	s0 =	sld [smem:$0x3F93];
	_ =	swait.ge [sflag:s4], $0x0  }
0x19: {  	s7 =	sld [smem:$0x3F94]  }
0x1a: {  	s8 =	sadd.s32 $0xFFFFE003, lr  }
0x1b: {  	s9 =	sadd.s32 $0xFFFFFEF7, lr;
	s5 =	simm.s32 $0xFFFFFFFF;
	p2 =	slt.u32 s8, $0xFFFFF086  }
0x1c: {  	p1 =	slt.u32 s9, $0xF7A;
	s5 =	simm.s32 @!p2 $0x0  }
0x1d: {  	s5 =	simm.s32 @p1 $0x1;
	p0 =	seq.s32 s7, s2  }
0x1e: {  	s7 =	smul.u32 @!p0 $0xF7A, s2;
	p2 =	seq.s32 @!p0 s5, $0x0  }
0x1f: {  	s9 =	smul.u32 $0xF7A, s1;
	s8 =	simm.s32 @!p0 $0x1BF5;
	p2 =	por !p2, p0  }
0x20: {  	[sflag:s8] =	ssyncset.s32 @!p0 $0xFFFFF086;
	s6 =	sadd.s32 @!p0 s3, s7;
	s7 =	simm.s32 @!p0 $0x108  }
0x21: {  	s3 =	sadd.s32 s3, s9;
	s6 =	sadd.s32 @!p0 $0x88, s6;
	s7 =	simm.s32 @p2 $0x1082  }
0x22: {  	[simem:s7], [sflag:s8] =	dma.local @!p0 [hbm:s6], $0xF7A  }
0x23: {  	s9 =	sor.u32 $0xD0000000, s2;
	s6 =	simm.s32 $0x108;
	_ =	swait.ge @!p0 [sflag:s8], $0x0  }
0x24: {  	s3 =	sadd.s32 $0x88, s3;
	s6 =	simm.s32 @!p1 $0x1082;
	[sflag:s4] =	ssyncset.s32 $0xFFFFF086  }
0x25: {  	[simem:s6], [sflag:s4] =	dma.local [hbm:s3], $0xF7A  }
0x26: {  	[smem:$0x3F94] =	sst s1;
	(tag) =	ssettag s2;
	_ =	strace s9  }
0x27: {  	s1 =	sld [smem:$0x3FA4]  }
0x28: {  	s2 =	sld [smem:$0x3FA5]  }
0x29: {  	s4 =	sld [smem:$0x3FA7]  }
0x2a: {  	p0 =	seq.s32 s5, $0x0;
	s5 =	sld [smem:$0x3FA8]  }
0x2b: {  	s6 =	sld [smem:$0x3FA9]  }
0x2c: {  	s7 =	sld [smem:$0x3FAA]  }
0x2d: {  	s3 =	simm.s32 $0x108;
	s8 =	sld [smem:$0x3FAB]  }
0x2e: {  	s3 =	simm.s32 @!p0 $0x1082;
	s9 =	sld [smem:$0x3FAC]  }
0x2f: {  	lr =	sadd.s32 s0, s3;
	s0 =	sld [smem:$0x3FA3]  }
0x30: {  	s3 =	sld [smem:$0x3FA6]  }
0x31: {  	[smem:$0x3FAF] =	sst s10  }
0x32: {  	s10 =	sld [smem:$0x3FAD];
	_ =	sdelay $0x3  }
0x33: {  	p0 =	seq.s32 s10, $0x1;
	s10 =	sld [smem:$0x3FAF];
	_ =	sdelay $0x3  }
0x34: {  	[smem:$0x3FAF] =	sst s10  }
0x35: {  	s10 =	sld [smem:$0x3FAE];
	_ =	sdelay $0x3  }
0x36: {  	p1 =	seq.s32 s10, $0x1;
	s10 =	sld [smem:$0x3FAF];
	_ =	sdelay $0x3  }
0x37: {  	[smem:$0x3FAF] =	sst s10  }
0x38: {  	s10 =	sld [smem:$0x3FB0]  }
0x39: {  	_ = 	snop;
	(pc) =	sbr.ind lr, $3  }
0x3a: {  	_ = 	snop  }
0x3b: {  	_ = 	snop  }
0x3c: {  	p2 =	seq.s32 s10, $0x1;
	s10 =	sld [smem:$0x3FAF]  }
0x3d: {  	_ =	shalt  }
0x3e: {  	_ =	shalt  }
0x3f: {  	_ =	shalt  }
0x40: {  	_ =	shalt  }
0x41: {  	_ =	shalt  }
0x42: {  	_ =	shalt  }
0x43: {  	_ =	shalt  }
0x44: {  	_ =	shalt  }
0x45: {  	_ =	shalt  }
0x46: {  	_ =	shalt  }
0x47: {  	_ =	shalt  }
0x48: {  	_ =	shalt  }
0x49: {  	_ =	shalt  }
0x4a: {  	_ =	shalt  }
0x4b: {  	_ =	shalt  }
0x4c: {  	_ =	shalt  }
0x4d: {  	_ =	shalt  }
0x4e: {  	_ =	shalt  }
0x4f: {  	_ =	shalt  }
0x50: {  	_ =	shalt  }
0x51: {  	_ =	shalt  }
0x52: {  	_ =	shalt  }
0x53: {  	_ =	shalt  }
0x54: {  	_ =	shalt  }
0x55: {  	_ =	shalt  }
0x56: {  	_ =	shalt  }
0x57: {  	_ =	shalt  }
0x58: {  	_ =	shalt  }
0x59: {  	_ =	shalt  }
0x5a: {  	_ =	shalt  }
0x5b: {  	_ =	shalt  }
0x5c: {  	_ =	shalt  }
0x5d: {  	_ =	shalt  }
0x5e: {  	_ =	shalt  }
0x5f: {  	_ =	shalt  }
0x60: {  	_ =	shalt  }
0x61: {  	_ =	shalt  }
0x62: {  	_ =	shalt  }
0x63: {  	_ =	shalt  }
0x64: {  	_ =	shalt  }
0x65: {  	_ =	shalt  }
0x66: {  	_ =	shalt  }
0x67: {  	_ =	shalt  }
0x68: {  	_ =	shalt  }
0x69: {  	_ =	shalt  }
0x6a: {  	_ =	shalt  }
0x6b: {  	_ =	shalt  }
0x6c: {  	_ =	shalt  }
0x6d: {  	_ =	shalt  }
0x6e: {  	_ =	shalt  }
0x6f: {  	_ =	shalt  }
0x70: {  	_ =	shalt  }
0x71: {  	_ =	shalt  }
0x72: {  	_ =	shalt  }
0x73: {  	_ =	shalt  }
0x74: {  	_ =	shalt  }
0x75: {  	_ =	shalt  }
0x76: {  	_ =	shalt  }
0x77: {  	_ =	shalt  }
0x78: {  	_ =	shalt  }
0x79: {  	_ =	shalt  }
0x7a: {  	_ =	shalt  }
0x7b: {  	_ =	shalt  }
0x7c: {  	_ =	shalt  }
0x7d: {  	_ =	shalt  }
0x7e: {  	_ =	shalt  }
0x7f: {  	_ =	shalt  }
0x80: {  	_ =	shalt  }
0x81: {  	_ =	shalt  }
0x82: {  	_ =	shalt  }
0x83: {  	_ =	shalt  }
0x84: {  	_ =	shalt  }
0x85: {  	_ =	shalt  }
0x86: {  	_ =	shalt  }
0x87: {  	_ =	shalt  }
.Lfunc_end0:
.L_simem_size_0:
called_computation_lowered:
.L_overlay_start_0:
0x88: {  	s2 =	sld [smem:$0x3FD9]  }
0x89: {  	s3 =	sld [smem:$0x3FFE];
	_ =	sdelay $0x1  }
0x8a: {  	s1 =	srdreg.scid  }
0x8b: {  	s0 =	sand.u32 $0x1, s1  }
0x8c: {  	s14 =	sshll.u32 s0, $0xA;
	s2 =	sadd.s32 s3, s2  }
0x8d: {  	s2 =	sadd.s32 s2, s14  }
0x8e: {  	[smem:$0x3FBB] =	sst s2  }
0x8f: {  	_ = 	snop  }
0x90: {  	s2 =	sld [smem:$0x3FD0];
	_ =	sdelay $0x2  }
0x91: {  	s15 =	simm.s32 $0xA;
	s4 =	simm.s32 $0x10  }
0x92: {  	[smem:s4], [sflag:s15] =	dma.local [hbm:s2], $0x1  }
0x93: {  	_ =	swait.eq [sflag:s15], $0x1  }
0x94: {  	[sflag:s15] =	ssyncset.done $0x0  }
0x95: {  	[sflag:s15] =	ssyncadd.s32 $0xFFFFFFFF  }
0x96: {  	s16 =	sld [smem:$0x11];
	(tm) =	ssettm $0x1  }
0x97: {  	s17 =	sld [smem:$0x3FFB];
	_ =	sdelay $0x3  }
0x98: {  	_ =	strace s17  }
0x99: {  	s3 =	sld [smem:$0x3FFC];
	_ =	sdelay $0x3  }
0x9a: {  	_ =	strace s3  }
0x9b: {  	s3 =	sld [smem:$0x3FFD];
	_ =	sdelay $0x3  }
0x9c: {  	_ =	strace s3  }
0x9d: {  	_ =	strace $0x8FFFFFFF  }
0x9e: {  	s18 =	sld [smem:$0x3FDB];
	_ =	sdelay $0x1  }
0x9f: {  	s19 =	simm.s32 $_scs_section_size  }
0xa0: {  	s5 =	simm.s32 $_size__tile_overlayer_lowered;
	s6 =	simm.s32 $_tile_overlayer_lowered  }
0xa1: {  	s22 =	simm.s32 $0x1BFF;
	s21 =	sshll.u32 s6, $0x1;
	s3 =	sadd.s32 s19, s18  }
0xa2: {  	s7 =	simm.s32 $0x0;
	s20 =	sshll.u32 s5, $0x1;
	s5 =	sadd.s32 s21, s3  }
0xa3: {  	[timem:s7], [sflag:s22] =	dma.local [hbm:s5], s20  }
0xa4: {  	_ =	swait.ge [sflag:s22], s20  }
0xa5: {  	s4 =	ssub.s32 $0x0, s20;
	[sflag:s22] =	ssyncset.done $0x0  }
0xa6: {  	[sflag:s22] =	ssyncadd.s32 s4;
	_ =	sdelay $0x1  }
0xa7: {  	s23 =	simm.s32 $0x1B8B  }
0xa8: {  	_ =	swait.ge [sflag:s23], $0x1  }
0xa9: {  	[sflag:s23] =	ssyncset.done $0x0  }
0xaa: {  	s25 =	simm.s32 $0x1B8E;
	s24 =	sld [smem:$0x3FFE];
	[sflag:s23] =	ssyncadd.s32 $0xFFFFFFFF  }
0xab: {  	s26 =	simm.s32 $execute0_lowered;
	[smem:$0x3FD2] =	sst s25  }
0xac: {  	s5 =	sshll.u32 s26, $0x1;
	_ =	strace $0x80000046;
	[dreg:$0x1] =	wrdreg $0xFFFFFFFF  }
0xad: {  	s28 =	simm.s32 $_size_execute0_lowered;
	s3 =	sadd.s32 s3, s5;
	[dreg:$0x0] =	wrdreg $0x0  }
0xae: {  	s5 =	sshll.u32 s28, $0x1;
	[dreg:$0x2] =	wrdreg s3  }
0xaf: {  	[dreg:$0x3] =	wrdreg s5  }
0xb0: {  	[dreg:$0x4] =	wrdreg $0xC0  }
0xb1: {  	_ =	task [dreg:s7], $0x5FFFF  }
0xb2: {  	[dreg:$0x1] =	wrdreg $0xFFFFFFFF  }
0xb3: {  	[dreg:$0x0] =	wrdreg $0x60  }
0xb4: {  	[dreg:$0x2] =	wrdreg s16  }
0xb5: {  	[dreg:$0x3] =	wrdreg s24  }
0xb6: {  	[dreg:$0x4] =	wrdreg $0x9  }
0xb7: {  	_ =	task.clear_ibuf [dreg:s7], $0x5FFFF;
	_ =	strace $0x90000046  }
0xb8: {  	s29 =	simm.s32 $0x9;
	_ =	strace $0x80000048  }
0xb9: {  	_ =	swait.ge [sflag:s29], $0x1  }
0xba: {  	[sflag:s29] =	ssyncadd.s32 $0xFFFFFFFF  }
0xbb: {  	_ =	strace $0x90000048  }
0xbc: {  	_ =	sfence  }
0xbd: {  	s30 =	sld [smem:$0x0];
	_ =	sdelay $0x2  }
0xbe: {  	s31 =	sshll.u32 s1, $0xD;
	s1 =	sshrl.u32 s1, $0x2  }
0xbf: {  	s3 =	sand.u32 $0x4000, s31;
	s1 =	sadd.s32 s1, s30  }
0xc0: {  	s0 =	sor.u32 s3, s0;
	s1 =	sshll.u32 s1, $0x11  }
0xc1: {  	s0 =	sor.u32 s1, s0  }
0xc2: {  	s0 =	sadd.s32 $0x8F2B, s0  }
0xc3: {  	[sflag:s0] =	ssyncadd.remote.s32 $0x1  }
0xc4: {  	_ =	sfence.sel $0xFFFF  }
0xc5: {  	[dreg:$0x0] =	wrdreg $0xFFFFFFFF;
	(pc) =	sbr.abs _section_cstart, $3  }
0xc6: {  	[dreg:$0x1] =	wrdreg $0xFFFFFFFF  }
0xc7: {  	_ =	task.clear_ibuf [dreg:s7], $0x2FFFF;
	_ =	strace $0x9FFFFFFF  }
0xc8: {  	(tm) =	ssettm $0x7FFFFFFF  }
0xc9: {  	_ =	shalt  }
tec
execute0_lowered:
.L_overlay_start_1:
0x0: {  	(tag) =	ssettag $0x1  }
0x1: {  	s0 =	srdreg.scid  }
0x2: {  	s1 =	stileid.u32;
	s3 =	rddreg [dreg:$0x0]  }
0x3: {  	s6 =	rddreg [dreg:$0x1];
	s5 =	sand.u32 $0x1, s0;
	s15 =	sshll.u32 s1, $0x1  }
0x4: {  	s2 =	simm.s32 $0x0;
	p0 =	por $0x0, $0x0;
	s1 =	sor.u32 s5, s15  }
0x5: {  	[smem:$0x7FF] =	sst s2;
	s0 =	sadd.s32 $0x1C00, s6;
	s4 =	smul.u32 $0x2580, s1  }
0x6: {  	_ =	strace $0x80000047;
	s5 =	ssub.s32 $0x2, s5;
	s11 =	smul.u32 $0x12C00, s1  }
0x7: {  	s1 =	sadd.s32 $0xB200, s6;
	s7 =	sshrl.u32 s4, $0x3;
	s8 =	sadd.s32 $0x280, s4  }
0x8: {  	s9 =	sadd.s32 $0x500, s4;
	s18 =	sadd.s32 s1, s11;
	s19 =	sadd.s32 $0x780, s4  }
0x9: {  	s21 =	sadd.s32 $0xA00, s4;
	s28 =	sadd.s32 $0xC80, s4;
	s31 =	sadd.s32 $0xF00, s4  }
0xa: {  	s15 =	sadd.s32 $0x1180, s4;
	s7 =	sadd.s32 s0, s7;
	s16 =	sshrl.u32 s8, $0x3  }
0xb: {  	s10 =	sshrl.u32 s9, $0x3;
	[dreg:$0x6] =	wrdreg s18;
	s20 =	sshrl.u32 s19, $0x3  }
0xc: {  	s8 =	sshll.u32 s8, $0x3;
	s23 =	sshrl.u32 s21, $0x3;
	s25 =	sshll.u32 s9, $0x3  }
0xd: {  	s30 =	sshrl.u32 s28, $0x3;
	s11 =	sshrl.u32 s31, $0x3;
	s13 =	sshll.u32 s21, $0x3  }
0xe: {  	s21 =	sshll.u32 s31, $0x3;
	[dreg:$0x3] =	wrdreg s7;
	s7 =	sadd.s32 s0, s16  }
0xf: {  	s9 =	simm.s32 $0x80;
	s17 =	sadd.s32 s0, s10;
	[dreg:$0x4] =	wrdreg s7  }
0x10: {  	s6 =	sadd.s32 s0, s20;
	s22 =	sadd.s32 s1, s8;
	[dreg:$0x5] =	wrdreg s17  }
0x11: {  	s24 =	sadd.s32 s0, s23;
	s26 =	sadd.s32 s1, s25;
	[dreg:$0x7] =	wrdreg s6  }
0x12: {  	s12 =	sadd.s32 s0, s11;
	s14 =	sadd.s32 s1, s13;
	[dreg:$0x8] =	wrdreg s22  }
0x13: {  	s16 =	sshrl.u32 s15, $0x3;
	s8 =	sshll.u32 s28, $0x3;
	[dreg:$0x9] =	wrdreg s24  }
0x14: {  	s23 =	sadd.s32 $0x1680, s4;
	s25 =	sadd.s32 $0x1900, s4;
	[dreg:$0xa] =	wrdreg s26  }
0x15: {  	s11 =	sadd.s32 $0x1B80, s4;
	s13 =	sadd.s32 $0x1E00, s4;
	[dreg:$0xd] =	wrdreg s12  }
0x16: {  	s6 =	sadd.s32 s0, s30;
	s7 =	sshll.u32 s19, $0x3;
	[dreg:$0xe] =	wrdreg s14  }
0x17: {  	s17 =	sadd.s32 $0x1400, s4;
	s18 =	sadd.s32 s1, s8;
	s22 =	sadd.s32 s1, s21  }
0x18: {  	s24 =	sshrl.u32 s23, $0x3;
	s28 =	sshrl.u32 s25, $0x3;
	s29 =	rddreg [dreg:$0x3]  }
0x19: {  	s12 =	sshrl.u32 s11, $0x3;
	s8 =	sshll.u32 s23, $0x3;
	[dreg:$0xb] =	wrdreg s6  }
0x1a: {  	s7 =	sadd.s32 s1, s7;
	s6 =	sadd.s32 s0, s16;
	[dreg:$0x10] =	wrdreg s18  }
0x1b: {  	s19 =	sshrl.u32 s17, $0x3;
	[dreg:$0x12] =	wrdreg s22;
	s30 =	sadd.s32 s0, s28  }
0x1c: {  	s31 =	sshll.u32 s17, $0x3;
	s14 =	sadd.s32 s1, s8;
	[dreg:$0xc] =	wrdreg s7  }
0x1d: {  	s17 =	sshll.u32 s25, $0x3;
	s8 =	simm.s32 $0x5;
	[dreg:$0xf] =	wrdreg s6  }
0x1e: {  	s20 =	sadd.s32 s0, s19;
	s6 =	sadd.s32 s0, s24;
	s7 =	sshll.u32 s15, $0x3  }
0x1f: {  	[dreg:$0x15] =	wrdreg s30;
	s10 =	sadd.s32 s1, s31;
	s15 =	sshrl.u32 s13, $0x3  }
0x20: {  	[dreg:$0x18] =	wrdreg s14;
	s18 =	sadd.s32 s1, s17;
	s19 =	sadd.s32 $0x2080, s4  }
0x21: {  	s4 =	sadd.s32 $0x2300, s4;
	s24 =	sshll.u32 s13, $0x3;
	[dreg:$0x11] =	wrdreg s20  }
0x22: {  	s13 =	simm.s32 $0x2;
	[dreg:$0x13] =	wrdreg s6;
	s26 =	sadd.s32 s1, s7  }
0x23: {  	[dreg:$0x16] =	wrdreg s10;
	s6 =	sadd.s32 s0, s12;
	s16 =	sadd.s32 s0, s15  }
0x24: {  	s20 =	sshrl.u32 s5, $0x1;
	[dreg:$0x1a] =	wrdreg s18;
	s21 =	sshrl.u32 s19, $0x3  }
0x25: {  	s7 =	sshll.u32 s11, $0x3;
	s23 =	sshrl.u32 s4, $0x3;
	s25 =	sadd.s32 s1, s24  }
0x26: {  	s4 =	sshll.u32 s4, $0x3;
	s18 =	simm.s32 $0x280;
	[dreg:$0x14] =	wrdreg s26  }
0x27: {  	s11 =	simm.s32 $0x780;
	s12 =	simm.s32 $0x500;
	[dreg:$0x17] =	wrdreg s6  }
0x28: {  	s24 =	simm.s32 $0x1;
	s10 =	simm.s32 $0x3;
	[dreg:$0x19] =	wrdreg s16  }
0x29: {  	s6 =	sadd.s32 s0, s21;
	s22 =	sadd.s32 s1, s7;
	s5 =	ssub.s32 s5, s20  }
0x2a: {  	s0 =	sadd.s32 s0, s23;
	s26 =	sshll.u32 s19, $0x3;
	s31 =	smax.u32 s5, $0x1  }
0x2b: {  	[dreg:$0x1e] =	wrdreg s25;
	s30 =	sadd.s32 s1, s4;
	p1 =	sne.s32 s31, $0x1  }
.Ltmp0:
0x2c: {  	s25 =	simm.s32 $0x8;
	[dreg:$0x1b] =	wrdreg s6;
	(pc) =	sbr.rel @!p1 .LBB2_4-.Ltmp0, $4  }
0x2d: {  	s4 =	simm.s32 $0x14780;
	s7 =	simm.s32 $0x4;
	[dreg:$0x1c] =	wrdreg s22  }
0x2e: {  	s23 =	simm.s32 $0x7;
	s19 =	simm.s32 $0x6;
	[dreg:$0x1d] =	wrdreg s0  }
0x2f: {  	s28 =	sadd.s32 s1, s26;
	[smem:$0x7FD] =	sst s30;
	s5 =	simm.s32 $0xA780  }
0x30: {  	s22 =	simm.s32 $0x9;
	[dreg:$0x1f] =	wrdreg s28;
	s0 =	sadd.s32 $0xFFFFFFFF, s31  }
0x31: {  	[tilespmem:s2], [sflag:$0xA] =	stream.linear.gather [hbm4b:s29+s2], $0x280, $0x38;
	[tilespmem:$0x1E780] =	vst v63  }
0x32: {  	s20 =	simm.s32 $0xA  }
0x33: {  	_ =	swait.ge [sflag:s20], $0x280  }
0x34: {  	[sflag:s20] =	ssyncset.done $0x0  }
0x35: {  	s29 =	rddreg [dreg:$0x4];
	[sflag:s20] =	ssyncadd.s32 $0xFFFFFD80  }
0x36: {  	[tilespmem:s18], [sflag:$0x8] =	stream.linear.gather [hbm4b:s29+s2], $0x280, $0x38;
	[tilespmem:$0x1E780] =	vst v63  }
0x37: {  	_ = 	snop  }
0x38: {  	[tilespmem:s11], [sflag:$0x1] =	stream.indirect.gather [hbm4b:s3+s9], $0x40, s2, s9, $0xb8;
	[tilespmem:$0x1E780] =	vst v63  }
0x39: {  	s1 =	simm.s32 $0x2780  }
0x3a: {  	[tilespmem:s1], [sflag:$0x1] =	stream.indirect.gather [hbm4b:s3+s9], $0x40, s9, s9, $0xb8;
	[tilespmem:$0x1E780] =	vst v63  }
0x3b: {  	s31 =	simm.s32 $0x100;
	s4 =	simm.s32 $0x4780  }
0x3c: {  	[tilespmem:s4], [sflag:$0x1] =	stream.indirect.gather [hbm4b:s3+s9], $0x40, s31, s9, $0xb8;
	[tilespmem:$0x1E780] =	vst v63  }
0x3d: {  	s6 =	simm.s32 $0x180;
	s11 =	simm.s32 $0x6780  }
0x3e: {  	[tilespmem:s11], [sflag:$0x1] =	stream.indirect.gather [hbm4b:s3+s9], $0x40, s6, s9, $0xb8;
	[tilespmem:$0x1E780] =	vst v63  }
0x3f: {  	s14 =	simm.s32 $0x200;
	[smem:$0x7FC] =	sst s0;
	s20 =	simm.s32 $0x8780  }
0x40: {  	[tilespmem:s20], [sflag:$0x1] =	stream.indirect.gather [hbm4b:s3+s9], $0x40, s14, s9, $0xb8;
	[tilespmem:$0x1E780] =	vst v63  }
0x41: {  	_ =	swait.ge [sflag:s25], $0x280  }
0x42: {  	[sflag:s25] =	ssyncset.done $0x0  }
0x43: {  	s29 =	rddreg [dreg:$0x5];
	[sflag:s25] =	ssyncadd.s32 $0xFFFFFD80  }
0x44: {  	[tilespmem:s12], [sflag:$0x9] =	stream.linear.gather [hbm4b:s29+s2], $0x280, $0x38;
	[tilespmem:$0x1E780] =	vst v63  }
0x45: {  	_ = 	snop  }
0x46: {  	[tilespmem:s5], [sflag:$0x2] =	stream.indirect.gather [hbm4b:s3+s9], $0x40, s18, s9, $0xb8;
	[tilespmem:$0x1E780] =	vst v63  }
0x47: {  	s23 =	simm.s32 $0x300;
	s26 =	simm.s32 $0xC780  }
0x48: {  	[tilespmem:s26], [sflag:$0x2] =	stream.indirect.gather [hbm4b:s3+s9], $0x40, s23, s9, $0xb8;
	[tilespmem:$0x1E780] =	vst v63  }
0x49: {  	s30 =	simm.s32 $0x380;
	s31 =	simm.s32 $0xE780  }
0x4a: {  	[tilespmem:s31], [sflag:$0x2] =	stream.indirect.gather [hbm4b:s3+s9], $0x40, s30, s9, $0xb8;
	[tilespmem:$0x1E780] =	vst v63  }
0x4b: {  	s1 =	simm.s32 $0x400;
	s5 =	simm.s32 $0x10780  }
0x4c: {  	[tilespmem:s5], [sflag:$0x2] =	stream.indirect.gather [hbm4b:s3+s9], $0x40, s1, s9, $0xb8;
	[tilespmem:$0x1E780] =	vst v63  }
0x4d: {  	s23 =	simm.s32 $0x480;
	s30 =	simm.s32 $0x12780  }
0x4e: {  	[tilespmem:s30], [sflag:$0x2] =	stream.indirect.gather [hbm4b:s3+s9], $0x40, s23, s9, $0xb8;
	[tilespmem:$0x1E780] =	vst v63  }
0x4f: {  	_ =	swait.ge [sflag:s24], $0x2000  }
0x50: {  	[sflag:s24] =	ssyncset.done $0x0  }
0x51: {  	[sflag:s24] =	ssyncadd.s32 $0xFFFFE000  }
0x52: {  	_ =	swait.ge [sflag:s24], $0x2000  }
0x53: {  	[sflag:s24] =	ssyncset.done $0x0  }
0x54: {  	[sflag:s24] =	ssyncadd.s32 $0xFFFFE000  }
0x55: {  	_ =	swait.ge [sflag:s24], $0x2000  }
0x56: {  	[sflag:s24] =	ssyncset.done $0x0  }
0x57: {  	[sflag:s24] =	ssyncadd.s32 $0xFFFFE000  }
0x58: {  	_ =	swait.ge [sflag:s24], $0x2000  }
0x59: {  	[sflag:s24] =	ssyncset.done $0x0  }
0x5a: {  	[sflag:s24] =	ssyncadd.s32 $0xFFFFE000  }
0x5b: {  	_ =	swait.ge [sflag:s24], $0x2000  }
0x5c: {  	[sflag:s24] =	ssyncset.done $0x0  }
0x5d: {  	s12 =	simm.s32 $0x780;
	s29 =	rddreg [dreg:$0x6];
	[sflag:s24] =	ssyncadd.s32 $0xFFFFE000  }
0x5e: {  	[hbm4b:s29+s2] =	stream.linear.scatter [tilespmem:s12], [sflag:$0x4], $0xA000, $0x38;
	[tilespmem:$0x1E780] =	vst v63  }
0x5f: {  	_ =	swait.ge [sflag:s22], $0x280  }
0x60: {  	[sflag:s22] =	ssyncset.done $0x0  }
0x61: {  	s29 =	rddreg [dreg:$0x7];
	[sflag:s22] =	ssyncadd.s32 $0xFFFFFD80  }
0x62: {  	[tilespmem:s2], [sflag:$0x7] =	stream.linear.gather [hbm4b:s29+s2], $0x280, $0x38;
	[tilespmem:$0x1E780] =	vst v63  }
0x63: {  	s14 =	simm.s32 $0x14780;
	s18 =	simm.s32 $0x500  }
0x64: {  	[tilespmem:s14], [sflag:$0x3] =	stream.indirect.gather [hbm4b:s3+s9], $0x40, s18, s9, $0xb8;
	[tilespmem:$0x1E780] =	vst v63  }
0x65: {  	s23 =	simm.s32 $0x580;
	s29 =	simm.s32 $0x16780  }
0x66: {  	[tilespmem:s29], [sflag:$0x3] =	stream.indirect.gather [hbm4b:s3+s9], $0x40, s23, s9, $0xb8;
	[tilespmem:$0x1E780] =	vst v63  }
0x67: {  	s5 =	simm.s32 $0x600;
	s29 =	simm.s32 $0x18780  }
0x68: {  	[tilespmem:s29], [sflag:$0x3] =	stream.indirect.gather [hbm4b:s3+s9], $0x40, s5, s9, $0xb8;
	[tilespmem:$0x1E780] =	vst v63  }
0x69: {  	s1 =	simm.s32 $0x680;
	s29 =	simm.s32 $0x1A780  }
0x6a: {  	[tilespmem:s29], [sflag:$0x3] =	stream.indirect.gather [hbm4b:s3+s9], $0x40, s1, s9, $0xb8;
	[tilespmem:$0x1E780] =	vst v63  }
0x6b: {  	s5 =	simm.s32 $0x700;
	s29 =	simm.s32 $0x1C780  }
0x6c: {  	[tilespmem:s29], [sflag:$0x3] =	stream.indirect.gather [hbm4b:s3+s9], $0x40, s5, s9, $0xb8;
	[tilespmem:$0x1E780] =	vst v63  }
0x6d: {  	_ =	swait.ge [sflag:s13], $0x2000  }
0x6e: {  	[sflag:s13] =	ssyncset.done $0x0  }
0x6f: {  	[sflag:s13] =	ssyncadd.s32 $0xFFFFE000  }
0x70: {  	_ =	swait.ge [sflag:s13], $0x2000  }
0x71: {  	[sflag:s13] =	ssyncset.done $0x0  }
0x72: {  	[sflag:s13] =	ssyncadd.s32 $0xFFFFE000  }
0x73: {  	_ =	swait.ge [sflag:s13], $0x2000  }
0x74: {  	[sflag:s13] =	ssyncset.done $0x0  }
0x75: {  	[sflag:s13] =	ssyncadd.s32 $0xFFFFE000  }
0x76: {  	_ =	swait.ge [sflag:s13], $0x2000  }
0x77: {  	[sflag:s13] =	ssyncset.done $0x0  }
0x78: {  	[sflag:s13] =	ssyncadd.s32 $0xFFFFE000  }
0x79: {  	_ =	swait.ge [sflag:s13], $0x2000  }
0x7a: {  	[sflag:s13] =	ssyncset.done $0x0  }
0x7b: {  	s20 =	simm.s32 $0xA780;
	s29 =	rddreg [dreg:$0x8];
	[sflag:s13] =	ssyncadd.s32 $0xFFFFE000  }
0x7c: {  	[hbm4b:s29+s2] =	stream.linear.scatter [tilespmem:s20], [sflag:$0x5], $0xA000, $0x38;
	[tilespmem:$0x1E780] =	vst v63  }
0x7d: {  	_ =	swait.ge [sflag:s7], $0xA000  }
0x7e: {  	[sflag:s7] =	ssyncset.done $0x0  }
0x7f: {  	s28 =	simm.s32 $0x7;
	[sflag:s7] =	ssyncadd.s32 $0xFFFF6000  }
0x80: {  	_ =	swait.ge [sflag:s28], $0x280  }
0x81: {  	[sflag:s28] =	ssyncset.done $0x0  }
0x82: {  	s26 =	simm.s32 $0x280;
	s29 =	rddreg [dreg:$0x9];
	[sflag:s28] =	ssyncadd.s32 $0xFFFFFD80  }
0x83: {  	[tilespmem:s26], [sflag:$0x8] =	stream.linear.gather [hbm4b:s29+s2], $0x280, $0x38;
	[tilespmem:$0x1E780] =	vst v63  }
0x84: {  	_ = 	snop  }
0x85: {  	[tilespmem:s12], [sflag:$0x1] =	stream.indirect.gather [hbm4b:s3+s9], $0x40, s2, s9, $0xb8;
	[tilespmem:$0x1E780] =	vst v63  }
0x86: {  	s21 =	simm.s32 $0x2780  }
0x87: {  	[tilespmem:s21], [sflag:$0x1] =	stream.indirect.gather [hbm4b:s3+s9], $0x40, s9, s9, $0xb8;
	[tilespmem:$0x1E780] =	vst v63  }
0x88: {  	s17 =	simm.s32 $0x4780;
	s16 =	simm.s32 $0x100  }
0x89: {  	[tilespmem:s17], [sflag:$0x1] =	stream.indirect.gather [hbm4b:s3+s9], $0x40, s16, s9, $0xb8;
	[tilespmem:$0x1E780] =	vst v63  }
0x8a: {  	s15 =	simm.s32 $0x6780;
	s11 =	simm.s32 $0x180  }
0x8b: {  	[tilespmem:s15], [sflag:$0x1] =	stream.indirect.gather [hbm4b:s3+s9], $0x40, s11, s9, $0xb8;
	[tilespmem:$0x1E780] =	vst v63  }
0x8c: {  	s4 =	simm.s32 $0x200;
	s6 =	simm.s32 $0x8780  }
0x8d: {  	[tilespmem:s6], [sflag:$0x1] =	stream.indirect.gather [hbm4b:s3+s9], $0x40, s4, s9, $0xb8;
	[tilespmem:$0x1E780] =	vst v63  }
0x8e: {  	_ =	swait.ge [sflag:s10], $0x2000  }
0x8f: {  	[sflag:s10] =	ssyncset.done $0x0  }
0x90: {  	[sflag:s10] =	ssyncadd.s32 $0xFFFFE000  }
0x91: {  	_ =	swait.ge [sflag:s10], $0x2000  }
0x92: {  	[sflag:s10] =	ssyncset.done $0x0  }
0x93: {  	[sflag:s10] =	ssyncadd.s32 $0xFFFFE000  }
0x94: {  	_ =	swait.ge [sflag:s10], $0x2000  }
0x95: {  	[sflag:s10] =	ssyncset.done $0x0  }
0x96: {  	[sflag:s10] =	ssyncadd.s32 $0xFFFFE000  }
0x97: {  	_ =	swait.ge [sflag:s10], $0x2000  }
0x98: {  	[sflag:s10] =	ssyncset.done $0x0  }
0x99: {  	[sflag:s10] =	ssyncadd.s32 $0xFFFFE000  }
0x9a: {  	_ =	swait.ge [sflag:s10], $0x2000  }
0x9b: {  	[sflag:s10] =	ssyncset.done $0x0  }
0x9c: {  	s29 =	rddreg [dreg:$0xa];
	[sflag:s10] =	ssyncadd.s32 $0xFFFFE000  }
0x9d: {  	[hbm4b:s29+s2] =	stream.linear.scatter [tilespmem:s14], [sflag:$0x6], $0xA000, $0x38;
	[tilespmem:$0x1E780] =	vst v63  }
0x9e: {  	_ =	swait.ge [sflag:s8], $0xA000  }
0x9f: {  	[sflag:s8] =	ssyncset.done $0x0  }
0xa0: {  	[sflag:s8] =	ssyncadd.s32 $0xFFFF6000  }
0xa1: {  	_ =	swait.ge [sflag:s25], $0x280  }
0xa2: {  	[sflag:s25] =	ssyncset.done $0x0  }
0xa3: {  	s29 =	rddreg [dreg:$0xb];
	[sflag:s25] =	ssyncadd.s32 $0xFFFFFD80  }
0xa4: {  	[tilespmem:s18], [sflag:$0x9] =	stream.linear.gather [hbm4b:s29+s2], $0x280, $0x38;
	[tilespmem:$0x1E780] =	vst v63  }
0xa5: {  	_ = 	snop  }
0xa6: {  	[tilespmem:s20], [sflag:$0x2] =	stream.indirect.gather [hbm4b:s3+s9], $0x40, s26, s9, $0xb8;
	[tilespmem:$0x1E780] =	vst v63  }
0xa7: {  	s5 =	simm.s32 $0xC780;
	s16 =	simm.s32 $0x300  }
0xa8: {  	[tilespmem:s5], [sflag:$0x2] =	stream.indirect.gather [hbm4b:s3+s9], $0x40, s16, s9, $0xb8;
	[tilespmem:$0x1E780] =	vst v63  }
0xa9: {  	s23 =	simm.s32 $0x380;
	s1 =	simm.s32 $0xE780  }
0xaa: {  	[tilespmem:s1], [sflag:$0x2] =	stream.indirect.gather [hbm4b:s3+s9], $0x40, s23, s9, $0xb8;
	[tilespmem:$0x1E780] =	vst v63  }
0xab: {  	s31 =	simm.s32 $0x400;
	s6 =	simm.s32 $0x10780  }
0xac: {  	[tilespmem:s6], [sflag:$0x2] =	stream.indirect.gather [hbm4b:s3+s9], $0x40, s31, s9, $0xb8;
	[tilespmem:$0x1E780] =	vst v63  }
0xad: {  	s0 =	simm.s32 $0x480;
	s30 =	simm.s32 $0x12780  }
0xae: {  	[tilespmem:s30], [sflag:$0x2] =	stream.indirect.gather [hbm4b:s3+s9], $0x40, s0, s9, $0xb8;
	[tilespmem:$0x1E780] =	vst v63  }
0xaf: {  	_ =	swait.ge [sflag:s24], $0x2000  }
0xb0: {  	[sflag:s24] =	ssyncset.done $0x0  }
0xb1: {  	[sflag:s24] =	ssyncadd.s32 $0xFFFFE000  }
0xb2: {  	_ =	swait.ge [sflag:s24], $0x2000  }
0xb3: {  	[sflag:s24] =	ssyncset.done $0x0  }
0xb4: {  	[sflag:s24] =	ssyncadd.s32 $0xFFFFE000  }
0xb5: {  	_ =	swait.ge [sflag:s24], $0x2000  }
0xb6: {  	[sflag:s24] =	ssyncset.done $0x0  }
0xb7: {  	[sflag:s24] =	ssyncadd.s32 $0xFFFFE000  }
0xb8: {  	_ =	swait.ge [sflag:s24], $0x2000  }
0xb9: {  	[sflag:s24] =	ssyncset.done $0x0  }
0xba: {  	[sflag:s24] =	ssyncadd.s32 $0xFFFFE000  }
0xbb: {  	_ =	swait.ge [sflag:s24], $0x2000  }
0xbc: {  	[sflag:s24] =	ssyncset.done $0x0  }
0xbd: {  	s29 =	rddreg [dreg:$0xc];
	[sflag:s24] =	ssyncadd.s32 $0xFFFFE000  }
0xbe: {  	[hbm4b:s29+s2] =	stream.linear.scatter [tilespmem:s12], [sflag:$0x4], $0xA000, $0x38;
	[tilespmem:$0x1E780] =	vst v63  }
0xbf: {  	_ =	swait.ge [sflag:s19], $0xA000  }
0xc0: {  	[sflag:s19] =	ssyncset.done $0x0  }
0xc1: {  	[sflag:s19] =	ssyncadd.s32 $0xFFFF6000  }
0xc2: {  	_ =	swait.ge [sflag:s22], $0x280  }
0xc3: {  	[sflag:s22] =	ssyncset.done $0x0  }
0xc4: {  	s29 =	rddreg [dreg:$0xd];
	[sflag:s22] =	ssyncadd.s32 $0xFFFFFD80  }
0xc5: {  	[tilespmem:s2], [sflag:$0x7] =	stream.linear.gather [hbm4b:s29+s2], $0x280, $0x38;
	[tilespmem:$0x1E780] =	vst v63  }
0xc6: {  	_ = 	snop  }
0xc7: {  	[tilespmem:s14], [sflag:$0x3] =	stream.indirect.gather [hbm4b:s3+s9], $0x40, s18, s9, $0xb8;
	[tilespmem:$0x1E780] =	vst v63  }
0xc8: {  	s23 =	simm.s32 $0x580;
	s0 =	simm.s32 $0x16780  }
0xc9: {  	[tilespmem:s0], [sflag:$0x3] =	stream.indirect.gather [hbm4b:s3+s9], $0x40, s23, s9, $0xb8;
	[tilespmem:$0x1E780] =	vst v63  }
0xca: {  	s11 =	simm.s32 $0x600;
	s6 =	simm.s32 $0x18780  }
0xcb: {  	[tilespmem:s6], [sflag:$0x3] =	stream.indirect.gather [hbm4b:s3+s9], $0x40, s11, s9, $0xb8;
	[tilespmem:$0x1E780] =	vst v63  }
0xcc: {  	s4 =	simm.s32 $0x1A780;
	s29 =	simm.s32 $0x680  }
0xcd: {  	[tilespmem:s4], [sflag:$0x3] =	stream.indirect.gather [hbm4b:s3+s9], $0x40, s29, s9, $0xb8;
	[tilespmem:$0x1E780] =	vst v63  }
0xce: {  	s31 =	simm.s32 $0x1C780;
	s29 =	simm.s32 $0x700  }
0xcf: {  	[tilespmem:s31], [sflag:$0x3] =	stream.indirect.gather [hbm4b:s3+s9], $0x40, s29, s9, $0xb8;
	[tilespmem:$0x1E780] =	vst v63  }
0xd0: {  	_ =	swait.ge [sflag:s13], $0x2000  }
0xd1: {  	[sflag:s13] =	ssyncset.done $0x0  }
0xd2: {  	[sflag:s13] =	ssyncadd.s32 $0xFFFFE000  }
0xd3: {  	_ =	swait.ge [sflag:s13], $0x2000  }
0xd4: {  	[sflag:s13] =	ssyncset.done $0x0  }
0xd5: {  	[sflag:s13] =	ssyncadd.s32 $0xFFFFE000  }
0xd6: {  	_ =	swait.ge [sflag:s13], $0x2000  }
0xd7: {  	[sflag:s13] =	ssyncset.done $0x0  }
0xd8: {  	[sflag:s13] =	ssyncadd.s32 $0xFFFFE000  }
0xd9: {  	_ =	swait.ge [sflag:s13], $0x2000  }
0xda: {  	[sflag:s13] =	ssyncset.done $0x0  }
0xdb: {  	[sflag:s13] =	ssyncadd.s32 $0xFFFFE000  }
0xdc: {  	_ =	swait.ge [sflag:s13], $0x2000  }
0xdd: {  	[sflag:s13] =	ssyncset.done $0x0  }
0xde: {  	s29 =	rddreg [dreg:$0xe];
	[sflag:s13] =	ssyncadd.s32 $0xFFFFE000  }
0xdf: {  	[hbm4b:s29+s2] =	stream.linear.scatter [tilespmem:s20], [sflag:$0x5], $0xA000, $0x38;
	[tilespmem:$0x1E780] =	vst v63  }
0xe0: {  	_ =	swait.ge [sflag:s7], $0xA000  }
0xe1: {  	[sflag:s7] =	ssyncset.done $0x0  }
0xe2: {  	[sflag:s7] =	ssyncadd.s32 $0xFFFF6000  }
0xe3: {  	_ =	swait.ge [sflag:s28], $0x280  }
0xe4: {  	[sflag:s28] =	ssyncset.done $0x0  }
0xe5: {  	s29 =	rddreg [dreg:$0xf];
	[sflag:s28] =	ssyncadd.s32 $0xFFFFFD80  }
0xe6: {  	[tilespmem:s26], [sflag:$0x8] =	stream.linear.gather [hbm4b:s29+s2], $0x280, $0x38;
	[tilespmem:$0x1E780] =	vst v63  }
0xe7: {  	_ = 	snop  }
0xe8: {  	[tilespmem:s12], [sflag:$0x1] =	stream.indirect.gather [hbm4b:s3+s9], $0x40, s2, s9, $0xb8;
	[tilespmem:$0x1E780] =	vst v63  }
0xe9: {  	s21 =	simm.s32 $0x2780  }
0xea: {  	[tilespmem:s21], [sflag:$0x1] =	stream.indirect.gather [hbm4b:s3+s9], $0x40, s9, s9, $0xb8;
	[tilespmem:$0x1E780] =	vst v63  }
0xeb: {  	s17 =	simm.s32 $0x100;
	s11 =	simm.s32 $0x4780  }
0xec: {  	[tilespmem:s11], [sflag:$0x1] =	stream.indirect.gather [hbm4b:s3+s9], $0x40, s17, s9, $0xb8;
	[tilespmem:$0x1E780] =	vst v63  }
0xed: {  	s29 =	simm.s32 $0x180;
	s11 =	simm.s32 $0x6780  }
0xee: {  	[tilespmem:s11], [sflag:$0x1] =	stream.indirect.gather [hbm4b:s3+s9], $0x40, s29, s9, $0xb8;
	[tilespmem:$0x1E780] =	vst v63  }
0xef: {  	s29 =	simm.s32 $0x8780;
	s11 =	simm.s32 $0x200  }
0xf0: {  	[tilespmem:s29], [sflag:$0x1] =	stream.indirect.gather [hbm4b:s3+s9], $0x40, s11, s9, $0xb8;
	[tilespmem:$0x1E780] =	vst v63  }
0xf1: {  	_ =	swait.ge [sflag:s10], $0x2000  }
0xf2: {  	[sflag:s10] =	ssyncset.done $0x0  }
0xf3: {  	[sflag:s10] =	ssyncadd.s32 $0xFFFFE000  }
0xf4: {  	_ =	swait.ge [sflag:s10], $0x2000  }
0xf5: {  	[sflag:s10] =	ssyncset.done $0x0  }
0xf6: {  	[sflag:s10] =	ssyncadd.s32 $0xFFFFE000  }
0xf7: {  	_ =	swait.ge [sflag:s10], $0x2000  }
0xf8: {  	[sflag:s10] =	ssyncset.done $0x0  }
0xf9: {  	[sflag:s10] =	ssyncadd.s32 $0xFFFFE000  }
0xfa: {  	_ =	swait.ge [sflag:s10], $0x2000  }
0xfb: {  	[sflag:s10] =	ssyncset.done $0x0  }
0xfc: {  	[sflag:s10] =	ssyncadd.s32 $0xFFFFE000  }
0xfd: {  	_ =	swait.ge [sflag:s10], $0x2000  }
0xfe: {  	[sflag:s10] =	ssyncset.done $0x0  }
0xff: {  	s29 =	rddreg [dreg:$0x10];
	[sflag:s10] =	ssyncadd.s32 $0xFFFFE000  }
0x100: {  	[hbm4b:s29+s2] =	stream.linear.scatter [tilespmem:s14], [sflag:$0x6], $0xA000, $0x38;
	[tilespmem:$0x1E780] =	vst v63  }
0x101: {  	_ =	swait.ge [sflag:s8], $0xA000  }
0x102: {  	[sflag:s8] =	ssyncset.done $0x0  }
0x103: {  	[sflag:s8] =	ssyncadd.s32 $0xFFFF6000  }
0x104: {  	_ =	swait.ge [sflag:s25], $0x280  }
0x105: {  	[sflag:s25] =	ssyncset.done $0x0  }
0x106: {  	s29 =	rddreg [dreg:$0x11];
	[sflag:s25] =	ssyncadd.s32 $0xFFFFFD80  }
0x107: {  	[tilespmem:s18], [sflag:$0x9] =	stream.linear.gather [hbm4b:s29+s2], $0x280, $0x38;
	[tilespmem:$0x1E780] =	vst v63  }
0x108: {  	_ = 	snop  }
0x109: {  	[tilespmem:s20], [sflag:$0x2] =	stream.indirect.gather [hbm4b:s3+s9], $0x40, s26, s9, $0xb8;
	[tilespmem:$0x1E780] =	vst v63  }
0x10a: {  	s11 =	simm.s32 $0x300  }
0x10b: {  	[tilespmem:s5], [sflag:$0x2] =	stream.indirect.gather [hbm4b:s3+s9], $0x40, s11, s9, $0xb8;
	[tilespmem:$0x1E780] =	vst v63  }
0x10c: {  	s15 =	simm.s32 $0x380  }
0x10d: {  	[tilespmem:s1], [sflag:$0x2] =	stream.indirect.gather [hbm4b:s3+s9], $0x40, s15, s9, $0xb8;
	[tilespmem:$0x1E780] =	vst v63  }
0x10e: {  	s16 =	simm.s32 $0x400;
	s15 =	simm.s32 $0x10780  }
0x10f: {  	[tilespmem:s15], [sflag:$0x2] =	stream.indirect.gather [hbm4b:s3+s9], $0x40, s16, s9, $0xb8;
	[tilespmem:$0x1E780] =	vst v63  }
0x110: {  	s30 =	simm.s32 $0x480;
	s16 =	simm.s32 $0x12780  }
0x111: {  	[tilespmem:s16], [sflag:$0x2] =	stream.indirect.gather [hbm4b:s3+s9], $0x40, s30, s9, $0xb8;
	[tilespmem:$0x1E780] =	vst v63  }
0x112: {  	_ =	swait.ge [sflag:s24], $0x2000  }
0x113: {  	[sflag:s24] =	ssyncset.done $0x0  }
0x114: {  	[sflag:s24] =	ssyncadd.s32 $0xFFFFE000  }
0x115: {  	_ =	swait.ge [sflag:s24], $0x2000  }
0x116: {  	[sflag:s24] =	ssyncset.done $0x0  }
0x117: {  	[sflag:s24] =	ssyncadd.s32 $0xFFFFE000  }
0x118: {  	_ =	swait.ge [sflag:s24], $0x2000  }
0x119: {  	[sflag:s24] =	ssyncset.done $0x0  }
0x11a: {  	[sflag:s24] =	ssyncadd.s32 $0xFFFFE000  }
0x11b: {  	_ =	swait.ge [sflag:s24], $0x2000  }
0x11c: {  	[sflag:s24] =	ssyncset.done $0x0  }
0x11d: {  	[sflag:s24] =	ssyncadd.s32 $0xFFFFE000  }
0x11e: {  	_ =	swait.ge [sflag:s24], $0x2000  }
0x11f: {  	[sflag:s24] =	ssyncset.done $0x0  }
0x120: {  	s29 =	rddreg [dreg:$0x12];
	[sflag:s24] =	ssyncadd.s32 $0xFFFFE000  }
0x121: {  	[hbm4b:s29+s2] =	stream.linear.scatter [tilespmem:s12], [sflag:$0x4], $0xA000, $0x38;
	[tilespmem:$0x1E780] =	vst v63  }
0x122: {  	_ =	swait.ge [sflag:s19], $0xA000  }
0x123: {  	[sflag:s19] =	ssyncset.done $0x0  }
0x124: {  	[sflag:s19] =	ssyncadd.s32 $0xFFFF6000  }
0x125: {  	_ =	swait.ge [sflag:s22], $0x280  }
0x126: {  	[sflag:s22] =	ssyncset.done $0x0  }
0x127: {  	s29 =	rddreg [dreg:$0x13];
	[sflag:s22] =	ssyncadd.s32 $0xFFFFFD80  }
0x128: {  	[tilespmem:s2], [sflag:$0x7] =	stream.linear.gather [hbm4b:s29+s2], $0x280, $0x38;
	[tilespmem:$0x1E780] =	vst v63  }
0x129: {  	_ = 	snop  }
0x12a: {  	[tilespmem:s14], [sflag:$0x3] =	stream.indirect.gather [hbm4b:s3+s9], $0x40, s18, s9, $0xb8;
	[tilespmem:$0x1E780] =	vst v63  }
0x12b: {  	_ = 	snop  }
0x12c: {  	[tilespmem:s0], [sflag:$0x3] =	stream.indirect.gather [hbm4b:s3+s9], $0x40, s23, s9, $0xb8;
	[tilespmem:$0x1E780] =	vst v63  }
0x12d: {  	s23 =	simm.s32 $0x600  }
0x12e: {  	[tilespmem:s6], [sflag:$0x3] =	stream.indirect.gather [hbm4b:s3+s9], $0x40, s23, s9, $0xb8;
	[tilespmem:$0x1E780] =	vst v63  }
0x12f: {  	s16 =	simm.s32 $0x680  }
0x130: {  	[tilespmem:s4], [sflag:$0x3] =	stream.indirect.gather [hbm4b:s3+s9], $0x40, s16, s9, $0xb8;
	[tilespmem:$0x1E780] =	vst v63  }
0x131: {  	s31 =	simm.s32 $0x700;
	s23 =	simm.s32 $0x1C780  }
0x132: {  	[tilespmem:s23], [sflag:$0x3] =	stream.indirect.gather [hbm4b:s3+s9], $0x40, s31, s9, $0xb8;
	[tilespmem:$0x1E780] =	vst v63  }
0x133: {  	_ =	swait.ge [sflag:s13], $0x2000  }
0x134: {  	[sflag:s13] =	ssyncset.done $0x0  }
0x135: {  	[sflag:s13] =	ssyncadd.s32 $0xFFFFE000  }
0x136: {  	_ =	swait.ge [sflag:s13], $0x2000  }
0x137: {  	[sflag:s13] =	ssyncset.done $0x0  }
0x138: {  	[sflag:s13] =	ssyncadd.s32 $0xFFFFE000  }
0x139: {  	_ =	swait.ge [sflag:s13], $0x2000  }
0x13a: {  	[sflag:s13] =	ssyncset.done $0x0  }
0x13b: {  	[sflag:s13] =	ssyncadd.s32 $0xFFFFE000  }
0x13c: {  	_ =	swait.ge [sflag:s13], $0x2000  }
0x13d: {  	[sflag:s13] =	ssyncset.done $0x0  }
0x13e: {  	[sflag:s13] =	ssyncadd.s32 $0xFFFFE000  }
0x13f: {  	_ =	swait.ge [sflag:s13], $0x2000  }
0x140: {  	[sflag:s13] =	ssyncset.done $0x0  }
0x141: {  	s29 =	rddreg [dreg:$0x14];
	[sflag:s13] =	ssyncadd.s32 $0xFFFFE000  }
0x142: {  	[hbm4b:s29+s2] =	stream.linear.scatter [tilespmem:s20], [sflag:$0x5], $0xA000, $0x38;
	[tilespmem:$0x1E780] =	vst v63  }
0x143: {  	_ =	swait.ge [sflag:s7], $0xA000  }
0x144: {  	[sflag:s7] =	ssyncset.done $0x0  }
0x145: {  	[sflag:s7] =	ssyncadd.s32 $0xFFFF6000  }
0x146: {  	_ =	swait.ge [sflag:s28], $0x280  }
0x147: {  	[sflag:s28] =	ssyncset.done $0x0  }
0x148: {  	s29 =	rddreg [dreg:$0x15];
	[sflag:s28] =	ssyncadd.s32 $0xFFFFFD80  }
0x149: {  	[tilespmem:s26], [sflag:$0x8] =	stream.linear.gather [hbm4b:s29+s2], $0x280, $0x38;
	[tilespmem:$0x1E780] =	vst v63  }
0x14a: {  	_ = 	snop  }
0x14b: {  	[tilespmem:s12], [sflag:$0x1] =	stream.indirect.gather [hbm4b:s3+s9], $0x40, s2, s9, $0xb8;
	[tilespmem:$0x1E780] =	vst v63  }
0x14c: {  	s26 =	simm.s32 $0x2780  }
0x14d: {  	[tilespmem:s26], [sflag:$0x1] =	stream.indirect.gather [hbm4b:s3+s9], $0x40, s9, s9, $0xb8;
	[tilespmem:$0x1E780] =	vst v63  }
0x14e: {  	s17 =	simm.s32 $0x4780;
	s31 =	simm.s32 $0x100  }
0x14f: {  	[tilespmem:s17], [sflag:$0x1] =	stream.indirect.gather [hbm4b:s3+s9], $0x40, s31, s9, $0xb8;
	[tilespmem:$0x1E780] =	vst v63  }
0x150: {  	s21 =	simm.s32 $0x6780;
	s4 =	simm.s32 $0x180  }
0x151: {  	[tilespmem:s21], [sflag:$0x1] =	stream.indirect.gather [hbm4b:s3+s9], $0x40, s4, s9, $0xb8;
	[tilespmem:$0x1E780] =	vst v63  }
0x152: {  	s6 =	simm.s32 $0x200;
	s16 =	simm.s32 $0x8780  }
0x153: {  	[tilespmem:s16], [sflag:$0x1] =	stream.indirect.gather [hbm4b:s3+s9], $0x40, s6, s9, $0xb8;
	[tilespmem:$0x1E780] =	vst v63  }
0x154: {  	_ =	swait.ge [sflag:s10], $0x2000  }
0x155: {  	[sflag:s10] =	ssyncset.done $0x0  }
0x156: {  	[sflag:s10] =	ssyncadd.s32 $0xFFFFE000  }
0x157: {  	_ =	swait.ge [sflag:s10], $0x2000  }
0x158: {  	[sflag:s10] =	ssyncset.done $0x0  }
0x159: {  	[sflag:s10] =	ssyncadd.s32 $0xFFFFE000  }
0x15a: {  	_ =	swait.ge [sflag:s10], $0x2000  }
0x15b: {  	[sflag:s10] =	ssyncset.done $0x0  }
0x15c: {  	[sflag:s10] =	ssyncadd.s32 $0xFFFFE000  }
0x15d: {  	_ =	swait.ge [sflag:s10], $0x2000  }
0x15e: {  	[sflag:s10] =	ssyncset.done $0x0  }
0x15f: {  	[sflag:s10] =	ssyncadd.s32 $0xFFFFE000  }
0x160: {  	_ =	swait.ge [sflag:s10], $0x2000  }
0x161: {  	[sflag:s10] =	ssyncset.done $0x0  }
0x162: {  	s29 =	rddreg [dreg:$0x16];
	[sflag:s10] =	ssyncadd.s32 $0xFFFFE000  }
0x163: {  	[hbm4b:s29+s2] =	stream.linear.scatter [tilespmem:s14], [sflag:$0x6], $0xA000, $0x38;
	[tilespmem:$0x1E780] =	vst v63  }
0x164: {  	_ =	swait.ge [sflag:s8], $0xA000  }
0x165: {  	[sflag:s8] =	ssyncset.done $0x0  }
0x166: {  	[sflag:s8] =	ssyncadd.s32 $0xFFFF6000  }
0x167: {  	_ =	swait.ge [sflag:s25], $0x280  }
0x168: {  	[sflag:s25] =	ssyncset.done $0x0  }
0x169: {  	s29 =	rddreg [dreg:$0x17];
	[sflag:s25] =	ssyncadd.s32 $0xFFFFFD80  }
0x16a: {  	[tilespmem:s18], [sflag:$0x9] =	stream.linear.gather [hbm4b:s29+s2], $0x280, $0x38;
	[tilespmem:$0x1E780] =	vst v63  }
0x16b: {  	s18 =	simm.s32 $0x280  }
0x16c: {  	[tilespmem:s20], [sflag:$0x2] =	stream.indirect.gather [hbm4b:s3+s9], $0x40, s18, s9, $0xb8;
	[tilespmem:$0x1E780] =	vst v63  }
0x16d: {  	s11 =	simm.s32 $0xC780;
	s26 =	simm.s32 $0x300  }
0x16e: {  	[tilespmem:s11], [sflag:$0x2] =	stream.indirect.gather [hbm4b:s3+s9], $0x40, s26, s9, $0xb8;
	[tilespmem:$0x1E780] =	vst v63  }
0x16f: {  	s1 =	simm.s32 $0xE780;
	s0 =	simm.s32 $0x380  }
0x170: {  	[tilespmem:s1], [sflag:$0x2] =	stream.indirect.gather [hbm4b:s3+s9], $0x40, s0, s9, $0xb8;
	[tilespmem:$0x1E780] =	vst v63  }
0x171: {  	s15 =	simm.s32 $0x10780;
	s6 =	simm.s32 $0x400  }
0x172: {  	[tilespmem:s15], [sflag:$0x2] =	stream.indirect.gather [hbm4b:s3+s9], $0x40, s6, s9, $0xb8;
	[tilespmem:$0x1E780] =	vst v63  }
0x173: {  	s5 =	simm.s32 $0x12780;
	s15 =	simm.s32 $0x480  }
0x174: {  	[tilespmem:s5], [sflag:$0x2] =	stream.indirect.gather [hbm4b:s3+s9], $0x40, s15, s9, $0xb8;
	[tilespmem:$0x1E780] =	vst v63  }
0x175: {  	_ =	swait.ge [sflag:s24], $0x2000  }
0x176: {  	[sflag:s24] =	ssyncset.done $0x0  }
0x177: {  	[sflag:s24] =	ssyncadd.s32 $0xFFFFE000  }
0x178: {  	_ =	swait.ge [sflag:s24], $0x2000  }
0x179: {  	[sflag:s24] =	ssyncset.done $0x0  }
0x17a: {  	[sflag:s24] =	ssyncadd.s32 $0xFFFFE000  }
0x17b: {  	_ =	swait.ge [sflag:s24], $0x2000  }
0x17c: {  	[sflag:s24] =	ssyncset.done $0x0  }
0x17d: {  	[sflag:s24] =	ssyncadd.s32 $0xFFFFE000  }
0x17e: {  	_ =	swait.ge [sflag:s24], $0x2000  }
0x17f: {  	[sflag:s24] =	ssyncset.done $0x0  }
0x180: {  	[sflag:s24] =	ssyncadd.s32 $0xFFFFE000  }
0x181: {  	_ =	swait.ge [sflag:s24], $0x2000  }
0x182: {  	[sflag:s24] =	ssyncset.done $0x0  }
0x183: {  	s29 =	rddreg [dreg:$0x18];
	[sflag:s24] =	ssyncadd.s32 $0xFFFFE000  }
0x184: {  	[hbm4b:s29+s2] =	stream.linear.scatter [tilespmem:s12], [sflag:$0x4], $0xA000, $0x38;
	[tilespmem:$0x1E780] =	vst v63  }
0x185: {  	_ =	swait.ge [sflag:s19], $0xA000  }
0x186: {  	[sflag:s19] =	ssyncset.done $0x0  }
0x187: {  	[sflag:s19] =	ssyncadd.s32 $0xFFFF6000  }
0x188: {  	_ =	swait.ge [sflag:s22], $0x280  }
0x189: {  	[sflag:s22] =	ssyncset.done $0x0  }
0x18a: {  	s29 =	rddreg [dreg:$0x19];
	[sflag:s22] =	ssyncadd.s32 $0xFFFFFD80  }
0x18b: {  	[tilespmem:s2], [sflag:$0x7] =	stream.linear.gather [hbm4b:s29+s2], $0x280, $0x38;
	[tilespmem:$0x1E780] =	vst v63  }
0x18c: {  	s12 =	simm.s32 $0x500  }
0x18d: {  	[tilespmem:s14], [sflag:$0x3] =	stream.indirect.gather [hbm4b:s3+s9], $0x40, s12, s9, $0xb8;
	[tilespmem:$0x1E780] =	vst v63  }
0x18e: {  	s30 =	simm.s32 $0x580;
	s0 =	simm.s32 $0x16780  }
0x18f: {  	[tilespmem:s0], [sflag:$0x3] =	stream.indirect.gather [hbm4b:s3+s9], $0x40, s30, s9, $0xb8;
	[tilespmem:$0x1E780] =	vst v63  }
0x190: {  	s16 =	simm.s32 $0x18780;
	s26 =	simm.s32 $0x600  }
0x191: {  	[tilespmem:s16], [sflag:$0x3] =	stream.indirect.gather [hbm4b:s3+s9], $0x40, s26, s9, $0xb8;
	[tilespmem:$0x1E780] =	vst v63  }
0x192: {  	s28 =	simm.s32 $0x680;
	s5 =	simm.s32 $0x1A780  }
0x193: {  	[tilespmem:s5], [sflag:$0x3] =	stream.indirect.gather [hbm4b:s3+s9], $0x40, s28, s9, $0xb8;
	[tilespmem:$0x1E780] =	vst v63  }
0x194: {  	s11 =	simm.s32 $0x700;
	s16 =	simm.s32 $0x1C780  }
0x195: {  	[tilespmem:s16], [sflag:$0x3] =	stream.indirect.gather [hbm4b:s3+s9], $0x40, s11, s9, $0xb8;
	[tilespmem:$0x1E780] =	vst v63  }
0x196: {  	_ =	swait.ge [sflag:s13], $0x2000  }
0x197: {  	[sflag:s13] =	ssyncset.done $0x0  }
0x198: {  	[sflag:s13] =	ssyncadd.s32 $0xFFFFE000  }
0x199: {  	_ =	swait.ge [sflag:s13], $0x2000  }
0x19a: {  	[sflag:s13] =	ssyncset.done $0x0  }
0x19b: {  	[sflag:s13] =	ssyncadd.s32 $0xFFFFE000  }
0x19c: {  	_ =	swait.ge [sflag:s13], $0x2000  }
0x19d: {  	[sflag:s13] =	ssyncset.done $0x0  }
0x19e: {  	[sflag:s13] =	ssyncadd.s32 $0xFFFFE000  }
0x19f: {  	_ =	swait.ge [sflag:s13], $0x2000  }
0x1a0: {  	[sflag:s13] =	ssyncset.done $0x0  }
0x1a1: {  	[sflag:s13] =	ssyncadd.s32 $0xFFFFE000  }
0x1a2: {  	_ =	swait.ge [sflag:s13], $0x2000  }
0x1a3: {  	[sflag:s13] =	ssyncset.done $0x0  }
0x1a4: {  	s29 =	rddreg [dreg:$0x1a];
	[sflag:s13] =	ssyncadd.s32 $0xFFFFE000  }
0x1a5: {  	[hbm4b:s29+s2] =	stream.linear.scatter [tilespmem:s20], [sflag:$0x5], $0xA000, $0x38;
	[tilespmem:$0x1E780] =	vst v63  }
0x1a6: {  	_ =	swait.ge [sflag:s7], $0xA000  }
0x1a7: {  	[sflag:s7] =	ssyncset.done $0x0  }
0x1a8: {  	s23 =	simm.s32 $0x7;
	[sflag:s7] =	ssyncadd.s32 $0xFFFF6000  }
0x1a9: {  	_ =	swait.ge [sflag:s23], $0x280  }
0x1aa: {  	[sflag:s23] =	ssyncset.done $0x0  }
0x1ab: {  	s29 =	rddreg [dreg:$0x1b];
	[sflag:s23] =	ssyncadd.s32 $0xFFFFFD80  }
0x1ac: {  	[tilespmem:s18], [sflag:$0x8] =	stream.linear.gather [hbm4b:s29+s2], $0x280, $0x38;
	[tilespmem:$0x1E780] =	vst v63  }
0x1ad: {  	s11 =	simm.s32 $0x780  }
0x1ae: {  	[tilespmem:s11], [sflag:$0x1] =	stream.indirect.gather [hbm4b:s3+s9], $0x40, s2, s9, $0xb8;
	[tilespmem:$0x1E780] =	vst v63  }
0x1af: {  	s20 =	simm.s32 $0x2780  }
0x1b0: {  	[tilespmem:s20], [sflag:$0x1] =	stream.indirect.gather [hbm4b:s3+s9], $0x40, s9, s9, $0xb8;
	[tilespmem:$0x1E780] =	vst v63  }
0x1b1: {  	s17 =	simm.s32 $0x100;
	s20 =	simm.s32 $0x4780  }
0x1b2: {  	[tilespmem:s20], [sflag:$0x1] =	stream.indirect.gather [hbm4b:s3+s9], $0x40, s17, s9, $0xb8;
	[tilespmem:$0x1E780] =	vst v63  }
0x1b3: {  	s21 =	simm.s32 $0x180;
	s20 =	simm.s32 $0x6780  }
0x1b4: {  	[tilespmem:s20], [sflag:$0x1] =	stream.indirect.gather [hbm4b:s3+s9], $0x40, s21, s9, $0xb8;
	[tilespmem:$0x1E780] =	vst v63  }
0x1b5: {  	s31 =	simm.s32 $0x200;
	s17 =	simm.s32 $0x8780  }
0x1b6: {  	[tilespmem:s17], [sflag:$0x1] =	stream.indirect.gather [hbm4b:s3+s9], $0x40, s31, s9, $0xb8;
	[tilespmem:$0x1E780] =	vst v63  }
0x1b7: {  	_ =	swait.ge [sflag:s10], $0x2000  }
0x1b8: {  	[sflag:s10] =	ssyncset.done $0x0  }
0x1b9: {  	[sflag:s10] =	ssyncadd.s32 $0xFFFFE000  }
0x1ba: {  	_ =	swait.ge [sflag:s10], $0x2000  }
0x1bb: {  	[sflag:s10] =	ssyncset.done $0x0  }
0x1bc: {  	[sflag:s10] =	ssyncadd.s32 $0xFFFFE000  }
0x1bd: {  	_ =	swait.ge [sflag:s10], $0x2000  }
0x1be: {  	[sflag:s10] =	ssyncset.done $0x0  }
0x1bf: {  	[sflag:s10] =	ssyncadd.s32 $0xFFFFE000  }
0x1c0: {  	_ =	swait.ge [sflag:s10], $0x2000  }
0x1c1: {  	[sflag:s10] =	ssyncset.done $0x0  }
0x1c2: {  	[sflag:s10] =	ssyncadd.s32 $0xFFFFE000  }
0x1c3: {  	_ =	swait.ge [sflag:s10], $0x2000  }
0x1c4: {  	[sflag:s10] =	ssyncset.done $0x0  }
0x1c5: {  	s29 =	rddreg [dreg:$0x1c];
	[sflag:s10] =	ssyncadd.s32 $0xFFFFE000  }
0x1c6: {  	[hbm4b:s29+s2] =	stream.linear.scatter [tilespmem:s14], [sflag:$0x6], $0xA000, $0x38;
	[tilespmem:$0x1E780] =	vst v63  }
0x1c7: {  	_ =	swait.ge [sflag:s8], $0xA000  }
0x1c8: {  	[sflag:s8] =	ssyncset.done $0x0  }
0x1c9: {  	[sflag:s8] =	ssyncadd.s32 $0xFFFF6000  }
0x1ca: {  	_ =	swait.ge [sflag:s25], $0x280  }
0x1cb: {  	[sflag:s25] =	ssyncset.done $0x0  }
0x1cc: {  	s29 =	rddreg [dreg:$0x1d];
	[sflag:s25] =	ssyncadd.s32 $0xFFFFFD80  }
0x1cd: {  	[tilespmem:s12], [sflag:$0x9] =	stream.linear.gather [hbm4b:s29+s2], $0x280, $0x38;
	[tilespmem:$0x1E780] =	vst v63  }
0x1ce: {  	s5 =	simm.s32 $0xA780  }
0x1cf: {  	[tilespmem:s5], [sflag:$0x2] =	stream.indirect.gather [hbm4b:s3+s9], $0x40, s18, s9, $0xb8;
	[tilespmem:$0x1E780] =	vst v63  }
0x1d0: {  	s4 =	simm.s32 $0x300;
	s20 =	simm.s32 $0xC780  }
0x1d1: {  	[tilespmem:s20], [sflag:$0x2] =	stream.indirect.gather [hbm4b:s3+s9], $0x40, s4, s9, $0xb8;
	[tilespmem:$0x1E780] =	vst v63  }
0x1d2: {  	s21 =	simm.s32 $0xE780;
	s31 =	simm.s32 $0x380  }
0x1d3: {  	[tilespmem:s21], [sflag:$0x2] =	stream.indirect.gather [hbm4b:s3+s9], $0x40, s31, s9, $0xb8;
	[tilespmem:$0x1E780] =	vst v63  }
0x1d4: {  	s17 =	simm.s32 $0x400;
	s14 =	simm.s32 $0x10780  }
0x1d5: {  	[tilespmem:s14], [sflag:$0x2] =	stream.indirect.gather [hbm4b:s3+s9], $0x40, s17, s9, $0xb8;
	[tilespmem:$0x1E780] =	vst v63  }
0x1d6: {  	s20 =	simm.s32 $0x12780;
	s21 =	simm.s32 $0x480  }
0x1d7: {  	[tilespmem:s20], [sflag:$0x2] =	stream.indirect.gather [hbm4b:s3+s9], $0x40, s21, s9, $0xb8;
	[tilespmem:$0x1E780] =	vst v63  }
0x1d8: {  	_ =	swait.ge [sflag:s24], $0x2000  }
0x1d9: {  	[sflag:s24] =	ssyncset.done $0x0  }
0x1da: {  	[sflag:s24] =	ssyncadd.s32 $0xFFFFE000  }
0x1db: {  	_ =	swait.ge [sflag:s24], $0x2000  }
0x1dc: {  	[sflag:s24] =	ssyncset.done $0x0  }
0x1dd: {  	[sflag:s24] =	ssyncadd.s32 $0xFFFFE000  }
0x1de: {  	_ =	swait.ge [sflag:s24], $0x2000  }
0x1df: {  	[sflag:s24] =	ssyncset.done $0x0  }
0x1e0: {  	[sflag:s24] =	ssyncadd.s32 $0xFFFFE000  }
0x1e1: {  	_ =	swait.ge [sflag:s24], $0x2000  }
0x1e2: {  	[sflag:s24] =	ssyncset.done $0x0  }
0x1e3: {  	[sflag:s24] =	ssyncadd.s32 $0xFFFFE000  }
0x1e4: {  	_ =	swait.ge [sflag:s24], $0x2000  }
0x1e5: {  	[sflag:s24] =	ssyncset.done $0x0  }
0x1e6: {  	s29 =	rddreg [dreg:$0x1e];
	[sflag:s24] =	ssyncadd.s32 $0xFFFFE000  }
0x1e7: {  	[hbm4b:s29+s2] =	stream.linear.scatter [tilespmem:s11], [sflag:$0x4], $0xA000, $0x38;
	[tilespmem:$0x1E780] =	vst v63  }
0x1e8: {  	_ =	swait.ge [sflag:s19], $0xA000  }
0x1e9: {  	[sflag:s19] =	ssyncset.done $0x0  }
0x1ea: {  	[sflag:s19] =	ssyncadd.s32 $0xFFFF6000  }
0x1eb: {  	_ =	swait.ge [sflag:s22], $0x280  }
0x1ec: {  	[sflag:s22] =	ssyncset.done $0x0  }
0x1ed: {  	s4 =	simm.s32 $0x14780;
	[sflag:s22] =	ssyncadd.s32 $0xFFFFFD80  }
0x1ee: {  	[tilespmem:s4], [sflag:$0x3] =	stream.indirect.gather [hbm4b:s3+s9], $0x40, s12, s9, $0xb8;
	[tilespmem:$0x1E780] =	vst v63  }
0x1ef: {  	s30 =	simm.s32 $0x580  }
0x1f0: {  	[tilespmem:s0], [sflag:$0x3] =	stream.indirect.gather [hbm4b:s3+s9], $0x40, s30, s9, $0xb8;
	[tilespmem:$0x1E780] =	vst v63  }
0x1f1: {  	s6 =	simm.s32 $0x18780  }
0x1f2: {  	[tilespmem:s6], [sflag:$0x3] =	stream.indirect.gather [hbm4b:s3+s9], $0x40, s26, s9, $0xb8;
	[tilespmem:$0x1E780] =	vst v63  }
0x1f3: {  	s15 =	simm.s32 $0x1A780  }
0x1f4: {  	[tilespmem:s15], [sflag:$0x3] =	stream.indirect.gather [hbm4b:s3+s9], $0x40, s28, s9, $0xb8;
	[tilespmem:$0x1E780] =	vst v63  }
0x1f5: {  	s1 =	simm.s32 $0x700;
	s16 =	simm.s32 $0x1C780  }
0x1f6: {  	[tilespmem:s16], [sflag:$0x3] =	stream.indirect.gather [hbm4b:s3+s9], $0x40, s1, s9, $0xb8;
	[tilespmem:$0x1E780] =	vst v63  }
0x1f7: {  	_ =	swait.ge [sflag:s13], $0x2000  }
0x1f8: {  	[sflag:s13] =	ssyncset.done $0x0  }
0x1f9: {  	[sflag:s13] =	ssyncadd.s32 $0xFFFFE000  }
0x1fa: {  	_ =	swait.ge [sflag:s13], $0x2000  }
0x1fb: {  	[sflag:s13] =	ssyncset.done $0x0  }
0x1fc: {  	[sflag:s13] =	ssyncadd.s32 $0xFFFFE000  }
0x1fd: {  	_ =	swait.ge [sflag:s13], $0x2000  }
0x1fe: {  	[sflag:s13] =	ssyncset.done $0x0  }
0x1ff: {  	[sflag:s13] =	ssyncadd.s32 $0xFFFFE000  }
0x200: {  	_ =	swait.ge [sflag:s13], $0x2000  }
0x201: {  	[sflag:s13] =	ssyncset.done $0x0  }
0x202: {  	[sflag:s13] =	ssyncadd.s32 $0xFFFFE000  }
0x203: {  	_ =	swait.ge [sflag:s13], $0x2000  }
0x204: {  	[sflag:s13] =	ssyncset.done $0x0  }
0x205: {  	s29 =	rddreg [dreg:$0x1f];
	[sflag:s13] =	ssyncadd.s32 $0xFFFFE000  }
0x206: {  	[hbm4b:s29+s2] =	stream.linear.scatter [tilespmem:s5], [sflag:$0x5], $0xA000, $0x38;
	[tilespmem:$0x1E780] =	vst v63  }
0x207: {  	_ =	swait.ge [sflag:s10], $0x2000  }
0x208: {  	[sflag:s10] =	ssyncset.done $0x0  }
0x209: {  	[sflag:s10] =	ssyncadd.s32 $0xFFFFE000  }
0x20a: {  	_ =	swait.ge [sflag:s10], $0x2000  }
0x20b: {  	[sflag:s10] =	ssyncset.done $0x0  }
0x20c: {  	[sflag:s10] =	ssyncadd.s32 $0xFFFFE000  }
0x20d: {  	_ =	swait.ge [sflag:s10], $0x2000  }
0x20e: {  	[sflag:s10] =	ssyncset.done $0x0  }
0x20f: {  	[sflag:s10] =	ssyncadd.s32 $0xFFFFE000  }
0x210: {  	_ =	swait.ge [sflag:s10], $0x2000  }
0x211: {  	[sflag:s10] =	ssyncset.done $0x0  }
0x212: {  	[sflag:s10] =	ssyncadd.s32 $0xFFFFE000  }
0x213: {  	_ =	swait.ge [sflag:s10], $0x2000  }
0x214: {  	s29 =	sld [smem:$0x7FD]  }
0x215: {  	[sflag:s10] =	ssyncset.done $0x0  }
0x216: {  	[sflag:s10] =	ssyncadd.s32 $0xFFFFE000  }
0x217: {  	[hbm4b:s29+s2] =	stream.linear.scatter [tilespmem:s4], [sflag:$0x6], $0xA000, $0x38;
	[tilespmem:$0x1E780] =	vst v63  }
0x218: {  	_ =	swait.ge [sflag:s7], $0xA000  }
0x219: {  	[sflag:s7] =	ssyncset.done $0x0  }
0x21a: {  	[sflag:s7] =	ssyncadd.s32 $0xFFFF6000  }
0x21b: {  	_ =	swait.ge [sflag:s8], $0xA000  }
0x21c: {  	s31 =	sld [smem:$0x7FC];
	_ =	sdelay $0x2  }
0x21d: {  	p1 =	sne.s32 s31, $0x1  }
.Ltmp1:
0x21e: {  	_ = 	snop;
	(pc) =	sbr.rel @!p1 .LBB2_4-.Ltmp1, $4  }
0x21f: {  	[sflag:s8] =	ssyncset.done $0x0  }
0x220: {  	[sflag:s8] =	ssyncadd.s32 $0xFFFF6000  }
0x221: {  	p0 =	por $0x1, $0x1;
	_ =	swait.ge [sflag:s19], $0xA000  }
0x222: {  	s28 =	sadd.s32 $0xFFFFFFFF, s31;
	s29 =	rddreg [dreg:$0x3];
	[sflag:s19] =	ssyncset.done $0x0  }
0x223: {  	s30 =	simm.s32 $0x14780  }
.LBB2_3:
0x224: {  	[sflag:s19] =	ssyncadd.s32 $0xFFFF6000;
	s20 =	simm.s32 $0xA  }
0x225: {  	[tilespmem:s2], [sflag:$0xA] =	stream.linear.gather [hbm4b:s29+s2], $0x280, $0x38;
	[tilespmem:$0x1E780] =	vst v63  }
0x226: {  	_ =	swait.ge [sflag:s20], $0x280  }
0x227: {  	[sflag:s20] =	ssyncset.done $0x0  }
0x228: {  	s29 =	rddreg [dreg:$0x4];
	[sflag:s20] =	ssyncadd.s32 $0xFFFFFD80  }
0x229: {  	[tilespmem:s18], [sflag:$0x8] =	stream.linear.gather [hbm4b:s29+s2], $0x280, $0x38;
	[tilespmem:$0x1E780] =	vst v63  }
0x22a: {  	_ = 	snop  }
0x22b: {  	[tilespmem:s11], [sflag:$0x1] =	stream.indirect.gather [hbm4b:s3+s9], $0x40, s2, s9, $0xb8;
	[tilespmem:$0x1E780] =	vst v63  }
0x22c: {  	s0 =	simm.s32 $0x2780  }
0x22d: {  	[tilespmem:s0], [sflag:$0x1] =	stream.indirect.gather [hbm4b:s3+s9], $0x40, s9, s9, $0xb8;
	[tilespmem:$0x1E780] =	vst v63  }
0x22e: {  	s16 =	simm.s32 $0x100;
	s1 =	simm.s32 $0x4780  }
0x22f: {  	[tilespmem:s1], [sflag:$0x1] =	stream.indirect.gather [hbm4b:s3+s9], $0x40, s16, s9, $0xb8;
	[tilespmem:$0x1E780] =	vst v63  }
0x230: {  	s17 =	simm.s32 $0x180;
	s20 =	simm.s32 $0x6780  }
0x231: {  	[tilespmem:s20], [sflag:$0x1] =	stream.indirect.gather [hbm4b:s3+s9], $0x40, s17, s9, $0xb8;
	[tilespmem:$0x1E780] =	vst v63  }
0x232: {  	s23 =	simm.s32 $0x200;
	s26 =	simm.s32 $0x8780  }
0x233: {  	[tilespmem:s26], [sflag:$0x1] =	stream.indirect.gather [hbm4b:s3+s9], $0x40, s23, s9, $0xb8;
	[tilespmem:$0x1E780] =	vst v63  }
0x234: {  	_ =	swait.ge [sflag:s25], $0x280  }
0x235: {  	[sflag:s25] =	ssyncset.done $0x0  }
0x236: {  	s29 =	rddreg [dreg:$0x5];
	[sflag:s25] =	ssyncadd.s32 $0xFFFFFD80  }
0x237: {  	[tilespmem:s12], [sflag:$0x9] =	stream.linear.gather [hbm4b:s29+s2], $0x280, $0x38;
	[tilespmem:$0x1E780] =	vst v63  }
0x238: {  	_ = 	snop  }
0x239: {  	[tilespmem:s5], [sflag:$0x2] =	stream.indirect.gather [hbm4b:s3+s9], $0x40, s18, s9, $0xb8;
	[tilespmem:$0x1E780] =	vst v63  }
0x23a: {  	s4 =	simm.s32 $0x300;
	s5 =	simm.s32 $0xC780  }
0x23b: {  	[tilespmem:s5], [sflag:$0x2] =	stream.indirect.gather [hbm4b:s3+s9], $0x40, s4, s9, $0xb8;
	[tilespmem:$0x1E780] =	vst v63  }
0x23c: {  	s6 =	simm.s32 $0x380;
	s11 =	simm.s32 $0xE780  }
0x23d: {  	[tilespmem:s11], [sflag:$0x2] =	stream.indirect.gather [hbm4b:s3+s9], $0x40, s6, s9, $0xb8;
	[tilespmem:$0x1E780] =	vst v63  }
0x23e: {  	s16 =	simm.s32 $0x10780;
	s12 =	simm.s32 $0x400  }
0x23f: {  	[tilespmem:s16], [sflag:$0x2] =	stream.indirect.gather [hbm4b:s3+s9], $0x40, s12, s9, $0xb8;
	[tilespmem:$0x1E780] =	vst v63  }
0x240: {  	s20 =	simm.s32 $0x480;
	s23 =	simm.s32 $0x12780  }
0x241: {  	[tilespmem:s23], [sflag:$0x2] =	stream.indirect.gather [hbm4b:s3+s9], $0x40, s20, s9, $0xb8;
	[tilespmem:$0x1E780] =	vst v63  }
0x242: {  	_ =	swait.ge [sflag:s24], $0x2000  }
0x243: {  	[sflag:s24] =	ssyncset.done $0x0  }
0x244: {  	[sflag:s24] =	ssyncadd.s32 $0xFFFFE000  }
0x245: {  	_ =	swait.ge [sflag:s24], $0x2000  }
0x246: {  	[sflag:s24] =	ssyncset.done $0x0  }
0x247: {  	[sflag:s24] =	ssyncadd.s32 $0xFFFFE000  }
0x248: {  	_ =	swait.ge [sflag:s24], $0x2000  }
0x249: {  	[sflag:s24] =	ssyncset.done $0x0  }
0x24a: {  	[sflag:s24] =	ssyncadd.s32 $0xFFFFE000  }
0x24b: {  	_ =	swait.ge [sflag:s24], $0x2000  }
0x24c: {  	[sflag:s24] =	ssyncset.done $0x0  }
0x24d: {  	[sflag:s24] =	ssyncadd.s32 $0xFFFFE000  }
0x24e: {  	_ =	swait.ge [sflag:s24], $0x2000  }
0x24f: {  	[sflag:s24] =	ssyncset.done $0x0  }
0x250: {  	s26 =	simm.s32 $0x780;
	s29 =	rddreg [dreg:$0x6];
	[sflag:s24] =	ssyncadd.s32 $0xFFFFE000  }
0x251: {  	[hbm4b:s29+s2] =	stream.linear.scatter [tilespmem:s26], [sflag:$0x4], $0xA000, $0x38;
	[tilespmem:$0x1E780] =	vst v63  }
0x252: {  	_ =	swait.ge [sflag:s22], $0x280  }
0x253: {  	[sflag:s22] =	ssyncset.done $0x0  }
0x254: {  	s29 =	rddreg [dreg:$0x7];
	[sflag:s22] =	ssyncadd.s32 $0xFFFFFD80  }
0x255: {  	[tilespmem:s2], [sflag:$0x7] =	stream.linear.gather [hbm4b:s29+s2], $0x280, $0x38;
	[tilespmem:$0x1E780] =	vst v63  }
0x256: {  	s18 =	simm.s32 $0x500  }
0x257: {  	[tilespmem:s30], [sflag:$0x3] =	stream.indirect.gather [hbm4b:s3+s9], $0x40, s18, s9, $0xb8;
	[tilespmem:$0x1E780] =	vst v63  }
0x258: {  	s4 =	simm.s32 $0x16780;
	s29 =	simm.s32 $0x580  }
0x259: {  	[tilespmem:s4], [sflag:$0x3] =	stream.indirect.gather [hbm4b:s3+s9], $0x40, s29, s9, $0xb8;
	[tilespmem:$0x1E780] =	vst v63  }
0x25a: {  	s25 =	simm.s32 $0x18780;
	s29 =	simm.s32 $0x600  }
0x25b: {  	[tilespmem:s25], [sflag:$0x3] =	stream.indirect.gather [hbm4b:s3+s9], $0x40, s29, s9, $0xb8;
	[tilespmem:$0x1E780] =	vst v63  }
0x25c: {  	s0 =	simm.s32 $0x1A780;
	s29 =	simm.s32 $0x680  }
0x25d: {  	[tilespmem:s0], [sflag:$0x3] =	stream.indirect.gather [hbm4b:s3+s9], $0x40, s29, s9, $0xb8;
	[tilespmem:$0x1E780] =	vst v63  }
0x25e: {  	s1 =	simm.s32 $0x1C780;
	s29 =	simm.s32 $0x700  }
0x25f: {  	[tilespmem:s1], [sflag:$0x3] =	stream.indirect.gather [hbm4b:s3+s9], $0x40, s29, s9, $0xb8;
	[tilespmem:$0x1E780] =	vst v63  }
0x260: {  	_ =	swait.ge [sflag:s13], $0x2000  }
0x261: {  	[sflag:s13] =	ssyncset.done $0x0  }
0x262: {  	[sflag:s13] =	ssyncadd.s32 $0xFFFFE000  }
0x263: {  	_ =	swait.ge [sflag:s13], $0x2000  }
0x264: {  	[sflag:s13] =	ssyncset.done $0x0  }
0x265: {  	[sflag:s13] =	ssyncadd.s32 $0xFFFFE000  }
0x266: {  	_ =	swait.ge [sflag:s13], $0x2000  }
0x267: {  	[sflag:s13] =	ssyncset.done $0x0  }
0x268: {  	[sflag:s13] =	ssyncadd.s32 $0xFFFFE000  }
0x269: {  	_ =	swait.ge [sflag:s13], $0x2000  }
0x26a: {  	[sflag:s13] =	ssyncset.done $0x0  }
0x26b: {  	[sflag:s13] =	ssyncadd.s32 $0xFFFFE000  }
0x26c: {  	_ =	swait.ge [sflag:s13], $0x2000  }
0x26d: {  	[sflag:s13] =	ssyncset.done $0x0  }
0x26e: {  	s4 =	simm.s32 $0xA780;
	s29 =	rddreg [dreg:$0x8];
	[sflag:s13] =	ssyncadd.s32 $0xFFFFE000  }
0x26f: {  	[hbm4b:s29+s2] =	stream.linear.scatter [tilespmem:s4], [sflag:$0x5], $0xA000, $0x38;
	[tilespmem:$0x1E780] =	vst v63  }
0x270: {  	_ =	swait.ge [sflag:s7], $0xA000  }
0x271: {  	[sflag:s7] =	ssyncset.done $0x0  }
0x272: {  	s6 =	simm.s32 $0x7;
	[sflag:s7] =	ssyncadd.s32 $0xFFFF6000  }
0x273: {  	_ =	swait.ge [sflag:s6], $0x280  }
0x274: {  	[sflag:s6] =	ssyncset.done $0x0  }
0x275: {  	s20 =	simm.s32 $0x280;
	s29 =	rddreg [dreg:$0x9];
	[sflag:s6] =	ssyncadd.s32 $0xFFFFFD80  }
0x276: {  	[tilespmem:s20], [sflag:$0x8] =	stream.linear.gather [hbm4b:s29+s2], $0x280, $0x38;
	[tilespmem:$0x1E780] =	vst v63  }
0x277: {  	_ = 	snop  }
0x278: {  	[tilespmem:s26], [sflag:$0x1] =	stream.indirect.gather [hbm4b:s3+s9], $0x40, s2, s9, $0xb8;
	[tilespmem:$0x1E780] =	vst v63  }
0x279: {  	s21 =	simm.s32 $0x2780  }
0x27a: {  	[tilespmem:s21], [sflag:$0x1] =	stream.indirect.gather [hbm4b:s3+s9], $0x40, s9, s9, $0xb8;
	[tilespmem:$0x1E780] =	vst v63  }
0x27b: {  	s14 =	simm.s32 $0x4780;
	s31 =	simm.s32 $0x100  }
0x27c: {  	[tilespmem:s14], [sflag:$0x1] =	stream.indirect.gather [hbm4b:s3+s9], $0x40, s31, s9, $0xb8;
	[tilespmem:$0x1E780] =	vst v63  }
0x27d: {  	s17 =	simm.s32 $0x6780;
	s25 =	simm.s32 $0x180  }
0x27e: {  	[tilespmem:s17], [sflag:$0x1] =	stream.indirect.gather [hbm4b:s3+s9], $0x40, s25, s9, $0xb8;
	[tilespmem:$0x1E780] =	vst v63  }
0x27f: {  	s1 =	simm.s32 $0x200;
	s20 =	simm.s32 $0x8780  }
0x280: {  	[tilespmem:s20], [sflag:$0x1] =	stream.indirect.gather [hbm4b:s3+s9], $0x40, s1, s9, $0xb8;
	[tilespmem:$0x1E780] =	vst v63  }
0x281: {  	_ =	swait.ge [sflag:s10], $0x2000  }
0x282: {  	[sflag:s10] =	ssyncset.done $0x0  }
0x283: {  	[sflag:s10] =	ssyncadd.s32 $0xFFFFE000  }
0x284: {  	_ =	swait.ge [sflag:s10], $0x2000  }
0x285: {  	[sflag:s10] =	ssyncset.done $0x0  }
0x286: {  	[sflag:s10] =	ssyncadd.s32 $0xFFFFE000  }
0x287: {  	_ =	swait.ge [sflag:s10], $0x2000  }
0x288: {  	[sflag:s10] =	ssyncset.done $0x0  }
0x289: {  	[sflag:s10] =	ssyncadd.s32 $0xFFFFE000  }
0x28a: {  	_ =	swait.ge [sflag:s10], $0x2000  }
0x28b: {  	[sflag:s10] =	ssyncset.done $0x0  }
0x28c: {  	[sflag:s10] =	ssyncadd.s32 $0xFFFFE000  }
0x28d: {  	_ =	swait.ge [sflag:s10], $0x2000  }
0x28e: {  	[sflag:s10] =	ssyncset.done $0x0  }
0x28f: {  	s29 =	rddreg [dreg:$0xa];
	[sflag:s10] =	ssyncadd.s32 $0xFFFFE000  }
0x290: {  	[hbm4b:s29+s2] =	stream.linear.scatter [tilespmem:s30], [sflag:$0x6], $0xA000, $0x38;
	[tilespmem:$0x1E780] =	vst v63  }
0x291: {  	_ =	swait.ge [sflag:s8], $0xA000  }
0x292: {  	[sflag:s8] =	ssyncset.done $0x0  }
0x293: {  	s31 =	simm.s32 $0x8;
	[sflag:s8] =	ssyncadd.s32 $0xFFFF6000  }
0x294: {  	_ =	swait.ge [sflag:s31], $0x280  }
0x295: {  	[sflag:s31] =	ssyncset.done $0x0  }
0x296: {  	s29 =	rddreg [dreg:$0xb];
	[sflag:s31] =	ssyncadd.s32 $0xFFFFFD80  }
0x297: {  	[tilespmem:s18], [sflag:$0x9] =	stream.linear.gather [hbm4b:s29+s2], $0x280, $0x38;
	[tilespmem:$0x1E780] =	vst v63  }
0x298: {  	s21 =	simm.s32 $0xA780;
	s31 =	simm.s32 $0x280  }
0x299: {  	[tilespmem:s21], [sflag:$0x2] =	stream.indirect.gather [hbm4b:s3+s9], $0x40, s31, s9, $0xb8;
	[tilespmem:$0x1E780] =	vst v63  }
0x29a: {  	s15 =	simm.s32 $0x300;
	s14 =	simm.s32 $0xC780  }
0x29b: {  	[tilespmem:s14], [sflag:$0x2] =	stream.indirect.gather [hbm4b:s3+s9], $0x40, s15, s9, $0xb8;
	[tilespmem:$0x1E780] =	vst v63  }
0x29c: {  	s31 =	simm.s32 $0x380;
	s15 =	simm.s32 $0xE780  }
0x29d: {  	[tilespmem:s15], [sflag:$0x2] =	stream.indirect.gather [hbm4b:s3+s9], $0x40, s31, s9, $0xb8;
	[tilespmem:$0x1E780] =	vst v63  }
0x29e: {  	s17 =	simm.s32 $0x400;
	s21 =	simm.s32 $0x10780  }
0x29f: {  	[tilespmem:s21], [sflag:$0x2] =	stream.indirect.gather [hbm4b:s3+s9], $0x40, s17, s9, $0xb8;
	[tilespmem:$0x1E780] =	vst v63  }
0x2a0: {  	s5 =	simm.s32 $0x12780;
	s12 =	simm.s32 $0x480  }
0x2a1: {  	[tilespmem:s5], [sflag:$0x2] =	stream.indirect.gather [hbm4b:s3+s9], $0x40, s12, s9, $0xb8;
	[tilespmem:$0x1E780] =	vst v63  }
0x2a2: {  	_ =	swait.ge [sflag:s24], $0x2000  }
0x2a3: {  	[sflag:s24] =	ssyncset.done $0x0  }
0x2a4: {  	[sflag:s24] =	ssyncadd.s32 $0xFFFFE000  }
0x2a5: {  	_ =	swait.ge [sflag:s24], $0x2000  }
0x2a6: {  	[sflag:s24] =	ssyncset.done $0x0  }
0x2a7: {  	[sflag:s24] =	ssyncadd.s32 $0xFFFFE000  }
0x2a8: {  	_ =	swait.ge [sflag:s24], $0x2000  }
0x2a9: {  	[sflag:s24] =	ssyncset.done $0x0  }
0x2aa: {  	[sflag:s24] =	ssyncadd.s32 $0xFFFFE000  }
0x2ab: {  	_ =	swait.ge [sflag:s24], $0x2000  }
0x2ac: {  	[sflag:s24] =	ssyncset.done $0x0  }
0x2ad: {  	[sflag:s24] =	ssyncadd.s32 $0xFFFFE000  }
0x2ae: {  	_ =	swait.ge [sflag:s24], $0x2000  }
0x2af: {  	[sflag:s24] =	ssyncset.done $0x0  }
0x2b0: {  	s29 =	rddreg [dreg:$0xc];
	[sflag:s24] =	ssyncadd.s32 $0xFFFFE000  }
0x2b1: {  	[hbm4b:s29+s2] =	stream.linear.scatter [tilespmem:s26], [sflag:$0x4], $0xA000, $0x38;
	[tilespmem:$0x1E780] =	vst v63  }
0x2b2: {  	_ =	swait.ge [sflag:s19], $0xA000  }
0x2b3: {  	[sflag:s19] =	ssyncset.done $0x0  }
0x2b4: {  	s22 =	simm.s32 $0x9;
	[sflag:s19] =	ssyncadd.s32 $0xFFFF6000  }
0x2b5: {  	_ =	swait.ge [sflag:s22], $0x280  }
0x2b6: {  	[sflag:s22] =	ssyncset.done $0x0  }
0x2b7: {  	s29 =	rddreg [dreg:$0xd];
	[sflag:s22] =	ssyncadd.s32 $0xFFFFFD80  }
0x2b8: {  	[tilespmem:s2], [sflag:$0x7] =	stream.linear.gather [hbm4b:s29+s2], $0x280, $0x38;
	[tilespmem:$0x1E780] =	vst v63  }
0x2b9: {  	_ = 	snop  }
0x2ba: {  	[tilespmem:s30], [sflag:$0x3] =	stream.indirect.gather [hbm4b:s3+s9], $0x40, s18, s9, $0xb8;
	[tilespmem:$0x1E780] =	vst v63  }
0x2bb: {  	s16 =	simm.s32 $0x580;
	s4 =	simm.s32 $0x16780  }
0x2bc: {  	[tilespmem:s4], [sflag:$0x3] =	stream.indirect.gather [hbm4b:s3+s9], $0x40, s16, s9, $0xb8;
	[tilespmem:$0x1E780] =	vst v63  }
0x2bd: {  	s23 =	simm.s32 $0x600;
	s16 =	simm.s32 $0x18780  }
0x2be: {  	[tilespmem:s16], [sflag:$0x3] =	stream.indirect.gather [hbm4b:s3+s9], $0x40, s23, s9, $0xb8;
	[tilespmem:$0x1E780] =	vst v63  }
0x2bf: {  	s19 =	simm.s32 $0x680;
	s23 =	simm.s32 $0x1A780  }
0x2c0: {  	[tilespmem:s23], [sflag:$0x3] =	stream.indirect.gather [hbm4b:s3+s9], $0x40, s19, s9, $0xb8;
	[tilespmem:$0x1E780] =	vst v63  }
0x2c1: {  	s11 =	simm.s32 $0x1C780;
	s0 =	simm.s32 $0x700  }
0x2c2: {  	[tilespmem:s11], [sflag:$0x3] =	stream.indirect.gather [hbm4b:s3+s9], $0x40, s0, s9, $0xb8;
	[tilespmem:$0x1E780] =	vst v63  }
0x2c3: {  	_ =	swait.ge [sflag:s13], $0x2000  }
0x2c4: {  	[sflag:s13] =	ssyncset.done $0x0  }
0x2c5: {  	[sflag:s13] =	ssyncadd.s32 $0xFFFFE000  }
0x2c6: {  	_ =	swait.ge [sflag:s13], $0x2000  }
0x2c7: {  	[sflag:s13] =	ssyncset.done $0x0  }
0x2c8: {  	[sflag:s13] =	ssyncadd.s32 $0xFFFFE000  }
0x2c9: {  	_ =	swait.ge [sflag:s13], $0x2000  }
0x2ca: {  	[sflag:s13] =	ssyncset.done $0x0  }
0x2cb: {  	[sflag:s13] =	ssyncadd.s32 $0xFFFFE000  }
0x2cc: {  	_ =	swait.ge [sflag:s13], $0x2000  }
0x2cd: {  	[sflag:s13] =	ssyncset.done $0x0  }
0x2ce: {  	[sflag:s13] =	ssyncadd.s32 $0xFFFFE000  }
0x2cf: {  	_ =	swait.ge [sflag:s13], $0x2000  }
0x2d0: {  	s5 =	simm.s32 $0x4;
	[sflag:s13] =	ssyncset.done $0x0  }
0x2d1: {  	s11 =	simm.s32 $0xA780;
	s29 =	rddreg [dreg:$0xe];
	[sflag:s13] =	ssyncadd.s32 $0xFFFFE000  }
0x2d2: {  	[hbm4b:s29+s2] =	stream.linear.scatter [tilespmem:s11], [sflag:$0x5], $0xA000, $0x38;
	[tilespmem:$0x1E780] =	vst v63  }
0x2d3: {  	_ =	swait.ge [sflag:s5], $0xA000  }
0x2d4: {  	[sflag:s5] =	ssyncset.done $0x0  }
0x2d5: {  	[sflag:s5] =	ssyncadd.s32 $0xFFFF6000  }
0x2d6: {  	_ =	swait.ge [sflag:s6], $0x280  }
0x2d7: {  	[sflag:s6] =	ssyncset.done $0x0  }
0x2d8: {  	s12 =	simm.s32 $0x280;
	s29 =	rddreg [dreg:$0xf];
	[sflag:s6] =	ssyncadd.s32 $0xFFFFFD80  }
0x2d9: {  	[tilespmem:s12], [sflag:$0x8] =	stream.linear.gather [hbm4b:s29+s2], $0x280, $0x38;
	[tilespmem:$0x1E780] =	vst v63  }
0x2da: {  	_ = 	snop  }
0x2db: {  	[tilespmem:s26], [sflag:$0x1] =	stream.indirect.gather [hbm4b:s3+s9], $0x40, s2, s9, $0xb8;
	[tilespmem:$0x1E780] =	vst v63  }
0x2dc: {  	s12 =	simm.s32 $0x2780  }
0x2dd: {  	[tilespmem:s12], [sflag:$0x1] =	stream.indirect.gather [hbm4b:s3+s9], $0x40, s9, s9, $0xb8;
	[tilespmem:$0x1E780] =	vst v63  }
0x2de: {  	s0 =	simm.s32 $0x4780;
	s5 =	simm.s32 $0x100  }
0x2df: {  	[tilespmem:s0], [sflag:$0x1] =	stream.indirect.gather [hbm4b:s3+s9], $0x40, s5, s9, $0xb8;
	[tilespmem:$0x1E780] =	vst v63  }
0x2e0: {  	s11 =	simm.s32 $0x6780  }
0x2e1: {  	[tilespmem:s11], [sflag:$0x1] =	stream.indirect.gather [hbm4b:s3+s9], $0x40, s25, s9, $0xb8;
	[tilespmem:$0x1E780] =	vst v63  }
0x2e2: {  	_ = 	snop  }
0x2e3: {  	[tilespmem:s20], [sflag:$0x1] =	stream.indirect.gather [hbm4b:s3+s9], $0x40, s1, s9, $0xb8;
	[tilespmem:$0x1E780] =	vst v63  }
0x2e4: {  	_ =	swait.ge [sflag:s10], $0x2000  }
0x2e5: {  	[sflag:s10] =	ssyncset.done $0x0  }
0x2e6: {  	[sflag:s10] =	ssyncadd.s32 $0xFFFFE000  }
0x2e7: {  	_ =	swait.ge [sflag:s10], $0x2000  }
0x2e8: {  	[sflag:s10] =	ssyncset.done $0x0  }
0x2e9: {  	[sflag:s10] =	ssyncadd.s32 $0xFFFFE000  }
0x2ea: {  	_ =	swait.ge [sflag:s10], $0x2000  }
0x2eb: {  	[sflag:s10] =	ssyncset.done $0x0  }
0x2ec: {  	[sflag:s10] =	ssyncadd.s32 $0xFFFFE000  }
0x2ed: {  	_ =	swait.ge [sflag:s10], $0x2000  }
0x2ee: {  	[sflag:s10] =	ssyncset.done $0x0  }
0x2ef: {  	[sflag:s10] =	ssyncadd.s32 $0xFFFFE000  }
0x2f0: {  	_ =	swait.ge [sflag:s10], $0x2000  }
0x2f1: {  	[sflag:s10] =	ssyncset.done $0x0  }
0x2f2: {  	s8 =	simm.s32 $0x5;
	s29 =	rddreg [dreg:$0x10];
	[sflag:s10] =	ssyncadd.s32 $0xFFFFE000  }
0x2f3: {  	[hbm4b:s29+s2] =	stream.linear.scatter [tilespmem:s30], [sflag:$0x6], $0xA000, $0x38;
	[tilespmem:$0x1E780] =	vst v63  }
0x2f4: {  	_ =	swait.ge [sflag:s8], $0xA000  }
0x2f5: {  	[sflag:s8] =	ssyncset.done $0x0  }
0x2f6: {  	s25 =	simm.s32 $0x8;
	[sflag:s8] =	ssyncadd.s32 $0xFFFF6000  }
0x2f7: {  	_ =	swait.ge [sflag:s25], $0x280  }
0x2f8: {  	[sflag:s25] =	ssyncset.done $0x0  }
0x2f9: {  	s29 =	rddreg [dreg:$0x11];
	[sflag:s25] =	ssyncadd.s32 $0xFFFFFD80  }
0x2fa: {  	[tilespmem:s18], [sflag:$0x9] =	stream.linear.gather [hbm4b:s29+s2], $0x280, $0x38;
	[tilespmem:$0x1E780] =	vst v63  }
0x2fb: {  	s1 =	simm.s32 $0xA780;
	s20 =	simm.s32 $0x280  }
0x2fc: {  	[tilespmem:s1], [sflag:$0x2] =	stream.indirect.gather [hbm4b:s3+s9], $0x40, s20, s9, $0xb8;
	[tilespmem:$0x1E780] =	vst v63  }
0x2fd: {  	s20 =	simm.s32 $0x300  }
0x2fe: {  	[tilespmem:s14], [sflag:$0x2] =	stream.indirect.gather [hbm4b:s3+s9], $0x40, s20, s9, $0xb8;
	[tilespmem:$0x1E780] =	vst v63  }
0x2ff: {  	_ = 	snop  }
0x300: {  	[tilespmem:s15], [sflag:$0x2] =	stream.indirect.gather [hbm4b:s3+s9], $0x40, s31, s9, $0xb8;
	[tilespmem:$0x1E780] =	vst v63  }
0x301: {  	_ = 	snop  }
0x302: {  	[tilespmem:s21], [sflag:$0x2] =	stream.indirect.gather [hbm4b:s3+s9], $0x40, s17, s9, $0xb8;
	[tilespmem:$0x1E780] =	vst v63  }
0x303: {  	s14 =	simm.s32 $0x12780;
	s15 =	simm.s32 $0x480  }
0x304: {  	[tilespmem:s14], [sflag:$0x2] =	stream.indirect.gather [hbm4b:s3+s9], $0x40, s15, s9, $0xb8;
	[tilespmem:$0x1E780] =	vst v63  }
0x305: {  	_ =	swait.ge [sflag:s24], $0x2000  }
0x306: {  	[sflag:s24] =	ssyncset.done $0x0  }
0x307: {  	[sflag:s24] =	ssyncadd.s32 $0xFFFFE000  }
0x308: {  	_ =	swait.ge [sflag:s24], $0x2000  }
0x309: {  	[sflag:s24] =	ssyncset.done $0x0  }
0x30a: {  	[sflag:s24] =	ssyncadd.s32 $0xFFFFE000  }
0x30b: {  	_ =	swait.ge [sflag:s24], $0x2000  }
0x30c: {  	[sflag:s24] =	ssyncset.done $0x0  }
0x30d: {  	[sflag:s24] =	ssyncadd.s32 $0xFFFFE000  }
0x30e: {  	_ =	swait.ge [sflag:s24], $0x2000  }
0x30f: {  	[sflag:s24] =	ssyncset.done $0x0  }
0x310: {  	[sflag:s24] =	ssyncadd.s32 $0xFFFFE000  }
0x311: {  	_ =	swait.ge [sflag:s24], $0x2000  }
0x312: {  	[sflag:s24] =	ssyncset.done $0x0  }
0x313: {  	s7 =	simm.s32 $0x6;
	s29 =	rddreg [dreg:$0x12];
	[sflag:s24] =	ssyncadd.s32 $0xFFFFE000  }
0x314: {  	[hbm4b:s29+s2] =	stream.linear.scatter [tilespmem:s26], [sflag:$0x4], $0xA000, $0x38;
	[tilespmem:$0x1E780] =	vst v63  }
0x315: {  	_ =	swait.ge [sflag:s7], $0xA000  }
0x316: {  	[sflag:s7] =	ssyncset.done $0x0  }
0x317: {  	s22 =	simm.s32 $0x9;
	[sflag:s7] =	ssyncadd.s32 $0xFFFF6000  }
0x318: {  	_ =	swait.ge [sflag:s22], $0x280  }
0x319: {  	[sflag:s22] =	ssyncset.done $0x0  }
0x31a: {  	s29 =	rddreg [dreg:$0x13];
	[sflag:s22] =	ssyncadd.s32 $0xFFFFFD80  }
0x31b: {  	[tilespmem:s2], [sflag:$0x7] =	stream.linear.gather [hbm4b:s29+s2], $0x280, $0x38;
	[tilespmem:$0x1E780] =	vst v63  }
0x31c: {  	_ = 	snop  }
0x31d: {  	[tilespmem:s30], [sflag:$0x3] =	stream.indirect.gather [hbm4b:s3+s9], $0x40, s18, s9, $0xb8;
	[tilespmem:$0x1E780] =	vst v63  }
0x31e: {  	s15 =	simm.s32 $0x580  }
0x31f: {  	[tilespmem:s4], [sflag:$0x3] =	stream.indirect.gather [hbm4b:s3+s9], $0x40, s15, s9, $0xb8;
	[tilespmem:$0x1E780] =	vst v63  }
0x320: {  	s17 =	simm.s32 $0x600  }
0x321: {  	[tilespmem:s16], [sflag:$0x3] =	stream.indirect.gather [hbm4b:s3+s9], $0x40, s17, s9, $0xb8;
	[tilespmem:$0x1E780] =	vst v63  }
0x322: {  	_ = 	snop  }
0x323: {  	[tilespmem:s23], [sflag:$0x3] =	stream.indirect.gather [hbm4b:s3+s9], $0x40, s19, s9, $0xb8;
	[tilespmem:$0x1E780] =	vst v63  }
0x324: {  	s1 =	simm.s32 $0x1C780;
	s31 =	simm.s32 $0x700  }
0x325: {  	[tilespmem:s1], [sflag:$0x3] =	stream.indirect.gather [hbm4b:s3+s9], $0x40, s31, s9, $0xb8;
	[tilespmem:$0x1E780] =	vst v63  }
0x326: {  	_ =	swait.ge [sflag:s13], $0x2000  }
0x327: {  	[sflag:s13] =	ssyncset.done $0x0  }
0x328: {  	[sflag:s13] =	ssyncadd.s32 $0xFFFFE000  }
0x329: {  	_ =	swait.ge [sflag:s13], $0x2000  }
0x32a: {  	[sflag:s13] =	ssyncset.done $0x0  }
0x32b: {  	[sflag:s13] =	ssyncadd.s32 $0xFFFFE000  }
0x32c: {  	_ =	swait.ge [sflag:s13], $0x2000  }
0x32d: {  	[sflag:s13] =	ssyncset.done $0x0  }
0x32e: {  	[sflag:s13] =	ssyncadd.s32 $0xFFFFE000  }
0x32f: {  	_ =	swait.ge [sflag:s13], $0x2000  }
0x330: {  	[sflag:s13] =	ssyncset.done $0x0  }
0x331: {  	[sflag:s13] =	ssyncadd.s32 $0xFFFFE000  }
0x332: {  	_ =	swait.ge [sflag:s13], $0x2000  }
0x333: {  	s7 =	simm.s32 $0x4;
	[sflag:s13] =	ssyncset.done $0x0  }
0x334: {  	s16 =	simm.s32 $0xA780;
	s29 =	rddreg [dreg:$0x14];
	[sflag:s13] =	ssyncadd.s32 $0xFFFFE000  }
0x335: {  	[hbm4b:s29+s2] =	stream.linear.scatter [tilespmem:s16], [sflag:$0x5], $0xA000, $0x38;
	[tilespmem:$0x1E780] =	vst v63  }
0x336: {  	_ =	swait.ge [sflag:s7], $0xA000  }
0x337: {  	[sflag:s7] =	ssyncset.done $0x0  }
0x338: {  	[sflag:s7] =	ssyncadd.s32 $0xFFFF6000  }
0x339: {  	_ =	swait.ge [sflag:s6], $0x280  }
0x33a: {  	[sflag:s6] =	ssyncset.done $0x0  }
0x33b: {  	s23 =	simm.s32 $0x280;
	s29 =	rddreg [dreg:$0x15];
	[sflag:s6] =	ssyncadd.s32 $0xFFFFFD80  }
0x33c: {  	[tilespmem:s23], [sflag:$0x8] =	stream.linear.gather [hbm4b:s29+s2], $0x280, $0x38;
	[tilespmem:$0x1E780] =	vst v63  }
0x33d: {  	_ = 	snop  }
0x33e: {  	[tilespmem:s26], [sflag:$0x1] =	stream.indirect.gather [hbm4b:s3+s9], $0x40, s2, s9, $0xb8;
	[tilespmem:$0x1E780] =	vst v63  }
0x33f: {  	_ = 	snop  }
0x340: {  	[tilespmem:s12], [sflag:$0x1] =	stream.indirect.gather [hbm4b:s3+s9], $0x40, s9, s9, $0xb8;
	[tilespmem:$0x1E780] =	vst v63  }
0x341: {  	_ = 	snop  }
0x342: {  	[tilespmem:s0], [sflag:$0x1] =	stream.indirect.gather [hbm4b:s3+s9], $0x40, s5, s9, $0xb8;
	[tilespmem:$0x1E780] =	vst v63  }
0x343: {  	s6 =	simm.s32 $0x180  }
0x344: {  	[tilespmem:s11], [sflag:$0x1] =	stream.indirect.gather [hbm4b:s3+s9], $0x40, s6, s9, $0xb8;
	[tilespmem:$0x1E780] =	vst v63  }
0x345: {  	s12 =	simm.s32 $0x8780;
	s11 =	simm.s32 $0x200  }
0x346: {  	[tilespmem:s12], [sflag:$0x1] =	stream.indirect.gather [hbm4b:s3+s9], $0x40, s11, s9, $0xb8;
	[tilespmem:$0x1E780] =	vst v63  }
0x347: {  	_ =	swait.ge [sflag:s10], $0x2000  }
0x348: {  	[sflag:s10] =	ssyncset.done $0x0  }
0x349: {  	[sflag:s10] =	ssyncadd.s32 $0xFFFFE000  }
0x34a: {  	_ =	swait.ge [sflag:s10], $0x2000  }
0x34b: {  	[sflag:s10] =	ssyncset.done $0x0  }
0x34c: {  	[sflag:s10] =	ssyncadd.s32 $0xFFFFE000  }
0x34d: {  	_ =	swait.ge [sflag:s10], $0x2000  }
0x34e: {  	[sflag:s10] =	ssyncset.done $0x0  }
0x34f: {  	[sflag:s10] =	ssyncadd.s32 $0xFFFFE000  }
0x350: {  	_ =	swait.ge [sflag:s10], $0x2000  }
0x351: {  	[sflag:s10] =	ssyncset.done $0x0  }
0x352: {  	[sflag:s10] =	ssyncadd.s32 $0xFFFFE000  }
0x353: {  	_ =	swait.ge [sflag:s10], $0x2000  }
0x354: {  	[sflag:s10] =	ssyncset.done $0x0  }
0x355: {  	s29 =	rddreg [dreg:$0x16];
	[sflag:s10] =	ssyncadd.s32 $0xFFFFE000  }
0x356: {  	[hbm4b:s29+s2] =	stream.linear.scatter [tilespmem:s30], [sflag:$0x6], $0xA000, $0x38;
	[tilespmem:$0x1E780] =	vst v63  }
0x357: {  	_ =	swait.ge [sflag:s8], $0xA000  }
0x358: {  	[sflag:s8] =	ssyncset.done $0x0  }
0x359: {  	[sflag:s8] =	ssyncadd.s32 $0xFFFF6000  }
0x35a: {  	_ =	swait.ge [sflag:s25], $0x280  }
0x35b: {  	[sflag:s25] =	ssyncset.done $0x0  }
0x35c: {  	s29 =	rddreg [dreg:$0x17];
	[sflag:s25] =	ssyncadd.s32 $0xFFFFFD80  }
0x35d: {  	[tilespmem:s18], [sflag:$0x9] =	stream.linear.gather [hbm4b:s29+s2], $0x280, $0x38;
	[tilespmem:$0x1E780] =	vst v63  }
0x35e: {  	s16 =	simm.s32 $0xA780;
	s18 =	simm.s32 $0x280  }
0x35f: {  	[tilespmem:s16], [sflag:$0x2] =	stream.indirect.gather [hbm4b:s3+s9], $0x40, s18, s9, $0xb8;
	[tilespmem:$0x1E780] =	vst v63  }
0x360: {  	s4 =	simm.s32 $0xC780  }
0x361: {  	[tilespmem:s4], [sflag:$0x2] =	stream.indirect.gather [hbm4b:s3+s9], $0x40, s20, s9, $0xb8;
	[tilespmem:$0x1E780] =	vst v63  }
0x362: {  	s0 =	simm.s32 $0x380;
	s20 =	simm.s32 $0xE780  }
0x363: {  	[tilespmem:s20], [sflag:$0x2] =	stream.indirect.gather [hbm4b:s3+s9], $0x40, s0, s9, $0xb8;
	[tilespmem:$0x1E780] =	vst v63  }
0x364: {  	s11 =	simm.s32 $0x10780;
	s12 =	simm.s32 $0x400  }
0x365: {  	[tilespmem:s11], [sflag:$0x2] =	stream.indirect.gather [hbm4b:s3+s9], $0x40, s12, s9, $0xb8;
	[tilespmem:$0x1E780] =	vst v63  }
0x366: {  	s6 =	simm.s32 $0x480  }
0x367: {  	[tilespmem:s14], [sflag:$0x2] =	stream.indirect.gather [hbm4b:s3+s9], $0x40, s6, s9, $0xb8;
	[tilespmem:$0x1E780] =	vst v63  }
0x368: {  	_ =	swait.ge [sflag:s24], $0x2000  }
0x369: {  	[sflag:s24] =	ssyncset.done $0x0  }
0x36a: {  	[sflag:s24] =	ssyncadd.s32 $0xFFFFE000  }
0x36b: {  	_ =	swait.ge [sflag:s24], $0x2000  }
0x36c: {  	[sflag:s24] =	ssyncset.done $0x0  }
0x36d: {  	[sflag:s24] =	ssyncadd.s32 $0xFFFFE000  }
0x36e: {  	_ =	swait.ge [sflag:s24], $0x2000  }
0x36f: {  	[sflag:s24] =	ssyncset.done $0x0  }
0x370: {  	[sflag:s24] =	ssyncadd.s32 $0xFFFFE000  }
0x371: {  	_ =	swait.ge [sflag:s24], $0x2000  }
0x372: {  	[sflag:s24] =	ssyncset.done $0x0  }
0x373: {  	[sflag:s24] =	ssyncadd.s32 $0xFFFFE000  }
0x374: {  	_ =	swait.ge [sflag:s24], $0x2000  }
0x375: {  	[sflag:s24] =	ssyncset.done $0x0  }
0x376: {  	s19 =	simm.s32 $0x6;
	s29 =	rddreg [dreg:$0x18];
	[sflag:s24] =	ssyncadd.s32 $0xFFFFE000  }
0x377: {  	[hbm4b:s29+s2] =	stream.linear.scatter [tilespmem:s26], [sflag:$0x4], $0xA000, $0x38;
	[tilespmem:$0x1E780] =	vst v63  }
0x378: {  	_ =	swait.ge [sflag:s19], $0xA000  }
0x379: {  	[sflag:s19] =	ssyncset.done $0x0  }
0x37a: {  	[sflag:s19] =	ssyncadd.s32 $0xFFFF6000  }
0x37b: {  	_ =	swait.ge [sflag:s22], $0x280  }
0x37c: {  	[sflag:s22] =	ssyncset.done $0x0  }
0x37d: {  	s29 =	rddreg [dreg:$0x19];
	[sflag:s22] =	ssyncadd.s32 $0xFFFFFD80  }
0x37e: {  	[tilespmem:s2], [sflag:$0x7] =	stream.linear.gather [hbm4b:s29+s2], $0x280, $0x38;
	[tilespmem:$0x1E780] =	vst v63  }
0x37f: {  	s12 =	simm.s32 $0x500  }
0x380: {  	[tilespmem:s30], [sflag:$0x3] =	stream.indirect.gather [hbm4b:s3+s9], $0x40, s12, s9, $0xb8;
	[tilespmem:$0x1E780] =	vst v63  }
0x381: {  	s16 =	simm.s32 $0x16780  }
0x382: {  	[tilespmem:s16], [sflag:$0x3] =	stream.indirect.gather [hbm4b:s3+s9], $0x40, s15, s9, $0xb8;
	[tilespmem:$0x1E780] =	vst v63  }
0x383: {  	s20 =	simm.s32 $0x18780  }
0x384: {  	[tilespmem:s20], [sflag:$0x3] =	stream.indirect.gather [hbm4b:s3+s9], $0x40, s17, s9, $0xb8;
	[tilespmem:$0x1E780] =	vst v63  }
0x385: {  	s21 =	simm.s32 $0x1A780;
	s26 =	simm.s32 $0x680  }
0x386: {  	[tilespmem:s21], [sflag:$0x3] =	stream.indirect.gather [hbm4b:s3+s9], $0x40, s26, s9, $0xb8;
	[tilespmem:$0x1E780] =	vst v63  }
0x387: {  	_ = 	snop  }
0x388: {  	[tilespmem:s1], [sflag:$0x3] =	stream.indirect.gather [hbm4b:s3+s9], $0x40, s31, s9, $0xb8;
	[tilespmem:$0x1E780] =	vst v63  }
0x389: {  	_ =	swait.ge [sflag:s13], $0x2000  }
0x38a: {  	[sflag:s13] =	ssyncset.done $0x0  }
0x38b: {  	[sflag:s13] =	ssyncadd.s32 $0xFFFFE000  }
0x38c: {  	_ =	swait.ge [sflag:s13], $0x2000  }
0x38d: {  	[sflag:s13] =	ssyncset.done $0x0  }
0x38e: {  	[sflag:s13] =	ssyncadd.s32 $0xFFFFE000  }
0x38f: {  	_ =	swait.ge [sflag:s13], $0x2000  }
0x390: {  	[sflag:s13] =	ssyncset.done $0x0  }
0x391: {  	[sflag:s13] =	ssyncadd.s32 $0xFFFFE000  }
0x392: {  	_ =	swait.ge [sflag:s13], $0x2000  }
0x393: {  	[sflag:s13] =	ssyncset.done $0x0  }
0x394: {  	[sflag:s13] =	ssyncadd.s32 $0xFFFFE000  }
0x395: {  	_ =	swait.ge [sflag:s13], $0x2000  }
0x396: {  	[sflag:s13] =	ssyncset.done $0x0  }
0x397: {  	s31 =	simm.s32 $0xA780;
	s29 =	rddreg [dreg:$0x1a];
	[sflag:s13] =	ssyncadd.s32 $0xFFFFE000  }
0x398: {  	[hbm4b:s29+s2] =	stream.linear.scatter [tilespmem:s31], [sflag:$0x5], $0xA000, $0x38;
	[tilespmem:$0x1E780] =	vst v63  }
0x399: {  	_ =	swait.ge [sflag:s7], $0xA000  }
0x39a: {  	[sflag:s7] =	ssyncset.done $0x0  }
0x39b: {  	s23 =	simm.s32 $0x7;
	[sflag:s7] =	ssyncadd.s32 $0xFFFF6000  }
0x39c: {  	_ =	swait.ge [sflag:s23], $0x280  }
0x39d: {  	[sflag:s23] =	ssyncset.done $0x0  }
0x39e: {  	s29 =	rddreg [dreg:$0x1b];
	[sflag:s23] =	ssyncadd.s32 $0xFFFFFD80  }
0x39f: {  	[tilespmem:s18], [sflag:$0x8] =	stream.linear.gather [hbm4b:s29+s2], $0x280, $0x38;
	[tilespmem:$0x1E780] =	vst v63  }
0x3a0: {  	s11 =	simm.s32 $0x780  }
0x3a1: {  	[tilespmem:s11], [sflag:$0x1] =	stream.indirect.gather [hbm4b:s3+s9], $0x40, s2, s9, $0xb8;
	[tilespmem:$0x1E780] =	vst v63  }
0x3a2: {  	s29 =	simm.s32 $0x2780  }
0x3a3: {  	[tilespmem:s29], [sflag:$0x1] =	stream.indirect.gather [hbm4b:s3+s9], $0x40, s9, s9, $0xb8;
	[tilespmem:$0x1E780] =	vst v63  }
0x3a4: {  	s31 =	simm.s32 $0x100;
	s29 =	simm.s32 $0x4780  }
0x3a5: {  	[tilespmem:s29], [sflag:$0x1] =	stream.indirect.gather [hbm4b:s3+s9], $0x40, s31, s9, $0xb8;
	[tilespmem:$0x1E780] =	vst v63  }
0x3a6: {  	s5 =	simm.s32 $0x6780;
	s29 =	simm.s32 $0x180  }
0x3a7: {  	[tilespmem:s5], [sflag:$0x1] =	stream.indirect.gather [hbm4b:s3+s9], $0x40, s29, s9, $0xb8;
	[tilespmem:$0x1E780] =	vst v63  }
0x3a8: {  	s31 =	simm.s32 $0x8780;
	s29 =	simm.s32 $0x200  }
0x3a9: {  	[tilespmem:s31], [sflag:$0x1] =	stream.indirect.gather [hbm4b:s3+s9], $0x40, s29, s9, $0xb8;
	[tilespmem:$0x1E780] =	vst v63  }
0x3aa: {  	_ =	swait.ge [sflag:s10], $0x2000  }
0x3ab: {  	[sflag:s10] =	ssyncset.done $0x0  }
0x3ac: {  	[sflag:s10] =	ssyncadd.s32 $0xFFFFE000  }
0x3ad: {  	_ =	swait.ge [sflag:s10], $0x2000  }
0x3ae: {  	[sflag:s10] =	ssyncset.done $0x0  }
0x3af: {  	[sflag:s10] =	ssyncadd.s32 $0xFFFFE000  }
0x3b0: {  	_ =	swait.ge [sflag:s10], $0x2000  }
0x3b1: {  	[sflag:s10] =	ssyncset.done $0x0  }
0x3b2: {  	[sflag:s10] =	ssyncadd.s32 $0xFFFFE000  }
0x3b3: {  	_ =	swait.ge [sflag:s10], $0x2000  }
0x3b4: {  	[sflag:s10] =	ssyncset.done $0x0  }
0x3b5: {  	[sflag:s10] =	ssyncadd.s32 $0xFFFFE000  }
0x3b6: {  	_ =	swait.ge [sflag:s10], $0x2000  }
0x3b7: {  	[sflag:s10] =	ssyncset.done $0x0  }
0x3b8: {  	s29 =	rddreg [dreg:$0x1c];
	[sflag:s10] =	ssyncadd.s32 $0xFFFFE000  }
0x3b9: {  	[hbm4b:s29+s2] =	stream.linear.scatter [tilespmem:s30], [sflag:$0x6], $0xA000, $0x38;
	[tilespmem:$0x1E780] =	vst v63  }
0x3ba: {  	_ =	swait.ge [sflag:s8], $0xA000  }
0x3bb: {  	[sflag:s8] =	ssyncset.done $0x0  }
0x3bc: {  	[sflag:s8] =	ssyncadd.s32 $0xFFFF6000  }
0x3bd: {  	_ =	swait.ge [sflag:s25], $0x280  }
0x3be: {  	[sflag:s25] =	ssyncset.done $0x0  }
0x3bf: {  	s29 =	rddreg [dreg:$0x1d];
	[sflag:s25] =	ssyncadd.s32 $0xFFFFFD80  }
0x3c0: {  	[tilespmem:s12], [sflag:$0x9] =	stream.linear.gather [hbm4b:s29+s2], $0x280, $0x38;
	[tilespmem:$0x1E780] =	vst v63  }
0x3c1: {  	s5 =	simm.s32 $0xA780  }
0x3c2: {  	[tilespmem:s5], [sflag:$0x2] =	stream.indirect.gather [hbm4b:s3+s9], $0x40, s18, s9, $0xb8;
	[tilespmem:$0x1E780] =	vst v63  }
0x3c3: {  	s29 =	simm.s32 $0x300  }
0x3c4: {  	[tilespmem:s4], [sflag:$0x2] =	stream.indirect.gather [hbm4b:s3+s9], $0x40, s29, s9, $0xb8;
	[tilespmem:$0x1E780] =	vst v63  }
0x3c5: {  	s31 =	simm.s32 $0xE780  }
0x3c6: {  	[tilespmem:s31], [sflag:$0x2] =	stream.indirect.gather [hbm4b:s3+s9], $0x40, s0, s9, $0xb8;
	[tilespmem:$0x1E780] =	vst v63  }
0x3c7: {  	s4 =	simm.s32 $0x400;
	s31 =	simm.s32 $0x10780  }
0x3c8: {  	[tilespmem:s31], [sflag:$0x2] =	stream.indirect.gather [hbm4b:s3+s9], $0x40, s4, s9, $0xb8;
	[tilespmem:$0x1E780] =	vst v63  }
0x3c9: {  	s31 =	simm.s32 $0x12780  }
0x3ca: {  	[tilespmem:s31], [sflag:$0x2] =	stream.indirect.gather [hbm4b:s3+s9], $0x40, s6, s9, $0xb8;
	[tilespmem:$0x1E780] =	vst v63  }
0x3cb: {  	_ =	swait.ge [sflag:s24], $0x2000  }
0x3cc: {  	[sflag:s24] =	ssyncset.done $0x0  }
0x3cd: {  	[sflag:s24] =	ssyncadd.s32 $0xFFFFE000  }
0x3ce: {  	_ =	swait.ge [sflag:s24], $0x2000  }
0x3cf: {  	[sflag:s24] =	ssyncset.done $0x0  }
0x3d0: {  	[sflag:s24] =	ssyncadd.s32 $0xFFFFE000  }
0x3d1: {  	_ =	swait.ge [sflag:s24], $0x2000  }
0x3d2: {  	[sflag:s24] =	ssyncset.done $0x0  }
0x3d3: {  	[sflag:s24] =	ssyncadd.s32 $0xFFFFE000  }
0x3d4: {  	_ =	swait.ge [sflag:s24], $0x2000  }
0x3d5: {  	[sflag:s24] =	ssyncset.done $0x0  }
0x3d6: {  	[sflag:s24] =	ssyncadd.s32 $0xFFFFE000  }
0x3d7: {  	_ =	swait.ge [sflag:s24], $0x2000  }
0x3d8: {  	[sflag:s24] =	ssyncset.done $0x0  }
0x3d9: {  	s29 =	rddreg [dreg:$0x1e];
	[sflag:s24] =	ssyncadd.s32 $0xFFFFE000  }
0x3da: {  	[hbm4b:s29+s2] =	stream.linear.scatter [tilespmem:s11], [sflag:$0x4], $0xA000, $0x38;
	[tilespmem:$0x1E780] =	vst v63  }
0x3db: {  	_ =	swait.ge [sflag:s19], $0xA000  }
0x3dc: {  	[sflag:s19] =	ssyncset.done $0x0  }
0x3dd: {  	[sflag:s19] =	ssyncadd.s32 $0xFFFF6000  }
0x3de: {  	_ =	swait.ge [sflag:s22], $0x280  }
0x3df: {  	[sflag:s22] =	ssyncset.done $0x0  }
0x3e0: {  	s4 =	simm.s32 $0x14780;
	[sflag:s22] =	ssyncadd.s32 $0xFFFFFD80  }
0x3e1: {  	[tilespmem:s4], [sflag:$0x3] =	stream.indirect.gather [hbm4b:s3+s9], $0x40, s12, s9, $0xb8;
	[tilespmem:$0x1E780] =	vst v63  }
0x3e2: {  	s14 =	simm.s32 $0x16780;
	s15 =	simm.s32 $0x580  }
0x3e3: {  	[tilespmem:s14], [sflag:$0x3] =	stream.indirect.gather [hbm4b:s3+s9], $0x40, s15, s9, $0xb8;
	[tilespmem:$0x1E780] =	vst v63  }
0x3e4: {  	s16 =	simm.s32 $0x18780;
	s17 =	simm.s32 $0x600  }
0x3e5: {  	[tilespmem:s16], [sflag:$0x3] =	stream.indirect.gather [hbm4b:s3+s9], $0x40, s17, s9, $0xb8;
	[tilespmem:$0x1E780] =	vst v63  }
0x3e6: {  	s20 =	simm.s32 $0x1A780;
	s21 =	simm.s32 $0x680  }
0x3e7: {  	[tilespmem:s20], [sflag:$0x3] =	stream.indirect.gather [hbm4b:s3+s9], $0x40, s21, s9, $0xb8;
	[tilespmem:$0x1E780] =	vst v63  }
0x3e8: {  	s26 =	simm.s32 $0x700;
	s1 =	simm.s32 $0x1C780  }
0x3e9: {  	[tilespmem:s1], [sflag:$0x3] =	stream.indirect.gather [hbm4b:s3+s9], $0x40, s26, s9, $0xb8;
	[tilespmem:$0x1E780] =	vst v63  }
0x3ea: {  	_ =	swait.ge [sflag:s13], $0x2000  }
0x3eb: {  	[sflag:s13] =	ssyncset.done $0x0  }
0x3ec: {  	[sflag:s13] =	ssyncadd.s32 $0xFFFFE000  }
0x3ed: {  	_ =	swait.ge [sflag:s13], $0x2000  }
0x3ee: {  	[sflag:s13] =	ssyncset.done $0x0  }
0x3ef: {  	[sflag:s13] =	ssyncadd.s32 $0xFFFFE000  }
0x3f0: {  	_ =	swait.ge [sflag:s13], $0x2000  }
0x3f1: {  	[sflag:s13] =	ssyncset.done $0x0  }
0x3f2: {  	[sflag:s13] =	ssyncadd.s32 $0xFFFFE000  }
0x3f3: {  	_ =	swait.ge [sflag:s13], $0x2000  }
0x3f4: {  	[sflag:s13] =	ssyncset.done $0x0  }
0x3f5: {  	[sflag:s13] =	ssyncadd.s32 $0xFFFFE000  }
0x3f6: {  	_ =	swait.ge [sflag:s13], $0x2000  }
0x3f7: {  	[sflag:s13] =	ssyncset.done $0x0  }
0x3f8: {  	s29 =	rddreg [dreg:$0x1f];
	[sflag:s13] =	ssyncadd.s32 $0xFFFFE000  }
0x3f9: {  	[hbm4b:s29+s2] =	stream.linear.scatter [tilespmem:s5], [sflag:$0x5], $0xA000, $0x38;
	[tilespmem:$0x1E780] =	vst v63  }
0x3fa: {  	_ =	swait.ge [sflag:s10], $0x2000  }
0x3fb: {  	[sflag:s10] =	ssyncset.done $0x0  }
0x3fc: {  	[sflag:s10] =	ssyncadd.s32 $0xFFFFE000  }
0x3fd: {  	_ =	swait.ge [sflag:s10], $0x2000  }
0x3fe: {  	[sflag:s10] =	ssyncset.done $0x0  }
0x3ff: {  	[sflag:s10] =	ssyncadd.s32 $0xFFFFE000  }
0x400: {  	_ =	swait.ge [sflag:s10], $0x2000  }
0x401: {  	[sflag:s10] =	ssyncset.done $0x0  }
0x402: {  	[sflag:s10] =	ssyncadd.s32 $0xFFFFE000  }
0x403: {  	_ =	swait.ge [sflag:s10], $0x2000  }
0x404: {  	[sflag:s10] =	ssyncset.done $0x0  }
0x405: {  	[sflag:s10] =	ssyncadd.s32 $0xFFFFE000  }
0x406: {  	_ =	swait.ge [sflag:s10], $0x2000  }
0x407: {  	s29 =	sld [smem:$0x7FD]  }
0x408: {  	[sflag:s10] =	ssyncset.done $0x0  }
0x409: {  	[sflag:s10] =	ssyncadd.s32 $0xFFFFE000  }
0x40a: {  	[hbm4b:s29+s2] =	stream.linear.scatter [tilespmem:s4], [sflag:$0x6], $0xA000, $0x38;
	[tilespmem:$0x1E780] =	vst v63  }
0x40b: {  	_ =	swait.ge [sflag:s7], $0xA000  }
0x40c: {  	[sflag:s7] =	ssyncset.done $0x0  }
0x40d: {  	p1 =	sne.s32 s28, $0x1;
	[sflag:s7] =	ssyncadd.s32 $0xFFFF6000  }
.Ltmp2:
0x40e: {  	_ =	swait.ge [sflag:s8], $0xA000;
	(pc) =	sbr.rel @p1 .LBB2_3-.Ltmp2, $4  }
0x40f: {  	[sflag:s8] =	ssyncset.done $0x0  }
0x410: {  	[sflag:s8] =	ssyncadd.s32 $0xFFFF6000  }
0x411: {  	_ =	swait.ge [sflag:s19], $0xA000  }
0x412: {  	s28 =	sadd.s32 $0xFFFFFFFF, s28;
	s29 =	rddreg [dreg:$0x3];
	[sflag:s19] =	ssyncset.done $0x0  }
.LBB2_4:
0x413: {  	[sflag:s19] =	ssyncadd.s32 @p0 $0xFFFF6000;
	s0 =	simm.s32 $0xA  }
0x414: {  	[tilespmem:s2], [sflag:$0xA] =	stream.linear.gather [hbm4b:s29+s2], $0x280, $0x38;
	[tilespmem:$0x1E780] =	vst v63  }
0x415: {  	_ =	swait.ge [sflag:s0], $0x280  }
0x416: {  	[sflag:s0] =	ssyncset.done $0x0  }
0x417: {  	s28 =	rddreg [dreg:$0x4];
	[sflag:s0] =	ssyncadd.s32 $0xFFFFFD80  }
0x418: {  	[tilespmem:s18], [sflag:$0x8] =	stream.linear.gather [hbm4b:s28+s2], $0x280, $0x38;
	[tilespmem:$0x1E780] =	vst v63  }
0x419: {  	_ = 	snop  }
0x41a: {  	[tilespmem:s11], [sflag:$0x1] =	stream.indirect.gather [hbm4b:s3+s9], $0x40, s2, s9, $0xb8;
	[tilespmem:$0x1E780] =	vst v63  }
0x41b: {  	s20 =	simm.s32 $0x2780  }
0x41c: {  	[tilespmem:s20], [sflag:$0x1] =	stream.indirect.gather [hbm4b:s3+s9], $0x40, s9, s9, $0xb8;
	[tilespmem:$0x1E780] =	vst v63  }
0x41d: {  	s21 =	simm.s32 $0x100;
	s1 =	simm.s32 $0x4780  }
0x41e: {  	[tilespmem:s1], [sflag:$0x1] =	stream.indirect.gather [hbm4b:s3+s9], $0x40, s21, s9, $0xb8;
	[tilespmem:$0x1E780] =	vst v63  }
0x41f: {  	s29 =	simm.s32 $0x6780;
	s28 =	simm.s32 $0x180  }
0x420: {  	[tilespmem:s29], [sflag:$0x1] =	stream.indirect.gather [hbm4b:s3+s9], $0x40, s28, s9, $0xb8;
	[tilespmem:$0x1E780] =	vst v63  }
0x421: {  	s30 =	simm.s32 $0x200;
	s31 =	simm.s32 $0x8780  }
0x422: {  	[tilespmem:s31], [sflag:$0x1] =	stream.indirect.gather [hbm4b:s3+s9], $0x40, s30, s9, $0xb8;
	[tilespmem:$0x1E780] =	vst v63  }
0x423: {  	_ =	swait.ge [sflag:s25], $0x280  }
0x424: {  	[sflag:s25] =	ssyncset.done $0x0  }
0x425: {  	s1 =	rddreg [dreg:$0x5];
	[sflag:s25] =	ssyncadd.s32 $0xFFFFFD80  }
0x426: {  	[tilespmem:s12], [sflag:$0x9] =	stream.linear.gather [hbm4b:s1+s2], $0x280, $0x38;
	[tilespmem:$0x1E780] =	vst v63  }
0x427: {  	_ = 	snop  }
0x428: {  	[tilespmem:s5], [sflag:$0x2] =	stream.indirect.gather [hbm4b:s3+s9], $0x40, s18, s9, $0xb8;
	[tilespmem:$0x1E780] =	vst v63  }
0x429: {  	s15 =	simm.s32 $0x300;
	s28 =	simm.s32 $0xC780  }
0x42a: {  	[tilespmem:s28], [sflag:$0x2] =	stream.indirect.gather [hbm4b:s3+s9], $0x40, s15, s9, $0xb8;
	[tilespmem:$0x1E780] =	vst v63  }
0x42b: {  	s29 =	simm.s32 $0x380;
	s30 =	simm.s32 $0xE780  }
0x42c: {  	[tilespmem:s30], [sflag:$0x2] =	stream.indirect.gather [hbm4b:s3+s9], $0x40, s29, s9, $0xb8;
	[tilespmem:$0x1E780] =	vst v63  }
0x42d: {  	s1 =	simm.s32 $0x400;
	s15 =	simm.s32 $0x10780  }
0x42e: {  	[tilespmem:s15], [sflag:$0x2] =	stream.indirect.gather [hbm4b:s3+s9], $0x40, s1, s9, $0xb8;
	[tilespmem:$0x1E780] =	vst v63  }
0x42f: {  	s28 =	simm.s32 $0x480;
	s29 =	simm.s32 $0x12780  }
0x430: {  	[tilespmem:s29], [sflag:$0x2] =	stream.indirect.gather [hbm4b:s3+s9], $0x40, s28, s9, $0xb8;
	[tilespmem:$0x1E780] =	vst v63  }
0x431: {  	_ =	swait.ge [sflag:s24], $0x2000  }
0x432: {  	[sflag:s24] =	ssyncset.done $0x0  }
0x433: {  	[sflag:s24] =	ssyncadd.s32 $0xFFFFE000  }
0x434: {  	_ =	swait.ge [sflag:s24], $0x2000  }
0x435: {  	[sflag:s24] =	ssyncset.done $0x0  }
0x436: {  	[sflag:s24] =	ssyncadd.s32 $0xFFFFE000  }
0x437: {  	_ =	swait.ge [sflag:s24], $0x2000  }
0x438: {  	[sflag:s24] =	ssyncset.done $0x0  }
0x439: {  	[sflag:s24] =	ssyncadd.s32 $0xFFFFE000  }
0x43a: {  	_ =	swait.ge [sflag:s24], $0x2000  }
0x43b: {  	[sflag:s24] =	ssyncset.done $0x0  }
0x43c: {  	[sflag:s24] =	ssyncadd.s32 $0xFFFFE000  }
0x43d: {  	_ =	swait.ge [sflag:s24], $0x2000  }
0x43e: {  	[sflag:s24] =	ssyncset.done $0x0  }
0x43f: {  	s0 =	rddreg [dreg:$0x6];
	[sflag:s24] =	ssyncadd.s32 $0xFFFFE000  }
0x440: {  	[hbm4b:s0+s2] =	stream.linear.scatter [tilespmem:s11], [sflag:$0x4], $0xA000, $0x38;
	[tilespmem:$0x1E780] =	vst v63  }
0x441: {  	_ =	swait.ge [sflag:s22], $0x280  }
0x442: {  	[sflag:s22] =	ssyncset.done $0x0  }
0x443: {  	s15 =	rddreg [dreg:$0x7];
	[sflag:s22] =	ssyncadd.s32 $0xFFFFFD80  }
0x444: {  	[tilespmem:s2], [sflag:$0x7] =	stream.linear.gather [hbm4b:s15+s2], $0x280, $0x38;
	[tilespmem:$0x1E780] =	vst v63  }
0x445: {  	_ = 	snop  }
0x446: {  	[tilespmem:s4], [sflag:$0x3] =	stream.indirect.gather [hbm4b:s3+s9], $0x40, s12, s9, $0xb8;
	[tilespmem:$0x1E780] =	vst v63  }
0x447: {  	s0 =	simm.s32 $0x580;
	s15 =	simm.s32 $0x16780  }
0x448: {  	[tilespmem:s15], [sflag:$0x3] =	stream.indirect.gather [hbm4b:s3+s9], $0x40, s0, s9, $0xb8;
	[tilespmem:$0x1E780] =	vst v63  }
0x449: {  	s0 =	simm.s32 $0x600;
	s15 =	simm.s32 $0x18780  }
0x44a: {  	[tilespmem:s15], [sflag:$0x3] =	stream.indirect.gather [hbm4b:s3+s9], $0x40, s0, s9, $0xb8;
	[tilespmem:$0x1E780] =	vst v63  }
0x44b: {  	s15 =	simm.s32 $0x680;
	s0 =	simm.s32 $0x1A780  }
0x44c: {  	[tilespmem:s0], [sflag:$0x3] =	stream.indirect.gather [hbm4b:s3+s9], $0x40, s15, s9, $0xb8;
	[tilespmem:$0x1E780] =	vst v63  }
0x44d: {  	s0 =	simm.s32 $0x700;
	s15 =	simm.s32 $0x1C780  }
0x44e: {  	[tilespmem:s15], [sflag:$0x3] =	stream.indirect.gather [hbm4b:s3+s9], $0x40, s0, s9, $0xb8;
	[tilespmem:$0x1E780] =	vst v63  }
0x44f: {  	_ =	swait.ge [sflag:s13], $0x2000  }
0x450: {  	[sflag:s13] =	ssyncset.done $0x0  }
0x451: {  	[sflag:s13] =	ssyncadd.s32 $0xFFFFE000  }
0x452: {  	_ =	swait.ge [sflag:s13], $0x2000  }
0x453: {  	[sflag:s13] =	ssyncset.done $0x0  }
0x454: {  	[sflag:s13] =	ssyncadd.s32 $0xFFFFE000  }
0x455: {  	_ =	swait.ge [sflag:s13], $0x2000  }
0x456: {  	[sflag:s13] =	ssyncset.done $0x0  }
0x457: {  	[sflag:s13] =	ssyncadd.s32 $0xFFFFE000  }
0x458: {  	_ =	swait.ge [sflag:s13], $0x2000  }
0x459: {  	[sflag:s13] =	ssyncset.done $0x0  }
0x45a: {  	[sflag:s13] =	ssyncadd.s32 $0xFFFFE000  }
0x45b: {  	_ =	swait.ge [sflag:s13], $0x2000  }
0x45c: {  	[sflag:s13] =	ssyncset.done $0x0  }
0x45d: {  	s0 =	rddreg [dreg:$0x8];
	[sflag:s13] =	ssyncadd.s32 $0xFFFFE000  }
0x45e: {  	[hbm4b:s0+s2] =	stream.linear.scatter [tilespmem:s5], [sflag:$0x5], $0xA000, $0x38;
	[tilespmem:$0x1E780] =	vst v63  }
0x45f: {  	_ =	swait.ge [sflag:s7], $0xA000  }
0x460: {  	[sflag:s7] =	ssyncset.done $0x0  }
0x461: {  	[sflag:s7] =	ssyncadd.s32 $0xFFFF6000  }
0x462: {  	_ =	swait.ge [sflag:s23], $0x280  }
0x463: {  	[sflag:s23] =	ssyncset.done $0x0  }
0x464: {  	s15 =	rddreg [dreg:$0x9];
	[sflag:s23] =	ssyncadd.s32 $0xFFFFFD80  }
0x465: {  	[tilespmem:s18], [sflag:$0x8] =	stream.linear.gather [hbm4b:s15+s2], $0x280, $0x38;
	[tilespmem:$0x1E780] =	vst v63  }
0x466: {  	_ = 	snop  }
0x467: {  	[tilespmem:s11], [sflag:$0x1] =	stream.indirect.gather [hbm4b:s3+s9], $0x40, s2, s9, $0xb8;
	[tilespmem:$0x1E780] =	vst v63  }
0x468: {  	s26 =	simm.s32 $0x2780  }
0x469: {  	[tilespmem:s26], [sflag:$0x1] =	stream.indirect.gather [hbm4b:s3+s9], $0x40, s9, s9, $0xb8;
	[tilespmem:$0x1E780] =	vst v63  }
0x46a: {  	s20 =	simm.s32 $0x100;
	s21 =	simm.s32 $0x4780  }
0x46b: {  	[tilespmem:s21], [sflag:$0x1] =	stream.indirect.gather [hbm4b:s3+s9], $0x40, s20, s9, $0xb8;
	[tilespmem:$0x1E780] =	vst v63  }
0x46c: {  	s17 =	simm.s32 $0x6780;
	s16 =	simm.s32 $0x180  }
0x46d: {  	[tilespmem:s17], [sflag:$0x1] =	stream.indirect.gather [hbm4b:s3+s9], $0x40, s16, s9, $0xb8;
	[tilespmem:$0x1E780] =	vst v63  }
0x46e: {  	s14 =	simm.s32 $0x8780;
	s6 =	simm.s32 $0x200  }
0x46f: {  	[tilespmem:s14], [sflag:$0x1] =	stream.indirect.gather [hbm4b:s3+s9], $0x40, s6, s9, $0xb8;
	[tilespmem:$0x1E780] =	vst v63  }
0x470: {  	_ =	swait.ge [sflag:s10], $0x2000  }
0x471: {  	[sflag:s10] =	ssyncset.done $0x0  }
0x472: {  	[sflag:s10] =	ssyncadd.s32 $0xFFFFE000  }
0x473: {  	_ =	swait.ge [sflag:s10], $0x2000  }
0x474: {  	[sflag:s10] =	ssyncset.done $0x0  }
0x475: {  	[sflag:s10] =	ssyncadd.s32 $0xFFFFE000  }
0x476: {  	_ =	swait.ge [sflag:s10], $0x2000  }
0x477: {  	[sflag:s10] =	ssyncset.done $0x0  }
0x478: {  	[sflag:s10] =	ssyncadd.s32 $0xFFFFE000  }
0x479: {  	_ =	swait.ge [sflag:s10], $0x2000  }
0x47a: {  	[sflag:s10] =	ssyncset.done $0x0  }
0x47b: {  	[sflag:s10] =	ssyncadd.s32 $0xFFFFE000  }
0x47c: {  	_ =	swait.ge [sflag:s10], $0x2000  }
0x47d: {  	[sflag:s10] =	ssyncset.done $0x0  }
0x47e: {  	s20 =	rddreg [dreg:$0xa];
	[sflag:s10] =	ssyncadd.s32 $0xFFFFE000  }
0x47f: {  	[hbm4b:s20+s2] =	stream.linear.scatter [tilespmem:s4], [sflag:$0x6], $0xA000, $0x38;
	[tilespmem:$0x1E780] =	vst v63  }
0x480: {  	_ =	swait.ge [sflag:s8], $0xA000  }
0x481: {  	[sflag:s8] =	ssyncset.done $0x0  }
0x482: {  	[sflag:s8] =	ssyncadd.s32 $0xFFFF6000  }
0x483: {  	_ =	swait.ge [sflag:s25], $0x280  }
0x484: {  	[sflag:s25] =	ssyncset.done $0x0  }
0x485: {  	s21 =	rddreg [dreg:$0xb];
	[sflag:s25] =	ssyncadd.s32 $0xFFFFFD80  }
0x486: {  	[tilespmem:s12], [sflag:$0x9] =	stream.linear.gather [hbm4b:s21+s2], $0x280, $0x38;
	[tilespmem:$0x1E780] =	vst v63  }
0x487: {  	_ = 	snop  }
0x488: {  	[tilespmem:s5], [sflag:$0x2] =	stream.indirect.gather [hbm4b:s3+s9], $0x40, s18, s9, $0xb8;
	[tilespmem:$0x1E780] =	vst v63  }
0x489: {  	s31 =	simm.s32 $0x300;
	s28 =	simm.s32 $0xC780  }
0x48a: {  	[tilespmem:s28], [sflag:$0x2] =	stream.indirect.gather [hbm4b:s3+s9], $0x40, s31, s9, $0xb8;
	[tilespmem:$0x1E780] =	vst v63  }
0x48b: {  	s30 =	simm.s32 $0xE780;
	s6 =	simm.s32 $0x380  }
0x48c: {  	[tilespmem:s30], [sflag:$0x2] =	stream.indirect.gather [hbm4b:s3+s9], $0x40, s6, s9, $0xb8;
	[tilespmem:$0x1E780] =	vst v63  }
0x48d: {  	s15 =	simm.s32 $0x400;
	s14 =	simm.s32 $0x10780  }
0x48e: {  	[tilespmem:s14], [sflag:$0x2] =	stream.indirect.gather [hbm4b:s3+s9], $0x40, s15, s9, $0xb8;
	[tilespmem:$0x1E780] =	vst v63  }
0x48f: {  	s1 =	simm.s32 $0x480;
	s29 =	simm.s32 $0x12780  }
0x490: {  	[tilespmem:s29], [sflag:$0x2] =	stream.indirect.gather [hbm4b:s3+s9], $0x40, s1, s9, $0xb8;
	[tilespmem:$0x1E780] =	vst v63  }
0x491: {  	_ =	swait.ge [sflag:s24], $0x2000  }
0x492: {  	[sflag:s24] =	ssyncset.done $0x0  }
0x493: {  	[sflag:s24] =	ssyncadd.s32 $0xFFFFE000  }
0x494: {  	_ =	swait.ge [sflag:s24], $0x2000  }
0x495: {  	[sflag:s24] =	ssyncset.done $0x0  }
0x496: {  	[sflag:s24] =	ssyncadd.s32 $0xFFFFE000  }
0x497: {  	_ =	swait.ge [sflag:s24], $0x2000  }
0x498: {  	[sflag:s24] =	ssyncset.done $0x0  }
0x499: {  	[sflag:s24] =	ssyncadd.s32 $0xFFFFE000  }
0x49a: {  	_ =	swait.ge [sflag:s24], $0x2000  }
0x49b: {  	[sflag:s24] =	ssyncset.done $0x0  }
0x49c: {  	[sflag:s24] =	ssyncadd.s32 $0xFFFFE000  }
0x49d: {  	_ =	swait.ge [sflag:s24], $0x2000  }
0x49e: {  	[sflag:s24] =	ssyncset.done $0x0  }
0x49f: {  	s29 =	rddreg [dreg:$0xc];
	[sflag:s24] =	ssyncadd.s32 $0xFFFFE000  }
0x4a0: {  	[hbm4b:s29+s2] =	stream.linear.scatter [tilespmem:s11], [sflag:$0x4], $0xA000, $0x38;
	[tilespmem:$0x1E780] =	vst v63  }
0x4a1: {  	_ =	swait.ge [sflag:s19], $0xA000  }
0x4a2: {  	[sflag:s19] =	ssyncset.done $0x0  }
0x4a3: {  	[sflag:s19] =	ssyncadd.s32 $0xFFFF6000  }
0x4a4: {  	_ =	swait.ge [sflag:s22], $0x280  }
0x4a5: {  	[sflag:s22] =	ssyncset.done $0x0  }
0x4a6: {  	s30 =	rddreg [dreg:$0xd];
	[sflag:s22] =	ssyncadd.s32 $0xFFFFFD80  }
0x4a7: {  	[tilespmem:s2], [sflag:$0x7] =	stream.linear.gather [hbm4b:s30+s2], $0x280, $0x38;
	[tilespmem:$0x1E780] =	vst v63  }
0x4a8: {  	_ = 	snop  }
0x4a9: {  	[tilespmem:s4], [sflag:$0x3] =	stream.indirect.gather [hbm4b:s3+s9], $0x40, s12, s9, $0xb8;
	[tilespmem:$0x1E780] =	vst v63  }
0x4aa: {  	s0 =	simm.s32 $0x16780;
	s16 =	simm.s32 $0x580  }
0x4ab: {  	[tilespmem:s0], [sflag:$0x3] =	stream.indirect.gather [hbm4b:s3+s9], $0x40, s16, s9, $0xb8;
	[tilespmem:$0x1E780] =	vst v63  }
0x4ac: {  	s17 =	simm.s32 $0x600;
	s1 =	simm.s32 $0x18780  }
0x4ad: {  	[tilespmem:s1], [sflag:$0x3] =	stream.indirect.gather [hbm4b:s3+s9], $0x40, s17, s9, $0xb8;
	[tilespmem:$0x1E780] =	vst v63  }
0x4ae: {  	s31 =	simm.s32 $0x1A780;
	s29 =	simm.s32 $0x680  }
0x4af: {  	[tilespmem:s31], [sflag:$0x3] =	stream.indirect.gather [hbm4b:s3+s9], $0x40, s29, s9, $0xb8;
	[tilespmem:$0x1E780] =	vst v63  }
0x4b0: {  	s30 =	simm.s32 $0x1C780;
	s31 =	simm.s32 $0x700  }
0x4b1: {  	[tilespmem:s30], [sflag:$0x3] =	stream.indirect.gather [hbm4b:s3+s9], $0x40, s31, s9, $0xb8;
	[tilespmem:$0x1E780] =	vst v63  }
0x4b2: {  	_ =	swait.ge [sflag:s13], $0x2000  }
0x4b3: {  	[sflag:s13] =	ssyncset.done $0x0  }
0x4b4: {  	[sflag:s13] =	ssyncadd.s32 $0xFFFFE000  }
0x4b5: {  	_ =	swait.ge [sflag:s13], $0x2000  }
0x4b6: {  	[sflag:s13] =	ssyncset.done $0x0  }
0x4b7: {  	[sflag:s13] =	ssyncadd.s32 $0xFFFFE000  }
0x4b8: {  	_ =	swait.ge [sflag:s13], $0x2000  }
0x4b9: {  	[sflag:s13] =	ssyncset.done $0x0  }
0x4ba: {  	[sflag:s13] =	ssyncadd.s32 $0xFFFFE000  }
0x4bb: {  	_ =	swait.ge [sflag:s13], $0x2000  }
0x4bc: {  	[sflag:s13] =	ssyncset.done $0x0  }
0x4bd: {  	[sflag:s13] =	ssyncadd.s32 $0xFFFFE000  }
0x4be: {  	_ =	swait.ge [sflag:s13], $0x2000  }
0x4bf: {  	[sflag:s13] =	ssyncset.done $0x0  }
0x4c0: {  	s20 =	rddreg [dreg:$0xe];
	[sflag:s13] =	ssyncadd.s32 $0xFFFFE000  }
0x4c1: {  	[hbm4b:s20+s2] =	stream.linear.scatter [tilespmem:s5], [sflag:$0x5], $0xA000, $0x38;
	[tilespmem:$0x1E780] =	vst v63  }
0x4c2: {  	_ =	swait.ge [sflag:s7], $0xA000  }
0x4c3: {  	[sflag:s7] =	ssyncset.done $0x0  }
0x4c4: {  	[sflag:s7] =	ssyncadd.s32 $0xFFFF6000  }
0x4c5: {  	_ =	swait.ge [sflag:s23], $0x280  }
0x4c6: {  	[sflag:s23] =	ssyncset.done $0x0  }
0x4c7: {  	s31 =	rddreg [dreg:$0xf];
	[sflag:s23] =	ssyncadd.s32 $0xFFFFFD80  }
0x4c8: {  	[tilespmem:s18], [sflag:$0x8] =	stream.linear.gather [hbm4b:s31+s2], $0x280, $0x38;
	[tilespmem:$0x1E780] =	vst v63  }
0x4c9: {  	_ = 	snop  }
0x4ca: {  	[tilespmem:s11], [sflag:$0x1] =	stream.indirect.gather [hbm4b:s3+s9], $0x40, s2, s9, $0xb8;
	[tilespmem:$0x1E780] =	vst v63  }
0x4cb: {  	s26 =	simm.s32 $0x2780  }
0x4cc: {  	[tilespmem:s26], [sflag:$0x1] =	stream.indirect.gather [hbm4b:s3+s9], $0x40, s9, s9, $0xb8;
	[tilespmem:$0x1E780] =	vst v63  }
0x4cd: {  	s20 =	simm.s32 $0x4780;
	s31 =	simm.s32 $0x100  }
0x4ce: {  	[tilespmem:s20], [sflag:$0x1] =	stream.indirect.gather [hbm4b:s3+s9], $0x40, s31, s9, $0xb8;
	[tilespmem:$0x1E780] =	vst v63  }
0x4cf: {  	s28 =	simm.s32 $0x6780;
	s20 =	simm.s32 $0x180  }
0x4d0: {  	[tilespmem:s28], [sflag:$0x1] =	stream.indirect.gather [hbm4b:s3+s9], $0x40, s20, s9, $0xb8;
	[tilespmem:$0x1E780] =	vst v63  }
0x4d1: {  	s28 =	simm.s32 $0x8780;
	s20 =	simm.s32 $0x200  }
0x4d2: {  	[tilespmem:s28], [sflag:$0x1] =	stream.indirect.gather [hbm4b:s3+s9], $0x40, s20, s9, $0xb8;
	[tilespmem:$0x1E780] =	vst v63  }
0x4d3: {  	_ =	swait.ge [sflag:s10], $0x2000  }
0x4d4: {  	[sflag:s10] =	ssyncset.done $0x0  }
0x4d5: {  	[sflag:s10] =	ssyncadd.s32 $0xFFFFE000  }
0x4d6: {  	_ =	swait.ge [sflag:s10], $0x2000  }
0x4d7: {  	[sflag:s10] =	ssyncset.done $0x0  }
0x4d8: {  	[sflag:s10] =	ssyncadd.s32 $0xFFFFE000  }
0x4d9: {  	_ =	swait.ge [sflag:s10], $0x2000  }
0x4da: {  	[sflag:s10] =	ssyncset.done $0x0  }
0x4db: {  	[sflag:s10] =	ssyncadd.s32 $0xFFFFE000  }
0x4dc: {  	_ =	swait.ge [sflag:s10], $0x2000  }
0x4dd: {  	[sflag:s10] =	ssyncset.done $0x0  }
0x4de: {  	[sflag:s10] =	ssyncadd.s32 $0xFFFFE000  }
0x4df: {  	_ =	swait.ge [sflag:s10], $0x2000  }
0x4e0: {  	[sflag:s10] =	ssyncset.done $0x0  }
0x4e1: {  	s20 =	rddreg [dreg:$0x10];
	[sflag:s10] =	ssyncadd.s32 $0xFFFFE000  }
0x4e2: {  	[hbm4b:s20+s2] =	stream.linear.scatter [tilespmem:s4], [sflag:$0x6], $0xA000, $0x38;
	[tilespmem:$0x1E780] =	vst v63  }
0x4e3: {  	_ =	swait.ge [sflag:s8], $0xA000  }
0x4e4: {  	[sflag:s8] =	ssyncset.done $0x0  }
0x4e5: {  	[sflag:s8] =	ssyncadd.s32 $0xFFFF6000  }
0x4e6: {  	_ =	swait.ge [sflag:s25], $0x280  }
0x4e7: {  	[sflag:s25] =	ssyncset.done $0x0  }
0x4e8: {  	s20 =	rddreg [dreg:$0x11];
	[sflag:s25] =	ssyncadd.s32 $0xFFFFFD80  }
0x4e9: {  	[tilespmem:s12], [sflag:$0x9] =	stream.linear.gather [hbm4b:s20+s2], $0x280, $0x38;
	[tilespmem:$0x1E780] =	vst v63  }
0x4ea: {  	_ = 	snop  }
0x4eb: {  	[tilespmem:s5], [sflag:$0x2] =	stream.indirect.gather [hbm4b:s3+s9], $0x40, s18, s9, $0xb8;
	[tilespmem:$0x1E780] =	vst v63  }
0x4ec: {  	s28 =	simm.s32 $0xC780;
	s20 =	simm.s32 $0x300  }
0x4ed: {  	[tilespmem:s28], [sflag:$0x2] =	stream.indirect.gather [hbm4b:s3+s9], $0x40, s20, s9, $0xb8;
	[tilespmem:$0x1E780] =	vst v63  }
0x4ee: {  	s28 =	simm.s32 $0xE780  }
0x4ef: {  	[tilespmem:s28], [sflag:$0x2] =	stream.indirect.gather [hbm4b:s3+s9], $0x40, s6, s9, $0xb8;
	[tilespmem:$0x1E780] =	vst v63  }
0x4f0: {  	_ = 	snop  }
0x4f1: {  	[tilespmem:s14], [sflag:$0x2] =	stream.indirect.gather [hbm4b:s3+s9], $0x40, s15, s9, $0xb8;
	[tilespmem:$0x1E780] =	vst v63  }
0x4f2: {  	s21 =	simm.s32 $0x480;
	s28 =	simm.s32 $0x12780  }
0x4f3: {  	[tilespmem:s28], [sflag:$0x2] =	stream.indirect.gather [hbm4b:s3+s9], $0x40, s21, s9, $0xb8;
	[tilespmem:$0x1E780] =	vst v63  }
0x4f4: {  	_ =	swait.ge [sflag:s24], $0x2000  }
0x4f5: {  	[sflag:s24] =	ssyncset.done $0x0  }
0x4f6: {  	[sflag:s24] =	ssyncadd.s32 $0xFFFFE000  }
0x4f7: {  	_ =	swait.ge [sflag:s24], $0x2000  }
0x4f8: {  	[sflag:s24] =	ssyncset.done $0x0  }
0x4f9: {  	[sflag:s24] =	ssyncadd.s32 $0xFFFFE000  }
0x4fa: {  	_ =	swait.ge [sflag:s24], $0x2000  }
0x4fb: {  	[sflag:s24] =	ssyncset.done $0x0  }
0x4fc: {  	[sflag:s24] =	ssyncadd.s32 $0xFFFFE000  }
0x4fd: {  	_ =	swait.ge [sflag:s24], $0x2000  }
0x4fe: {  	[sflag:s24] =	ssyncset.done $0x0  }
0x4ff: {  	[sflag:s24] =	ssyncadd.s32 $0xFFFFE000  }
0x500: {  	_ =	swait.ge [sflag:s24], $0x2000  }
0x501: {  	[sflag:s24] =	ssyncset.done $0x0  }
0x502: {  	s21 =	rddreg [dreg:$0x12];
	[sflag:s24] =	ssyncadd.s32 $0xFFFFE000  }
0x503: {  	[hbm4b:s21+s2] =	stream.linear.scatter [tilespmem:s11], [sflag:$0x4], $0xA000, $0x38;
	[tilespmem:$0x1E780] =	vst v63  }
0x504: {  	_ =	swait.ge [sflag:s19], $0xA000  }
0x505: {  	[sflag:s19] =	ssyncset.done $0x0  }
0x506: {  	[sflag:s19] =	ssyncadd.s32 $0xFFFF6000  }
0x507: {  	_ =	swait.ge [sflag:s22], $0x280  }
0x508: {  	[sflag:s22] =	ssyncset.done $0x0  }
0x509: {  	s21 =	rddreg [dreg:$0x13];
	[sflag:s22] =	ssyncadd.s32 $0xFFFFFD80  }
0x50a: {  	[tilespmem:s2], [sflag:$0x7] =	stream.linear.gather [hbm4b:s21+s2], $0x280, $0x38;
	[tilespmem:$0x1E780] =	vst v63  }
0x50b: {  	_ = 	snop  }
0x50c: {  	[tilespmem:s4], [sflag:$0x3] =	stream.indirect.gather [hbm4b:s3+s9], $0x40, s12, s9, $0xb8;
	[tilespmem:$0x1E780] =	vst v63  }
0x50d: {  	_ = 	snop  }
0x50e: {  	[tilespmem:s0], [sflag:$0x3] =	stream.indirect.gather [hbm4b:s3+s9], $0x40, s16, s9, $0xb8;
	[tilespmem:$0x1E780] =	vst v63  }
0x50f: {  	_ = 	snop  }
0x510: {  	[tilespmem:s1], [sflag:$0x3] =	stream.indirect.gather [hbm4b:s3+s9], $0x40, s17, s9, $0xb8;
	[tilespmem:$0x1E780] =	vst v63  }
0x511: {  	s29 =	simm.s32 $0x680;
	s28 =	simm.s32 $0x1A780  }
0x512: {  	[tilespmem:s28], [sflag:$0x3] =	stream.indirect.gather [hbm4b:s3+s9], $0x40, s29, s9, $0xb8;
	[tilespmem:$0x1E780] =	vst v63  }
0x513: {  	s30 =	simm.s32 $0x700;
	s1 =	simm.s32 $0x1C780  }
0x514: {  	[tilespmem:s1], [sflag:$0x3] =	stream.indirect.gather [hbm4b:s3+s9], $0x40, s30, s9, $0xb8;
	[tilespmem:$0x1E780] =	vst v63  }
0x515: {  	_ =	swait.ge [sflag:s13], $0x2000  }
0x516: {  	[sflag:s13] =	ssyncset.done $0x0  }
0x517: {  	[sflag:s13] =	ssyncadd.s32 $0xFFFFE000  }
0x518: {  	_ =	swait.ge [sflag:s13], $0x2000  }
0x519: {  	[sflag:s13] =	ssyncset.done $0x0  }
0x51a: {  	[sflag:s13] =	ssyncadd.s32 $0xFFFFE000  }
0x51b: {  	_ =	swait.ge [sflag:s13], $0x2000  }
0x51c: {  	[sflag:s13] =	ssyncset.done $0x0  }
0x51d: {  	[sflag:s13] =	ssyncadd.s32 $0xFFFFE000  }
0x51e: {  	_ =	swait.ge [sflag:s13], $0x2000  }
0x51f: {  	[sflag:s13] =	ssyncset.done $0x0  }
0x520: {  	[sflag:s13] =	ssyncadd.s32 $0xFFFFE000  }
0x521: {  	_ =	swait.ge [sflag:s13], $0x2000  }
0x522: {  	[sflag:s13] =	ssyncset.done $0x0  }
0x523: {  	s16 =	rddreg [dreg:$0x14];
	[sflag:s13] =	ssyncadd.s32 $0xFFFFE000  }
0x524: {  	[hbm4b:s16+s2] =	stream.linear.scatter [tilespmem:s5], [sflag:$0x5], $0xA000, $0x38;
	[tilespmem:$0x1E780] =	vst v63  }
0x525: {  	_ =	swait.ge [sflag:s7], $0xA000  }
0x526: {  	[sflag:s7] =	ssyncset.done $0x0  }
0x527: {  	[sflag:s7] =	ssyncadd.s32 $0xFFFF6000  }
0x528: {  	_ =	swait.ge [sflag:s23], $0x280  }
0x529: {  	[sflag:s23] =	ssyncset.done $0x0  }
0x52a: {  	s17 =	rddreg [dreg:$0x15];
	[sflag:s23] =	ssyncadd.s32 $0xFFFFFD80  }
0x52b: {  	[tilespmem:s18], [sflag:$0x8] =	stream.linear.gather [hbm4b:s17+s2], $0x280, $0x38;
	[tilespmem:$0x1E780] =	vst v63  }
0x52c: {  	_ = 	snop  }
0x52d: {  	[tilespmem:s11], [sflag:$0x1] =	stream.indirect.gather [hbm4b:s3+s9], $0x40, s2, s9, $0xb8;
	[tilespmem:$0x1E780] =	vst v63  }
0x52e: {  	s21 =	simm.s32 $0x2780  }
0x52f: {  	[tilespmem:s21], [sflag:$0x1] =	stream.indirect.gather [hbm4b:s3+s9], $0x40, s9, s9, $0xb8;
	[tilespmem:$0x1E780] =	vst v63  }
0x530: {  	s26 =	simm.s32 $0x4780;
	s28 =	simm.s32 $0x100  }
0x531: {  	[tilespmem:s26], [sflag:$0x1] =	stream.indirect.gather [hbm4b:s3+s9], $0x40, s28, s9, $0xb8;
	[tilespmem:$0x1E780] =	vst v63  }
0x532: {  	s31 =	simm.s32 $0x6780;
	s29 =	simm.s32 $0x180  }
0x533: {  	[tilespmem:s31], [sflag:$0x1] =	stream.indirect.gather [hbm4b:s3+s9], $0x40, s29, s9, $0xb8;
	[tilespmem:$0x1E780] =	vst v63  }
0x534: {  	s30 =	simm.s32 $0x200;
	s31 =	simm.s32 $0x8780  }
0x535: {  	[tilespmem:s31], [sflag:$0x1] =	stream.indirect.gather [hbm4b:s3+s9], $0x40, s30, s9, $0xb8;
	[tilespmem:$0x1E780] =	vst v63  }
0x536: {  	_ =	swait.ge [sflag:s10], $0x2000  }
0x537: {  	[sflag:s10] =	ssyncset.done $0x0  }
0x538: {  	[sflag:s10] =	ssyncadd.s32 $0xFFFFE000  }
0x539: {  	_ =	swait.ge [sflag:s10], $0x2000  }
0x53a: {  	[sflag:s10] =	ssyncset.done $0x0  }
0x53b: {  	[sflag:s10] =	ssyncadd.s32 $0xFFFFE000  }
0x53c: {  	_ =	swait.ge [sflag:s10], $0x2000  }
0x53d: {  	[sflag:s10] =	ssyncset.done $0x0  }
0x53e: {  	[sflag:s10] =	ssyncadd.s32 $0xFFFFE000  }
0x53f: {  	_ =	swait.ge [sflag:s10], $0x2000  }
0x540: {  	[sflag:s10] =	ssyncset.done $0x0  }
0x541: {  	[sflag:s10] =	ssyncadd.s32 $0xFFFFE000  }
0x542: {  	_ =	swait.ge [sflag:s10], $0x2000  }
0x543: {  	[sflag:s10] =	ssyncset.done $0x0  }
0x544: {  	s17 =	rddreg [dreg:$0x16];
	[sflag:s10] =	ssyncadd.s32 $0xFFFFE000  }
0x545: {  	[hbm4b:s17+s2] =	stream.linear.scatter [tilespmem:s4], [sflag:$0x6], $0xA000, $0x38;
	[tilespmem:$0x1E780] =	vst v63  }
0x546: {  	_ =	swait.ge [sflag:s8], $0xA000  }
0x547: {  	[sflag:s8] =	ssyncset.done $0x0  }
0x548: {  	[sflag:s8] =	ssyncadd.s32 $0xFFFF6000  }
0x549: {  	_ =	swait.ge [sflag:s25], $0x280  }
0x54a: {  	[sflag:s25] =	ssyncset.done $0x0  }
0x54b: {  	s21 =	rddreg [dreg:$0x17];
	[sflag:s25] =	ssyncadd.s32 $0xFFFFFD80  }
0x54c: {  	[tilespmem:s12], [sflag:$0x9] =	stream.linear.gather [hbm4b:s21+s2], $0x280, $0x38;
	[tilespmem:$0x1E780] =	vst v63  }
0x54d: {  	_ = 	snop  }
0x54e: {  	[tilespmem:s5], [sflag:$0x2] =	stream.indirect.gather [hbm4b:s3+s9], $0x40, s18, s9, $0xb8;
	[tilespmem:$0x1E780] =	vst v63  }
0x54f: {  	s20 =	simm.s32 $0xC780;
	s29 =	simm.s32 $0x300  }
0x550: {  	[tilespmem:s20], [sflag:$0x2] =	stream.indirect.gather [hbm4b:s3+s9], $0x40, s29, s9, $0xb8;
	[tilespmem:$0x1E780] =	vst v63  }
0x551: {  	s6 =	simm.s32 $0x380;
	s30 =	simm.s32 $0xE780  }
0x552: {  	[tilespmem:s30], [sflag:$0x2] =	stream.indirect.gather [hbm4b:s3+s9], $0x40, s6, s9, $0xb8;
	[tilespmem:$0x1E780] =	vst v63  }
0x553: {  	s14 =	simm.s32 $0x400;
	s1 =	simm.s32 $0x10780  }
0x554: {  	[tilespmem:s1], [sflag:$0x2] =	stream.indirect.gather [hbm4b:s3+s9], $0x40, s14, s9, $0xb8;
	[tilespmem:$0x1E780] =	vst v63  }
0x555: {  	s15 =	simm.s32 $0x12780;
	s6 =	simm.s32 $0x480  }
0x556: {  	[tilespmem:s15], [sflag:$0x2] =	stream.indirect.gather [hbm4b:s3+s9], $0x40, s6, s9, $0xb8;
	[tilespmem:$0x1E780] =	vst v63  }
0x557: {  	_ =	swait.ge [sflag:s24], $0x2000  }
0x558: {  	[sflag:s24] =	ssyncset.done $0x0  }
0x559: {  	[sflag:s24] =	ssyncadd.s32 $0xFFFFE000  }
0x55a: {  	_ =	swait.ge [sflag:s24], $0x2000  }
0x55b: {  	[sflag:s24] =	ssyncset.done $0x0  }
0x55c: {  	[sflag:s24] =	ssyncadd.s32 $0xFFFFE000  }
0x55d: {  	_ =	swait.ge [sflag:s24], $0x2000  }
0x55e: {  	[sflag:s24] =	ssyncset.done $0x0  }
0x55f: {  	[sflag:s24] =	ssyncadd.s32 $0xFFFFE000  }
0x560: {  	_ =	swait.ge [sflag:s24], $0x2000  }
0x561: {  	[sflag:s24] =	ssyncset.done $0x0  }
0x562: {  	[sflag:s24] =	ssyncadd.s32 $0xFFFFE000  }
0x563: {  	_ =	swait.ge [sflag:s24], $0x2000  }
0x564: {  	[sflag:s24] =	ssyncset.done $0x0  }
0x565: {  	s14 =	rddreg [dreg:$0x18];
	[sflag:s24] =	ssyncadd.s32 $0xFFFFE000  }
0x566: {  	[hbm4b:s14+s2] =	stream.linear.scatter [tilespmem:s11], [sflag:$0x4], $0xA000, $0x38;
	[tilespmem:$0x1E780] =	vst v63  }
0x567: {  	_ =	swait.ge [sflag:s19], $0xA000  }
0x568: {  	[sflag:s19] =	ssyncset.done $0x0  }
0x569: {  	[sflag:s19] =	ssyncadd.s32 $0xFFFF6000  }
0x56a: {  	_ =	swait.ge [sflag:s22], $0x280  }
0x56b: {  	[sflag:s22] =	ssyncset.done $0x0  }
0x56c: {  	s15 =	rddreg [dreg:$0x19];
	[sflag:s22] =	ssyncadd.s32 $0xFFFFFD80  }
0x56d: {  	[tilespmem:s2], [sflag:$0x7] =	stream.linear.gather [hbm4b:s15+s2], $0x280, $0x38;
	[tilespmem:$0x1E780] =	vst v63  }
0x56e: {  	_ = 	snop  }
0x56f: {  	[tilespmem:s4], [sflag:$0x3] =	stream.indirect.gather [hbm4b:s3+s9], $0x40, s12, s9, $0xb8;
	[tilespmem:$0x1E780] =	vst v63  }
0x570: {  	s16 =	simm.s32 $0x580;
	s1 =	simm.s32 $0x16780  }
0x571: {  	[tilespmem:s1], [sflag:$0x3] =	stream.indirect.gather [hbm4b:s3+s9], $0x40, s16, s9, $0xb8;
	[tilespmem:$0x1E780] =	vst v63  }
0x572: {  	s17 =	simm.s32 $0x600;
	s6 =	simm.s32 $0x18780  }
0x573: {  	[tilespmem:s6], [sflag:$0x3] =	stream.indirect.gather [hbm4b:s3+s9], $0x40, s17, s9, $0xb8;
	[tilespmem:$0x1E780] =	vst v63  }
0x574: {  	s20 =	simm.s32 $0x1A780;
	s14 =	simm.s32 $0x680  }
0x575: {  	[tilespmem:s20], [sflag:$0x3] =	stream.indirect.gather [hbm4b:s3+s9], $0x40, s14, s9, $0xb8;
	[tilespmem:$0x1E780] =	vst v63  }
0x576: {  	s28 =	simm.s32 $0x1C780;
	s15 =	simm.s32 $0x700  }
0x577: {  	[tilespmem:s28], [sflag:$0x3] =	stream.indirect.gather [hbm4b:s3+s9], $0x40, s15, s9, $0xb8;
	[tilespmem:$0x1E780] =	vst v63  }
0x578: {  	_ =	swait.ge [sflag:s13], $0x2000  }
0x579: {  	[sflag:s13] =	ssyncset.done $0x0  }
0x57a: {  	[sflag:s13] =	ssyncadd.s32 $0xFFFFE000  }
0x57b: {  	_ =	swait.ge [sflag:s13], $0x2000  }
0x57c: {  	[sflag:s13] =	ssyncset.done $0x0  }
0x57d: {  	[sflag:s13] =	ssyncadd.s32 $0xFFFFE000  }
0x57e: {  	_ =	swait.ge [sflag:s13], $0x2000  }
0x57f: {  	[sflag:s13] =	ssyncset.done $0x0  }
0x580: {  	[sflag:s13] =	ssyncadd.s32 $0xFFFFE000  }
0x581: {  	_ =	swait.ge [sflag:s13], $0x2000  }
0x582: {  	[sflag:s13] =	ssyncset.done $0x0  }
0x583: {  	[sflag:s13] =	ssyncadd.s32 $0xFFFFE000  }
0x584: {  	_ =	swait.ge [sflag:s13], $0x2000  }
0x585: {  	[sflag:s13] =	ssyncset.done $0x0  }
0x586: {  	s28 =	rddreg [dreg:$0x1a];
	[sflag:s13] =	ssyncadd.s32 $0xFFFFE000  }
0x587: {  	[hbm4b:s28+s2] =	stream.linear.scatter [tilespmem:s5], [sflag:$0x5], $0xA000, $0x38;
	[tilespmem:$0x1E780] =	vst v63  }
0x588: {  	_ =	swait.ge [sflag:s7], $0xA000  }
0x589: {  	[sflag:s7] =	ssyncset.done $0x0  }
0x58a: {  	[sflag:s7] =	ssyncadd.s32 $0xFFFF6000  }
0x58b: {  	_ =	swait.ge [sflag:s23], $0x280  }
0x58c: {  	[sflag:s23] =	ssyncset.done $0x0  }
0x58d: {  	s28 =	rddreg [dreg:$0x1b];
	[sflag:s23] =	ssyncadd.s32 $0xFFFFFD80  }
0x58e: {  	[tilespmem:s18], [sflag:$0x8] =	stream.linear.gather [hbm4b:s28+s2], $0x280, $0x38;
	[tilespmem:$0x1E780] =	vst v63  }
0x58f: {  	_ = 	snop  }
0x590: {  	[tilespmem:s11], [sflag:$0x1] =	stream.indirect.gather [hbm4b:s3+s9], $0x40, s2, s9, $0xb8;
	[tilespmem:$0x1E780] =	vst v63  }
0x591: {  	s28 =	simm.s32 $0x2780  }
0x592: {  	[tilespmem:s28], [sflag:$0x1] =	stream.indirect.gather [hbm4b:s3+s9], $0x40, s9, s9, $0xb8;
	[tilespmem:$0x1E780] =	vst v63  }
0x593: {  	s0 =	simm.s32 $0x100;
	s28 =	simm.s32 $0x4780  }
0x594: {  	[tilespmem:s28], [sflag:$0x1] =	stream.indirect.gather [hbm4b:s3+s9], $0x40, s0, s9, $0xb8;
	[tilespmem:$0x1E780] =	vst v63  }
0x595: {  	s26 =	simm.s32 $0x180;
	s23 =	simm.s32 $0x6780  }
0x596: {  	[tilespmem:s23], [sflag:$0x1] =	stream.indirect.gather [hbm4b:s3+s9], $0x40, s26, s9, $0xb8;
	[tilespmem:$0x1E780] =	vst v63  }
0x597: {  	s31 =	simm.s32 $0x200;
	s28 =	simm.s32 $0x8780  }
0x598: {  	[tilespmem:s28], [sflag:$0x1] =	stream.indirect.gather [hbm4b:s3+s9], $0x40, s31, s9, $0xb8;
	[tilespmem:$0x1E780] =	vst v63  }
0x599: {  	_ =	swait.ge [sflag:s10], $0x2000  }
0x59a: {  	[sflag:s10] =	ssyncset.done $0x0  }
0x59b: {  	[sflag:s10] =	ssyncadd.s32 $0xFFFFE000  }
0x59c: {  	_ =	swait.ge [sflag:s10], $0x2000  }
0x59d: {  	[sflag:s10] =	ssyncset.done $0x0  }
0x59e: {  	[sflag:s10] =	ssyncadd.s32 $0xFFFFE000  }
0x59f: {  	_ =	swait.ge [sflag:s10], $0x2000  }
0x5a0: {  	[sflag:s10] =	ssyncset.done $0x0  }
0x5a1: {  	[sflag:s10] =	ssyncadd.s32 $0xFFFFE000  }
0x5a2: {  	_ =	swait.ge [sflag:s10], $0x2000  }
0x5a3: {  	[sflag:s10] =	ssyncset.done $0x0  }
0x5a4: {  	[sflag:s10] =	ssyncadd.s32 $0xFFFFE000  }
0x5a5: {  	_ =	swait.ge [sflag:s10], $0x2000  }
0x5a6: {  	[sflag:s10] =	ssyncset.done $0x0  }
0x5a7: {  	s23 =	rddreg [dreg:$0x1c];
	[sflag:s10] =	ssyncadd.s32 $0xFFFFE000  }
0x5a8: {  	[hbm4b:s23+s2] =	stream.linear.scatter [tilespmem:s4], [sflag:$0x6], $0xA000, $0x38;
	[tilespmem:$0x1E780] =	vst v63  }
0x5a9: {  	_ =	swait.ge [sflag:s8], $0xA000  }
0x5aa: {  	[sflag:s8] =	ssyncset.done $0x0  }
0x5ab: {  	[sflag:s8] =	ssyncadd.s32 $0xFFFF6000  }
0x5ac: {  	_ =	swait.ge [sflag:s25], $0x280  }
0x5ad: {  	[sflag:s25] =	ssyncset.done $0x0  }
0x5ae: {  	s26 =	rddreg [dreg:$0x1d];
	[sflag:s25] =	ssyncadd.s32 $0xFFFFFD80  }
0x5af: {  	[tilespmem:s12], [sflag:$0x9] =	stream.linear.gather [hbm4b:s26+s2], $0x280, $0x38;
	[tilespmem:$0x1E780] =	vst v63  }
0x5b0: {  	_ = 	snop  }
0x5b1: {  	[tilespmem:s5], [sflag:$0x2] =	stream.indirect.gather [hbm4b:s3+s9], $0x40, s18, s9, $0xb8;
	[tilespmem:$0x1E780] =	vst v63  }
0x5b2: {  	s28 =	simm.s32 $0xC780;
	s31 =	simm.s32 $0x300  }
0x5b3: {  	[tilespmem:s28], [sflag:$0x2] =	stream.indirect.gather [hbm4b:s3+s9], $0x40, s31, s9, $0xb8;
	[tilespmem:$0x1E780] =	vst v63  }
0x5b4: {  	s23 =	simm.s32 $0xE780;
	s18 =	simm.s32 $0x380  }
0x5b5: {  	[tilespmem:s23], [sflag:$0x2] =	stream.indirect.gather [hbm4b:s3+s9], $0x40, s18, s9, $0xb8;
	[tilespmem:$0x1E780] =	vst v63  }
0x5b6: {  	s30 =	simm.s32 $0x10780;
	s25 =	simm.s32 $0x400  }
0x5b7: {  	[tilespmem:s30], [sflag:$0x2] =	stream.indirect.gather [hbm4b:s3+s9], $0x40, s25, s9, $0xb8;
	[tilespmem:$0x1E780] =	vst v63  }
0x5b8: {  	s29 =	simm.s32 $0x480;
	s26 =	simm.s32 $0x12780  }
0x5b9: {  	[tilespmem:s26], [sflag:$0x2] =	stream.indirect.gather [hbm4b:s3+s9], $0x40, s29, s9, $0xb8;
	[tilespmem:$0x1E780] =	vst v63  }
0x5ba: {  	_ =	swait.ge [sflag:s24], $0x2000  }
0x5bb: {  	[sflag:s24] =	ssyncset.done $0x0  }
0x5bc: {  	[sflag:s24] =	ssyncadd.s32 $0xFFFFE000  }
0x5bd: {  	_ =	swait.ge [sflag:s24], $0x2000  }
0x5be: {  	[sflag:s24] =	ssyncset.done $0x0  }
0x5bf: {  	[sflag:s24] =	ssyncadd.s32 $0xFFFFE000  }
0x5c0: {  	_ =	swait.ge [sflag:s24], $0x2000  }
0x5c1: {  	[sflag:s24] =	ssyncset.done $0x0  }
0x5c2: {  	[sflag:s24] =	ssyncadd.s32 $0xFFFFE000  }
0x5c3: {  	_ =	swait.ge [sflag:s24], $0x2000  }
0x5c4: {  	[sflag:s24] =	ssyncset.done $0x0  }
0x5c5: {  	[sflag:s24] =	ssyncadd.s32 $0xFFFFE000  }
0x5c6: {  	_ =	swait.ge [sflag:s24], $0x2000  }
0x5c7: {  	[sflag:s24] =	ssyncset.done $0x0  }
0x5c8: {  	s28 =	rddreg [dreg:$0x1e];
	[sflag:s24] =	ssyncadd.s32 $0xFFFFE000  }
0x5c9: {  	[hbm4b:s28+s2] =	stream.linear.scatter [tilespmem:s11], [sflag:$0x4], $0xA000, $0x38;
	[tilespmem:$0x1E780] =	vst v63  }
0x5ca: {  	_ =	swait.ge [sflag:s19], $0xA000  }
0x5cb: {  	[sflag:s19] =	ssyncset.done $0x0  }
0x5cc: {  	[sflag:s19] =	ssyncadd.s32 $0xFFFF6000  }
0x5cd: {  	_ =	swait.ge [sflag:s22], $0x280  }
0x5ce: {  	[sflag:s22] =	ssyncset.done $0x0  }
0x5cf: {  	[sflag:s22] =	ssyncadd.s32 $0xFFFFFD80  }
0x5d0: {  	[tilespmem:s4], [sflag:$0x3] =	stream.indirect.gather [hbm4b:s3+s9], $0x40, s12, s9, $0xb8;
	[tilespmem:$0x1E780] =	vst v63  }
0x5d1: {  	s21 =	simm.s32 $0x580  }
0x5d2: {  	[tilespmem:s1], [sflag:$0x3] =	stream.indirect.gather [hbm4b:s3+s9], $0x40, s21, s9, $0xb8;
	[tilespmem:$0x1E780] =	vst v63  }
0x5d3: {  	s17 =	simm.s32 $0x600  }
0x5d4: {  	[tilespmem:s6], [sflag:$0x3] =	stream.indirect.gather [hbm4b:s3+s9], $0x40, s17, s9, $0xb8;
	[tilespmem:$0x1E780] =	vst v63  }
0x5d5: {  	s20 =	simm.s32 $0x1A780  }
0x5d6: {  	[tilespmem:s20], [sflag:$0x3] =	stream.indirect.gather [hbm4b:s3+s9], $0x40, s14, s9, $0xb8;
	[tilespmem:$0x1E780] =	vst v63  }
0x5d7: {  	s16 =	simm.s32 $0x1C780  }
0x5d8: {  	[tilespmem:s16], [sflag:$0x3] =	stream.indirect.gather [hbm4b:s3+s9], $0x40, s15, s9, $0xb8;
	[tilespmem:$0x1E780] =	vst v63  }
0x5d9: {  	_ =	swait.ge [sflag:s13], $0x2000  }
0x5da: {  	[sflag:s13] =	ssyncset.done $0x0  }
0x5db: {  	[sflag:s13] =	ssyncadd.s32 $0xFFFFE000  }
0x5dc: {  	_ =	swait.ge [sflag:s13], $0x2000  }
0x5dd: {  	[sflag:s13] =	ssyncset.done $0x0  }
0x5de: {  	[sflag:s13] =	ssyncadd.s32 $0xFFFFE000  }
0x5df: {  	_ =	swait.ge [sflag:s13], $0x2000  }
0x5e0: {  	[sflag:s13] =	ssyncset.done $0x0  }
0x5e1: {  	[sflag:s13] =	ssyncadd.s32 $0xFFFFE000  }
0x5e2: {  	_ =	swait.ge [sflag:s13], $0x2000  }
0x5e3: {  	[sflag:s13] =	ssyncset.done $0x0  }
0x5e4: {  	[sflag:s13] =	ssyncadd.s32 $0xFFFFE000  }
0x5e5: {  	_ =	swait.ge [sflag:s13], $0x2000  }
0x5e6: {  	[sflag:s13] =	ssyncset.done $0x0  }
0x5e7: {  	s29 =	rddreg [dreg:$0x1f];
	[sflag:s13] =	ssyncadd.s32 $0xFFFFE000  }
0x5e8: {  	[hbm4b:s29+s2] =	stream.linear.scatter [tilespmem:s5], [sflag:$0x5], $0xA000, $0x38;
	[tilespmem:$0x1E780] =	vst v63  }
0x5e9: {  	_ =	swait.ge [sflag:s10], $0x2000  }
0x5ea: {  	[sflag:s10] =	ssyncset.done $0x0  }
0x5eb: {  	[sflag:s10] =	ssyncadd.s32 $0xFFFFE000  }
0x5ec: {  	_ =	swait.ge [sflag:s10], $0x2000  }
0x5ed: {  	[sflag:s10] =	ssyncset.done $0x0  }
0x5ee: {  	[sflag:s10] =	ssyncadd.s32 $0xFFFFE000  }
0x5ef: {  	_ =	swait.ge [sflag:s10], $0x2000  }
0x5f0: {  	[sflag:s10] =	ssyncset.done $0x0  }
0x5f1: {  	[sflag:s10] =	ssyncadd.s32 $0xFFFFE000  }
0x5f2: {  	_ =	swait.ge [sflag:s10], $0x2000  }
0x5f3: {  	[sflag:s10] =	ssyncset.done $0x0  }
0x5f4: {  	[sflag:s10] =	ssyncadd.s32 $0xFFFFE000  }
0x5f5: {  	_ =	swait.ge [sflag:s10], $0x2000  }
0x5f6: {  	s30 =	sld [smem:$0x7FD]  }
0x5f7: {  	[sflag:s10] =	ssyncset.done $0x0  }
0x5f8: {  	[sflag:s10] =	ssyncadd.s32 $0xFFFFE000  }
0x5f9: {  	[hbm4b:s30+s2] =	stream.linear.scatter [tilespmem:s4], [sflag:$0x6], $0xA000, $0x38;
	[tilespmem:$0x1E780] =	vst v63  }
0x5fa: {  	_ =	swait.ge [sflag:s7], $0xA000  }
0x5fb: {  	[sflag:s7] =	ssyncset.done $0x0  }
0x5fc: {  	[sflag:s7] =	ssyncadd.s32 $0xFFFF6000  }
0x5fd: {  	_ =	swait.ge [sflag:s8], $0xA000  }
0x5fe: {  	[sflag:s8] =	ssyncset.done $0x0  }
0x5ff: {  	[sflag:s8] =	ssyncadd.s32 $0xFFFF6000  }
0x600: {  	_ =	swait.ge [sflag:s19], $0xA000  }
0x601: {  	[sflag:s19] =	ssyncset.done $0x0  }
0x602: {  	[sflag:s19] =	ssyncadd.s32 $0xFFFF6000  }
0x603: {  	_ =	sfence.sel $0x180000  }
0x604: {  	[bflag:$0x0] =	sbarrier.arrive $0xFFFF  }
0x605: {  	_ =	strace $0x90000047  }
0x606: {  	s31 =	stileid.u32;
	[bflag:$0x2] =	sbarrier.arrive $0xFFFF  }
0x607: {  	p0 =	sne.s32 s31, $0x0;
	s0 =	rddreg [dreg:$0x2]  }
0x608: {  	s0 =	sadd.s32 @!p0 $0x100000, s0  }
0x609: {  	[sflag:s0] =	ssyncadd.tile.s32 @!p0 $0x1;
	_ =	shalt  }
.Lfunc_end2:
_tile_overlayer_lowered:
.L_overlay_start_2:
0x60a: {  	(tag) =	ssettag $0x2  }
0x60b: {  	s0 =	rddreg [dreg:$0x0];
	s2 =	stileid.u32  }
0x60c: {  	s1 =	rddreg [dreg:$0x1];
	p0 =	sne.s32 s2, $0x0  }
0x60d: {  	s3 =	rddreg [dreg:$0x2];
	[bflag:$0x3] =	sbarrier.arrive $0xFFFF;
	s2 =	simm.s32 @!p0 $0x1C0A  }
0x60e: {  	[timem:s3], [sflag:s2] =	dma.local @!p0 [hbm:s0], s1  }
0x60f: {  	s0 =	simm.s32 @!p0 $0xA  }
0x610: {  	_ =	swait.ge @!p0 [sflag:s0], s1  }
0x611: {  	s1 =	ssub.s32 @!p0 $0x0, s1;
	[sflag:s0] =	ssyncset.done @!p0 $0x0  }
0x612: {  	[sflag:s0] =	ssyncadd.s32 @!p0 s1  }
0x613: {  	[bflag:$0x3] =	sbarrier.arrive $0xFFFF  }
0x614: {  	_ =	shalt  }

</sc_bundles>
